<compile_context>
chip_gen: v7x
topology: tpu7x:2x2x1
jax: 0.10.2.dev20260603
libtpu: 0.0.44.dev20260713+nightly
codegen_flags: <defaults>
</compile_context>

<pallas_src>
import functools

import jax
import jax.numpy as jnp
from jax import lax
from jax.experimental import pallas as pl
from jax.experimental.pallas import tpu as pltpu
from jax.experimental.pallas import tpu_sc as plsc

B, S, D, DFF, E, K = 1, 2048, 768, 3072, 8, 2
N = B * S
P = K * N
TILE = 256
MAX_TILES = 24
P_PAD = MAX_TILES * TILE
NC, NS, L = 2, 16, 16
NW = NC * NS
TPW = N // NW
PPW = P // NW
_sc_mesh = plsc.VectorSubcoreMesh(
    core_axis_name="c", subcore_axis_name="s", num_cores=NC, num_subcores=NS)


def _router_body(x_ref, Wr_ref, br_ref, w1_ref, w2_ref, i1_ref, i2_ref):
    x = x_ref[...]
    logits = lax.dot_general(
        x, Wr_ref[...], (((1,), (1,)), ((), ())),
        preferred_element_type=jnp.float32) + br_ref[...]
    idx = lax.broadcasted_iota(jnp.int32, logits.shape, 1)
    m1 = jnp.max(logits, axis=-1, keepdims=True)
    i1 = jnp.min(jnp.where(logits == m1, idx, E), axis=-1, keepdims=True)
    masked = jnp.where(idx == i1, -jnp.inf, logits)
    m2 = jnp.max(masked, axis=-1, keepdims=True)
    i2 = jnp.min(jnp.where(masked == m2, idx, E), axis=-1, keepdims=True)
    b = jnp.exp(m2 - m1)
    w1 = 1.0 / (1.0 + b)
    w1_ref[...] = w1
    w2_ref[...] = 1.0 - w1
    i1_ref[...] = i1
    i2_ref[...] = i2


def _shared_body(x_ref, W1s_ref, b1s_ref, W2s_ref, b2s_ref, shared_ref,
                 W1b_ref, W2b_ref):
    @pl.when(pl.program_id(0) == 0)
    def _cast():
        W1b_ref[...] = W1s_ref[...].astype(jnp.bfloat16)
        W2b_ref[...] = W2s_ref[...].astype(jnp.bfloat16)

    xb = x_ref[...].astype(jnp.bfloat16)
    h = jax.nn.gelu(lax.dot_general(
        xb, W1b_ref[...], (((1,), (1,)), ((), ())),
        preferred_element_type=jnp.float32) + b1s_ref[...])
    shared_ref[...] = lax.dot_general(
        h.astype(jnp.bfloat16), W2b_ref[...], (((1,), (1,)), ((), ())),
        preferred_element_type=jnp.float32) + b2s_ref[...]


def _lane_splat(tmp_ref, vec, lane):
    tmp_ref[...] = vec
    return plsc.load_gather(tmp_ref, [jnp.full((L,), lane, jnp.int32)])


def _build_body(ids_hbm, slot_hbm, te_hbm, ids_v, slot_v, te_v):
    cid = lax.axis_index("c")
    w = lax.axis_index("s") * NC + cid
    lane = lax.iota(jnp.int32, L)
    pltpu.sync_copy(ids_hbm, ids_v)

    def count_upto(hi):
        def body(j, tv):
            v = ids_v[pl.ds(j * L, L)]
            for e in range(E):
                s = jnp.sum(jnp.where(v == e, 1, 0).astype(jnp.int32))
                tv = tv + jnp.where(lane == e, s, 0)
            return tv
        return lax.fori_loop(0, hi, body, jnp.zeros((L,), jnp.int32))

    tot_v = count_upto(P // L)
    pref_v = count_upto(w * (PPW // L))

    base = []
    off = []
    acc = jnp.int32(0)
    for e in range(E):
        cnt = jnp.sum(jnp.where(lane == e, tot_v, 0))
        prefw = jnp.sum(jnp.where(lane == e, pref_v, 0))
        off.append(acc)
        base.append(acc + prefw)
        acc = acc + ((cnt + (TILE - 1)) // TILE) * TILE

    for i in range(PPW // L):
        v = ids_v[pl.ds(w * PPW + i * L, L)]
        slots = jnp.zeros((L,), jnp.int32)
        for e in range(E):
            mask = v == e
            mi = jnp.where(mask, 1, 0).astype(jnp.int32)
            ranks = plsc.cumsum(mi)
            slots = jnp.where(mask, base[e] + ranks - 1, slots)
            base[e] = base[e] + jnp.sum(mi)
        slot_v[pl.ds(i * L, L)] = slots
    pltpu.sync_copy(slot_v, slot_hbm.at[pl.ds(w * PPW, PPW)])

    @pl.when(w == 0)
    def _tiles():
        t0 = lane * TILE
        t1 = (lane + NS) * TILE
        te0 = jnp.full((L,), -1, jnp.int32)
        te1 = jnp.full((L,), -1, jnp.int32)
        for e in range(E):
            te0 = te0 + jnp.where(t0 >= off[e], 1, 0)
            te1 = te1 + jnp.where(t1 >= off[e], 1, 0)
        te_v[pl.ds(0, L)] = te0
        te_v[pl.ds(L, L)] = te1
        te_v[pl.ds(2 * L, L)] = jnp.where(t0 < acc, 1, 0)
        te_v[pl.ds(3 * L, L)] = jnp.where(t1 < acc, 1, 0)
        pltpu.sync_copy(te_v, te_hbm)


def _dispatch_body(x_hbm, slot_hbm, xs_hbm, idx0_v, idx1_v, xbuf, sem):
    wid = lax.axis_index("s") * NC + lax.axis_index("c")
    base = wid * TPW
    pltpu.sync_copy(slot_hbm.at[pl.ds(base, TPW)], idx0_v)
    pltpu.sync_copy(slot_hbm.at[pl.ds(N + base, TPW)], idx1_v)
    pltpu.sync_copy(x_hbm.at[pl.ds(base, TPW)], xbuf)
    pltpu.async_copy(xbuf, xs_hbm.at[idx0_v], sem).wait()
    pltpu.async_copy(xbuf, xs_hbm.at[idx1_v], sem).wait()


def _experts_body(te_ref, act_ref, xs_ref, W1e_ref, b1e_ref, W2e_ref,
                  b2e_ref, y_ref):
    t = pl.program_id(0)
    c = pl.program_id(1)

    @pl.when(act_ref[t] == 1)
    def _ffn():
        h = jax.nn.gelu(lax.dot_general(
            xs_ref[...], W1e_ref[0], (((1,), (0,)), ((), ())),
            preferred_element_type=jnp.float32) + b1e_ref[0])
        part = lax.dot_general(
            h, W2e_ref[0], (((1,), (0,)), ((), ())),
            preferred_element_type=jnp.float32)

        @pl.when(c == 0)
        def _init():
            y_ref[...] = part + b2e_ref[0]

        @pl.when(c > 0)
        def _acc():
            y_ref[...] += part


def _combine_body(shared_hbm, y_hbm, tw_hbm, slot_hbm, out_hbm,
                  s0_v, s1_v, w0_v, w1_v, wtmp_v, acc_v, ybuf_v, sem):
    wid = lax.axis_index("s") * NC + lax.axis_index("c")
    base = wid * TPW
    pltpu.sync_copy(slot_hbm.at[pl.ds(base, TPW)], s0_v)
    pltpu.sync_copy(slot_hbm.at[pl.ds(N + base, TPW)], s1_v)
    pltpu.sync_copy(tw_hbm.at[pl.ds(base, TPW)], w0_v)
    pltpu.sync_copy(tw_hbm.at[pl.ds(N + base, TPW)], w1_v)
    pltpu.sync_copy(shared_hbm.at[pl.ds(base, TPW)], acc_v)

    def accum(w_ref):
        def body(i, carry):
            ws = plsc.load_gather(w_ref, [jnp.full((L,), i, jnp.int32)])
            for j in range(D // L):
                sl = pl.ds(j * L, L)
                acc_v[i, sl] = acc_v[i, sl] + ws * ybuf_v[i, sl]
            return carry
        lax.fori_loop(0, TPW, body, 0)

    pltpu.async_copy(y_hbm.at[s0_v], ybuf_v, sem).wait()
    accum(w0_v)
    pltpu.async_copy(y_hbm.at[s1_v], ybuf_v, sem).wait()
    accum(w1_v)
    pltpu.sync_copy(acc_v, out_hbm.at[pl.ds(base, TPW)])


_sc_params = pltpu.CompilerParams(needs_layout_passes=False)

_build = pl.kernel(
    _build_body,
    out_type=[
        jax.ShapeDtypeStruct((P,), jnp.int32),
        jax.ShapeDtypeStruct((2 * NW,), jnp.int32),
    ],
    mesh=_sc_mesh,
    scratch_types=[
        pltpu.VMEM((P,), jnp.int32),
        pltpu.VMEM((PPW,), jnp.int32),
        pltpu.VMEM((2 * NW,), jnp.int32),
    ],
    compiler_params=_sc_params,
)

_dispatch = pl.kernel(
    _dispatch_body,
    out_type=jax.ShapeDtypeStruct((P_PAD, D), jnp.float32),
    mesh=_sc_mesh,
    scratch_types=[
        pltpu.VMEM((TPW,), jnp.int32),
        pltpu.VMEM((TPW,), jnp.int32),
        pltpu.VMEM((TPW, D), jnp.float32),
        pltpu.SemaphoreType.DMA,
    ],
    compiler_params=_sc_params,
)

_combine = pl.kernel(
    _combine_body,
    out_type=jax.ShapeDtypeStruct((N, D), jnp.float32),
    mesh=_sc_mesh,
    scratch_types=[
        pltpu.VMEM((TPW,), jnp.int32),
        pltpu.VMEM((TPW,), jnp.int32),
        pltpu.VMEM((TPW,), jnp.float32),
        pltpu.VMEM((TPW,), jnp.float32),
        pltpu.VMEM((L,), jnp.float32),
        pltpu.VMEM((TPW, D), jnp.float32),
        pltpu.VMEM((TPW, D), jnp.float32),
        pltpu.SemaphoreType.DMA,
    ],
    compiler_params=_sc_params,
)


NCH = 4
DFFC = DFF // NCH


def _cheff(a_r, t, c):
    return jnp.where(a_r[t] == 1, c, NCH - 1)


@jax.jit
def kernel(x, Wr, br, W1s, b1s, W2s, b2s, W1e, b1e, W2e, b2e):
    flat = x.reshape(N, D)
    TILE_R = 512
    nt = N // TILE_R

    w1, w2, i1, i2 = pl.pallas_call(
        _router_body,
        grid=(nt,),
        in_specs=[
            pl.BlockSpec((TILE_R, D), lambda t: (t, 0)),
            pl.BlockSpec((E, D), lambda t: (0, 0)),
            pl.BlockSpec((1, E), lambda t: (0, 0)),
        ],
        out_specs=[
            pl.BlockSpec((TILE_R, 1), lambda t: (t, 0)),
            pl.BlockSpec((TILE_R, 1), lambda t: (t, 0)),
            pl.BlockSpec((TILE_R, 1), lambda t: (t, 0)),
            pl.BlockSpec((TILE_R, 1), lambda t: (t, 0)),
        ],
        out_shape=[
            jax.ShapeDtypeStruct((N, 1), jnp.float32),
            jax.ShapeDtypeStruct((N, 1), jnp.float32),
            jax.ShapeDtypeStruct((N, 1), jnp.int32),
            jax.ShapeDtypeStruct((N, 1), jnp.int32),
        ],
        compiler_params=pltpu.CompilerParams(
            dimension_semantics=("parallel",),
        ),
    )(flat, Wr, br.reshape(1, E))

    shared = pl.pallas_call(
        _shared_body,
        grid=(nt,),
        in_specs=[
            pl.BlockSpec((TILE_R, D), lambda t: (t, 0)),
            pl.BlockSpec((DFF, D), lambda t: (0, 0)),
            pl.BlockSpec((1, DFF), lambda t: (0, 0)),
            pl.BlockSpec((D, DFF), lambda t: (0, 0)),
            pl.BlockSpec((1, D), lambda t: (0, 0)),
        ],
        out_specs=pl.BlockSpec((TILE_R, D), lambda t: (t, 0)),
        out_shape=jax.ShapeDtypeStruct((N, D), jnp.float32),
        scratch_shapes=[
            pltpu.VMEM((DFF, D), jnp.bfloat16),
            pltpu.VMEM((D, DFF), jnp.bfloat16),
        ],
        compiler_params=pltpu.CompilerParams(
            dimension_semantics=("arbitrary",),
        ),
    )(flat, W1s, b1s.reshape(1, DFF), W2s, b2s.reshape(1, D))

    ids = jnp.concatenate([i1.reshape(N), i2.reshape(N)])
    tw = jnp.concatenate([w1.reshape(N), w2.reshape(N)])

    slot, teact = _build(ids)
    te = teact[:NW]
    act = teact[NW:]
    xs = _dispatch(flat, slot)

    y = pl.pallas_call(
        _experts_body,
        grid_spec=pltpu.PrefetchScalarGridSpec(
            num_scalar_prefetch=2,
            grid=(MAX_TILES, NCH),
            in_specs=[
                pl.BlockSpec((TILE, D), lambda t, c, te_r, a_r: (t, 0)),
                pl.BlockSpec(
                    (1, D, DFFC),
                    lambda t, c, te_r, a_r: (te_r[t], 0, _cheff(a_r, t, c))),
                pl.BlockSpec(
                    (1, 1, DFFC),
                    lambda t, c, te_r, a_r: (te_r[t], 0, _cheff(a_r, t, c))),
                pl.BlockSpec(
                    (1, DFFC, D),
                    lambda t, c, te_r, a_r: (te_r[t], _cheff(a_r, t, c), 0)),
                pl.BlockSpec(
                    (1, 1, D),
                    lambda t, c, te_r, a_r: (te_r[t], 0, 0)),
            ],
            out_specs=pl.BlockSpec((TILE, D),
                                   lambda t, c, te_r, a_r: (t, 0)),
        ),
        out_shape=jax.ShapeDtypeStruct((P_PAD, D), jnp.float32),
        compiler_params=pltpu.CompilerParams(
            dimension_semantics=("arbitrary", "arbitrary"),
        ),
    )(te, act, xs, W1e, b1e.reshape(E, 1, DFF), W2e, b2e.reshape(E, 1, D))

    out = _combine(shared, y, tw, slot)
    return out.reshape(B, S, D)

# --- scband reference (transcript-rebuilt; emitter-appended) ---
"""Pipeline reference for scband-shared-specialist-mo-effn-27384711479465 (READ-ONLY COPY).

The authoritative reference and input builder live on the scoring server;
editing this copy changes nothing except your own understanding.
"""

import jax, jax.numpy as jnp
import numpy as np

B, S, D, DFF, E, K = 1, 2048, 768, 3072, 8, 2

def setup_inputs(seed: int = 0) -> dict:
    key = jax.random.key(seed)
    ks = jax.random.split(key, 8)
    std = 0.02
    return {
        'x': jax.random.normal(ks[0], (B, S, D), dtype=jnp.float32),
        'Wr': jax.random.normal(ks[1], (E, D), dtype=jnp.float32) * std,
        'br': jnp.zeros((E,), dtype=jnp.float32),
        'W1s': jax.random.normal(ks[2], (DFF, D), dtype=jnp.float32) * std,
        'b1s': jnp.zeros((DFF,), dtype=jnp.float32),
        'W2s': jax.random.normal(ks[3], (D, DFF), dtype=jnp.float32) * std,
        'b2s': jnp.zeros((D,), dtype=jnp.float32),
        'W1e': jax.random.normal(ks[4], (E, D, DFF), dtype=jnp.float32) * std,
        'b1e': jnp.zeros((E, DFF), dtype=jnp.float32),
        'W2e': jax.random.normal(ks[5], (E, DFF, D), dtype=jnp.float32) * std,
        'b2e': jnp.zeros((E, D), dtype=jnp.float32),
    }

def reference(x, Wr, br, W1s, b1s, W2s, b2s, W1e, b1e, W2e, b2e):
    b, s, d = x.shape
    flat = x.reshape(-1, d)  # [N, D] token-level routing units
    # token-mode linear router
    logits = flat @ Wr.T + br                     # [N, E]
    probs = jax.nn.softmax(logits, axis=-1)       # [N, E]
    topw, topi = jax.lax.top_k(probs, K)          # [N, K]
    topw = topw / jnp.sum(topw, axis=-1, keepdims=True)
    # always-on shared FFN (dropout=0 / eval mode)
    shared = jax.nn.gelu(flat @ W1s.T + b1s) @ W2s.T + b2s  # [N, D]
    # specialist experts computed densely, combined with sparse routing weights
    h = jnp.einsum('nd,edf->nef', flat, W1e) + b1e[None]    # [N, E, DFF]
    y = jnp.einsum('nef,efd->ned', jax.nn.gelu(h), W2e) + b2e[None]  # [N, E, D]
    cw = jnp.sum(jax.nn.one_hot(topi, E, dtype=flat.dtype) * topw[..., None], axis=1)  # [N, E]
    out = shared + jnp.einsum('ne,ned->nd', cw, y)
    return out.reshape(b, s, d)

if __name__ == "__main__":
    import jax
    _d = setup_inputs()
    print(jax.jit(kernel)(*tuple(_d.values())))

</pallas_src>

<mosaic_0001>
#map = affine_map<(d0, d1) -> (0, 0)>
#map1 = affine_map<(d0, d1) -> (0)>
module attributes {stable_mosaic.version = 14 : i64} {
  func.func @_dispatch_body(%arg0: i32, %arg1: i32, %arg2: memref<2048x768xf32, #tpu.memory_space<hbm>>, %arg3: memref<4096xi32, #tpu.memory_space<hbm>>, %arg4: memref<6144x768xf32, #tpu.memory_space<hbm>>, %arg5: memref<64xi32, #tpu.memory_space<vmem>>, %arg6: memref<64xi32, #tpu.memory_space<vmem>>, %arg7: memref<64x768xf32, #tpu.memory_space<vmem>>, %arg8: memref<!tpu.dma_semaphore, #tpu.memory_space<semaphore_mem>>) attributes {dimension_semantics = [#tpu.dimension_semantics<core_parallel>, #tpu.dimension_semantics<subcore_parallel>], iteration_bounds = array<i64: 2, 16>, scalar_prefetch = 0 : i64, scratch_operands = 4 : i64, tpu.core_type = #tpu.core_type<sc_vector_subcore>, window_params = [{transform_indices = #map}, {transform_indices = #map1}, {transform_indices = #map}]} {
    %mul3A = arith.constant 2 : i32
    %mul3A_0 = arith.muli %arg1, %mul3A : i32
    %add3A = arith.addi %mul3A_0, %arg0 : i32
    %mul3A_1 = arith.constant 64 : i32
    %mul3A_2 = arith.muli %add3A, %mul3A_1 : i32
    "tpu.region"() ({
      %run_scoped3A = tpu.sem_alloc : memref<!tpu.dma_semaphore, #tpu.memory_space<semaphore_mem>>
      %dma_start3A_15 = tpu.memref_slice %arg3[%mul3A_2] : memref<4096xi32, #tpu.memory_space<hbm>> -> memref<64xi32, #tpu.memory_space<hbm>>
      %dma_start3A_16 = tpu.memref_slice %arg3[%mul3A_2] : memref<4096xi32, #tpu.memory_space<hbm>> -> memref<64xi32, #tpu.memory_space<hbm>>
      tpu.enqueue_dma source(%dma_start3A_16 : memref<64xi32, #tpu.memory_space<hbm>>) target(%arg5 : memref<64xi32, #tpu.memory_space<vmem>>) target_semaphore(%run_scoped3A : memref<!tpu.dma_semaphore, #tpu.memory_space<semaphore_mem>>)
      %dma_wait3A_17 = tpu.memref_slice %arg3[%mul3A_2] : memref<4096xi32, #tpu.memory_space<hbm>> -> memref<64xi32, #tpu.memory_space<hbm>>
      %dma_wait3A_18 = tpu.memref_slice %arg3[%mul3A_2] : memref<4096xi32, #tpu.memory_space<hbm>> -> memref<64xi32, #tpu.memory_space<hbm>>
      tpu.wait_dma2 semaphore(%run_scoped3A : memref<!tpu.dma_semaphore, #tpu.memory_space<semaphore_mem>>) src(%dma_wait3A_18 : memref<64xi32, #tpu.memory_space<hbm>>) dst(%arg5 : memref<64xi32, #tpu.memory_space<vmem>>)
      tpu.yield
    }) : () -> ()
    %add3A_3 = arith.constant 2048 : i32
    %add3A_4 = arith.addi %add3A_3, %mul3A_2 : i32
    "tpu.region"() ({
      %run_scoped3A = tpu.sem_alloc : memref<!tpu.dma_semaphore, #tpu.memory_space<semaphore_mem>>
      %dma_start3A_15 = tpu.memref_slice %arg3[%add3A_4] : memref<4096xi32, #tpu.memory_space<hbm>> -> memref<64xi32, #tpu.memory_space<hbm>>
      %dma_start3A_16 = tpu.memref_slice %arg3[%add3A_4] : memref<4096xi32, #tpu.memory_space<hbm>> -> memref<64xi32, #tpu.memory_space<hbm>>
      tpu.enqueue_dma source(%dma_start3A_16 : memref<64xi32, #tpu.memory_space<hbm>>) target(%arg6 : memref<64xi32, #tpu.memory_space<vmem>>) target_semaphore(%run_scoped3A : memref<!tpu.dma_semaphore, #tpu.memory_space<semaphore_mem>>)
      %dma_wait3A_17 = tpu.memref_slice %arg3[%add3A_4] : memref<4096xi32, #tpu.memory_space<hbm>> -> memref<64xi32, #tpu.memory_space<hbm>>
      %dma_wait3A_18 = tpu.memref_slice %arg3[%add3A_4] : memref<4096xi32, #tpu.memory_space<hbm>> -> memref<64xi32, #tpu.memory_space<hbm>>
      tpu.wait_dma2 semaphore(%run_scoped3A : memref<!tpu.dma_semaphore, #tpu.memory_space<semaphore_mem>>) src(%dma_wait3A_18 : memref<64xi32, #tpu.memory_space<hbm>>) dst(%arg6 : memref<64xi32, #tpu.memory_space<vmem>>)
      tpu.yield
    }) : () -> ()
    "tpu.region"() ({
      %run_scoped3A = tpu.sem_alloc : memref<!tpu.dma_semaphore, #tpu.memory_space<semaphore_mem>>
      %dma_start3A_15 = arith.constant 0 : i32
      %dma_start3A_16 = tpu.memref_slice %arg2[%mul3A_2, %dma_start3A_15] : memref<2048x768xf32, #tpu.memory_space<hbm>> -> memref<64x768xf32, #tpu.memory_space<hbm>>
      %dma_start3A_17 = arith.constant 0 : i32
      %dma_start3A_18 = tpu.memref_slice %arg2[%mul3A_2, %dma_start3A_17] : memref<2048x768xf32, #tpu.memory_space<hbm>> -> memref<64x768xf32, #tpu.memory_space<hbm>>
      tpu.enqueue_dma source(%dma_start3A_18 : memref<64x768xf32, #tpu.memory_space<hbm>>) target(%arg7 : memref<64x768xf32, #tpu.memory_space<vmem>>) target_semaphore(%run_scoped3A : memref<!tpu.dma_semaphore, #tpu.memory_space<semaphore_mem>>)
      %dma_wait3A_19 = arith.constant 0 : i32
      %dma_wait3A_20 = tpu.memref_slice %arg2[%mul3A_2, %dma_wait3A_19] : memref<2048x768xf32, #tpu.memory_space<hbm>> -> memref<64x768xf32, #tpu.memory_space<hbm>>
      %dma_wait3A_21 = arith.constant 0 : i32
      %dma_wait3A_22 = tpu.memref_slice %arg2[%mul3A_2, %dma_wait3A_21] : memref<2048x768xf32, #tpu.memory_space<hbm>> -> memref<64x768xf32, #tpu.memory_space<hbm>>
      tpu.wait_dma2 semaphore(%run_scoped3A : memref<!tpu.dma_semaphore, #tpu.memory_space<semaphore_mem>>) src(%dma_wait3A_22 : memref<64x768xf32, #tpu.memory_space<hbm>>) dst(%arg7 : memref<64x768xf32, #tpu.memory_space<vmem>>)
      tpu.yield
    }) : () -> ()
    %dma_start3A = arith.constant 0 : i32
    %dma_start3A_5 = arith.constant 0 : i32
    %dma_start3A_6 = tpu.memref_slice %arg4[%dma_start3A, %dma_start3A_5] : memref<6144x768xf32, #tpu.memory_space<hbm>> -> memref<6144x768xf32, #tpu.memory_space<hbm>>
    tpu.enqueue_indirect_dma source(%arg7 : memref<64x768xf32, #tpu.memory_space<vmem>>) target(%dma_start3A_6 : memref<6144x768xf32, #tpu.memory_space<hbm>>) offsets(%arg5 : memref<64xi32, #tpu.memory_space<vmem>>) semaphore(%arg8 : memref<!tpu.dma_semaphore, #tpu.memory_space<semaphore_mem>>)
    %dma_wait3A = arith.constant 0 : i32
    %dma_wait3A_7 = arith.constant 0 : i32
    %dma_wait3A_8 = tpu.memref_slice %arg4[%dma_wait3A, %dma_wait3A_7] : memref<6144x768xf32, #tpu.memory_space<hbm>> -> memref<6144x768xf32, #tpu.memory_space<hbm>>
    tpu.wait_indirect_dma semaphore(%arg8 : memref<!tpu.dma_semaphore, #tpu.memory_space<semaphore_mem>>) src(%arg7 : memref<64x768xf32, #tpu.memory_space<vmem>>) dst(%dma_wait3A_8 : memref<6144x768xf32, #tpu.memory_space<hbm>>)
    %dma_start3A_9 = arith.constant 0 : i32
    %dma_start3A_10 = arith.constant 0 : i32
    %dma_start3A_11 = tpu.memref_slice %arg4[%dma_start3A_9, %dma_start3A_10] : memref<6144x768xf32, #tpu.memory_space<hbm>> -> memref<6144x768xf32, #tpu.memory_space<hbm>>
    tpu.enqueue_indirect_dma source(%arg7 : memref<64x768xf32, #tpu.memory_space<vmem>>) target(%dma_start3A_11 : memref<6144x768xf32, #tpu.memory_space<hbm>>) offsets(%arg6 : memref<64xi32, #tpu.memory_space<vmem>>) semaphore(%arg8 : memref<!tpu.dma_semaphore, #tpu.memory_space<semaphore_mem>>)
    %dma_wait3A_12 = arith.constant 0 : i32
    %dma_wait3A_13 = arith.constant 0 : i32
    %dma_wait3A_14 = tpu.memref_slice %arg4[%dma_wait3A_12, %dma_wait3A_13] : memref<6144x768xf32, #tpu.memory_space<hbm>> -> memref<6144x768xf32, #tpu.memory_space<hbm>>
    tpu.wait_indirect_dma semaphore(%arg8 : memref<!tpu.dma_semaphore, #tpu.memory_space<semaphore_mem>>) src(%arg7 : memref<64x768xf32, #tpu.memory_space<vmem>>) dst(%dma_wait3A_14 : memref<6144x768xf32, #tpu.memory_space<hbm>>)
    return
  }
}

#map = affine_map<(d0, d1) -> (0, 0)>
#map1 = affine_map<(d0, d1) -> (0)>
module attributes {stable_mosaic.version = 14 : i64} {
  func.func @_combine_body(%arg0: i32, %arg1: i32, %arg2: memref<2048x768xf32, #tpu.memory_space<hbm>>, %arg3: memref<6144x768xf32, #tpu.memory_space<hbm>>, %arg4: memref<4096xf32, #tpu.memory_space<hbm>>, %arg5: memref<4096xi32, #tpu.memory_space<hbm>>, %arg6: memref<2048x768xf32, #tpu.memory_space<hbm>>, %arg7: memref<64xi32, #tpu.memory_space<vmem>>, %arg8: memref<64xi32, #tpu.memory_space<vmem>>, %arg9: memref<64xf32, #tpu.memory_space<vmem>>, %arg10: memref<64xf32, #tpu.memory_space<vmem>>, %arg11: memref<16xf32, #tpu.memory_space<vmem>>, %arg12: memref<64x768xf32, #tpu.memory_space<vmem>>, %arg13: memref<64x768xf32, #tpu.memory_space<vmem>>, %arg14: memref<!tpu.dma_semaphore, #tpu.memory_space<semaphore_mem>>) attributes {dimension_semantics = [#tpu.dimension_semantics<core_parallel>, #tpu.dimension_semantics<subcore_parallel>], iteration_bounds = array<i64: 2, 16>, scalar_prefetch = 0 : i64, scratch_operands = 8 : i64, tpu.core_type = #tpu.core_type<sc_vector_subcore>, window_params = [{transform_indices = #map}, {transform_indices = #map}, {transform_indices = #map1}, {transform_indices = #map1}, {transform_indices = #map}]} {
    %mul3A = arith.constant 2 : i32
    %mul3A_0 = arith.muli %arg1, %mul3A : i32
    %add3A = arith.addi %mul3A_0, %arg0 : i32
    %mul3A_1 = arith.constant 64 : i32
    %mul3A_2 = arith.muli %add3A, %mul3A_1 : i32
    "tpu.region"() ({
      %run_scoped3A = tpu.sem_alloc : memref<!tpu.dma_semaphore, #tpu.memory_space<semaphore_mem>>
      %dma_start3A_28 = tpu.memref_slice %arg5[%mul3A_2] : memref<4096xi32, #tpu.memory_space<hbm>> -> memref<64xi32, #tpu.memory_space<hbm>>
      %dma_start3A_29 = tpu.memref_slice %arg5[%mul3A_2] : memref<4096xi32, #tpu.memory_space<hbm>> -> memref<64xi32, #tpu.memory_space<hbm>>
      tpu.enqueue_dma source(%dma_start3A_29 : memref<64xi32, #tpu.memory_space<hbm>>) target(%arg7 : memref<64xi32, #tpu.memory_space<vmem>>) target_semaphore(%run_scoped3A : memref<!tpu.dma_semaphore, #tpu.memory_space<semaphore_mem>>)
      %dma_wait3A_30 = tpu.memref_slice %arg5[%mul3A_2] : memref<4096xi32, #tpu.memory_space<hbm>> -> memref<64xi32, #tpu.memory_space<hbm>>
      %dma_wait3A_31 = tpu.memref_slice %arg5[%mul3A_2] : memref<4096xi32, #tpu.memory_space<hbm>> -> memref<64xi32, #tpu.memory_space<hbm>>
      tpu.wait_dma2 semaphore(%run_scoped3A : memref<!tpu.dma_semaphore, #tpu.memory_space<semaphore_mem>>) src(%dma_wait3A_31 : memref<64xi32, #tpu.memory_space<hbm>>) dst(%arg7 : memref<64xi32, #tpu.memory_space<vmem>>)
      tpu.yield
    }) : () -> ()
    %add3A_3 = arith.constant 2048 : i32
    %add3A_4 = arith.addi %add3A_3, %mul3A_2 : i32
    "tpu.region"() ({
      %run_scoped3A = tpu.sem_alloc : memref<!tpu.dma_semaphore, #tpu.memory_space<semaphore_mem>>
      %dma_start3A_28 = tpu.memref_slice %arg5[%add3A_4] : memref<4096xi32, #tpu.memory_space<hbm>> -> memref<64xi32, #tpu.memory_space<hbm>>
      %dma_start3A_29 = tpu.memref_slice %arg5[%add3A_4] : memref<4096xi32, #tpu.memory_space<hbm>> -> memref<64xi32, #tpu.memory_space<hbm>>
      tpu.enqueue_dma source(%dma_start3A_29 : memref<64xi32, #tpu.memory_space<hbm>>) target(%arg8 : memref<64xi32, #tpu.memory_space<vmem>>) target_semaphore(%run_scoped3A : memref<!tpu.dma_semaphore, #tpu.memory_space<semaphore_mem>>)
      %dma_wait3A_30 = tpu.memref_slice %arg5[%add3A_4] : memref<4096xi32, #tpu.memory_space<hbm>> -> memref<64xi32, #tpu.memory_space<hbm>>
      %dma_wait3A_31 = tpu.memref_slice %arg5[%add3A_4] : memref<4096xi32, #tpu.memory_space<hbm>> -> memref<64xi32, #tpu.memory_space<hbm>>
      tpu.wait_dma2 semaphore(%run_scoped3A : memref<!tpu.dma_semaphore, #tpu.memory_space<semaphore_mem>>) src(%dma_wait3A_31 : memref<64xi32, #tpu.memory_space<hbm>>) dst(%arg8 : memref<64xi32, #tpu.memory_space<vmem>>)
      tpu.yield
    }) : () -> ()
    "tpu.region"() ({
      %run_scoped3A = tpu.sem_alloc : memref<!tpu.dma_semaphore, #tpu.memory_space<semaphore_mem>>
      %dma_start3A_28 = tpu.memref_slice %arg4[%mul3A_2] : memref<4096xf32, #tpu.memory_space<hbm>> -> memref<64xf32, #tpu.memory_space<hbm>>
      %dma_start3A_29 = tpu.memref_slice %arg4[%mul3A_2] : memref<4096xf32, #tpu.memory_space<hbm>> -> memref<64xf32, #tpu.memory_space<hbm>>
      tpu.enqueue_dma source(%dma_start3A_29 : memref<64xf32, #tpu.memory_space<hbm>>) target(%arg9 : memref<64xf32, #tpu.memory_space<vmem>>) target_semaphore(%run_scoped3A : memref<!tpu.dma_semaphore, #tpu.memory_space<semaphore_mem>>)
      %dma_wait3A_30 = tpu.memref_slice %arg4[%mul3A_2] : memref<4096xf32, #tpu.memory_space<hbm>> -> memref<64xf32, #tpu.memory_space<hbm>>
      %dma_wait3A_31 = tpu.memref_slice %arg4[%mul3A_2] : memref<4096xf32, #tpu.memory_space<hbm>> -> memref<64xf32, #tpu.memory_space<hbm>>
      tpu.wait_dma2 semaphore(%run_scoped3A : memref<!tpu.dma_semaphore, #tpu.memory_space<semaphore_mem>>) src(%dma_wait3A_31 : memref<64xf32, #tpu.memory_space<hbm>>) dst(%arg9 : memref<64xf32, #tpu.memory_space<vmem>>)
      tpu.yield
    }) : () -> ()
    %add3A_5 = arith.constant 2048 : i32
    %add3A_6 = arith.addi %add3A_5, %mul3A_2 : i32
    "tpu.region"() ({
      %run_scoped3A = tpu.sem_alloc : memref<!tpu.dma_semaphore, #tpu.memory_space<semaphore_mem>>
      %dma_start3A_28 = tpu.memref_slice %arg4[%add3A_6] : memref<4096xf32, #tpu.memory_space<hbm>> -> memref<64xf32, #tpu.memory_space<hbm>>
      %dma_start3A_29 = tpu.memref_slice %arg4[%add3A_6] : memref<4096xf32, #tpu.memory_space<hbm>> -> memref<64xf32, #tpu.memory_space<hbm>>
      tpu.enqueue_dma source(%dma_start3A_29 : memref<64xf32, #tpu.memory_space<hbm>>) target(%arg10 : memref<64xf32, #tpu.memory_space<vmem>>) target_semaphore(%run_scoped3A : memref<!tpu.dma_semaphore, #tpu.memory_space<semaphore_mem>>)
      %dma_wait3A_30 = tpu.memref_slice %arg4[%add3A_6] : memref<4096xf32, #tpu.memory_space<hbm>> -> memref<64xf32, #tpu.memory_space<hbm>>
      %dma_wait3A_31 = tpu.memref_slice %arg4[%add3A_6] : memref<4096xf32, #tpu.memory_space<hbm>> -> memref<64xf32, #tpu.memory_space<hbm>>
      tpu.wait_dma2 semaphore(%run_scoped3A : memref<!tpu.dma_semaphore, #tpu.memory_space<semaphore_mem>>) src(%dma_wait3A_31 : memref<64xf32, #tpu.memory_space<hbm>>) dst(%arg10 : memref<64xf32, #tpu.memory_space<vmem>>)
      tpu.yield
    }) : () -> ()
    "tpu.region"() ({
      %run_scoped3A = tpu.sem_alloc : memref<!tpu.dma_semaphore, #tpu.memory_space<semaphore_mem>>
      %dma_start3A_28 = arith.constant 0 : i32
      %dma_start3A_29 = tpu.memref_slice %arg2[%mul3A_2, %dma_start3A_28] : memref<2048x768xf32, #tpu.memory_space<hbm>> -> memref<64x768xf32, #tpu.memory_space<hbm>>
      %dma_start3A_30 = arith.constant 0 : i32
      %dma_start3A_31 = tpu.memref_slice %arg2[%mul3A_2, %dma_start3A_30] : memref<2048x768xf32, #tpu.memory_space<hbm>> -> memref<64x768xf32, #tpu.memory_space<hbm>>
      tpu.enqueue_dma source(%dma_start3A_31 : memref<64x768xf32, #tpu.memory_space<hbm>>) target(%arg12 : memref<64x768xf32, #tpu.memory_space<vmem>>) target_semaphore(%run_scoped3A : memref<!tpu.dma_semaphore, #tpu.memory_space<semaphore_mem>>)
      %dma_wait3A_32 = arith.constant 0 : i32
      %dma_wait3A_33 = tpu.memref_slice %arg2[%mul3A_2, %dma_wait3A_32] : memref<2048x768xf32, #tpu.memory_space<hbm>> -> memref<64x768xf32, #tpu.memory_space<hbm>>
      %dma_wait3A_34 = arith.constant 0 : i32
      %dma_wait3A_35 = tpu.memref_slice %arg2[%mul3A_2, %dma_wait3A_34] : memref<2048x768xf32, #tpu.memory_space<hbm>> -> memref<64x768xf32, #tpu.memory_space<hbm>>
      tpu.wait_dma2 semaphore(%run_scoped3A : memref<!tpu.dma_semaphore, #tpu.memory_space<semaphore_mem>>) src(%dma_wait3A_35 : memref<64x768xf32, #tpu.memory_space<hbm>>) dst(%arg12 : memref<64x768xf32, #tpu.memory_space<vmem>>)
      tpu.yield
    }) : () -> ()
    %dma_start3A = arith.constant 0 : i32
    %dma_start3A_7 = arith.constant 0 : i32
    %dma_start3A_8 = tpu.memref_slice %arg3[%dma_start3A, %dma_start3A_7] : memref<6144x768xf32, #tpu.memory_space<hbm>> -> memref<6144x768xf32, #tpu.memory_space<hbm>>
    tpu.enqueue_indirect_dma source(%dma_start3A_8 : memref<6144x768xf32, #tpu.memory_space<hbm>>) target(%arg13 : memref<64x768xf32, #tpu.memory_space<vmem>>) offsets(%arg7 : memref<64xi32, #tpu.memory_space<vmem>>) semaphore(%arg14 : memref<!tpu.dma_semaphore, #tpu.memory_space<semaphore_mem>>)
    %dma_wait3A = arith.constant 0 : i32
    %dma_wait3A_9 = arith.constant 0 : i32
    %dma_wait3A_10 = tpu.memref_slice %arg3[%dma_wait3A, %dma_wait3A_9] : memref<6144x768xf32, #tpu.memory_space<hbm>> -> memref<6144x768xf32, #tpu.memory_space<hbm>>
    tpu.wait_indirect_dma semaphore(%arg14 : memref<!tpu.dma_semaphore, #tpu.memory_space<semaphore_mem>>) src(%dma_wait3A_10 : memref<6144x768xf32, #tpu.memory_space<hbm>>) dst(%arg13 : memref<64x768xf32, #tpu.memory_space<vmem>>)
    %scan3A = arith.constant 0 : i32
    %scan3A_11 = arith.constant 0 : i32
    %scan3A_12 = arith.constant 64 : i32
    %scan3A_13 = arith.addi %scan3A_11, %scan3A_12 : i32
    %scan3A_14 = arith.constant 1 : i32
    scf.for %scan3A_28 = %scan3A_11 to %scan3A_13 step %scan3A_14  : i32 {
      %broadcast_in_dim3A = vector.broadcast %scan3A_28 : i32 to vector<16xi32>
      %gather3A = tpu.vector_load_idx %arg9[%broadcast_in_dim3A] : memref<64xf32, #tpu.memory_space<vmem>>[vector<16xi32>], vector<16xf32>,
      %get3A = arith.index_cast %scan3A_28 : i32 to index
      %get3A_29 = arith.constant 0 : index
      %get3A_30 = tpu.vector_load %arg12[%get3A, %get3A_29] {strides = array<i32>} : memref<64x768xf32, #tpu.memory_space<vmem>>, vector<16xf32>,
      %get3A_31 = arith.index_cast %scan3A_28 : i32 to index
      %get3A_32 = arith.constant 0 : index
      %get3A_33 = tpu.vector_load %arg13[%get3A_31, %get3A_32] {strides = array<i32>} : memref<64x768xf32, #tpu.memory_space<vmem>>, vector<16xf32>,
      %mul3A_34 = arith.mulf %gather3A, %get3A_33 : vector<16xf32>
      %add3A_35 = arith.addf %get3A_30, %mul3A_34 : vector<16xf32>
      %swap3A = arith.index_cast %scan3A_28 : i32 to index
      %swap3A_36 = arith.constant 0 : index
      %swap3A_37 = tpu.vector_load %arg12[%swap3A, %swap3A_36] {strides = array<i32>} : memref<64x768xf32, #tpu.memory_space<vmem>>, vector<16xf32>,
      tpu.vector_store %arg12[%swap3A, %swap3A_36], %add3A_35 {strides = array<i32>} : memref<64x768xf32, #tpu.memory_space<vmem>>, vector<16xf32>,
      %get3A_38 = arith.index_cast %scan3A_28 : i32 to index
      %get3A_39 = arith.constant 16 : index
      %get3A_40 = tpu.vector_load %arg12[%get3A_38, %get3A_39] {strides = array<i32>} : memref<64x768xf32, #tpu.memory_space<vmem>>, vector<16xf32>,
      %get3A_41 = arith.index_cast %scan3A_28 : i32 to index
      %get3A_42 = arith.constant 16 : index
      %get3A_43 = tpu.vector_load %arg13[%get3A_41, %get3A_42] {strides = array<i32>} : memref<64x768xf32, #tpu.memory_space<vmem>>, vector<16xf32>,
      %mul3A_44 = arith.mulf %gather3A, %get3A_43 : vector<16xf32>
      %add3A_45 = arith.addf %get3A_40, %mul3A_44 : vector<16xf32>
      %swap3A_46 = arith.index_cast %scan3A_28 : i32 to index
      %swap3A_47 = arith.constant 16 : index
      %swap3A_48 = tpu.vector_load %arg12[%swap3A_46, %swap3A_47] {strides = array<i32>} : memref<64x768xf32, #tpu.memory_space<vmem>>, vector<16xf32>,
      tpu.vector_store %arg12[%swap3A_46, %swap3A_47], %add3A_45 {strides = array<i32>} : memref<64x768xf32, #tpu.memory_space<vmem>>, vector<16xf32>,
      %get3A_49 = arith.index_cast %scan3A_28 : i32 to index
      %get3A_50 = arith.constant 32 : index
      %get3A_51 = tpu.vector_load %arg12[%get3A_49, %get3A_50] {strides = array<i32>} : memref<64x768xf32, #tpu.memory_space<vmem>>, vector<16xf32>,
      %get3A_52 = arith.index_cast %scan3A_28 : i32 to index
      %get3A_53 = arith.constant 32 : index
      %get3A_54 = tpu.vector_load %arg13[%get3A_52, %get3A_53] {strides = array<i32>} : memref<64x768xf32, #tpu.memory_space<vmem>>, vector<16xf32>,
      %mul3A_55 = arith.mulf %gather3A, %get3A_54 : vector<16xf32>
      %add3A_56 = arith.addf %get3A_51, %mul3A_55 : vector<16xf32>
      %swap3A_57 = arith.index_cast %scan3A_28 : i32 to index
      %swap3A_58 = arith.constant 32 : index
      %swap3A_59 = tpu.vector_load %arg12[%swap3A_57, %swap3A_58] {strides = array<i32>} : memref<64x768xf32, #tpu.memory_space<vmem>>, vector<16xf32>,
      tpu.vector_store %arg12[%swap3A_57, %swap3A_58], %add3A_56 {strides = array<i32>} : memref<64x768xf32, #tpu.memory_space<vmem>>, vector<16xf32>,
      %get3A_60 = arith.index_cast %scan3A_28 : i32 to index
      %get3A_61 = arith.constant 48 : index
      %get3A_62 = tpu.vector_load %arg12[%get3A_60, %get3A_61] {strides = array<i32>} : memref<64x768xf32, #tpu.memory_space<vmem>>, vector<16xf32>,
      %get3A_63 = arith.index_cast %scan3A_28 : i32 to index
      %get3A_64 = arith.constant 48 : index
      %get3A_65 = tpu.vector_load %arg13[%get3A_63, %get3A_64] {strides = array<i32>} : memref<64x768xf32, #tpu.memory_space<vmem>>, vector<16xf32>,
      %mul3A_66 = arith.mulf %gather3A, %get3A_65 : vector<16xf32>
      %add3A_67 = arith.addf %get3A_62, %mul3A_66 : vector<16xf32>
      %swap3A_68 = arith.index_cast %scan3A_28 : i32 to index
      %swap3A_69 = arith.constant 48 : index
      %swap3A_70 = tpu.vector_load %arg12[%swap3A_68, %swap3A_69] {strides = array<i32>} : memref<64x768xf32, #tpu.memory_space<vmem>>, vector<16xf32>,
      tpu.vector_store %arg12[%swap3A_68, %swap3A_69], %add3A_67 {strides = array<i32>} : memref<64x768xf32, #tpu.memory_space<vmem>>, vector<16xf32>,
      %get3A_71 = arith.index_cast %scan3A_28 : i32 to index
      %get3A_72 = arith.constant 64 : index
      %get3A_73 = tpu.vector_load %arg12[%get3A_71, %get3A_72] {strides = array<i32>} : memref<64x768xf32, #tpu.memory_space<vmem>>, vector<16xf32>,
      %get3A_74 = arith.index_cast %scan3A_28 : i32 to index
      %get3A_75 = arith.constant 64 : index
      %get3A_76 = tpu.vector_load %arg13[%get3A_74, %get3A_75] {strides = array<i32>} : memref<64x768xf32, #tpu.memory_space<vmem>>, vector<16xf32>,
      %mul3A_77 = arith.mulf %gather3A, %get3A_76 : vector<16xf32>
      %add3A_78 = arith.addf %get3A_73, %mul3A_77 : vector<16xf32>
      %swap3A_79 = arith.index_cast %scan3A_28 : i32 to index
      %swap3A_80 = arith.constant 64 : index
      %swap3A_81 = tpu.vector_load %arg12[%swap3A_79, %swap3A_80] {strides = array<i32>} : memref<64x768xf32, #tpu.memory_space<vmem>>, vector<16xf32>,
      tpu.vector_store %arg12[%swap3A_79, %swap3A_80], %add3A_78 {strides = array<i32>} : memref<64x768xf32, #tpu.memory_space<vmem>>, vector<16xf32>,
      %get3A_82 = arith.index_cast %scan3A_28 : i32 to index
      %get3A_83 = arith.constant 80 : index
      %get3A_84 = tpu.vector_load %arg12[%get3A_82, %get3A_83] {strides = array<i32>} : memref<64x768xf32, #tpu.memory_space<vmem>>, vector<16xf32>,
      %get3A_85 = arith.index_cast %scan3A_28 : i32 to index
      %get3A_86 = arith.constant 80 : index
      %get3A_87 = tpu.vector_load %arg13[%get3A_85, %get3A_86] {strides = array<i32>} : memref<64x768xf32, #tpu.memory_space<vmem>>, vector<16xf32>,
      %mul3A_88 = arith.mulf %gather3A, %get3A_87 : vector<16xf32>
      %add3A_89 = arith.addf %get3A_84, %mul3A_88 : vector<16xf32>
      %swap3A_90 = arith.index_cast %scan3A_28 : i32 to index
      %swap3A_91 = arith.constant 80 : index
      %swap3A_92 = tpu.vector_load %arg12[%swap3A_90, %swap3A_91] {strides = array<i32>} : memref<64x768xf32, #tpu.memory_space<vmem>>, vector<16xf32>,
      tpu.vector_store %arg12[%swap3A_90, %swap3A_91], %add3A_89 {strides = array<i32>} : memref<64x768xf32, #tpu.memory_space<vmem>>, vector<16xf32>,
      %get3A_93 = arith.index_cast %scan3A_28 : i32 to index
      %get3A_94 = arith.constant 96 : index
      %get3A_95 = tpu.vector_load %arg12[%get3A_93, %get3A_94] {strides = array<i32>} : memref<64x768xf32, #tpu.memory_space<vmem>>, vector<16xf32>,
      %get3A_96 = arith.index_cast %scan3A_28 : i32 to index
      %get3A_97 = arith.constant 96 : index
      %get3A_98 = tpu.vector_load %arg13[%get3A_96, %get3A_97] {strides = array<i32>} : memref<64x768xf32, #tpu.memory_space<vmem>>, vector<16xf32>,
      %mul3A_99 = arith.mulf %gather3A, %get3A_98 : vector<16xf32>
      %add3A_100 = arith.addf %get3A_95, %mul3A_99 : vector<16xf32>
      %swap3A_101 = arith.index_cast %scan3A_28 : i32 to index
      %swap3A_102 = arith.constant 96 : index
      %swap3A_103 = tpu.vector_load %arg12[%swap3A_101, %swap3A_102] {strides = array<i32>} : memref<64x768xf32, #tpu.memory_space<vmem>>, vector<16xf32>,
      tpu.vector_store %arg12[%swap3A_101, %swap3A_102], %add3A_100 {strides = array<i32>} : memref<64x768xf32, #tpu.memory_space<vmem>>, vector<16xf32>,
      %get3A_104 = arith.index_cast %scan3A_28 : i32 to index
      %get3A_105 = arith.constant 112 : index
      %get3A_106 = tpu.vector_load %arg12[%get3A_104, %get3A_105] {strides = array<i32>} : memref<64x768xf32, #tpu.memory_space<vmem>>, vector<16xf32>,
      %get3A_107 = arith.index_cast %scan3A_28 : i32 to index
      %get3A_108 = arith.constant 112 : index
      %get3A_109 = tpu.vector_load %arg13[%get3A_107, %get3A_108] {strides = array<i32>} : memref<64x768xf32, #tpu.memory_space<vmem>>, vector<16xf32>,
      %mul3A_110 = arith.mulf %gather3A, %get3A_109 : vector<16xf32>
      %add3A_111 = arith.addf %get3A_106, %mul3A_110 : vector<16xf32>
      %swap3A_112 = arith.index_cast %scan3A_28 : i32 to index
      %swap3A_113 = arith.constant 112 : index
      %swap3A_114 = tpu.vector_load %arg12[%swap3A_112, %swap3A_113] {strides = array<i32>} : memref<64x768xf32, #tpu.memory_space<vmem>>, vector<16xf32>,
      tpu.vector_store %arg12[%swap3A_112, %swap3A_113], %add3A_111 {strides = array<i32>} : memref<64x768xf32, #tpu.memory_space<vmem>>, vector<16xf32>,
      %get3A_115 = arith.index_cast %scan3A_28 : i32 to index
      %get3A_116 = arith.constant 128 : index
      %get3A_117 = tpu.vector_load %arg12[%get3A_115, %get3A_116] {strides = array<i32>} : memref<64x768xf32, #tpu.memory_space<vmem>>, vector<16xf32>,
      %get3A_118 = arith.index_cast %scan3A_28 : i32 to index
      %get3A_119 = arith.constant 128 : index
      %get3A_120 = tpu.vector_load %arg13[%get3A_118, %get3A_119] {strides = array<i32>} : memref<64x768xf32, #tpu.memory_space<vmem>>, vector<16xf32>,
      %mul3A_121 = arith.mulf %gather3A, %get3A_120 : vector<16xf32>
      %add3A_122 = arith.addf %get3A_117, %mul3A_121 : vector<16xf32>
      %swap3A_123 = arith.index_cast %scan3A_28 : i32 to index
      %swap3A_124 = arith.constant 128 : index
      %swap3A_125 = tpu.vector_load %arg12[%swap3A_123, %swap3A_124] {strides = array<i32>} : memref<64x768xf32, #tpu.memory_space<vmem>>, vector<16xf32>,
      tpu.vector_store %arg12[%swap3A_123, %swap3A_124], %add3A_122 {strides = array<i32>} : memref<64x768xf32, #tpu.memory_space<vmem>>, vector<16xf32>,
      %get3A_126 = arith.index_cast %scan3A_28 : i32 to index
      %get3A_127 = arith.constant 144 : index
      %get3A_128 = tpu.vector_load %arg12[%get3A_126, %get3A_127] {strides = array<i32>} : memref<64x768xf32, #tpu.memory_space<vmem>>, vector<16xf32>,
      %get3A_129 = arith.index_cast %scan3A_28 : i32 to index
      %get3A_130 = arith.constant 144 : index
      %get3A_131 = tpu.vector_load %arg13[%get3A_129, %get3A_130] {strides = array<i32>} : memref<64x768xf32, #tpu.memory_space<vmem>>, vector<16xf32>,
      %mul3A_132 = arith.mulf %gather3A, %get3A_131 : vector<16xf32>
      %add3A_133 = arith.addf %get3A_128, %mul3A_132 : vector<16xf32>
      %swap3A_134 = arith.index_cast %scan3A_28 : i32 to index
      %swap3A_135 = arith.constant 144 : index
      %swap3A_136 = tpu.vector_load %arg12[%swap3A_134, %swap3A_135] {strides = array<i32>} : memref<64x768xf32, #tpu.memory_space<vmem>>, vector<16xf32>,
      tpu.vector_store %arg12[%swap3A_134, %swap3A_135], %add3A_133 {strides = array<i32>} : memref<64x768xf32, #tpu.memory_space<vmem>>, vector<16xf32>,
      %get3A_137 = arith.index_cast %scan3A_28 : i32 to index
      %get3A_138 = arith.constant 160 : index
      %get3A_139 = tpu.vector_load %arg12[%get3A_137, %get3A_138] {strides = array<i32>} : memref<64x768xf32, #tpu.memory_space<vmem>>, vector<16xf32>,
      %get3A_140 = arith.index_cast %scan3A_28 : i32 to index
      %get3A_141 = arith.constant 160 : index
      %get3A_142 = tpu.vector_load %arg13[%get3A_140, %get3A_141] {strides = array<i32>} : memref<64x768xf32, #tpu.memory_space<vmem>>, vector<16xf32>,
      %mul3A_143 = arith.mulf %gather3A, %get3A_142 : vector<16xf32>
      %add3A_144 = arith.addf %get3A_139, %mul3A_143 : vector<16xf32>
      %swap3A_145 = arith.index_cast %scan3A_28 : i32 to index
      %swap3A_146 = arith.constant 160 : index
      %swap3A_147 = tpu.vector_load %arg12[%swap3A_145, %swap3A_146] {strides = array<i32>} : memref<64x768xf32, #tpu.memory_space<vmem>>, vector<16xf32>,
      tpu.vector_store %arg12[%swap3A_145, %swap3A_146], %add3A_144 {strides = array<i32>} : memref<64x768xf32, #tpu.memory_space<vmem>>, vector<16xf32>,
      %get3A_148 = arith.index_cast %scan3A_28 : i32 to index
      %get3A_149 = arith.constant 176 : index
      %get3A_150 = tpu.vector_load %arg12[%get3A_148, %get3A_149] {strides = array<i32>} : memref<64x768xf32, #tpu.memory_space<vmem>>, vector<16xf32>,
      %get3A_151 = arith.index_cast %scan3A_28 : i32 to index
      %get3A_152 = arith.constant 176 : index
      %get3A_153 = tpu.vector_load %arg13[%get3A_151, %get3A_152] {strides = array<i32>} : memref<64x768xf32, #tpu.memory_space<vmem>>, vector<16xf32>,
      %mul3A_154 = arith.mulf %gather3A, %get3A_153 : vector<16xf32>
      %add3A_155 = arith.addf %get3A_150, %mul3A_154 : vector<16xf32>
      %swap3A_156 = arith.index_cast %scan3A_28 : i32 to index
      %swap3A_157 = arith.constant 176 : index
      %swap3A_158 = tpu.vector_load %arg12[%swap3A_156, %swap3A_157] {strides = array<i32>} : memref<64x768xf32, #tpu.memory_space<vmem>>, vector<16xf32>,
      tpu.vector_store %arg12[%swap3A_156, %swap3A_157], %add3A_155 {strides = array<i32>} : memref<64x768xf32, #tpu.memory_space<vmem>>, vector<16xf32>,
      %get3A_159 = arith.index_cast %scan3A_28 : i32 to index
      %get3A_160 = arith.constant 192 : index
      %get3A_161 = tpu.vector_load %arg12[%get3A_159, %get3A_160] {strides = array<i32>} : memref<64x768xf32, #tpu.memory_space<vmem>>, vector<16xf32>,
      %get3A_162 = arith.index_cast %scan3A_28 : i32 to index
      %get3A_163 = arith.constant 192 : index
      %get3A_164 = tpu.vector_load %arg13[%get3A_162, %get3A_163] {strides = array<i32>} : memref<64x768xf32, #tpu.memory_space<vmem>>, vector<16xf32>,
      %mul3A_165 = arith.mulf %gather3A, %get3A_164 : vector<16xf32>
      %add3A_166 = arith.addf %get3A_161, %mul3A_165 : vector<16xf32>
      %swap3A_167 = arith.index_cast %scan3A_28 : i32 to index
      %swap3A_168 = arith.constant 192 : index
      %swap3A_169 = tpu.vector_load %arg12[%swap3A_167, %swap3A_168] {strides = array<i32>} : memref<64x768xf32, #tpu.memory_space<vmem>>, vector<16xf32>,
      tpu.vector_store %arg12[%swap3A_167, %swap3A_168], %add3A_166 {strides = array<i32>} : memref<64x768xf32, #tpu.memory_space<vmem>>, vector<16xf32>,
      %get3A_170 = arith.index_cast %scan3A_28 : i32 to index
      %get3A_171 = arith.constant 208 : index
      %get3A_172 = tpu.vector_load %arg12[%get3A_170, %get3A_171] {strides = array<i32>} : memref<64x768xf32, #tpu.memory_space<vmem>>, vector<16xf32>,
      %get3A_173 = arith.index_cast %scan3A_28 : i32 to index
      %get3A_174 = arith.constant 208 : index
      %get3A_175 = tpu.vector_load %arg13[%get3A_173, %get3A_174] {strides = array<i32>} : memref<64x768xf32, #tpu.memory_space<vmem>>, vector<16xf32>,
      %mul3A_176 = arith.mulf %gather3A, %get3A_175 : vector<16xf32>
      %add3A_177 = arith.addf %get3A_172, %mul3A_176 : vector<16xf32>
      %swap3A_178 = arith.index_cast %scan3A_28 : i32 to index
      %swap3A_179 = arith.constant 208 : index
      %swap3A_180 = tpu.vector_load %arg12[%swap3A_178, %swap3A_179] {strides = array<i32>} : memref<64x768xf32, #tpu.memory_space<vmem>>, vector<16xf32>,
      tpu.vector_store %arg12[%swap3A_178, %swap3A_179], %add3A_177 {strides = array<i32>} : memref<64x768xf32, #tpu.memory_space<vmem>>, vector<16xf32>,
      %get3A_181 = arith.index_cast %scan3A_28 : i32 to index
      %get3A_182 = arith.constant 224 : index
      %get3A_183 = tpu.vector_load %arg12[%get3A_181, %get3A_182] {strides = array<i32>} : memref<64x768xf32, #tpu.memory_space<vmem>>, vector<16xf32>,
      %get3A_184 = arith.index_cast %scan3A_28 : i32 to index
      %get3A_185 = arith.constant 224 : index
      %get3A_186 = tpu.vector_load %arg13[%get3A_184, %get3A_185] {strides = array<i32>} : memref<64x768xf32, #tpu.memory_space<vmem>>, vector<16xf32>,
      %mul3A_187 = arith.mulf %gather3A, %get3A_186 : vector<16xf32>
      %add3A_188 = arith.addf %get3A_183, %mul3A_187 : vector<16xf32>
      %swap3A_189 = arith.index_cast %scan3A_28 : i32 to index
      %swap3A_190 = arith.constant 224 : index
      %swap3A_191 = tpu.vector_load %arg12[%swap3A_189, %swap3A_190] {strides = array<i32>} : memref<64x768xf32, #tpu.memory_space<vmem>>, vector<16xf32>,
      tpu.vector_store %arg12[%swap3A_189, %swap3A_190], %add3A_188 {strides = array<i32>} : memref<64x768xf32, #tpu.memory_space<vmem>>, vector<16xf32>,
      %get3A_192 = arith.index_cast %scan3A_28 : i32 to index
      %get3A_193 = arith.constant 240 : index
      %get3A_194 = tpu.vector_load %arg12[%get3A_192, %get3A_193] {strides = array<i32>} : memref<64x768xf32, #tpu.memory_space<vmem>>, vector<16xf32>,
      %get3A_195 = arith.index_cast %scan3A_28 : i32 to index
      %get3A_196 = arith.constant 240 : index
      %get3A_197 = tpu.vector_load %arg13[%get3A_195, %get3A_196] {strides = array<i32>} : memref<64x768xf32, #tpu.memory_space<vmem>>, vector<16xf32>,
      %mul3A_198 = arith.mulf %gather3A, %get3A_197 : vector<16xf32>
      %add3A_199 = arith.addf %get3A_194, %mul3A_198 : vector<16xf32>
      %swap3A_200 = arith.index_cast %scan3A_28 : i32 to index
      %swap3A_201 = arith.constant 240 : index
      %swap3A_202 = tpu.vector_load %arg12[%swap3A_200, %swap3A_201] {strides = array<i32>} : memref<64x768xf32, #tpu.memory_space<vmem>>, vector<16xf32>,
      tpu.vector_store %arg12[%swap3A_200, %swap3A_201], %add3A_199 {strides = array<i32>} : memref<64x768xf32, #tpu.memory_space<vmem>>, vector<16xf32>,
      %get3A_203 = arith.index_cast %scan3A_28 : i32 to index
      %get3A_204 = arith.constant 256 : index
      %get3A_205 = tpu.vector_load %arg12[%get3A_203, %get3A_204] {strides = array<i32>} : memref<64x768xf32, #tpu.memory_space<vmem>>, vector<16xf32>,
      %get3A_206 = arith.index_cast %scan3A_28 : i32 to index
      %get3A_207 = arith.constant 256 : index
      %get3A_208 = tpu.vector_load %arg13[%get3A_206, %get3A_207] {strides = array<i32>} : memref<64x768xf32, #tpu.memory_space<vmem>>, vector<16xf32>,
      %mul3A_209 = arith.mulf %gather3A, %get3A_208 : vector<16xf32>
      %add3A_210 = arith.addf %get3A_205, %mul3A_209 : vector<16xf32>
      %swap3A_211 = arith.index_cast %scan3A_28 : i32 to index
      %swap3A_212 = arith.constant 256 : index
      %swap3A_213 = tpu.vector_load %arg12[%swap3A_211, %swap3A_212] {strides = array<i32>} : memref<64x768xf32, #tpu.memory_space<vmem>>, vector<16xf32>,
      tpu.vector_store %arg12[%swap3A_211, %swap3A_212], %add3A_210 {strides = array<i32>} : memref<64x768xf32, #tpu.memory_space<vmem>>, vector<16xf32>,
      %get3A_214 = arith.index_cast %scan3A_28 : i32 to index
      %get3A_215 = arith.constant 272 : index
      %get3A_216 = tpu.vector_load %arg12[%get3A_214, %get3A_215] {strides = array<i32>} : memref<64x768xf32, #tpu.memory_space<vmem>>, vector<16xf32>,
      %get3A_217 = arith.index_cast %scan3A_28 : i32 to index
      %get3A_218 = arith.constant 272 : index
      %get3A_219 = tpu.vector_load %arg13[%get3A_217, %get3A_218] {strides = array<i32>} : memref<64x768xf32, #tpu.memory_space<vmem>>, vector<16xf32>,
      %mul3A_220 = arith.mulf %gather3A, %get3A_219 : vector<16xf32>
      %add3A_221 = arith.addf %get3A_216, %mul3A_220 : vector<16xf32>
      %swap3A_222 = arith.index_cast %scan3A_28 : i32 to index
      %swap3A_223 = arith.constant 272 : index
      %swap3A_224 = tpu.vector_load %arg12[%swap3A_222, %swap3A_223] {strides = array<i32>} : memref<64x768xf32, #tpu.memory_space<vmem>>, vector<16xf32>,
      tpu.vector_store %arg12[%swap3A_222, %swap3A_223], %add3A_221 {strides = array<i32>} : memref<64x768xf32, #tpu.memory_space<vmem>>, vector<16xf32>,
      %get3A_225 = arith.index_cast %scan3A_28 : i32 to index
      %get3A_226 = arith.constant 288 : index
      %get3A_227 = tpu.vector_load %arg12[%get3A_225, %get3A_226] {strides = array<i32>} : memref<64x768xf32, #tpu.memory_space<vmem>>, vector<16xf32>,
      %get3A_228 = arith.index_cast %scan3A_28 : i32 to index
      %get3A_229 = arith.constant 288 : index
      %get3A_230 = tpu.vector_load %arg13[%get3A_228, %get3A_229] {strides = array<i32>} : memref<64x768xf32, #tpu.memory_space<vmem>>, vector<16xf32>,
      %mul3A_231 = arith.mulf %gather3A, %get3A_230 : vector<16xf32>
      %add3A_232 = arith.addf %get3A_227, %mul3A_231 : vector<16xf32>
      %swap3A_233 = arith.index_cast %scan3A_28 : i32 to index
      %swap3A_234 = arith.constant 288 : index
      %swap3A_235 = tpu.vector_load %arg12[%swap3A_233, %swap3A_234] {strides = array<i32>} : memref<64x768xf32, #tpu.memory_space<vmem>>, vector<16xf32>,
      tpu.vector_store %arg12[%swap3A_233, %swap3A_234], %add3A_232 {strides = array<i32>} : memref<64x768xf32, #tpu.memory_space<vmem>>, vector<16xf32>,
      %get3A_236 = arith.index_cast %scan3A_28 : i32 to index
      %get3A_237 = arith.constant 304 : index
      %get3A_238 = tpu.vector_load %arg12[%get3A_236, %get3A_237] {strides = array<i32>} : memref<64x768xf32, #tpu.memory_space<vmem>>, vector<16xf32>,
      %get3A_239 = arith.index_cast %scan3A_28 : i32 to index
      %get3A_240 = arith.constant 304 : index
      %get3A_241 = tpu.vector_load %arg13[%get3A_239, %get3A_240] {strides = array<i32>} : memref<64x768xf32, #tpu.memory_space<vmem>>, vector<16xf32>,
      %mul3A_242 = arith.mulf %gather3A, %get3A_241 : vector<16xf32>
      %add3A_243 = arith.addf %get3A_238, %mul3A_242 : vector<16xf32>
      %swap3A_244 = arith.index_cast %scan3A_28 : i32 to index
      %swap3A_245 = arith.constant 304 : index
      %swap3A_246 = tpu.vector_load %arg12[%swap3A_244, %swap3A_245] {strides = array<i32>} : memref<64x768xf32, #tpu.memory_space<vmem>>, vector<16xf32>,
      tpu.vector_store %arg12[%swap3A_244, %swap3A_245], %add3A_243 {strides = array<i32>} : memref<64x768xf32, #tpu.memory_space<vmem>>, vector<16xf32>,
      %get3A_247 = arith.index_cast %scan3A_28 : i32 to index
      %get3A_248 = arith.constant 320 : index
      %get3A_249 = tpu.vector_load %arg12[%get3A_247, %get3A_248] {strides = array<i32>} : memref<64x768xf32, #tpu.memory_space<vmem>>, vector<16xf32>,
      %get3A_250 = arith.index_cast %scan3A_28 : i32 to index
      %get3A_251 = arith.constant 320 : index
      %get3A_252 = tpu.vector_load %arg13[%get3A_250, %get3A_251] {strides = array<i32>} : memref<64x768xf32, #tpu.memory_space<vmem>>, vector<16xf32>,
      %mul3A_253 = arith.mulf %gather3A, %get3A_252 : vector<16xf32>
      %add3A_254 = arith.addf %get3A_249, %mul3A_253 : vector<16xf32>
      %swap3A_255 = arith.index_cast %scan3A_28 : i32 to index
      %swap3A_256 = arith.constant 320 : index
      %swap3A_257 = tpu.vector_load %arg12[%swap3A_255, %swap3A_256] {strides = array<i32>} : memref<64x768xf32, #tpu.memory_space<vmem>>, vector<16xf32>,
      tpu.vector_store %arg12[%swap3A_255, %swap3A_256], %add3A_254 {strides = array<i32>} : memref<64x768xf32, #tpu.memory_space<vmem>>, vector<16xf32>,
      %get3A_258 = arith.index_cast %scan3A_28 : i32 to index
      %get3A_259 = arith.constant 336 : index
      %get3A_260 = tpu.vector_load %arg12[%get3A_258, %get3A_259] {strides = array<i32>} : memref<64x768xf32, #tpu.memory_space<vmem>>, vector<16xf32>,
      %get3A_261 = arith.index_cast %scan3A_28 : i32 to index
      %get3A_262 = arith.constant 336 : index
      %get3A_263 = tpu.vector_load %arg13[%get3A_261, %get3A_262] {strides = array<i32>} : memref<64x768xf32, #tpu.memory_space<vmem>>, vector<16xf32>,
      %mul3A_264 = arith.mulf %gather3A, %get3A_263 : vector<16xf32>
      %add3A_265 = arith.addf %get3A_260, %mul3A_264 : vector<16xf32>
      %swap3A_266 = arith.index_cast %scan3A_28 : i32 to index
      %swap3A_267 = arith.constant 336 : index
      %swap3A_268 = tpu.vector_load %arg12[%swap3A_266, %swap3A_267] {strides = array<i32>} : memref<64x768xf32, #tpu.memory_space<vmem>>, vector<16xf32>,
      tpu.vector_store %arg12[%swap3A_266, %swap3A_267], %add3A_265 {strides = array<i32>} : memref<64x768xf32, #tpu.memory_space<vmem>>, vector<16xf32>,
      %get3A_269 = arith.index_cast %scan3A_28 : i32 to index
      %get3A_270 = arith.constant 352 : index
      %get3A_271 = tpu.vector_load %arg12[%get3A_269, %get3A_270] {strides = array<i32>} : memref<64x768xf32, #tpu.memory_space<vmem>>, vector<16xf32>,
      %get3A_272 = arith.index_cast %scan3A_28 : i32 to index
      %get3A_273 = arith.constant 352 : index
      %get3A_274 = tpu.vector_load %arg13[%get3A_272, %get3A_273] {strides = array<i32>} : memref<64x768xf32, #tpu.memory_space<vmem>>, vector<16xf32>,
      %mul3A_275 = arith.mulf %gather3A, %get3A_274 : vector<16xf32>
      %add3A_276 = arith.addf %get3A_271, %mul3A_275 : vector<16xf32>
      %swap3A_277 = arith.index_cast %scan3A_28 : i32 to index
      %swap3A_278 = arith.constant 352 : index
      %swap3A_279 = tpu.vector_load %arg12[%swap3A_277, %swap3A_278] {strides = array<i32>} : memref<64x768xf32, #tpu.memory_space<vmem>>, vector<16xf32>,
      tpu.vector_store %arg12[%swap3A_277, %swap3A_278], %add3A_276 {strides = array<i32>} : memref<64x768xf32, #tpu.memory_space<vmem>>, vector<16xf32>,
      %get3A_280 = arith.index_cast %scan3A_28 : i32 to index
      %get3A_281 = arith.constant 368 : index
      %get3A_282 = tpu.vector_load %arg12[%get3A_280, %get3A_281] {strides = array<i32>} : memref<64x768xf32, #tpu.memory_space<vmem>>, vector<16xf32>,
      %get3A_283 = arith.index_cast %scan3A_28 : i32 to index
      %get3A_284 = arith.constant 368 : index
      %get3A_285 = tpu.vector_load %arg13[%get3A_283, %get3A_284] {strides = array<i32>} : memref<64x768xf32, #tpu.memory_space<vmem>>, vector<16xf32>,
      %mul3A_286 = arith.mulf %gather3A, %get3A_285 : vector<16xf32>
      %add3A_287 = arith.addf %get3A_282, %mul3A_286 : vector<16xf32>
      %swap3A_288 = arith.index_cast %scan3A_28 : i32 to index
      %swap3A_289 = arith.constant 368 : index
      %swap3A_290 = tpu.vector_load %arg12[%swap3A_288, %swap3A_289] {strides = array<i32>} : memref<64x768xf32, #tpu.memory_space<vmem>>, vector<16xf32>,
      tpu.vector_store %arg12[%swap3A_288, %swap3A_289], %add3A_287 {strides = array<i32>} : memref<64x768xf32, #tpu.memory_space<vmem>>, vector<16xf32>,
      %get3A_291 = arith.index_cast %scan3A_28 : i32 to index
      %get3A_292 = arith.constant 384 : index
      %get3A_293 = tpu.vector_load %arg12[%get3A_291, %get3A_292] {strides = array<i32>} : memref<64x768xf32, #tpu.memory_space<vmem>>, vector<16xf32>,
      %get3A_294 = arith.index_cast %scan3A_28 : i32 to index
      %get3A_295 = arith.constant 384 : index
      %get3A_296 = tpu.vector_load %arg13[%get3A_294, %get3A_295] {strides = array<i32>} : memref<64x768xf32, #tpu.memory_space<vmem>>, vector<16xf32>,
      %mul3A_297 = arith.mulf %gather3A, %get3A_296 : vector<16xf32>
      %add3A_298 = arith.addf %get3A_293, %mul3A_297 : vector<16xf32>
      %swap3A_299 = arith.index_cast %scan3A_28 : i32 to index
      %swap3A_300 = arith.constant 384 : index
      %swap3A_301 = tpu.vector_load %arg12[%swap3A_299, %swap3A_300] {strides = array<i32>} : memref<64x768xf32, #tpu.memory_space<vmem>>, vector<16xf32>,
      tpu.vector_store %arg12[%swap3A_299, %swap3A_300], %add3A_298 {strides = array<i32>} : memref<64x768xf32, #tpu.memory_space<vmem>>, vector<16xf32>,
      %get3A_302 = arith.index_cast %scan3A_28 : i32 to index
      %get3A_303 = arith.constant 400 : index
      %get3A_304 = tpu.vector_load %arg12[%get3A_302, %get3A_303] {strides = array<i32>} : memref<64x768xf32, #tpu.memory_space<vmem>>, vector<16xf32>,
      %get3A_305 = arith.index_cast %scan3A_28 : i32 to index
      %get3A_306 = arith.constant 400 : index
      %get3A_307 = tpu.vector_load %arg13[%get3A_305, %get3A_306] {strides = array<i32>} : memref<64x768xf32, #tpu.memory_space<vmem>>, vector<16xf32>,
      %mul3A_308 = arith.mulf %gather3A, %get3A_307 : vector<16xf32>
      %add3A_309 = arith.addf %get3A_304, %mul3A_308 : vector<16xf32>
      %swap3A_310 = arith.index_cast %scan3A_28 : i32 to index
      %swap3A_311 = arith.constant 400 : index
      %swap3A_312 = tpu.vector_load %arg12[%swap3A_310, %swap3A_311] {strides = array<i32>} : memref<64x768xf32, #tpu.memory_space<vmem>>, vector<16xf32>,
      tpu.vector_store %arg12[%swap3A_310, %swap3A_311], %add3A_309 {strides = array<i32>} : memref<64x768xf32, #tpu.memory_space<vmem>>, vector<16xf32>,
      %get3A_313 = arith.index_cast %scan3A_28 : i32 to index
      %get3A_314 = arith.constant 416 : index
      %get3A_315 = tpu.vector_load %arg12[%get3A_313, %get3A_314] {strides = array<i32>} : memref<64x768xf32, #tpu.memory_space<vmem>>, vector<16xf32>,
      %get3A_316 = arith.index_cast %scan3A_28 : i32 to index
      %get3A_317 = arith.constant 416 : index
      %get3A_318 = tpu.vector_load %arg13[%get3A_316, %get3A_317] {strides = array<i32>} : memref<64x768xf32, #tpu.memory_space<vmem>>, vector<16xf32>,
      %mul3A_319 = arith.mulf %gather3A, %get3A_318 : vector<16xf32>
      %add3A_320 = arith.addf %get3A_315, %mul3A_319 : vector<16xf32>
      %swap3A_321 = arith.index_cast %scan3A_28 : i32 to index
      %swap3A_322 = arith.constant 416 : index
      %swap3A_323 = tpu.vector_load %arg12[%swap3A_321, %swap3A_322] {strides = array<i32>} : memref<64x768xf32, #tpu.memory_space<vmem>>, vector<16xf32>,
      tpu.vector_store %arg12[%swap3A_321, %swap3A_322], %add3A_320 {strides = array<i32>} : memref<64x768xf32, #tpu.memory_space<vmem>>, vector<16xf32>,
      %get3A_324 = arith.index_cast %scan3A_28 : i32 to index
      %get3A_325 = arith.constant 432 : index
      %get3A_326 = tpu.vector_load %arg12[%get3A_324, %get3A_325] {strides = array<i32>} : memref<64x768xf32, #tpu.memory_space<vmem>>, vector<16xf32>,
      %get3A_327 = arith.index_cast %scan3A_28 : i32 to index
      %get3A_328 = arith.constant 432 : index
      %get3A_329 = tpu.vector_load %arg13[%get3A_327, %get3A_328] {strides = array<i32>} : memref<64x768xf32, #tpu.memory_space<vmem>>, vector<16xf32>,
      %mul3A_330 = arith.mulf %gather3A, %get3A_329 : vector<16xf32>
      %add3A_331 = arith.addf %get3A_326, %mul3A_330 : vector<16xf32>
      %swap3A_332 = arith.index_cast %scan3A_28 : i32 to index
      %swap3A_333 = arith.constant 432 : index
      %swap3A_334 = tpu.vector_load %arg12[%swap3A_332, %swap3A_333] {strides = array<i32>} : memref<64x768xf32, #tpu.memory_space<vmem>>, vector<16xf32>,
      tpu.vector_store %arg12[%swap3A_332, %swap3A_333], %add3A_331 {strides = array<i32>} : memref<64x768xf32, #tpu.memory_space<vmem>>, vector<16xf32>,
      %get3A_335 = arith.index_cast %scan3A_28 : i32 to index
      %get3A_336 = arith.constant 448 : index
      %get3A_337 = tpu.vector_load %arg12[%get3A_335, %get3A_336] {strides = array<i32>} : memref<64x768xf32, #tpu.memory_space<vmem>>, vector<16xf32>,
      %get3A_338 = arith.index_cast %scan3A_28 : i32 to index
      %get3A_339 = arith.constant 448 : index
      %get3A_340 = tpu.vector_load %arg13[%get3A_338, %get3A_339] {strides = array<i32>} : memref<64x768xf32, #tpu.memory_space<vmem>>, vector<16xf32>,
      %mul3A_341 = arith.mulf %gather3A, %get3A_340 : vector<16xf32>
      %add3A_342 = arith.addf %get3A_337, %mul3A_341 : vector<16xf32>
      %swap3A_343 = arith.index_cast %scan3A_28 : i32 to index
      %swap3A_344 = arith.constant 448 : index
      %swap3A_345 = tpu.vector_load %arg12[%swap3A_343, %swap3A_344] {strides = array<i32>} : memref<64x768xf32, #tpu.memory_space<vmem>>, vector<16xf32>,
      tpu.vector_store %arg12[%swap3A_343, %swap3A_344], %add3A_342 {strides = array<i32>} : memref<64x768xf32, #tpu.memory_space<vmem>>, vector<16xf32>,
      %get3A_346 = arith.index_cast %scan3A_28 : i32 to index
      %get3A_347 = arith.constant 464 : index
      %get3A_348 = tpu.vector_load %arg12[%get3A_346, %get3A_347] {strides = array<i32>} : memref<64x768xf32, #tpu.memory_space<vmem>>, vector<16xf32>,
      %get3A_349 = arith.index_cast %scan3A_28 : i32 to index
      %get3A_350 = arith.constant 464 : index
      %get3A_351 = tpu.vector_load %arg13[%get3A_349, %get3A_350] {strides = array<i32>} : memref<64x768xf32, #tpu.memory_space<vmem>>, vector<16xf32>,
      %mul3A_352 = arith.mulf %gather3A, %get3A_351 : vector<16xf32>
      %add3A_353 = arith.addf %get3A_348, %mul3A_352 : vector<16xf32>
      %swap3A_354 = arith.index_cast %scan3A_28 : i32 to index
      %swap3A_355 = arith.constant 464 : index
      %swap3A_356 = tpu.vector_load %arg12[%swap3A_354, %swap3A_355] {strides = array<i32>} : memref<64x768xf32, #tpu.memory_space<vmem>>, vector<16xf32>,
      tpu.vector_store %arg12[%swap3A_354, %swap3A_355], %add3A_353 {strides = array<i32>} : memref<64x768xf32, #tpu.memory_space<vmem>>, vector<16xf32>,
      %get3A_357 = arith.index_cast %scan3A_28 : i32 to index
      %get3A_358 = arith.constant 480 : index
      %get3A_359 = tpu.vector_load %arg12[%get3A_357, %get3A_358] {strides = array<i32>} : memref<64x768xf32, #tpu.memory_space<vmem>>, vector<16xf32>,
      %get3A_360 = arith.index_cast %scan3A_28 : i32 to index
      %get3A_361 = arith.constant 480 : index
      %get3A_362 = tpu.vector_load %arg13[%get3A_360, %get3A_361] {strides = array<i32>} : memref<64x768xf32, #tpu.memory_space<vmem>>, vector<16xf32>,
      %mul3A_363 = arith.mulf %gather3A, %get3A_362 : vector<16xf32>
      %add3A_364 = arith.addf %get3A_359, %mul3A_363 : vector<16xf32>
      %swap3A_365 = arith.index_cast %scan3A_28 : i32 to index
      %swap3A_366 = arith.constant 480 : index
      %swap3A_367 = tpu.vector_load %arg12[%swap3A_365, %swap3A_366] {strides = array<i32>} : memref<64x768xf32, #tpu.memory_space<vmem>>, vector<16xf32>,
      tpu.vector_store %arg12[%swap3A_365, %swap3A_366], %add3A_364 {strides = array<i32>} : memref<64x768xf32, #tpu.memory_space<vmem>>, vector<16xf32>,
      %get3A_368 = arith.index_cast %scan3A_28 : i32 to index
      %get3A_369 = arith.constant 496 : index
      %get3A_370 = tpu.vector_load %arg12[%get3A_368, %get3A_369] {strides = array<i32>} : memref<64x768xf32, #tpu.memory_space<vmem>>, vector<16xf32>,
      %get3A_371 = arith.index_cast %scan3A_28 : i32 to index
      %get3A_372 = arith.constant 496 : index
      %get3A_373 = tpu.vector_load %arg13[%get3A_371, %get3A_372] {strides = array<i32>} : memref<64x768xf32, #tpu.memory_space<vmem>>, vector<16xf32>,
      %mul3A_374 = arith.mulf %gather3A, %get3A_373 : vector<16xf32>
      %add3A_375 = arith.addf %get3A_370, %mul3A_374 : vector<16xf32>
      %swap3A_376 = arith.index_cast %scan3A_28 : i32 to index
      %swap3A_377 = arith.constant 496 : index
      %swap3A_378 = tpu.vector_load %arg12[%swap3A_376, %swap3A_377] {strides = array<i32>} : memref<64x768xf32, #tpu.memory_space<vmem>>, vector<16xf32>,
      tpu.vector_store %arg12[%swap3A_376, %swap3A_377], %add3A_375 {strides = array<i32>} : memref<64x768xf32, #tpu.memory_space<vmem>>, vector<16xf32>,
      %get3A_379 = arith.index_cast %scan3A_28 : i32 to index
      %get3A_380 = arith.constant 512 : index
      %get3A_381 = tpu.vector_load %arg12[%get3A_379, %get3A_380] {strides = array<i32>} : memref<64x768xf32, #tpu.memory_space<vmem>>, vector<16xf32>,
      %get3A_382 = arith.index_cast %scan3A_28 : i32 to index
      %get3A_383 = arith.constant 512 : index
      %get3A_384 = tpu.vector_load %arg13[%get3A_382, %get3A_383] {strides = array<i32>} : memref<64x768xf32, #tpu.memory_space<vmem>>, vector<16xf32>,
      %mul3A_385 = arith.mulf %gather3A, %get3A_384 : vector<16xf32>
      %add3A_386 = arith.addf %get3A_381, %mul3A_385 : vector<16xf32>
      %swap3A_387 = arith.index_cast %scan3A_28 : i32 to index
      %swap3A_388 = arith.constant 512 : index
      %swap3A_389 = tpu.vector_load %arg12[%swap3A_387, %swap3A_388] {strides = array<i32>} : memref<64x768xf32, #tpu.memory_space<vmem>>, vector<16xf32>,
      tpu.vector_store %arg12[%swap3A_387, %swap3A_388], %add3A_386 {strides = array<i32>} : memref<64x768xf32, #tpu.memory_space<vmem>>, vector<16xf32>,
      %get3A_390 = arith.index_cast %scan3A_28 : i32 to index
      %get3A_391 = arith.constant 528 : index
      %get3A_392 = tpu.vector_load %arg12[%get3A_390, %get3A_391] {strides = array<i32>} : memref<64x768xf32, #tpu.memory_space<vmem>>, vector<16xf32>,
      %get3A_393 = arith.index_cast %scan3A_28 : i32 to index
      %get3A_394 = arith.constant 528 : index
      %get3A_395 = tpu.vector_load %arg13[%get3A_393, %get3A_394] {strides = array<i32>} : memref<64x768xf32, #tpu.memory_space<vmem>>, vector<16xf32>,
      %mul3A_396 = arith.mulf %gather3A, %get3A_395 : vector<16xf32>
      %add3A_397 = arith.addf %get3A_392, %mul3A_396 : vector<16xf32>
      %swap3A_398 = arith.index_cast %scan3A_28 : i32 to index
      %swap3A_399 = arith.constant 528 : index
      %swap3A_400 = tpu.vector_load %arg12[%swap3A_398, %swap3A_399] {strides = array<i32>} : memref<64x768xf32, #tpu.memory_space<vmem>>, vector<16xf32>,
      tpu.vector_store %arg12[%swap3A_398, %swap3A_399], %add3A_397 {strides = array<i32>} : memref<64x768xf32, #tpu.memory_space<vmem>>, vector<16xf32>,
      %get3A_401 = arith.index_cast %scan3A_28 : i32 to index
      %get3A_402 = arith.constant 544 : index
      %get3A_403 = tpu.vector_load %arg12[%get3A_401, %get3A_402] {strides = array<i32>} : memref<64x768xf32, #tpu.memory_space<vmem>>, vector<16xf32>,
      %get3A_404 = arith.index_cast %scan3A_28 : i32 to index
      %get3A_405 = arith.constant 544 : index
      %get3A_406 = tpu.vector_load %arg13[%get3A_404, %get3A_405] {strides = array<i32>} : memref<64x768xf32, #tpu.memory_space<vmem>>, vector<16xf32>,
      %mul3A_407 = arith.mulf %gather3A, %get3A_406 : vector<16xf32>
      %add3A_408 = arith.addf %get3A_403, %mul3A_407 : vector<16xf32>
      %swap3A_409 = arith.index_cast %scan3A_28 : i32 to index
      %swap3A_410 = arith.constant 544 : index
      %swap3A_411 = tpu.vector_load %arg12[%swap3A_409, %swap3A_410] {strides = array<i32>} : memref<64x768xf32, #tpu.memory_space<vmem>>, vector<16xf32>,
      tpu.vector_store %arg12[%swap3A_409, %swap3A_410], %add3A_408 {strides = array<i32>} : memref<64x768xf32, #tpu.memory_space<vmem>>, vector<16xf32>,
      %get3A_412 = arith.index_cast %scan3A_28 : i32 to index
      %get3A_413 = arith.constant 560 : index
      %get3A_414 = tpu.vector_load %arg12[%get3A_412, %get3A_413] {strides = array<i32>} : memref<64x768xf32, #tpu.memory_space<vmem>>, vector<16xf32>,
      %get3A_415 = arith.index_cast %scan3A_28 : i32 to index
      %get3A_416 = arith.constant 560 : index
      %get3A_417 = tpu.vector_load %arg13[%get3A_415, %get3A_416] {strides = array<i32>} : memref<64x768xf32, #tpu.memory_space<vmem>>, vector<16xf32>,
      %mul3A_418 = arith.mulf %gather3A, %get3A_417 : vector<16xf32>
      %add3A_419 = arith.addf %get3A_414, %mul3A_418 : vector<16xf32>
      %swap3A_420 = arith.index_cast %scan3A_28 : i32 to index
      %swap3A_421 = arith.constant 560 : index
      %swap3A_422 = tpu.vector_load %arg12[%swap3A_420, %swap3A_421] {strides = array<i32>} : memref<64x768xf32, #tpu.memory_space<vmem>>, vector<16xf32>,
      tpu.vector_store %arg12[%swap3A_420, %swap3A_421], %add3A_419 {strides = array<i32>} : memref<64x768xf32, #tpu.memory_space<vmem>>, vector<16xf32>,
      %get3A_423 = arith.index_cast %scan3A_28 : i32 to index
      %get3A_424 = arith.constant 576 : index
      %get3A_425 = tpu.vector_load %arg12[%get3A_423, %get3A_424] {strides = array<i32>} : memref<64x768xf32, #tpu.memory_space<vmem>>, vector<16xf32>,
      %get3A_426 = arith.index_cast %scan3A_28 : i32 to index
      %get3A_427 = arith.constant 576 : index
      %get3A_428 = tpu.vector_load %arg13[%get3A_426, %get3A_427] {strides = array<i32>} : memref<64x768xf32, #tpu.memory_space<vmem>>, vector<16xf32>,
      %mul3A_429 = arith.mulf %gather3A, %get3A_428 : vector<16xf32>
      %add3A_430 = arith.addf %get3A_425, %mul3A_429 : vector<16xf32>
      %swap3A_431 = arith.index_cast %scan3A_28 : i32 to index
      %swap3A_432 = arith.constant 576 : index
      %swap3A_433 = tpu.vector_load %arg12[%swap3A_431, %swap3A_432] {strides = array<i32>} : memref<64x768xf32, #tpu.memory_space<vmem>>, vector<16xf32>,
      tpu.vector_store %arg12[%swap3A_431, %swap3A_432], %add3A_430 {strides = array<i32>} : memref<64x768xf32, #tpu.memory_space<vmem>>, vector<16xf32>,
      %get3A_434 = arith.index_cast %scan3A_28 : i32 to index
      %get3A_435 = arith.constant 592 : index
      %get3A_436 = tpu.vector_load %arg12[%get3A_434, %get3A_435] {strides = array<i32>} : memref<64x768xf32, #tpu.memory_space<vmem>>, vector<16xf32>,
      %get3A_437 = arith.index_cast %scan3A_28 : i32 to index
      %get3A_438 = arith.constant 592 : index
      %get3A_439 = tpu.vector_load %arg13[%get3A_437, %get3A_438] {strides = array<i32>} : memref<64x768xf32, #tpu.memory_space<vmem>>, vector<16xf32>,
      %mul3A_440 = arith.mulf %gather3A, %get3A_439 : vector<16xf32>
      %add3A_441 = arith.addf %get3A_436, %mul3A_440 : vector<16xf32>
      %swap3A_442 = arith.index_cast %scan3A_28 : i32 to index
      %swap3A_443 = arith.constant 592 : index
      %swap3A_444 = tpu.vector_load %arg12[%swap3A_442, %swap3A_443] {strides = array<i32>} : memref<64x768xf32, #tpu.memory_space<vmem>>, vector<16xf32>,
      tpu.vector_store %arg12[%swap3A_442, %swap3A_443], %add3A_441 {strides = array<i32>} : memref<64x768xf32, #tpu.memory_space<vmem>>, vector<16xf32>,
      %get3A_445 = arith.index_cast %scan3A_28 : i32 to index
      %get3A_446 = arith.constant 608 : index
      %get3A_447 = tpu.vector_load %arg12[%get3A_445, %get3A_446] {strides = array<i32>} : memref<64x768xf32, #tpu.memory_space<vmem>>, vector<16xf32>,
      %get3A_448 = arith.index_cast %scan3A_28 : i32 to index
      %get3A_449 = arith.constant 608 : index
      %get3A_450 = tpu.vector_load %arg13[%get3A_448, %get3A_449] {strides = array<i32>} : memref<64x768xf32, #tpu.memory_space<vmem>>, vector<16xf32>,
      %mul3A_451 = arith.mulf %gather3A, %get3A_450 : vector<16xf32>
      %add3A_452 = arith.addf %get3A_447, %mul3A_451 : vector<16xf32>
      %swap3A_453 = arith.index_cast %scan3A_28 : i32 to index
      %swap3A_454 = arith.constant 608 : index
      %swap3A_455 = tpu.vector_load %arg12[%swap3A_453, %swap3A_454] {strides = array<i32>} : memref<64x768xf32, #tpu.memory_space<vmem>>, vector<16xf32>,
      tpu.vector_store %arg12[%swap3A_453, %swap3A_454], %add3A_452 {strides = array<i32>} : memref<64x768xf32, #tpu.memory_space<vmem>>, vector<16xf32>,
      %get3A_456 = arith.index_cast %scan3A_28 : i32 to index
      %get3A_457 = arith.constant 624 : index
      %get3A_458 = tpu.vector_load %arg12[%get3A_456, %get3A_457] {strides = array<i32>} : memref<64x768xf32, #tpu.memory_space<vmem>>, vector<16xf32>,
      %get3A_459 = arith.index_cast %scan3A_28 : i32 to index
      %get3A_460 = arith.constant 624 : index
      %get3A_461 = tpu.vector_load %arg13[%get3A_459, %get3A_460] {strides = array<i32>} : memref<64x768xf32, #tpu.memory_space<vmem>>, vector<16xf32>,
      %mul3A_462 = arith.mulf %gather3A, %get3A_461 : vector<16xf32>
      %add3A_463 = arith.addf %get3A_458, %mul3A_462 : vector<16xf32>
      %swap3A_464 = arith.index_cast %scan3A_28 : i32 to index
      %swap3A_465 = arith.constant 624 : index
      %swap3A_466 = tpu.vector_load %arg12[%swap3A_464, %swap3A_465] {strides = array<i32>} : memref<64x768xf32, #tpu.memory_space<vmem>>, vector<16xf32>,
      tpu.vector_store %arg12[%swap3A_464, %swap3A_465], %add3A_463 {strides = array<i32>} : memref<64x768xf32, #tpu.memory_space<vmem>>, vector<16xf32>,
      %get3A_467 = arith.index_cast %scan3A_28 : i32 to index
      %get3A_468 = arith.constant 640 : index
      %get3A_469 = tpu.vector_load %arg12[%get3A_467, %get3A_468] {strides = array<i32>} : memref<64x768xf32, #tpu.memory_space<vmem>>, vector<16xf32>,
      %get3A_470 = arith.index_cast %scan3A_28 : i32 to index
      %get3A_471 = arith.constant 640 : index
      %get3A_472 = tpu.vector_load %arg13[%get3A_470, %get3A_471] {strides = array<i32>} : memref<64x768xf32, #tpu.memory_space<vmem>>, vector<16xf32>,
      %mul3A_473 = arith.mulf %gather3A, %get3A_472 : vector<16xf32>
      %add3A_474 = arith.addf %get3A_469, %mul3A_473 : vector<16xf32>
      %swap3A_475 = arith.index_cast %scan3A_28 : i32 to index
      %swap3A_476 = arith.constant 640 : index
      %swap3A_477 = tpu.vector_load %arg12[%swap3A_475, %swap3A_476] {strides = array<i32>} : memref<64x768xf32, #tpu.memory_space<vmem>>, vector<16xf32>,
      tpu.vector_store %arg12[%swap3A_475, %swap3A_476], %add3A_474 {strides = array<i32>} : memref<64x768xf32, #tpu.memory_space<vmem>>, vector<16xf32>,
      %get3A_478 = arith.index_cast %scan3A_28 : i32 to index
      %get3A_479 = arith.constant 656 : index
      %get3A_480 = tpu.vector_load %arg12[%get3A_478, %get3A_479] {strides = array<i32>} : memref<64x768xf32, #tpu.memory_space<vmem>>, vector<16xf32>,
      %get3A_481 = arith.index_cast %scan3A_28 : i32 to index
      %get3A_482 = arith.constant 656 : index
      %get3A_483 = tpu.vector_load %arg13[%get3A_481, %get3A_482] {strides = array<i32>} : memref<64x768xf32, #tpu.memory_space<vmem>>, vector<16xf32>,
      %mul3A_484 = arith.mulf %gather3A, %get3A_483 : vector<16xf32>
      %add3A_485 = arith.addf %get3A_480, %mul3A_484 : vector<16xf32>
      %swap3A_486 = arith.index_cast %scan3A_28 : i32 to index
      %swap3A_487 = arith.constant 656 : index
      %swap3A_488 = tpu.vector_load %arg12[%swap3A_486, %swap3A_487] {strides = array<i32>} : memref<64x768xf32, #tpu.memory_space<vmem>>, vector<16xf32>,
      tpu.vector_store %arg12[%swap3A_486, %swap3A_487], %add3A_485 {strides = array<i32>} : memref<64x768xf32, #tpu.memory_space<vmem>>, vector<16xf32>,
      %get3A_489 = arith.index_cast %scan3A_28 : i32 to index
      %get3A_490 = arith.constant 672 : index
      %get3A_491 = tpu.vector_load %arg12[%get3A_489, %get3A_490] {strides = array<i32>} : memref<64x768xf32, #tpu.memory_space<vmem>>, vector<16xf32>,
      %get3A_492 = arith.index_cast %scan3A_28 : i32 to index
      %get3A_493 = arith.constant 672 : index
      %get3A_494 = tpu.vector_load %arg13[%get3A_492, %get3A_493] {strides = array<i32>} : memref<64x768xf32, #tpu.memory_space<vmem>>, vector<16xf32>,
      %mul3A_495 = arith.mulf %gather3A, %get3A_494 : vector<16xf32>
      %add3A_496 = arith.addf %get3A_491, %mul3A_495 : vector<16xf32>
      %swap3A_497 = arith.index_cast %scan3A_28 : i32 to index
      %swap3A_498 = arith.constant 672 : index
      %swap3A_499 = tpu.vector_load %arg12[%swap3A_497, %swap3A_498] {strides = array<i32>} : memref<64x768xf32, #tpu.memory_space<vmem>>, vector<16xf32>,
      tpu.vector_store %arg12[%swap3A_497, %swap3A_498], %add3A_496 {strides = array<i32>} : memref<64x768xf32, #tpu.memory_space<vmem>>, vector<16xf32>,
      %get3A_500 = arith.index_cast %scan3A_28 : i32 to index
      %get3A_501 = arith.constant 688 : index
      %get3A_502 = tpu.vector_load %arg12[%get3A_500, %get3A_501] {strides = array<i32>} : memref<64x768xf32, #tpu.memory_space<vmem>>, vector<16xf32>,
      %get3A_503 = arith.index_cast %scan3A_28 : i32 to index
      %get3A_504 = arith.constant 688 : index
      %get3A_505 = tpu.vector_load %arg13[%get3A_503, %get3A_504] {strides = array<i32>} : memref<64x768xf32, #tpu.memory_space<vmem>>, vector<16xf32>,
      %mul3A_506 = arith.mulf %gather3A, %get3A_505 : vector<16xf32>
      %add3A_507 = arith.addf %get3A_502, %mul3A_506 : vector<16xf32>
      %swap3A_508 = arith.index_cast %scan3A_28 : i32 to index
      %swap3A_509 = arith.constant 688 : index
      %swap3A_510 = tpu.vector_load %arg12[%swap3A_508, %swap3A_509] {strides = array<i32>} : memref<64x768xf32, #tpu.memory_space<vmem>>, vector<16xf32>,
      tpu.vector_store %arg12[%swap3A_508, %swap3A_509], %add3A_507 {strides = array<i32>} : memref<64x768xf32, #tpu.memory_space<vmem>>, vector<16xf32>,
      %get3A_511 = arith.index_cast %scan3A_28 : i32 to index
      %get3A_512 = arith.constant 704 : index
      %get3A_513 = tpu.vector_load %arg12[%get3A_511, %get3A_512] {strides = array<i32>} : memref<64x768xf32, #tpu.memory_space<vmem>>, vector<16xf32>,
      %get3A_514 = arith.index_cast %scan3A_28 : i32 to index
      %get3A_515 = arith.constant 704 : index
      %get3A_516 = tpu.vector_load %arg13[%get3A_514, %get3A_515] {strides = array<i32>} : memref<64x768xf32, #tpu.memory_space<vmem>>, vector<16xf32>,
      %mul3A_517 = arith.mulf %gather3A, %get3A_516 : vector<16xf32>
      %add3A_518 = arith.addf %get3A_513, %mul3A_517 : vector<16xf32>
      %swap3A_519 = arith.index_cast %scan3A_28 : i32 to index
      %swap3A_520 = arith.constant 704 : index
      %swap3A_521 = tpu.vector_load %arg12[%swap3A_519, %swap3A_520] {strides = array<i32>} : memref<64x768xf32, #tpu.memory_space<vmem>>, vector<16xf32>,
      tpu.vector_store %arg12[%swap3A_519, %swap3A_520], %add3A_518 {strides = array<i32>} : memref<64x768xf32, #tpu.memory_space<vmem>>, vector<16xf32>,
      %get3A_522 = arith.index_cast %scan3A_28 : i32 to index
      %get3A_523 = arith.constant 720 : index
      %get3A_524 = tpu.vector_load %arg12[%get3A_522, %get3A_523] {strides = array<i32>} : memref<64x768xf32, #tpu.memory_space<vmem>>, vector<16xf32>,
      %get3A_525 = arith.index_cast %scan3A_28 : i32 to index
      %get3A_526 = arith.constant 720 : index
      %get3A_527 = tpu.vector_load %arg13[%get3A_525, %get3A_526] {strides = array<i32>} : memref<64x768xf32, #tpu.memory_space<vmem>>, vector<16xf32>,
      %mul3A_528 = arith.mulf %gather3A, %get3A_527 : vector<16xf32>
      %add3A_529 = arith.addf %get3A_524, %mul3A_528 : vector<16xf32>
      %swap3A_530 = arith.index_cast %scan3A_28 : i32 to index
      %swap3A_531 = arith.constant 720 : index
      %swap3A_532 = tpu.vector_load %arg12[%swap3A_530, %swap3A_531] {strides = array<i32>} : memref<64x768xf32, #tpu.memory_space<vmem>>, vector<16xf32>,
      tpu.vector_store %arg12[%swap3A_530, %swap3A_531], %add3A_529 {strides = array<i32>} : memref<64x768xf32, #tpu.memory_space<vmem>>, vector<16xf32>,
      %get3A_533 = arith.index_cast %scan3A_28 : i32 to index
      %get3A_534 = arith.constant 736 : index
      %get3A_535 = tpu.vector_load %arg12[%get3A_533, %get3A_534] {strides = array<i32>} : memref<64x768xf32, #tpu.memory_space<vmem>>, vector<16xf32>,
      %get3A_536 = arith.index_cast %scan3A_28 : i32 to index
      %get3A_537 = arith.constant 736 : index
      %get3A_538 = tpu.vector_load %arg13[%get3A_536, %get3A_537] {strides = array<i32>} : memref<64x768xf32, #tpu.memory_space<vmem>>, vector<16xf32>,
      %mul3A_539 = arith.mulf %gather3A, %get3A_538 : vector<16xf32>
      %add3A_540 = arith.addf %get3A_535, %mul3A_539 : vector<16xf32>
      %swap3A_541 = arith.index_cast %scan3A_28 : i32 to index
      %swap3A_542 = arith.constant 736 : index
      %swap3A_543 = tpu.vector_load %arg12[%swap3A_541, %swap3A_542] {strides = array<i32>} : memref<64x768xf32, #tpu.memory_space<vmem>>, vector<16xf32>,
      tpu.vector_store %arg12[%swap3A_541, %swap3A_542], %add3A_540 {strides = array<i32>} : memref<64x768xf32, #tpu.memory_space<vmem>>, vector<16xf32>,
      %get3A_544 = arith.index_cast %scan3A_28 : i32 to index
      %get3A_545 = arith.constant 752 : index
      %get3A_546 = tpu.vector_load %arg12[%get3A_544, %get3A_545] {strides = array<i32>} : memref<64x768xf32, #tpu.memory_space<vmem>>, vector<16xf32>,
      %get3A_547 = arith.index_cast %scan3A_28 : i32 to index
      %get3A_548 = arith.constant 752 : index
      %get3A_549 = tpu.vector_load %arg13[%get3A_547, %get3A_548] {strides = array<i32>} : memref<64x768xf32, #tpu.memory_space<vmem>>, vector<16xf32>,
      %mul3A_550 = arith.mulf %gather3A, %get3A_549 : vector<16xf32>
      %add3A_551 = arith.addf %get3A_546, %mul3A_550 : vector<16xf32>
      %swap3A_552 = arith.index_cast %scan3A_28 : i32 to index
      %swap3A_553 = arith.constant 752 : index
      %swap3A_554 = tpu.vector_load %arg12[%swap3A_552, %swap3A_553] {strides = array<i32>} : memref<64x768xf32, #tpu.memory_space<vmem>>, vector<16xf32>,
      tpu.vector_store %arg12[%swap3A_552, %swap3A_553], %add3A_551 {strides = array<i32>} : memref<64x768xf32, #tpu.memory_space<vmem>>, vector<16xf32>,
    }
    %scan3A_15 = arith.constant 64 : i32
    %dma_start3A_16 = arith.constant 0 : i32
    %dma_start3A_17 = arith.constant 0 : i32
    %dma_start3A_18 = tpu.memref_slice %arg3[%dma_start3A_16, %dma_start3A_17] : memref<6144x768xf32, #tpu.memory_space<hbm>> -> memref<6144x768xf32, #tpu.memory_space<hbm>>
    tpu.enqueue_indirect_dma source(%dma_start3A_18 : memref<6144x768xf32, #tpu.memory_space<hbm>>) target(%arg13 : memref<64x768xf32, #tpu.memory_space<vmem>>) offsets(%arg8 : memref<64xi32, #tpu.memory_space<vmem>>) semaphore(%arg14 : memref<!tpu.dma_semaphore, #tpu.memory_space<semaphore_mem>>)
    %dma_wait3A_19 = arith.constant 0 : i32
    %dma_wait3A_20 = arith.constant 0 : i32
    %dma_wait3A_21 = tpu.memref_slice %arg3[%dma_wait3A_19, %dma_wait3A_20] : memref<6144x768xf32, #tpu.memory_space<hbm>> -> memref<6144x768xf32, #tpu.memory_space<hbm>>
    tpu.wait_indirect_dma semaphore(%arg14 : memref<!tpu.dma_semaphore, #tpu.memory_space<semaphore_mem>>) src(%dma_wait3A_21 : memref<6144x768xf32, #tpu.memory_space<hbm>>) dst(%arg13 : memref<64x768xf32, #tpu.memory_space<vmem>>)
    %scan3A_22 = arith.constant 0 : i32
    %scan3A_23 = arith.constant 0 : i32
    %scan3A_24 = arith.constant 64 : i32
    %scan3A_25 = arith.addi %scan3A_23, %scan3A_24 : i32
    %scan3A_26 = arith.constant 1 : i32
    scf.for %scan3A_28 = %scan3A_23 to %scan3A_25 step %scan3A_26  : i32 {
      %broadcast_in_dim3A = vector.broadcast %scan3A_28 : i32 to vector<16xi32>
      %gather3A = tpu.vector_load_idx %arg10[%broadcast_in_dim3A] : memref<64xf32, #tpu.memory_space<vmem>>[vector<16xi32>], vector<16xf32>,
      %get3A = arith.index_cast %scan3A_28 : i32 to index
      %get3A_29 = arith.constant 0 : index
      %get3A_30 = tpu.vector_load %arg12[%get3A, %get3A_29] {strides = array<i32>} : memref<64x768xf32, #tpu.memory_space<vmem>>, vector<16xf32>,
      %get3A_31 = arith.index_cast %scan3A_28 : i32 to index
      %get3A_32 = arith.constant 0 : index
      %get3A_33 = tpu.vector_load %arg13[%get3A_31, %get3A_32] {strides = array<i32>} : memref<64x768xf32, #tpu.memory_space<vmem>>, vector<16xf32>,
      %mul3A_34 = arith.mulf %gather3A, %get3A_33 : vector<16xf32>
      %add3A_35 = arith.addf %get3A_30, %mul3A_34 : vector<16xf32>
      %swap3A = arith.index_cast %scan3A_28 : i32 to index
      %swap3A_36 = arith.constant 0 : index
      %swap3A_37 = tpu.vector_load %arg12[%swap3A, %swap3A_36] {strides = array<i32>} : memref<64x768xf32, #tpu.memory_space<vmem>>, vector<16xf32>,
      tpu.vector_store %arg12[%swap3A, %swap3A_36], %add3A_35 {strides = array<i32>} : memref<64x768xf32, #tpu.memory_space<vmem>>, vector<16xf32>,
      %get3A_38 = arith.index_cast %scan3A_28 : i32 to index
      %get3A_39 = arith.constant 16 : index
      %get3A_40 = tpu.vector_load %arg12[%get3A_38, %get3A_39] {strides = array<i32>} : memref<64x768xf32, #tpu.memory_space<vmem>>, vector<16xf32>,
      %get3A_41 = arith.index_cast %scan3A_28 : i32 to index
      %get3A_42 = arith.constant 16 : index
      %get3A_43 = tpu.vector_load %arg13[%get3A_41, %get3A_42] {strides = array<i32>} : memref<64x768xf32, #tpu.memory_space<vmem>>, vector<16xf32>,
      %mul3A_44 = arith.mulf %gather3A, %get3A_43 : vector<16xf32>
      %add3A_45 = arith.addf %get3A_40, %mul3A_44 : vector<16xf32>
      %swap3A_46 = arith.index_cast %scan3A_28 : i32 to index
      %swap3A_47 = arith.constant 16 : index
      %swap3A_48 = tpu.vector_load %arg12[%swap3A_46, %swap3A_47] {strides = array<i32>} : memref<64x768xf32, #tpu.memory_space<vmem>>, vector<16xf32>,
      tpu.vector_store %arg12[%swap3A_46, %swap3A_47], %add3A_45 {strides = array<i32>} : memref<64x768xf32, #tpu.memory_space<vmem>>, vector<16xf32>,
      %get3A_49 = arith.index_cast %scan3A_28 : i32 to index
      %get3A_50 = arith.constant 32 : index
      %get3A_51 = tpu.vector_load %arg12[%get3A_49, %get3A_50] {strides = array<i32>} : memref<64x768xf32, #tpu.memory_space<vmem>>, vector<16xf32>,
      %get3A_52 = arith.index_cast %scan3A_28 : i32 to index
      %get3A_53 = arith.constant 32 : index
      %get3A_54 = tpu.vector_load %arg13[%get3A_52, %get3A_53] {strides = array<i32>} : memref<64x768xf32, #tpu.memory_space<vmem>>, vector<16xf32>,
      %mul3A_55 = arith.mulf %gather3A, %get3A_54 : vector<16xf32>
      %add3A_56 = arith.addf %get3A_51, %mul3A_55 : vector<16xf32>
      %swap3A_57 = arith.index_cast %scan3A_28 : i32 to index
      %swap3A_58 = arith.constant 32 : index
      %swap3A_59 = tpu.vector_load %arg12[%swap3A_57, %swap3A_58] {strides = array<i32>} : memref<64x768xf32, #tpu.memory_space<vmem>>, vector<16xf32>,
      tpu.vector_store %arg12[%swap3A_57, %swap3A_58], %add3A_56 {strides = array<i32>} : memref<64x768xf32, #tpu.memory_space<vmem>>, vector<16xf32>,
      %get3A_60 = arith.index_cast %scan3A_28 : i32 to index
      %get3A_61 = arith.constant 48 : index
      %get3A_62 = tpu.vector_load %arg12[%get3A_60, %get3A_61] {strides = array<i32>} : memref<64x768xf32, #tpu.memory_space<vmem>>, vector<16xf32>,
      %get3A_63 = arith.index_cast %scan3A_28 : i32 to index
      %get3A_64 = arith.constant 48 : index
      %get3A_65 = tpu.vector_load %arg13[%get3A_63, %get3A_64] {strides = array<i32>} : memref<64x768xf32, #tpu.memory_space<vmem>>, vector<16xf32>,
      %mul3A_66 = arith.mulf %gather3A, %get3A_65 : vector<16xf32>
      %add3A_67 = arith.addf %get3A_62, %mul3A_66 : vector<16xf32>
      %swap3A_68 = arith.index_cast %scan3A_28 : i32 to index
      %swap3A_69 = arith.constant 48 : index
      %swap3A_70 = tpu.vector_load %arg12[%swap3A_68, %swap3A_69] {strides = array<i32>} : memref<64x768xf32, #tpu.memory_space<vmem>>, vector<16xf32>,
      tpu.vector_store %arg12[%swap3A_68, %swap3A_69], %add3A_67 {strides = array<i32>} : memref<64x768xf32, #tpu.memory_space<vmem>>, vector<16xf32>,
      %get3A_71 = arith.index_cast %scan3A_28 : i32 to index
      %get3A_72 = arith.constant 64 : index
      %get3A_73 = tpu.vector_load %arg12[%get3A_71, %get3A_72] {strides = array<i32>} : memref<64x768xf32, #tpu.memory_space<vmem>>, vector<16xf32>,
      %get3A_74 = arith.index_cast %scan3A_28 : i32 to index
      %get3A_75 = arith.constant 64 : index
      %get3A_76 = tpu.vector_load %arg13[%get3A_74, %get3A_75] {strides = array<i32>} : memref<64x768xf32, #tpu.memory_space<vmem>>, vector<16xf32>,
      %mul3A_77 = arith.mulf %gather3A, %get3A_76 : vector<16xf32>
      %add3A_78 = arith.addf %get3A_73, %mul3A_77 : vector<16xf32>
      %swap3A_79 = arith.index_cast %scan3A_28 : i32 to index
      %swap3A_80 = arith.constant 64 : index
      %swap3A_81 = tpu.vector_load %arg12[%swap3A_79, %swap3A_80] {strides = array<i32>} : memref<64x768xf32, #tpu.memory_space<vmem>>, vector<16xf32>,
      tpu.vector_store %arg12[%swap3A_79, %swap3A_80], %add3A_78 {strides = array<i32>} : memref<64x768xf32, #tpu.memory_space<vmem>>, vector<16xf32>,
      %get3A_82 = arith.index_cast %scan3A_28 : i32 to index
      %get3A_83 = arith.constant 80 : index
      %get3A_84 = tpu.vector_load %arg12[%get3A_82, %get3A_83] {strides = array<i32>} : memref<64x768xf32, #tpu.memory_space<vmem>>, vector<16xf32>,
      %get3A_85 = arith.index_cast %scan3A_28 : i32 to index
      %get3A_86 = arith.constant 80 : index
      %get3A_87 = tpu.vector_load %arg13[%get3A_85, %get3A_86] {strides = array<i32>} : memref<64x768xf32, #tpu.memory_space<vmem>>, vector<16xf32>,
      %mul3A_88 = arith.mulf %gather3A, %get3A_87 : vector<16xf32>
      %add3A_89 = arith.addf %get3A_84, %mul3A_88 : vector<16xf32>
      %swap3A_90 = arith.index_cast %scan3A_28 : i32 to index
      %swap3A_91 = arith.constant 80 : index
      %swap3A_92 = tpu.vector_load %arg12[%swap3A_90, %swap3A_91] {strides = array<i32>} : memref<64x768xf32, #tpu.memory_space<vmem>>, vector<16xf32>,
      tpu.vector_store %arg12[%swap3A_90, %swap3A_91], %add3A_89 {strides = array<i32>} : memref<64x768xf32, #tpu.memory_space<vmem>>, vector<16xf32>,
      %get3A_93 = arith.index_cast %scan3A_28 : i32 to index
      %get3A_94 = arith.constant 96 : index
      %get3A_95 = tpu.vector_load %arg12[%get3A_93, %get3A_94] {strides = array<i32>} : memref<64x768xf32, #tpu.memory_space<vmem>>, vector<16xf32>,
      %get3A_96 = arith.index_cast %scan3A_28 : i32 to index
      %get3A_97 = arith.constant 96 : index
      %get3A_98 = tpu.vector_load %arg13[%get3A_96, %get3A_97] {strides = array<i32>} : memref<64x768xf32, #tpu.memory_space<vmem>>, vector<16xf32>,
      %mul3A_99 = arith.mulf %gather3A, %get3A_98 : vector<16xf32>
      %add3A_100 = arith.addf %get3A_95, %mul3A_99 : vector<16xf32>
      %swap3A_101 = arith.index_cast %scan3A_28 : i32 to index
      %swap3A_102 = arith.constant 96 : index
      %swap3A_103 = tpu.vector_load %arg12[%swap3A_101, %swap3A_102] {strides = array<i32>} : memref<64x768xf32, #tpu.memory_space<vmem>>, vector<16xf32>,
      tpu.vector_store %arg12[%swap3A_101, %swap3A_102], %add3A_100 {strides = array<i32>} : memref<64x768xf32, #tpu.memory_space<vmem>>, vector<16xf32>,
      %get3A_104 = arith.index_cast %scan3A_28 : i32 to index
      %get3A_105 = arith.constant 112 : index
      %get3A_106 = tpu.vector_load %arg12[%get3A_104, %get3A_105] {strides = array<i32>} : memref<64x768xf32, #tpu.memory_space<vmem>>, vector<16xf32>,
      %get3A_107 = arith.index_cast %scan3A_28 : i32 to index
      %get3A_108 = arith.constant 112 : index
      %get3A_109 = tpu.vector_load %arg13[%get3A_107, %get3A_108] {strides = array<i32>} : memref<64x768xf32, #tpu.memory_space<vmem>>, vector<16xf32>,
      %mul3A_110 = arith.mulf %gather3A, %get3A_109 : vector<16xf32>
      %add3A_111 = arith.addf %get3A_106, %mul3A_110 : vector<16xf32>
      %swap3A_112 = arith.index_cast %scan3A_28 : i32 to index
      %swap3A_113 = arith.constant 112 : index
      %swap3A_114 = tpu.vector_load %arg12[%swap3A_112, %swap3A_113] {strides = array<i32>} : memref<64x768xf32, #tpu.memory_space<vmem>>, vector<16xf32>,
      tpu.vector_store %arg12[%swap3A_112, %swap3A_113], %add3A_111 {strides = array<i32>} : memref<64x768xf32, #tpu.memory_space<vmem>>, vector<16xf32>,
      %get3A_115 = arith.index_cast %scan3A_28 : i32 to index
      %get3A_116 = arith.constant 128 : index
      %get3A_117 = tpu.vector_load %arg12[%get3A_115, %get3A_116] {strides = array<i32>} : memref<64x768xf32, #tpu.memory_space<vmem>>, vector<16xf32>,
      %get3A_118 = arith.index_cast %scan3A_28 : i32 to index
      %get3A_119 = arith.constant 128 : index
      %get3A_120 = tpu.vector_load %arg13[%get3A_118, %get3A_119] {strides = array<i32>} : memref<64x768xf32, #tpu.memory_space<vmem>>, vector<16xf32>,
      %mul3A_121 = arith.mulf %gather3A, %get3A_120 : vector<16xf32>
      %add3A_122 = arith.addf %get3A_117, %mul3A_121 : vector<16xf32>
      %swap3A_123 = arith.index_cast %scan3A_28 : i32 to index
      %swap3A_124 = arith.constant 128 : index
      %swap3A_125 = tpu.vector_load %arg12[%swap3A_123, %swap3A_124] {strides = array<i32>} : memref<64x768xf32, #tpu.memory_space<vmem>>, vector<16xf32>,
      tpu.vector_store %arg12[%swap3A_123, %swap3A_124], %add3A_122 {strides = array<i32>} : memref<64x768xf32, #tpu.memory_space<vmem>>, vector<16xf32>,
      %get3A_126 = arith.index_cast %scan3A_28 : i32 to index
      %get3A_127 = arith.constant 144 : index
      %get3A_128 = tpu.vector_load %arg12[%get3A_126, %get3A_127] {strides = array<i32>} : memref<64x768xf32, #tpu.memory_space<vmem>>, vector<16xf32>,
      %get3A_129 = arith.index_cast %scan3A_28 : i32 to index
      %get3A_130 = arith.constant 144 : index
      %get3A_131 = tpu.vector_load %arg13[%get3A_129, %get3A_130] {strides = array<i32>} : memref<64x768xf32, #tpu.memory_space<vmem>>, vector<16xf32>,
      %mul3A_132 = arith.mulf %gather3A, %get3A_131 : vector<16xf32>
      %add3A_133 = arith.addf %get3A_128, %mul3A_132 : vector<16xf32>
      %swap3A_134 = arith.index_cast %scan3A_28 : i32 to index
      %swap3A_135 = arith.constant 144 : index
      %swap3A_136 = tpu.vector_load %arg12[%swap3A_134, %swap3A_135] {strides = array<i32>} : memref<64x768xf32, #tpu.memory_space<vmem>>, vector<16xf32>,
      tpu.vector_store %arg12[%swap3A_134, %swap3A_135], %add3A_133 {strides = array<i32>} : memref<64x768xf32, #tpu.memory_space<vmem>>, vector<16xf32>,
      %get3A_137 = arith.index_cast %scan3A_28 : i32 to index
      %get3A_138 = arith.constant 160 : index
      %get3A_139 = tpu.vector_load %arg12[%get3A_137, %get3A_138] {strides = array<i32>} : memref<64x768xf32, #tpu.memory_space<vmem>>, vector<16xf32>,
      %get3A_140 = arith.index_cast %scan3A_28 : i32 to index
      %get3A_141 = arith.constant 160 : index
      %get3A_142 = tpu.vector_load %arg13[%get3A_140, %get3A_141] {strides = array<i32>} : memref<64x768xf32, #tpu.memory_space<vmem>>, vector<16xf32>,
      %mul3A_143 = arith.mulf %gather3A, %get3A_142 : vector<16xf32>
      %add3A_144 = arith.addf %get3A_139, %mul3A_143 : vector<16xf32>
      %swap3A_145 = arith.index_cast %scan3A_28 : i32 to index
      %swap3A_146 = arith.constant 160 : index
      %swap3A_147 = tpu.vector_load %arg12[%swap3A_145, %swap3A_146] {strides = array<i32>} : memref<64x768xf32, #tpu.memory_space<vmem>>, vector<16xf32>,
      tpu.vector_store %arg12[%swap3A_145, %swap3A_146], %add3A_144 {strides = array<i32>} : memref<64x768xf32, #tpu.memory_space<vmem>>, vector<16xf32>,
      %get3A_148 = arith.index_cast %scan3A_28 : i32 to index
      %get3A_149 = arith.constant 176 : index
      %get3A_150 = tpu.vector_load %arg12[%get3A_148, %get3A_149] {strides = array<i32>} : memref<64x768xf32, #tpu.memory_space<vmem>>, vector<16xf32>,
      %get3A_151 = arith.index_cast %scan3A_28 : i32 to index
      %get3A_152 = arith.constant 176 : index
      %get3A_153 = tpu.vector_load %arg13[%get3A_151, %get3A_152] {strides = array<i32>} : memref<64x768xf32, #tpu.memory_space<vmem>>, vector<16xf32>,
      %mul3A_154 = arith.mulf %gather3A, %get3A_153 : vector<16xf32>
      %add3A_155 = arith.addf %get3A_150, %mul3A_154 : vector<16xf32>
      %swap3A_156 = arith.index_cast %scan3A_28 : i32 to index
      %swap3A_157 = arith.constant 176 : index
      %swap3A_158 = tpu.vector_load %arg12[%swap3A_156, %swap3A_157] {strides = array<i32>} : memref<64x768xf32, #tpu.memory_space<vmem>>, vector<16xf32>,
      tpu.vector_store %arg12[%swap3A_156, %swap3A_157], %add3A_155 {strides = array<i32>} : memref<64x768xf32, #tpu.memory_space<vmem>>, vector<16xf32>,
      %get3A_159 = arith.index_cast %scan3A_28 : i32 to index
      %get3A_160 = arith.constant 192 : index
      %get3A_161 = tpu.vector_load %arg12[%get3A_159, %get3A_160] {strides = array<i32>} : memref<64x768xf32, #tpu.memory_space<vmem>>, vector<16xf32>,
      %get3A_162 = arith.index_cast %scan3A_28 : i32 to index
      %get3A_163 = arith.constant 192 : index
      %get3A_164 = tpu.vector_load %arg13[%get3A_162, %get3A_163] {strides = array<i32>} : memref<64x768xf32, #tpu.memory_space<vmem>>, vector<16xf32>,
      %mul3A_165 = arith.mulf %gather3A, %get3A_164 : vector<16xf32>
      %add3A_166 = arith.addf %get3A_161, %mul3A_165 : vector<16xf32>
      %swap3A_167 = arith.index_cast %scan3A_28 : i32 to index
      %swap3A_168 = arith.constant 192 : index
      %swap3A_169 = tpu.vector_load %arg12[%swap3A_167, %swap3A_168] {strides = array<i32>} : memref<64x768xf32, #tpu.memory_space<vmem>>, vector<16xf32>,
      tpu.vector_store %arg12[%swap3A_167, %swap3A_168], %add3A_166 {strides = array<i32>} : memref<64x768xf32, #tpu.memory_space<vmem>>, vector<16xf32>,
      %get3A_170 = arith.index_cast %scan3A_28 : i32 to index
      %get3A_171 = arith.constant 208 : index
      %get3A_172 = tpu.vector_load %arg12[%get3A_170, %get3A_171] {strides = array<i32>} : memref<64x768xf32, #tpu.memory_space<vmem>>, vector<16xf32>,
      %get3A_173 = arith.index_cast %scan3A_28 : i32 to index
      %get3A_174 = arith.constant 208 : index
      %get3A_175 = tpu.vector_load %arg13[%get3A_173, %get3A_174] {strides = array<i32>} : memref<64x768xf32, #tpu.memory_space<vmem>>, vector<16xf32>,
      %mul3A_176 = arith.mulf %gather3A, %get3A_175 : vector<16xf32>
      %add3A_177 = arith.addf %get3A_172, %mul3A_176 : vector<16xf32>
      %swap3A_178 = arith.index_cast %scan3A_28 : i32 to index
      %swap3A_179 = arith.constant 208 : index
      %swap3A_180 = tpu.vector_load %arg12[%swap3A_178, %swap3A_179] {strides = array<i32>} : memref<64x768xf32, #tpu.memory_space<vmem>>, vector<16xf32>,
      tpu.vector_store %arg12[%swap3A_178, %swap3A_179], %add3A_177 {strides = array<i32>} : memref<64x768xf32, #tpu.memory_space<vmem>>, vector<16xf32>,
      %get3A_181 = arith.index_cast %scan3A_28 : i32 to index
      %get3A_182 = arith.constant 224 : index
      %get3A_183 = tpu.vector_load %arg12[%get3A_181, %get3A_182] {strides = array<i32>} : memref<64x768xf32, #tpu.memory_space<vmem>>, vector<16xf32>,
      %get3A_184 = arith.index_cast %scan3A_28 : i32 to index
      %get3A_185 = arith.constant 224 : index
      %get3A_186 = tpu.vector_load %arg13[%get3A_184, %get3A_185] {strides = array<i32>} : memref<64x768xf32, #tpu.memory_space<vmem>>, vector<16xf32>,
      %mul3A_187 = arith.mulf %gather3A, %get3A_186 : vector<16xf32>
      %add3A_188 = arith.addf %get3A_183, %mul3A_187 : vector<16xf32>
      %swap3A_189 = arith.index_cast %scan3A_28 : i32 to index
      %swap3A_190 = arith.constant 224 : index
      %swap3A_191 = tpu.vector_load %arg12[%swap3A_189, %swap3A_190] {strides = array<i32>} : memref<64x768xf32, #tpu.memory_space<vmem>>, vector<16xf32>,
      tpu.vector_store %arg12[%swap3A_189, %swap3A_190], %add3A_188 {strides = array<i32>} : memref<64x768xf32, #tpu.memory_space<vmem>>, vector<16xf32>,
      %get3A_192 = arith.index_cast %scan3A_28 : i32 to index
      %get3A_193 = arith.constant 240 : index
      %get3A_194 = tpu.vector_load %arg12[%get3A_192, %get3A_193] {strides = array<i32>} : memref<64x768xf32, #tpu.memory_space<vmem>>, vector<16xf32>,
      %get3A_195 = arith.index_cast %scan3A_28 : i32 to index
      %get3A_196 = arith.constant 240 : index
      %get3A_197 = tpu.vector_load %arg13[%get3A_195, %get3A_196] {strides = array<i32>} : memref<64x768xf32, #tpu.memory_space<vmem>>, vector<16xf32>,
      %mul3A_198 = arith.mulf %gather3A, %get3A_197 : vector<16xf32>
      %add3A_199 = arith.addf %get3A_194, %mul3A_198 : vector<16xf32>
      %swap3A_200 = arith.index_cast %scan3A_28 : i32 to index
      %swap3A_201 = arith.constant 240 : index
      %swap3A_202 = tpu.vector_load %arg12[%swap3A_200, %swap3A_201] {strides = array<i32>} : memref<64x768xf32, #tpu.memory_space<vmem>>, vector<16xf32>,
      tpu.vector_store %arg12[%swap3A_200, %swap3A_201], %add3A_199 {strides = array<i32>} : memref<64x768xf32, #tpu.memory_space<vmem>>, vector<16xf32>,
      %get3A_203 = arith.index_cast %scan3A_28 : i32 to index
      %get3A_204 = arith.constant 256 : index
      %get3A_205 = tpu.vector_load %arg12[%get3A_203, %get3A_204] {strides = array<i32>} : memref<64x768xf32, #tpu.memory_space<vmem>>, vector<16xf32>,
      %get3A_206 = arith.index_cast %scan3A_28 : i32 to index
      %get3A_207 = arith.constant 256 : index
      %get3A_208 = tpu.vector_load %arg13[%get3A_206, %get3A_207] {strides = array<i32>} : memref<64x768xf32, #tpu.memory_space<vmem>>, vector<16xf32>,
      %mul3A_209 = arith.mulf %gather3A, %get3A_208 : vector<16xf32>
      %add3A_210 = arith.addf %get3A_205, %mul3A_209 : vector<16xf32>
      %swap3A_211 = arith.index_cast %scan3A_28 : i32 to index
      %swap3A_212 = arith.constant 256 : index
      %swap3A_213 = tpu.vector_load %arg12[%swap3A_211, %swap3A_212] {strides = array<i32>} : memref<64x768xf32, #tpu.memory_space<vmem>>, vector<16xf32>,
      tpu.vector_store %arg12[%swap3A_211, %swap3A_212], %add3A_210 {strides = array<i32>} : memref<64x768xf32, #tpu.memory_space<vmem>>, vector<16xf32>,
      %get3A_214 = arith.index_cast %scan3A_28 : i32 to index
      %get3A_215 = arith.constant 272 : index
      %get3A_216 = tpu.vector_load %arg12[%get3A_214, %get3A_215] {strides = array<i32>} : memref<64x768xf32, #tpu.memory_space<vmem>>, vector<16xf32>,
      %get3A_217 = arith.index_cast %scan3A_28 : i32 to index
      %get3A_218 = arith.constant 272 : index
      %get3A_219 = tpu.vector_load %arg13[%get3A_217, %get3A_218] {strides = array<i32>} : memref<64x768xf32, #tpu.memory_space<vmem>>, vector<16xf32>,
      %mul3A_220 = arith.mulf %gather3A, %get3A_219 : vector<16xf32>
      %add3A_221 = arith.addf %get3A_216, %mul3A_220 : vector<16xf32>
      %swap3A_222 = arith.index_cast %scan3A_28 : i32 to index
      %swap3A_223 = arith.constant 272 : index
      %swap3A_224 = tpu.vector_load %arg12[%swap3A_222, %swap3A_223] {strides = array<i32>} : memref<64x768xf32, #tpu.memory_space<vmem>>, vector<16xf32>,
      tpu.vector_store %arg12[%swap3A_222, %swap3A_223], %add3A_221 {strides = array<i32>} : memref<64x768xf32, #tpu.memory_space<vmem>>, vector<16xf32>,
      %get3A_225 = arith.index_cast %scan3A_28 : i32 to index
      %get3A_226 = arith.constant 288 : index
      %get3A_227 = tpu.vector_load %arg12[%get3A_225, %get3A_226] {strides = array<i32>} : memref<64x768xf32, #tpu.memory_space<vmem>>, vector<16xf32>,
      %get3A_228 = arith.index_cast %scan3A_28 : i32 to index
      %get3A_229 = arith.constant 288 : index
      %get3A_230 = tpu.vector_load %arg13[%get3A_228, %get3A_229] {strides = array<i32>} : memref<64x768xf32, #tpu.memory_space<vmem>>, vector<16xf32>,
      %mul3A_231 = arith.mulf %gather3A, %get3A_230 : vector<16xf32>
      %add3A_232 = arith.addf %get3A_227, %mul3A_231 : vector<16xf32>
      %swap3A_233 = arith.index_cast %scan3A_28 : i32 to index
      %swap3A_234 = arith.constant 288 : index
      %swap3A_235 = tpu.vector_load %arg12[%swap3A_233, %swap3A_234] {strides = array<i32>} : memref<64x768xf32, #tpu.memory_space<vmem>>, vector<16xf32>,
      tpu.vector_store %arg12[%swap3A_233, %swap3A_234], %add3A_232 {strides = array<i32>} : memref<64x768xf32, #tpu.memory_space<vmem>>, vector<16xf32>,
      %get3A_236 = arith.index_cast %scan3A_28 : i32 to index
      %get3A_237 = arith.constant 304 : index
      %get3A_238 = tpu.vector_load %arg12[%get3A_236, %get3A_237] {strides = array<i32>} : memref<64x768xf32, #tpu.memory_space<vmem>>, vector<16xf32>,
      %get3A_239 = arith.index_cast %scan3A_28 : i32 to index
      %get3A_240 = arith.constant 304 : index
      %get3A_241 = tpu.vector_load %arg13[%get3A_239, %get3A_240] {strides = array<i32>} : memref<64x768xf32, #tpu.memory_space<vmem>>, vector<16xf32>,
      %mul3A_242 = arith.mulf %gather3A, %get3A_241 : vector<16xf32>
      %add3A_243 = arith.addf %get3A_238, %mul3A_242 : vector<16xf32>
      %swap3A_244 = arith.index_cast %scan3A_28 : i32 to index
      %swap3A_245 = arith.constant 304 : index
      %swap3A_246 = tpu.vector_load %arg12[%swap3A_244, %swap3A_245] {strides = array<i32>} : memref<64x768xf32, #tpu.memory_space<vmem>>, vector<16xf32>,
      tpu.vector_store %arg12[%swap3A_244, %swap3A_245], %add3A_243 {strides = array<i32>} : memref<64x768xf32, #tpu.memory_space<vmem>>, vector<16xf32>,
      %get3A_247 = arith.index_cast %scan3A_28 : i32 to index
      %get3A_248 = arith.constant 320 : index
      %get3A_249 = tpu.vector_load %arg12[%get3A_247, %get3A_248] {strides = array<i32>} : memref<64x768xf32, #tpu.memory_space<vmem>>, vector<16xf32>,
      %get3A_250 = arith.index_cast %scan3A_28 : i32 to index
      %get3A_251 = arith.constant 320 : index
      %get3A_252 = tpu.vector_load %arg13[%get3A_250, %get3A_251] {strides = array<i32>} : memref<64x768xf32, #tpu.memory_space<vmem>>, vector<16xf32>,
      %mul3A_253 = arith.mulf %gather3A, %get3A_252 : vector<16xf32>
      %add3A_254 = arith.addf %get3A_249, %mul3A_253 : vector<16xf32>
      %swap3A_255 = arith.index_cast %scan3A_28 : i32 to index
      %swap3A_256 = arith.constant 320 : index
      %swap3A_257 = tpu.vector_load %arg12[%swap3A_255, %swap3A_256] {strides = array<i32>} : memref<64x768xf32, #tpu.memory_space<vmem>>, vector<16xf32>,
      tpu.vector_store %arg12[%swap3A_255, %swap3A_256], %add3A_254 {strides = array<i32>} : memref<64x768xf32, #tpu.memory_space<vmem>>, vector<16xf32>,
      %get3A_258 = arith.index_cast %scan3A_28 : i32 to index
      %get3A_259 = arith.constant 336 : index
      %get3A_260 = tpu.vector_load %arg12[%get3A_258, %get3A_259] {strides = array<i32>} : memref<64x768xf32, #tpu.memory_space<vmem>>, vector<16xf32>,
      %get3A_261 = arith.index_cast %scan3A_28 : i32 to index
      %get3A_262 = arith.constant 336 : index
      %get3A_263 = tpu.vector_load %arg13[%get3A_261, %get3A_262] {strides = array<i32>} : memref<64x768xf32, #tpu.memory_space<vmem>>, vector<16xf32>,
      %mul3A_264 = arith.mulf %gather3A, %get3A_263 : vector<16xf32>
      %add3A_265 = arith.addf %get3A_260, %mul3A_264 : vector<16xf32>
      %swap3A_266 = arith.index_cast %scan3A_28 : i32 to index
      %swap3A_267 = arith.constant 336 : index
      %swap3A_268 = tpu.vector_load %arg12[%swap3A_266, %swap3A_267] {strides = array<i32>} : memref<64x768xf32, #tpu.memory_space<vmem>>, vector<16xf32>,
      tpu.vector_store %arg12[%swap3A_266, %swap3A_267], %add3A_265 {strides = array<i32>} : memref<64x768xf32, #tpu.memory_space<vmem>>, vector<16xf32>,
      %get3A_269 = arith.index_cast %scan3A_28 : i32 to index
      %get3A_270 = arith.constant 352 : index
      %get3A_271 = tpu.vector_load %arg12[%get3A_269, %get3A_270] {strides = array<i32>} : memref<64x768xf32, #tpu.memory_space<vmem>>, vector<16xf32>,
      %get3A_272 = arith.index_cast %scan3A_28 : i32 to index
      %get3A_273 = arith.constant 352 : index
      %get3A_274 = tpu.vector_load %arg13[%get3A_272, %get3A_273] {strides = array<i32>} : memref<64x768xf32, #tpu.memory_space<vmem>>, vector<16xf32>,
      %mul3A_275 = arith.mulf %gather3A, %get3A_274 : vector<16xf32>
      %add3A_276 = arith.addf %get3A_271, %mul3A_275 : vector<16xf32>
      %swap3A_277 = arith.index_cast %scan3A_28 : i32 to index
      %swap3A_278 = arith.constant 352 : index
      %swap3A_279 = tpu.vector_load %arg12[%swap3A_277, %swap3A_278] {strides = array<i32>} : memref<64x768xf32, #tpu.memory_space<vmem>>, vector<16xf32>,
      tpu.vector_store %arg12[%swap3A_277, %swap3A_278], %add3A_276 {strides = array<i32>} : memref<64x768xf32, #tpu.memory_space<vmem>>, vector<16xf32>,
      %get3A_280 = arith.index_cast %scan3A_28 : i32 to index
      %get3A_281 = arith.constant 368 : index
      %get3A_282 = tpu.vector_load %arg12[%get3A_280, %get3A_281] {strides = array<i32>} : memref<64x768xf32, #tpu.memory_space<vmem>>, vector<16xf32>,
      %get3A_283 = arith.index_cast %scan3A_28 : i32 to index
      %get3A_284 = arith.constant 368 : index
      %get3A_285 = tpu.vector_load %arg13[%get3A_283, %get3A_284] {strides = array<i32>} : memref<64x768xf32, #tpu.memory_space<vmem>>, vector<16xf32>,
      %mul3A_286 = arith.mulf %gather3A, %get3A_285 : vector<16xf32>
      %add3A_287 = arith.addf %get3A_282, %mul3A_286 : vector<16xf32>
      %swap3A_288 = arith.index_cast %scan3A_28 : i32 to index
      %swap3A_289 = arith.constant 368 : index
      %swap3A_290 = tpu.vector_load %arg12[%swap3A_288, %swap3A_289] {strides = array<i32>} : memref<64x768xf32, #tpu.memory_space<vmem>>, vector<16xf32>,
      tpu.vector_store %arg12[%swap3A_288, %swap3A_289], %add3A_287 {strides = array<i32>} : memref<64x768xf32, #tpu.memory_space<vmem>>, vector<16xf32>,
      %get3A_291 = arith.index_cast %scan3A_28 : i32 to index
      %get3A_292 = arith.constant 384 : index
      %get3A_293 = tpu.vector_load %arg12[%get3A_291, %get3A_292] {strides = array<i32>} : memref<64x768xf32, #tpu.memory_space<vmem>>, vector<16xf32>,
      %get3A_294 = arith.index_cast %scan3A_28 : i32 to index
      %get3A_295 = arith.constant 384 : index
      %get3A_296 = tpu.vector_load %arg13[%get3A_294, %get3A_295] {strides = array<i32>} : memref<64x768xf32, #tpu.memory_space<vmem>>, vector<16xf32>,
      %mul3A_297 = arith.mulf %gather3A, %get3A_296 : vector<16xf32>
      %add3A_298 = arith.addf %get3A_293, %mul3A_297 : vector<16xf32>
      %swap3A_299 = arith.index_cast %scan3A_28 : i32 to index
      %swap3A_300 = arith.constant 384 : index
      %swap3A_301 = tpu.vector_load %arg12[%swap3A_299, %swap3A_300] {strides = array<i32>} : memref<64x768xf32, #tpu.memory_space<vmem>>, vector<16xf32>,
      tpu.vector_store %arg12[%swap3A_299, %swap3A_300], %add3A_298 {strides = array<i32>} : memref<64x768xf32, #tpu.memory_space<vmem>>, vector<16xf32>,
      %get3A_302 = arith.index_cast %scan3A_28 : i32 to index
      %get3A_303 = arith.constant 400 : index
      %get3A_304 = tpu.vector_load %arg12[%get3A_302, %get3A_303] {strides = array<i32>} : memref<64x768xf32, #tpu.memory_space<vmem>>, vector<16xf32>,
      %get3A_305 = arith.index_cast %scan3A_28 : i32 to index
      %get3A_306 = arith.constant 400 : index
      %get3A_307 = tpu.vector_load %arg13[%get3A_305, %get3A_306] {strides = array<i32>} : memref<64x768xf32, #tpu.memory_space<vmem>>, vector<16xf32>,
      %mul3A_308 = arith.mulf %gather3A, %get3A_307 : vector<16xf32>
      %add3A_309 = arith.addf %get3A_304, %mul3A_308 : vector<16xf32>
      %swap3A_310 = arith.index_cast %scan3A_28 : i32 to index
      %swap3A_311 = arith.constant 400 : index
      %swap3A_312 = tpu.vector_load %arg12[%swap3A_310, %swap3A_311] {strides = array<i32>} : memref<64x768xf32, #tpu.memory_space<vmem>>, vector<16xf32>,
      tpu.vector_store %arg12[%swap3A_310, %swap3A_311], %add3A_309 {strides = array<i32>} : memref<64x768xf32, #tpu.memory_space<vmem>>, vector<16xf32>,
      %get3A_313 = arith.index_cast %scan3A_28 : i32 to index
      %get3A_314 = arith.constant 416 : index
      %get3A_315 = tpu.vector_load %arg12[%get3A_313, %get3A_314] {strides = array<i32>} : memref<64x768xf32, #tpu.memory_space<vmem>>, vector<16xf32>,
      %get3A_316 = arith.index_cast %scan3A_28 : i32 to index
      %get3A_317 = arith.constant 416 : index
      %get3A_318 = tpu.vector_load %arg13[%get3A_316, %get3A_317] {strides = array<i32>} : memref<64x768xf32, #tpu.memory_space<vmem>>, vector<16xf32>,
      %mul3A_319 = arith.mulf %gather3A, %get3A_318 : vector<16xf32>
      %add3A_320 = arith.addf %get3A_315, %mul3A_319 : vector<16xf32>
      %swap3A_321 = arith.index_cast %scan3A_28 : i32 to index
      %swap3A_322 = arith.constant 416 : index
      %swap3A_323 = tpu.vector_load %arg12[%swap3A_321, %swap3A_322] {strides = array<i32>} : memref<64x768xf32, #tpu.memory_space<vmem>>, vector<16xf32>,
      tpu.vector_store %arg12[%swap3A_321, %swap3A_322], %add3A_320 {strides = array<i32>} : memref<64x768xf32, #tpu.memory_space<vmem>>, vector<16xf32>,
      %get3A_324 = arith.index_cast %scan3A_28 : i32 to index
      %get3A_325 = arith.constant 432 : index
      %get3A_326 = tpu.vector_load %arg12[%get3A_324, %get3A_325] {strides = array<i32>} : memref<64x768xf32, #tpu.memory_space<vmem>>, vector<16xf32>,
      %get3A_327 = arith.index_cast %scan3A_28 : i32 to index
      %get3A_328 = arith.constant 432 : index
      %get3A_329 = tpu.vector_load %arg13[%get3A_327, %get3A_328] {strides = array<i32>} : memref<64x768xf32, #tpu.memory_space<vmem>>, vector<16xf32>,
      %mul3A_330 = arith.mulf %gather3A, %get3A_329 : vector<16xf32>
      %add3A_331 = arith.addf %get3A_326, %mul3A_330 : vector<16xf32>
      %swap3A_332 = arith.index_cast %scan3A_28 : i32 to index
      %swap3A_333 = arith.constant 432 : index
      %swap3A_334 = tpu.vector_load %arg12[%swap3A_332, %swap3A_333] {strides = array<i32>} : memref<64x768xf32, #tpu.memory_space<vmem>>, vector<16xf32>,
      tpu.vector_store %arg12[%swap3A_332, %swap3A_333], %add3A_331 {strides = array<i32>} : memref<64x768xf32, #tpu.memory_space<vmem>>, vector<16xf32>,
      %get3A_335 = arith.index_cast %scan3A_28 : i32 to index
      %get3A_336 = arith.constant 448 : index
      %get3A_337 = tpu.vector_load %arg12[%get3A_335, %get3A_336] {strides = array<i32>} : memref<64x768xf32, #tpu.memory_space<vmem>>, vector<16xf32>,
      %get3A_338 = arith.index_cast %scan3A_28 : i32 to index
      %get3A_339 = arith.constant 448 : index
      %get3A_340 = tpu.vector_load %arg13[%get3A_338, %get3A_339] {strides = array<i32>} : memref<64x768xf32, #tpu.memory_space<vmem>>, vector<16xf32>,
      %mul3A_341 = arith.mulf %gather3A, %get3A_340 : vector<16xf32>
      %add3A_342 = arith.addf %get3A_337, %mul3A_341 : vector<16xf32>
      %swap3A_343 = arith.index_cast %scan3A_28 : i32 to index
      %swap3A_344 = arith.constant 448 : index
      %swap3A_345 = tpu.vector_load %arg12[%swap3A_343, %swap3A_344] {strides = array<i32>} : memref<64x768xf32, #tpu.memory_space<vmem>>, vector<16xf32>,
      tpu.vector_store %arg12[%swap3A_343, %swap3A_344], %add3A_342 {strides = array<i32>} : memref<64x768xf32, #tpu.memory_space<vmem>>, vector<16xf32>,
      %get3A_346 = arith.index_cast %scan3A_28 : i32 to index
      %get3A_347 = arith.constant 464 : index
      %get3A_348 = tpu.vector_load %arg12[%get3A_346, %get3A_347] {strides = array<i32>} : memref<64x768xf32, #tpu.memory_space<vmem>>, vector<16xf32>,
      %get3A_349 = arith.index_cast %scan3A_28 : i32 to index
      %get3A_350 = arith.constant 464 : index
      %get3A_351 = tpu.vector_load %arg13[%get3A_349, %get3A_350] {strides = array<i32>} : memref<64x768xf32, #tpu.memory_space<vmem>>, vector<16xf32>,
      %mul3A_352 = arith.mulf %gather3A, %get3A_351 : vector<16xf32>
      %add3A_353 = arith.addf %get3A_348, %mul3A_352 : vector<16xf32>
      %swap3A_354 = arith.index_cast %scan3A_28 : i32 to index
      %swap3A_355 = arith.constant 464 : index
      %swap3A_356 = tpu.vector_load %arg12[%swap3A_354, %swap3A_355] {strides = array<i32>} : memref<64x768xf32, #tpu.memory_space<vmem>>, vector<16xf32>,
      tpu.vector_store %arg12[%swap3A_354, %swap3A_355], %add3A_353 {strides = array<i32>} : memref<64x768xf32, #tpu.memory_space<vmem>>, vector<16xf32>,
      %get3A_357 = arith.index_cast %scan3A_28 : i32 to index
      %get3A_358 = arith.constant 480 : index
      %get3A_359 = tpu.vector_load %arg12[%get3A_357, %get3A_358] {strides = array<i32>} : memref<64x768xf32, #tpu.memory_space<vmem>>, vector<16xf32>,
      %get3A_360 = arith.index_cast %scan3A_28 : i32 to index
      %get3A_361 = arith.constant 480 : index
      %get3A_362 = tpu.vector_load %arg13[%get3A_360, %get3A_361] {strides = array<i32>} : memref<64x768xf32, #tpu.memory_space<vmem>>, vector<16xf32>,
      %mul3A_363 = arith.mulf %gather3A, %get3A_362 : vector<16xf32>
      %add3A_364 = arith.addf %get3A_359, %mul3A_363 : vector<16xf32>
      %swap3A_365 = arith.index_cast %scan3A_28 : i32 to index
      %swap3A_366 = arith.constant 480 : index
      %swap3A_367 = tpu.vector_load %arg12[%swap3A_365, %swap3A_366] {strides = array<i32>} : memref<64x768xf32, #tpu.memory_space<vmem>>, vector<16xf32>,
      tpu.vector_store %arg12[%swap3A_365, %swap3A_366], %add3A_364 {strides = array<i32>} : memref<64x768xf32, #tpu.memory_space<vmem>>, vector<16xf32>,
      %get3A_368 = arith.index_cast %scan3A_28 : i32 to index
      %get3A_369 = arith.constant 496 : index
      %get3A_370 = tpu.vector_load %arg12[%get3A_368, %get3A_369] {strides = array<i32>} : memref<64x768xf32, #tpu.memory_space<vmem>>, vector<16xf32>,
      %get3A_371 = arith.index_cast %scan3A_28 : i32 to index
      %get3A_372 = arith.constant 496 : index
      %get3A_373 = tpu.vector_load %arg13[%get3A_371, %get3A_372] {strides = array<i32>} : memref<64x768xf32, #tpu.memory_space<vmem>>, vector<16xf32>,
      %mul3A_374 = arith.mulf %gather3A, %get3A_373 : vector<16xf32>
      %add3A_375 = arith.addf %get3A_370, %mul3A_374 : vector<16xf32>
      %swap3A_376 = arith.index_cast %scan3A_28 : i32 to index
      %swap3A_377 = arith.constant 496 : index
      %swap3A_378 = tpu.vector_load %arg12[%swap3A_376, %swap3A_377] {strides = array<i32>} : memref<64x768xf32, #tpu.memory_space<vmem>>, vector<16xf32>,
      tpu.vector_store %arg12[%swap3A_376, %swap3A_377], %add3A_375 {strides = array<i32>} : memref<64x768xf32, #tpu.memory_space<vmem>>, vector<16xf32>,
      %get3A_379 = arith.index_cast %scan3A_28 : i32 to index
      %get3A_380 = arith.constant 512 : index
      %get3A_381 = tpu.vector_load %arg12[%get3A_379, %get3A_380] {strides = array<i32>} : memref<64x768xf32, #tpu.memory_space<vmem>>, vector<16xf32>,
      %get3A_382 = arith.index_cast %scan3A_28 : i32 to index
      %get3A_383 = arith.constant 512 : index
      %get3A_384 = tpu.vector_load %arg13[%get3A_382, %get3A_383] {strides = array<i32>} : memref<64x768xf32, #tpu.memory_space<vmem>>, vector<16xf32>,
      %mul3A_385 = arith.mulf %gather3A, %get3A_384 : vector<16xf32>
      %add3A_386 = arith.addf %get3A_381, %mul3A_385 : vector<16xf32>
      %swap3A_387 = arith.index_cast %scan3A_28 : i32 to index
      %swap3A_388 = arith.constant 512 : index
      %swap3A_389 = tpu.vector_load %arg12[%swap3A_387, %swap3A_388] {strides = array<i32>} : memref<64x768xf32, #tpu.memory_space<vmem>>, vector<16xf32>,
      tpu.vector_store %arg12[%swap3A_387, %swap3A_388], %add3A_386 {strides = array<i32>} : memref<64x768xf32, #tpu.memory_space<vmem>>, vector<16xf32>,
      %get3A_390 = arith.index_cast %scan3A_28 : i32 to index
      %get3A_391 = arith.constant 528 : index
      %get3A_392 = tpu.vector_load %arg12[%get3A_390, %get3A_391] {strides = array<i32>} : memref<64x768xf32, #tpu.memory_space<vmem>>, vector<16xf32>,
      %get3A_393 = arith.index_cast %scan3A_28 : i32 to index
      %get3A_394 = arith.constant 528 : index
      %get3A_395 = tpu.vector_load %arg13[%get3A_393, %get3A_394] {strides = array<i32>} : memref<64x768xf32, #tpu.memory_space<vmem>>, vector<16xf32>,
      %mul3A_396 = arith.mulf %gather3A, %get3A_395 : vector<16xf32>
      %add3A_397 = arith.addf %get3A_392, %mul3A_396 : vector<16xf32>
      %swap3A_398 = arith.index_cast %scan3A_28 : i32 to index
      %swap3A_399 = arith.constant 528 : index
      %swap3A_400 = tpu.vector_load %arg12[%swap3A_398, %swap3A_399] {strides = array<i32>} : memref<64x768xf32, #tpu.memory_space<vmem>>, vector<16xf32>,
      tpu.vector_store %arg12[%swap3A_398, %swap3A_399], %add3A_397 {strides = array<i32>} : memref<64x768xf32, #tpu.memory_space<vmem>>, vector<16xf32>,
      %get3A_401 = arith.index_cast %scan3A_28 : i32 to index
      %get3A_402 = arith.constant 544 : index
      %get3A_403 = tpu.vector_load %arg12[%get3A_401, %get3A_402] {strides = array<i32>} : memref<64x768xf32, #tpu.memory_space<vmem>>, vector<16xf32>,
      %get3A_404 = arith.index_cast %scan3A_28 : i32 to index
      %get3A_405 = arith.constant 544 : index
      %get3A_406 = tpu.vector_load %arg13[%get3A_404, %get3A_405] {strides = array<i32>} : memref<64x768xf32, #tpu.memory_space<vmem>>, vector<16xf32>,
      %mul3A_407 = arith.mulf %gather3A, %get3A_406 : vector<16xf32>
      %add3A_408 = arith.addf %get3A_403, %mul3A_407 : vector<16xf32>
      %swap3A_409 = arith.index_cast %scan3A_28 : i32 to index
      %swap3A_410 = arith.constant 544 : index
      %swap3A_411 = tpu.vector_load %arg12[%swap3A_409, %swap3A_410] {strides = array<i32>} : memref<64x768xf32, #tpu.memory_space<vmem>>, vector<16xf32>,
      tpu.vector_store %arg12[%swap3A_409, %swap3A_410], %add3A_408 {strides = array<i32>} : memref<64x768xf32, #tpu.memory_space<vmem>>, vector<16xf32>,
      %get3A_412 = arith.index_cast %scan3A_28 : i32 to index
      %get3A_413 = arith.constant 560 : index
      %get3A_414 = tpu.vector_load %arg12[%get3A_412, %get3A_413] {strides = array<i32>} : memref<64x768xf32, #tpu.memory_space<vmem>>, vector<16xf32>,
      %get3A_415 = arith.index_cast %scan3A_28 : i32 to index
      %get3A_416 = arith.constant 560 : index
      %get3A_417 = tpu.vector_load %arg13[%get3A_415, %get3A_416] {strides = array<i32>} : memref<64x768xf32, #tpu.memory_space<vmem>>, vector<16xf32>,
      %mul3A_418 = arith.mulf %gather3A, %get3A_417 : vector<16xf32>
      %add3A_419 = arith.addf %get3A_414, %mul3A_418 : vector<16xf32>
      %swap3A_420 = arith.index_cast %scan3A_28 : i32 to index
      %swap3A_421 = arith.constant 560 : index
      %swap3A_422 = tpu.vector_load %arg12[%swap3A_420, %swap3A_421] {strides = array<i32>} : memref<64x768xf32, #tpu.memory_space<vmem>>, vector<16xf32>,
      tpu.vector_store %arg12[%swap3A_420, %swap3A_421], %add3A_419 {strides = array<i32>} : memref<64x768xf32, #tpu.memory_space<vmem>>, vector<16xf32>,
      %get3A_423 = arith.index_cast %scan3A_28 : i32 to index
      %get3A_424 = arith.constant 576 : index
      %get3A_425 = tpu.vector_load %arg12[%get3A_423, %get3A_424] {strides = array<i32>} : memref<64x768xf32, #tpu.memory_space<vmem>>, vector<16xf32>,
      %get3A_426 = arith.index_cast %scan3A_28 : i32 to index
      %get3A_427 = arith.constant 576 : index
      %get3A_428 = tpu.vector_load %arg13[%get3A_426, %get3A_427] {strides = array<i32>} : memref<64x768xf32, #tpu.memory_space<vmem>>, vector<16xf32>,
      %mul3A_429 = arith.mulf %gather3A, %get3A_428 : vector<16xf32>
      %add3A_430 = arith.addf %get3A_425, %mul3A_429 : vector<16xf32>
      %swap3A_431 = arith.index_cast %scan3A_28 : i32 to index
      %swap3A_432 = arith.constant 576 : index
      %swap3A_433 = tpu.vector_load %arg12[%swap3A_431, %swap3A_432] {strides = array<i32>} : memref<64x768xf32, #tpu.memory_space<vmem>>, vector<16xf32>,
      tpu.vector_store %arg12[%swap3A_431, %swap3A_432], %add3A_430 {strides = array<i32>} : memref<64x768xf32, #tpu.memory_space<vmem>>, vector<16xf32>,
      %get3A_434 = arith.index_cast %scan3A_28 : i32 to index
      %get3A_435 = arith.constant 592 : index
      %get3A_436 = tpu.vector_load %arg12[%get3A_434, %get3A_435] {strides = array<i32>} : memref<64x768xf32, #tpu.memory_space<vmem>>, vector<16xf32>,
      %get3A_437 = arith.index_cast %scan3A_28 : i32 to index
      %get3A_438 = arith.constant 592 : index
      %get3A_439 = tpu.vector_load %arg13[%get3A_437, %get3A_438] {strides = array<i32>} : memref<64x768xf32, #tpu.memory_space<vmem>>, vector<16xf32>,
      %mul3A_440 = arith.mulf %gather3A, %get3A_439 : vector<16xf32>
      %add3A_441 = arith.addf %get3A_436, %mul3A_440 : vector<16xf32>
      %swap3A_442 = arith.index_cast %scan3A_28 : i32 to index
      %swap3A_443 = arith.constant 592 : index
      %swap3A_444 = tpu.vector_load %arg12[%swap3A_442, %swap3A_443] {strides = array<i32>} : memref<64x768xf32, #tpu.memory_space<vmem>>, vector<16xf32>,
      tpu.vector_store %arg12[%swap3A_442, %swap3A_443], %add3A_441 {strides = array<i32>} : memref<64x768xf32, #tpu.memory_space<vmem>>, vector<16xf32>,
      %get3A_445 = arith.index_cast %scan3A_28 : i32 to index
      %get3A_446 = arith.constant 608 : index
      %get3A_447 = tpu.vector_load %arg12[%get3A_445, %get3A_446] {strides = array<i32>} : memref<64x768xf32, #tpu.memory_space<vmem>>, vector<16xf32>,
      %get3A_448 = arith.index_cast %scan3A_28 : i32 to index
      %get3A_449 = arith.constant 608 : index
      %get3A_450 = tpu.vector_load %arg13[%get3A_448, %get3A_449] {strides = array<i32>} : memref<64x768xf32, #tpu.memory_space<vmem>>, vector<16xf32>,
      %mul3A_451 = arith.mulf %gather3A, %get3A_450 : vector<16xf32>
      %add3A_452 = arith.addf %get3A_447, %mul3A_451 : vector<16xf32>
      %swap3A_453 = arith.index_cast %scan3A_28 : i32 to index
      %swap3A_454 = arith.constant 608 : index
      %swap3A_455 = tpu.vector_load %arg12[%swap3A_453, %swap3A_454] {strides = array<i32>} : memref<64x768xf32, #tpu.memory_space<vmem>>, vector<16xf32>,
      tpu.vector_store %arg12[%swap3A_453, %swap3A_454], %add3A_452 {strides = array<i32>} : memref<64x768xf32, #tpu.memory_space<vmem>>, vector<16xf32>,
      %get3A_456 = arith.index_cast %scan3A_28 : i32 to index
      %get3A_457 = arith.constant 624 : index
      %get3A_458 = tpu.vector_load %arg12[%get3A_456, %get3A_457] {strides = array<i32>} : memref<64x768xf32, #tpu.memory_space<vmem>>, vector<16xf32>,
      %get3A_459 = arith.index_cast %scan3A_28 : i32 to index
      %get3A_460 = arith.constant 624 : index
      %get3A_461 = tpu.vector_load %arg13[%get3A_459, %get3A_460] {strides = array<i32>} : memref<64x768xf32, #tpu.memory_space<vmem>>, vector<16xf32>,
      %mul3A_462 = arith.mulf %gather3A, %get3A_461 : vector<16xf32>
      %add3A_463 = arith.addf %get3A_458, %mul3A_462 : vector<16xf32>
      %swap3A_464 = arith.index_cast %scan3A_28 : i32 to index
      %swap3A_465 = arith.constant 624 : index
      %swap3A_466 = tpu.vector_load %arg12[%swap3A_464, %swap3A_465] {strides = array<i32>} : memref<64x768xf32, #tpu.memory_space<vmem>>, vector<16xf32>,
      tpu.vector_store %arg12[%swap3A_464, %swap3A_465], %add3A_463 {strides = array<i32>} : memref<64x768xf32, #tpu.memory_space<vmem>>, vector<16xf32>,
      %get3A_467 = arith.index_cast %scan3A_28 : i32 to index
      %get3A_468 = arith.constant 640 : index
      %get3A_469 = tpu.vector_load %arg12[%get3A_467, %get3A_468] {strides = array<i32>} : memref<64x768xf32, #tpu.memory_space<vmem>>, vector<16xf32>,
      %get3A_470 = arith.index_cast %scan3A_28 : i32 to index
      %get3A_471 = arith.constant 640 : index
      %get3A_472 = tpu.vector_load %arg13[%get3A_470, %get3A_471] {strides = array<i32>} : memref<64x768xf32, #tpu.memory_space<vmem>>, vector<16xf32>,
      %mul3A_473 = arith.mulf %gather3A, %get3A_472 : vector<16xf32>
      %add3A_474 = arith.addf %get3A_469, %mul3A_473 : vector<16xf32>
      %swap3A_475 = arith.index_cast %scan3A_28 : i32 to index
      %swap3A_476 = arith.constant 640 : index
      %swap3A_477 = tpu.vector_load %arg12[%swap3A_475, %swap3A_476] {strides = array<i32>} : memref<64x768xf32, #tpu.memory_space<vmem>>, vector<16xf32>,
      tpu.vector_store %arg12[%swap3A_475, %swap3A_476], %add3A_474 {strides = array<i32>} : memref<64x768xf32, #tpu.memory_space<vmem>>, vector<16xf32>,
      %get3A_478 = arith.index_cast %scan3A_28 : i32 to index
      %get3A_479 = arith.constant 656 : index
      %get3A_480 = tpu.vector_load %arg12[%get3A_478, %get3A_479] {strides = array<i32>} : memref<64x768xf32, #tpu.memory_space<vmem>>, vector<16xf32>,
      %get3A_481 = arith.index_cast %scan3A_28 : i32 to index
      %get3A_482 = arith.constant 656 : index
      %get3A_483 = tpu.vector_load %arg13[%get3A_481, %get3A_482] {strides = array<i32>} : memref<64x768xf32, #tpu.memory_space<vmem>>, vector<16xf32>,
      %mul3A_484 = arith.mulf %gather3A, %get3A_483 : vector<16xf32>
      %add3A_485 = arith.addf %get3A_480, %mul3A_484 : vector<16xf32>
      %swap3A_486 = arith.index_cast %scan3A_28 : i32 to index
      %swap3A_487 = arith.constant 656 : index
      %swap3A_488 = tpu.vector_load %arg12[%swap3A_486, %swap3A_487] {strides = array<i32>} : memref<64x768xf32, #tpu.memory_space<vmem>>, vector<16xf32>,
      tpu.vector_store %arg12[%swap3A_486, %swap3A_487], %add3A_485 {strides = array<i32>} : memref<64x768xf32, #tpu.memory_space<vmem>>, vector<16xf32>,
      %get3A_489 = arith.index_cast %scan3A_28 : i32 to index
      %get3A_490 = arith.constant 672 : index
      %get3A_491 = tpu.vector_load %arg12[%get3A_489, %get3A_490] {strides = array<i32>} : memref<64x768xf32, #tpu.memory_space<vmem>>, vector<16xf32>,
      %get3A_492 = arith.index_cast %scan3A_28 : i32 to index
      %get3A_493 = arith.constant 672 : index
      %get3A_494 = tpu.vector_load %arg13[%get3A_492, %get3A_493] {strides = array<i32>} : memref<64x768xf32, #tpu.memory_space<vmem>>, vector<16xf32>,
      %mul3A_495 = arith.mulf %gather3A, %get3A_494 : vector<16xf32>
      %add3A_496 = arith.addf %get3A_491, %mul3A_495 : vector<16xf32>
      %swap3A_497 = arith.index_cast %scan3A_28 : i32 to index
      %swap3A_498 = arith.constant 672 : index
      %swap3A_499 = tpu.vector_load %arg12[%swap3A_497, %swap3A_498] {strides = array<i32>} : memref<64x768xf32, #tpu.memory_space<vmem>>, vector<16xf32>,
      tpu.vector_store %arg12[%swap3A_497, %swap3A_498], %add3A_496 {strides = array<i32>} : memref<64x768xf32, #tpu.memory_space<vmem>>, vector<16xf32>,
      %get3A_500 = arith.index_cast %scan3A_28 : i32 to index
      %get3A_501 = arith.constant 688 : index
      %get3A_502 = tpu.vector_load %arg12[%get3A_500, %get3A_501] {strides = array<i32>} : memref<64x768xf32, #tpu.memory_space<vmem>>, vector<16xf32>,
      %get3A_503 = arith.index_cast %scan3A_28 : i32 to index
      %get3A_504 = arith.constant 688 : index
      %get3A_505 = tpu.vector_load %arg13[%get3A_503, %get3A_504] {strides = array<i32>} : memref<64x768xf32, #tpu.memory_space<vmem>>, vector<16xf32>,
      %mul3A_506 = arith.mulf %gather3A, %get3A_505 : vector<16xf32>
      %add3A_507 = arith.addf %get3A_502, %mul3A_506 : vector<16xf32>
      %swap3A_508 = arith.index_cast %scan3A_28 : i32 to index
      %swap3A_509 = arith.constant 688 : index
      %swap3A_510 = tpu.vector_load %arg12[%swap3A_508, %swap3A_509] {strides = array<i32>} : memref<64x768xf32, #tpu.memory_space<vmem>>, vector<16xf32>,
      tpu.vector_store %arg12[%swap3A_508, %swap3A_509], %add3A_507 {strides = array<i32>} : memref<64x768xf32, #tpu.memory_space<vmem>>, vector<16xf32>,
      %get3A_511 = arith.index_cast %scan3A_28 : i32 to index
      %get3A_512 = arith.constant 704 : index
      %get3A_513 = tpu.vector_load %arg12[%get3A_511, %get3A_512] {strides = array<i32>} : memref<64x768xf32, #tpu.memory_space<vmem>>, vector<16xf32>,
      %get3A_514 = arith.index_cast %scan3A_28 : i32 to index
      %get3A_515 = arith.constant 704 : index
      %get3A_516 = tpu.vector_load %arg13[%get3A_514, %get3A_515] {strides = array<i32>} : memref<64x768xf32, #tpu.memory_space<vmem>>, vector<16xf32>,
      %mul3A_517 = arith.mulf %gather3A, %get3A_516 : vector<16xf32>
      %add3A_518 = arith.addf %get3A_513, %mul3A_517 : vector<16xf32>
      %swap3A_519 = arith.index_cast %scan3A_28 : i32 to index
      %swap3A_520 = arith.constant 704 : index
      %swap3A_521 = tpu.vector_load %arg12[%swap3A_519, %swap3A_520] {strides = array<i32>} : memref<64x768xf32, #tpu.memory_space<vmem>>, vector<16xf32>,
      tpu.vector_store %arg12[%swap3A_519, %swap3A_520], %add3A_518 {strides = array<i32>} : memref<64x768xf32, #tpu.memory_space<vmem>>, vector<16xf32>,
      %get3A_522 = arith.index_cast %scan3A_28 : i32 to index
      %get3A_523 = arith.constant 720 : index
      %get3A_524 = tpu.vector_load %arg12[%get3A_522, %get3A_523] {strides = array<i32>} : memref<64x768xf32, #tpu.memory_space<vmem>>, vector<16xf32>,
      %get3A_525 = arith.index_cast %scan3A_28 : i32 to index
      %get3A_526 = arith.constant 720 : index
      %get3A_527 = tpu.vector_load %arg13[%get3A_525, %get3A_526] {strides = array<i32>} : memref<64x768xf32, #tpu.memory_space<vmem>>, vector<16xf32>,
      %mul3A_528 = arith.mulf %gather3A, %get3A_527 : vector<16xf32>
      %add3A_529 = arith.addf %get3A_524, %mul3A_528 : vector<16xf32>
      %swap3A_530 = arith.index_cast %scan3A_28 : i32 to index
      %swap3A_531 = arith.constant 720 : index
      %swap3A_532 = tpu.vector_load %arg12[%swap3A_530, %swap3A_531] {strides = array<i32>} : memref<64x768xf32, #tpu.memory_space<vmem>>, vector<16xf32>,
      tpu.vector_store %arg12[%swap3A_530, %swap3A_531], %add3A_529 {strides = array<i32>} : memref<64x768xf32, #tpu.memory_space<vmem>>, vector<16xf32>,
      %get3A_533 = arith.index_cast %scan3A_28 : i32 to index
      %get3A_534 = arith.constant 736 : index
      %get3A_535 = tpu.vector_load %arg12[%get3A_533, %get3A_534] {strides = array<i32>} : memref<64x768xf32, #tpu.memory_space<vmem>>, vector<16xf32>,
      %get3A_536 = arith.index_cast %scan3A_28 : i32 to index
      %get3A_537 = arith.constant 736 : index
      %get3A_538 = tpu.vector_load %arg13[%get3A_536, %get3A_537] {strides = array<i32>} : memref<64x768xf32, #tpu.memory_space<vmem>>, vector<16xf32>,
      %mul3A_539 = arith.mulf %gather3A, %get3A_538 : vector<16xf32>
      %add3A_540 = arith.addf %get3A_535, %mul3A_539 : vector<16xf32>
      %swap3A_541 = arith.index_cast %scan3A_28 : i32 to index
      %swap3A_542 = arith.constant 736 : index
      %swap3A_543 = tpu.vector_load %arg12[%swap3A_541, %swap3A_542] {strides = array<i32>} : memref<64x768xf32, #tpu.memory_space<vmem>>, vector<16xf32>,
      tpu.vector_store %arg12[%swap3A_541, %swap3A_542], %add3A_540 {strides = array<i32>} : memref<64x768xf32, #tpu.memory_space<vmem>>, vector<16xf32>,
      %get3A_544 = arith.index_cast %scan3A_28 : i32 to index
      %get3A_545 = arith.constant 752 : index
      %get3A_546 = tpu.vector_load %arg12[%get3A_544, %get3A_545] {strides = array<i32>} : memref<64x768xf32, #tpu.memory_space<vmem>>, vector<16xf32>,
      %get3A_547 = arith.index_cast %scan3A_28 : i32 to index
      %get3A_548 = arith.constant 752 : index
      %get3A_549 = tpu.vector_load %arg13[%get3A_547, %get3A_548] {strides = array<i32>} : memref<64x768xf32, #tpu.memory_space<vmem>>, vector<16xf32>,
      %mul3A_550 = arith.mulf %gather3A, %get3A_549 : vector<16xf32>
      %add3A_551 = arith.addf %get3A_546, %mul3A_550 : vector<16xf32>
      %swap3A_552 = arith.index_cast %scan3A_28 : i32 to index
      %swap3A_553 = arith.constant 752 : index
      %swap3A_554 = tpu.vector_load %arg12[%swap3A_552, %swap3A_553] {strides = array<i32>} : memref<64x768xf32, #tpu.memory_space<vmem>>, vector<16xf32>,
      tpu.vector_store %arg12[%swap3A_552, %swap3A_553], %add3A_551 {strides = array<i32>} : memref<64x768xf32, #tpu.memory_space<vmem>>, vector<16xf32>,
    }
    %scan3A_27 = arith.constant 64 : i32
    "tpu.region"() ({
      %run_scoped3A = tpu.sem_alloc : memref<!tpu.dma_semaphore, #tpu.memory_space<semaphore_mem>>
      %dma_start3A_28 = arith.constant 0 : i32
      %dma_start3A_29 = tpu.memref_slice %arg6[%mul3A_2, %dma_start3A_28] : memref<2048x768xf32, #tpu.memory_space<hbm>> -> memref<64x768xf32, #tpu.memory_space<hbm>>
      %dma_start3A_30 = arith.constant 0 : i32
      %dma_start3A_31 = tpu.memref_slice %arg6[%mul3A_2, %dma_start3A_30] : memref<2048x768xf32, #tpu.memory_space<hbm>> -> memref<64x768xf32, #tpu.memory_space<hbm>>
      tpu.enqueue_dma source(%arg12 : memref<64x768xf32, #tpu.memory_space<vmem>>) target(%dma_start3A_31 : memref<64x768xf32, #tpu.memory_space<hbm>>) target_semaphore(%run_scoped3A : memref<!tpu.dma_semaphore, #tpu.memory_space<semaphore_mem>>)
      %dma_wait3A_32 = arith.constant 0 : i32
      %dma_wait3A_33 = tpu.memref_slice %arg6[%mul3A_2, %dma_wait3A_32] : memref<2048x768xf32, #tpu.memory_space<hbm>> -> memref<64x768xf32, #tpu.memory_space<hbm>>
      %dma_wait3A_34 = arith.constant 0 : i32
      %dma_wait3A_35 = tpu.memref_slice %arg6[%mul3A_2, %dma_wait3A_34] : memref<2048x768xf32, #tpu.memory_space<hbm>> -> memref<64x768xf32, #tpu.memory_space<hbm>>
      tpu.wait_dma2 semaphore(%run_scoped3A : memref<!tpu.dma_semaphore, #tpu.memory_space<semaphore_mem>>) src(%arg12 : memref<64x768xf32, #tpu.memory_space<vmem>>) dst(%dma_wait3A_35 : memref<64x768xf32, #tpu.memory_space<hbm>>)
      tpu.yield
    }) : () -> ()
    return
  }
}

#map = affine_map<(d0, d1) -> (0)>
module attributes {stable_mosaic.version = 14 : i64} {
  func.func @_build_body(%arg0: i32, %arg1: i32, %arg2: memref<4096xi32, #tpu.memory_space<hbm>>, %arg3: memref<4096xi32, #tpu.memory_space<hbm>>, %arg4: memref<64xi32, #tpu.memory_space<hbm>>, %arg5: memref<4096xi32, #tpu.memory_space<vmem>>, %arg6: memref<128xi32, #tpu.memory_space<vmem>>, %arg7: memref<64xi32, #tpu.memory_space<vmem>>) attributes {dimension_semantics = [#tpu.dimension_semantics<core_parallel>, #tpu.dimension_semantics<subcore_parallel>], iteration_bounds = array<i64: 2, 16>, scalar_prefetch = 0 : i64, scratch_operands = 3 : i64, tpu.core_type = #tpu.core_type<sc_vector_subcore>, window_params = [{transform_indices = #map}, {transform_indices = #map}, {transform_indices = #map}]} {
    %mul3A = arith.constant 2 : i32
    %mul3A_0 = arith.muli %arg1, %mul3A : i32
    %add3A = arith.addi %mul3A_0, %arg0 : i32
    %iota3A = tpu.iota {dimensions = array<i32: 0>} : vector<16xi32>
    "tpu.region"() ({
      %run_scoped3A = tpu.sem_alloc : memref<!tpu.dma_semaphore, #tpu.memory_space<semaphore_mem>>
      tpu.enqueue_dma source(%arg2 : memref<4096xi32, #tpu.memory_space<hbm>>) target(%arg5 : memref<4096xi32, #tpu.memory_space<vmem>>) target_semaphore(%run_scoped3A : memref<!tpu.dma_semaphore, #tpu.memory_space<semaphore_mem>>)
      tpu.wait_dma2 semaphore(%run_scoped3A : memref<!tpu.dma_semaphore, #tpu.memory_space<semaphore_mem>>) src(%arg2 : memref<4096xi32, #tpu.memory_space<hbm>>) dst(%arg5 : memref<4096xi32, #tpu.memory_space<vmem>>)
      tpu.yield
    }) : () -> ()
    %broadcast_in_dim3A = arith.constant 0 : i32
    %broadcast_in_dim3A_1 = vector.broadcast %broadcast_in_dim3A : i32 to vector<16xi32>
    %scan3A = arith.constant 0 : i32
    %scan3A_2 = arith.constant 256 : i32
    %scan3A_3 = arith.addi %scan3A, %scan3A_2 : i32
    %scan3A_4 = arith.constant 1 : i32
    %scan3A_5 = scf.for %scan3A_1904 = %scan3A to %scan3A_3 step %scan3A_4 iter_args(%scan3A_1905 = %broadcast_in_dim3A_1) -> (vector<16xi32>)  : i32 {
      %mul3A_1906 = arith.constant 16 : i32
      %mul3A_1907 = arith.muli %scan3A_1904, %mul3A_1906 : i32
      %get3A_1908 = arith.index_cast %mul3A_1907 : i32 to index
      %get3A_1909 = tpu.vector_load %arg5[%get3A_1908] {strides = array<i32>} : memref<4096xi32, #tpu.memory_space<vmem>>, vector<16xi32>,
      %eq3A_1910 = arith.constant 0 : i32
      %eq3A_1911 = vector.broadcast %eq3A_1910 : i32 to vector<16xi32>
      %eq3A_1912 = arith.cmpi eq, %get3A_1909, %eq3A_1911 : vector<16xi32>
      %jit3A_1913 = arith.constant 1 : i32
      %jit3A_1914 = arith.constant 0 : i32
      %broadcast_in_dim3A_1915 = vector.broadcast %jit3A_1913 : i32 to vector<16xi32>
      %broadcast_in_dim3A_1916 = vector.broadcast %jit3A_1914 : i32 to vector<16xi32>
      %select_n3A_1917 = arith.select %eq3A_1912, %broadcast_in_dim3A_1915, %broadcast_in_dim3A_1916 : vector<16xi1>, vector<16xi32>
      %reduce_sum3A_1918 = arith.constant true
      %reduce_sum3A_1919 = vector.broadcast %reduce_sum3A_1918 : i1 to vector<16xi1>
      %reduce_sum3A_1920 = tpu.scan <sum>, %select_n3A_1917 masked %reduce_sum3A_1919 : vector<16xi32>, vector<16xi1> -> vector<16xi32>
      %reduce_sum3A_1921 = vector.extract %reduce_sum3A_1920[15] : i32 from vector<16xi32>
      %eq3A_1922 = arith.constant 0 : i32
      %eq3A_1923 = vector.broadcast %eq3A_1922 : i32 to vector<16xi32>
      %eq3A_1924 = arith.cmpi eq, %iota3A, %eq3A_1923 : vector<16xi32>
      %jit3A_1925 = arith.constant 0 : i32
      %broadcast_in_dim3A_1926 = vector.broadcast %reduce_sum3A_1921 : i32 to vector<16xi32>
      %broadcast_in_dim3A_1927 = vector.broadcast %jit3A_1925 : i32 to vector<16xi32>
      %select_n3A_1928 = arith.select %eq3A_1924, %broadcast_in_dim3A_1926, %broadcast_in_dim3A_1927 : vector<16xi1>, vector<16xi32>
      %add3A_1929 = arith.addi %scan3A_1905, %select_n3A_1928 : vector<16xi32>
      %eq3A_1930 = arith.constant 1 : i32
      %eq3A_1931 = vector.broadcast %eq3A_1930 : i32 to vector<16xi32>
      %eq3A_1932 = arith.cmpi eq, %get3A_1909, %eq3A_1931 : vector<16xi32>
      %jit3A_1933 = arith.constant 1 : i32
      %jit3A_1934 = arith.constant 0 : i32
      %broadcast_in_dim3A_1935 = vector.broadcast %jit3A_1933 : i32 to vector<16xi32>
      %broadcast_in_dim3A_1936 = vector.broadcast %jit3A_1934 : i32 to vector<16xi32>
      %select_n3A_1937 = arith.select %eq3A_1932, %broadcast_in_dim3A_1935, %broadcast_in_dim3A_1936 : vector<16xi1>, vector<16xi32>
      %reduce_sum3A_1938 = arith.constant true
      %reduce_sum3A_1939 = vector.broadcast %reduce_sum3A_1938 : i1 to vector<16xi1>
      %reduce_sum3A_1940 = tpu.scan <sum>, %select_n3A_1937 masked %reduce_sum3A_1939 : vector<16xi32>, vector<16xi1> -> vector<16xi32>
      %reduce_sum3A_1941 = vector.extract %reduce_sum3A_1940[15] : i32 from vector<16xi32>
      %eq3A_1942 = arith.constant 1 : i32
      %eq3A_1943 = vector.broadcast %eq3A_1942 : i32 to vector<16xi32>
      %eq3A_1944 = arith.cmpi eq, %iota3A, %eq3A_1943 : vector<16xi32>
      %jit3A_1945 = arith.constant 0 : i32
      %broadcast_in_dim3A_1946 = vector.broadcast %reduce_sum3A_1941 : i32 to vector<16xi32>
      %broadcast_in_dim3A_1947 = vector.broadcast %jit3A_1945 : i32 to vector<16xi32>
      %select_n3A_1948 = arith.select %eq3A_1944, %broadcast_in_dim3A_1946, %broadcast_in_dim3A_1947 : vector<16xi1>, vector<16xi32>
      %add3A_1949 = arith.addi %add3A_1929, %select_n3A_1948 : vector<16xi32>
      %eq3A_1950 = arith.constant 2 : i32
      %eq3A_1951 = vector.broadcast %eq3A_1950 : i32 to vector<16xi32>
      %eq3A_1952 = arith.cmpi eq, %get3A_1909, %eq3A_1951 : vector<16xi32>
      %jit3A_1953 = arith.constant 1 : i32
      %jit3A_1954 = arith.constant 0 : i32
      %broadcast_in_dim3A_1955 = vector.broadcast %jit3A_1953 : i32 to vector<16xi32>
      %broadcast_in_dim3A_1956 = vector.broadcast %jit3A_1954 : i32 to vector<16xi32>
      %select_n3A_1957 = arith.select %eq3A_1952, %broadcast_in_dim3A_1955, %broadcast_in_dim3A_1956 : vector<16xi1>, vector<16xi32>
      %reduce_sum3A_1958 = arith.constant true
      %reduce_sum3A_1959 = vector.broadcast %reduce_sum3A_1958 : i1 to vector<16xi1>
      %reduce_sum3A_1960 = tpu.scan <sum>, %select_n3A_1957 masked %reduce_sum3A_1959 : vector<16xi32>, vector<16xi1> -> vector<16xi32>
      %reduce_sum3A_1961 = vector.extract %reduce_sum3A_1960[15] : i32 from vector<16xi32>
      %eq3A_1962 = arith.constant 2 : i32
      %eq3A_1963 = vector.broadcast %eq3A_1962 : i32 to vector<16xi32>
      %eq3A_1964 = arith.cmpi eq, %iota3A, %eq3A_1963 : vector<16xi32>
      %jit3A_1965 = arith.constant 0 : i32
      %broadcast_in_dim3A_1966 = vector.broadcast %reduce_sum3A_1961 : i32 to vector<16xi32>
      %broadcast_in_dim3A_1967 = vector.broadcast %jit3A_1965 : i32 to vector<16xi32>
      %select_n3A_1968 = arith.select %eq3A_1964, %broadcast_in_dim3A_1966, %broadcast_in_dim3A_1967 : vector<16xi1>, vector<16xi32>
      %add3A_1969 = arith.addi %add3A_1949, %select_n3A_1968 : vector<16xi32>
      %eq3A_1970 = arith.constant 3 : i32
      %eq3A_1971 = vector.broadcast %eq3A_1970 : i32 to vector<16xi32>
      %eq3A_1972 = arith.cmpi eq, %get3A_1909, %eq3A_1971 : vector<16xi32>
      %jit3A_1973 = arith.constant 1 : i32
      %jit3A_1974 = arith.constant 0 : i32
      %broadcast_in_dim3A_1975 = vector.broadcast %jit3A_1973 : i32 to vector<16xi32>
      %broadcast_in_dim3A_1976 = vector.broadcast %jit3A_1974 : i32 to vector<16xi32>
      %select_n3A_1977 = arith.select %eq3A_1972, %broadcast_in_dim3A_1975, %broadcast_in_dim3A_1976 : vector<16xi1>, vector<16xi32>
      %reduce_sum3A_1978 = arith.constant true
      %reduce_sum3A_1979 = vector.broadcast %reduce_sum3A_1978 : i1 to vector<16xi1>
      %reduce_sum3A_1980 = tpu.scan <sum>, %select_n3A_1977 masked %reduce_sum3A_1979 : vector<16xi32>, vector<16xi1> -> vector<16xi32>
      %reduce_sum3A_1981 = vector.extract %reduce_sum3A_1980[15] : i32 from vector<16xi32>
      %eq3A_1982 = arith.constant 3 : i32
      %eq3A_1983 = vector.broadcast %eq3A_1982 : i32 to vector<16xi32>
      %eq3A_1984 = arith.cmpi eq, %iota3A, %eq3A_1983 : vector<16xi32>
      %jit3A_1985 = arith.constant 0 : i32
      %broadcast_in_dim3A_1986 = vector.broadcast %reduce_sum3A_1981 : i32 to vector<16xi32>
      %broadcast_in_dim3A_1987 = vector.broadcast %jit3A_1985 : i32 to vector<16xi32>
      %select_n3A_1988 = arith.select %eq3A_1984, %broadcast_in_dim3A_1986, %broadcast_in_dim3A_1987 : vector<16xi1>, vector<16xi32>
      %add3A_1989 = arith.addi %add3A_1969, %select_n3A_1988 : vector<16xi32>
      %eq3A_1990 = arith.constant 4 : i32
      %eq3A_1991 = vector.broadcast %eq3A_1990 : i32 to vector<16xi32>
      %eq3A_1992 = arith.cmpi eq, %get3A_1909, %eq3A_1991 : vector<16xi32>
      %jit3A_1993 = arith.constant 1 : i32
      %jit3A_1994 = arith.constant 0 : i32
      %broadcast_in_dim3A_1995 = vector.broadcast %jit3A_1993 : i32 to vector<16xi32>
      %broadcast_in_dim3A_1996 = vector.broadcast %jit3A_1994 : i32 to vector<16xi32>
      %select_n3A_1997 = arith.select %eq3A_1992, %broadcast_in_dim3A_1995, %broadcast_in_dim3A_1996 : vector<16xi1>, vector<16xi32>
      %reduce_sum3A_1998 = arith.constant true
      %reduce_sum3A_1999 = vector.broadcast %reduce_sum3A_1998 : i1 to vector<16xi1>
      %reduce_sum3A_2000 = tpu.scan <sum>, %select_n3A_1997 masked %reduce_sum3A_1999 : vector<16xi32>, vector<16xi1> -> vector<16xi32>
      %reduce_sum3A_2001 = vector.extract %reduce_sum3A_2000[15] : i32 from vector<16xi32>
      %eq3A_2002 = arith.constant 4 : i32
      %eq3A_2003 = vector.broadcast %eq3A_2002 : i32 to vector<16xi32>
      %eq3A_2004 = arith.cmpi eq, %iota3A, %eq3A_2003 : vector<16xi32>
      %jit3A_2005 = arith.constant 0 : i32
      %broadcast_in_dim3A_2006 = vector.broadcast %reduce_sum3A_2001 : i32 to vector<16xi32>
      %broadcast_in_dim3A_2007 = vector.broadcast %jit3A_2005 : i32 to vector<16xi32>
      %select_n3A_2008 = arith.select %eq3A_2004, %broadcast_in_dim3A_2006, %broadcast_in_dim3A_2007 : vector<16xi1>, vector<16xi32>
      %add3A_2009 = arith.addi %add3A_1989, %select_n3A_2008 : vector<16xi32>
      %eq3A_2010 = arith.constant 5 : i32
      %eq3A_2011 = vector.broadcast %eq3A_2010 : i32 to vector<16xi32>
      %eq3A_2012 = arith.cmpi eq, %get3A_1909, %eq3A_2011 : vector<16xi32>
      %jit3A_2013 = arith.constant 1 : i32
      %jit3A_2014 = arith.constant 0 : i32
      %broadcast_in_dim3A_2015 = vector.broadcast %jit3A_2013 : i32 to vector<16xi32>
      %broadcast_in_dim3A_2016 = vector.broadcast %jit3A_2014 : i32 to vector<16xi32>
      %select_n3A_2017 = arith.select %eq3A_2012, %broadcast_in_dim3A_2015, %broadcast_in_dim3A_2016 : vector<16xi1>, vector<16xi32>
      %reduce_sum3A_2018 = arith.constant true
      %reduce_sum3A_2019 = vector.broadcast %reduce_sum3A_2018 : i1 to vector<16xi1>
      %reduce_sum3A_2020 = tpu.scan <sum>, %select_n3A_2017 masked %reduce_sum3A_2019 : vector<16xi32>, vector<16xi1> -> vector<16xi32>
      %reduce_sum3A_2021 = vector.extract %reduce_sum3A_2020[15] : i32 from vector<16xi32>
      %eq3A_2022 = arith.constant 5 : i32
      %eq3A_2023 = vector.broadcast %eq3A_2022 : i32 to vector<16xi32>
      %eq3A_2024 = arith.cmpi eq, %iota3A, %eq3A_2023 : vector<16xi32>
      %jit3A_2025 = arith.constant 0 : i32
      %broadcast_in_dim3A_2026 = vector.broadcast %reduce_sum3A_2021 : i32 to vector<16xi32>
      %broadcast_in_dim3A_2027 = vector.broadcast %jit3A_2025 : i32 to vector<16xi32>
      %select_n3A_2028 = arith.select %eq3A_2024, %broadcast_in_dim3A_2026, %broadcast_in_dim3A_2027 : vector<16xi1>, vector<16xi32>
      %add3A_2029 = arith.addi %add3A_2009, %select_n3A_2028 : vector<16xi32>
      %eq3A_2030 = arith.constant 6 : i32
      %eq3A_2031 = vector.broadcast %eq3A_2030 : i32 to vector<16xi32>
      %eq3A_2032 = arith.cmpi eq, %get3A_1909, %eq3A_2031 : vector<16xi32>
      %jit3A_2033 = arith.constant 1 : i32
      %jit3A_2034 = arith.constant 0 : i32
      %broadcast_in_dim3A_2035 = vector.broadcast %jit3A_2033 : i32 to vector<16xi32>
      %broadcast_in_dim3A_2036 = vector.broadcast %jit3A_2034 : i32 to vector<16xi32>
      %select_n3A_2037 = arith.select %eq3A_2032, %broadcast_in_dim3A_2035, %broadcast_in_dim3A_2036 : vector<16xi1>, vector<16xi32>
      %reduce_sum3A_2038 = arith.constant true
      %reduce_sum3A_2039 = vector.broadcast %reduce_sum3A_2038 : i1 to vector<16xi1>
      %reduce_sum3A_2040 = tpu.scan <sum>, %select_n3A_2037 masked %reduce_sum3A_2039 : vector<16xi32>, vector<16xi1> -> vector<16xi32>
      %reduce_sum3A_2041 = vector.extract %reduce_sum3A_2040[15] : i32 from vector<16xi32>
      %eq3A_2042 = arith.constant 6 : i32
      %eq3A_2043 = vector.broadcast %eq3A_2042 : i32 to vector<16xi32>
      %eq3A_2044 = arith.cmpi eq, %iota3A, %eq3A_2043 : vector<16xi32>
      %jit3A_2045 = arith.constant 0 : i32
      %broadcast_in_dim3A_2046 = vector.broadcast %reduce_sum3A_2041 : i32 to vector<16xi32>
      %broadcast_in_dim3A_2047 = vector.broadcast %jit3A_2045 : i32 to vector<16xi32>
      %select_n3A_2048 = arith.select %eq3A_2044, %broadcast_in_dim3A_2046, %broadcast_in_dim3A_2047 : vector<16xi1>, vector<16xi32>
      %add3A_2049 = arith.addi %add3A_2029, %select_n3A_2048 : vector<16xi32>
      %eq3A_2050 = arith.constant 7 : i32
      %eq3A_2051 = vector.broadcast %eq3A_2050 : i32 to vector<16xi32>
      %eq3A_2052 = arith.cmpi eq, %get3A_1909, %eq3A_2051 : vector<16xi32>
      %jit3A_2053 = arith.constant 1 : i32
      %jit3A_2054 = arith.constant 0 : i32
      %broadcast_in_dim3A_2055 = vector.broadcast %jit3A_2053 : i32 to vector<16xi32>
      %broadcast_in_dim3A_2056 = vector.broadcast %jit3A_2054 : i32 to vector<16xi32>
      %select_n3A_2057 = arith.select %eq3A_2052, %broadcast_in_dim3A_2055, %broadcast_in_dim3A_2056 : vector<16xi1>, vector<16xi32>
      %reduce_sum3A_2058 = arith.constant true
      %reduce_sum3A_2059 = vector.broadcast %reduce_sum3A_2058 : i1 to vector<16xi1>
      %reduce_sum3A_2060 = tpu.scan <sum>, %select_n3A_2057 masked %reduce_sum3A_2059 : vector<16xi32>, vector<16xi1> -> vector<16xi32>
      %reduce_sum3A_2061 = vector.extract %reduce_sum3A_2060[15] : i32 from vector<16xi32>
      %eq3A_2062 = arith.constant 7 : i32
      %eq3A_2063 = vector.broadcast %eq3A_2062 : i32 to vector<16xi32>
      %eq3A_2064 = arith.cmpi eq, %iota3A, %eq3A_2063 : vector<16xi32>
      %jit3A_2065 = arith.constant 0 : i32
      %broadcast_in_dim3A_2066 = vector.broadcast %reduce_sum3A_2061 : i32 to vector<16xi32>
      %broadcast_in_dim3A_2067 = vector.broadcast %jit3A_2065 : i32 to vector<16xi32>
      %select_n3A_2068 = arith.select %eq3A_2064, %broadcast_in_dim3A_2066, %broadcast_in_dim3A_2067 : vector<16xi1>, vector<16xi32>
      %add3A_2069 = arith.addi %add3A_2049, %select_n3A_2068 : vector<16xi32>
      scf.yield %add3A_2069 : vector<16xi32>
    }
    %scan3A_6 = arith.constant 256 : i32
    %mul3A_7 = arith.constant 8 : i32
    %mul3A_8 = arith.muli %add3A, %mul3A_7 : i32
    %broadcast_in_dim3A_9 = arith.constant 0 : i32
    %broadcast_in_dim3A_10 = vector.broadcast %broadcast_in_dim3A_9 : i32 to vector<16xi32>
    %while3A = arith.constant 0 : i32
    %while3A_11 = arith.subi %mul3A_8, %while3A : i32
    %while3A_12 = arith.addi %while3A, %while3A_11 : i32
    %while3A_13 = arith.constant 1 : i32
    %while3A_14 = arith.divsi %while3A_11, %while3A_13 : i32
    %while3A_15 = arith.muli %while3A_14, %while3A_13 : i32
    %while3A_16 = arith.addi %while3A, %while3A_15 : i32
    %while3A_17 = arith.constant 1 : i32
    %while3A_18 = scf.for %while3A_1904 = %while3A to %while3A_16 step %while3A_17 iter_args(%while3A_1905 = %broadcast_in_dim3A_10) -> (vector<16xi32>)  : i32 {
      %mul3A_1906 = arith.constant 16 : i32
      %mul3A_1907 = arith.muli %while3A_1904, %mul3A_1906 : i32
      %get3A_1908 = arith.index_cast %mul3A_1907 : i32 to index
      %get3A_1909 = tpu.vector_load %arg5[%get3A_1908] {strides = array<i32>} : memref<4096xi32, #tpu.memory_space<vmem>>, vector<16xi32>,
      %eq3A_1910 = arith.constant 0 : i32
      %eq3A_1911 = vector.broadcast %eq3A_1910 : i32 to vector<16xi32>
      %eq3A_1912 = arith.cmpi eq, %get3A_1909, %eq3A_1911 : vector<16xi32>
      %jit3A_1913 = arith.constant 1 : i32
      %jit3A_1914 = arith.constant 0 : i32
      %broadcast_in_dim3A_1915 = vector.broadcast %jit3A_1913 : i32 to vector<16xi32>
      %broadcast_in_dim3A_1916 = vector.broadcast %jit3A_1914 : i32 to vector<16xi32>
      %select_n3A_1917 = arith.select %eq3A_1912, %broadcast_in_dim3A_1915, %broadcast_in_dim3A_1916 : vector<16xi1>, vector<16xi32>
      %reduce_sum3A_1918 = arith.constant true
      %reduce_sum3A_1919 = vector.broadcast %reduce_sum3A_1918 : i1 to vector<16xi1>
      %reduce_sum3A_1920 = tpu.scan <sum>, %select_n3A_1917 masked %reduce_sum3A_1919 : vector<16xi32>, vector<16xi1> -> vector<16xi32>
      %reduce_sum3A_1921 = vector.extract %reduce_sum3A_1920[15] : i32 from vector<16xi32>
      %eq3A_1922 = arith.constant 0 : i32
      %eq3A_1923 = vector.broadcast %eq3A_1922 : i32 to vector<16xi32>
      %eq3A_1924 = arith.cmpi eq, %iota3A, %eq3A_1923 : vector<16xi32>
      %jit3A_1925 = arith.constant 0 : i32
      %broadcast_in_dim3A_1926 = vector.broadcast %reduce_sum3A_1921 : i32 to vector<16xi32>
      %broadcast_in_dim3A_1927 = vector.broadcast %jit3A_1925 : i32 to vector<16xi32>
      %select_n3A_1928 = arith.select %eq3A_1924, %broadcast_in_dim3A_1926, %broadcast_in_dim3A_1927 : vector<16xi1>, vector<16xi32>
      %add3A_1929 = arith.addi %while3A_1905, %select_n3A_1928 : vector<16xi32>
      %eq3A_1930 = arith.constant 1 : i32
      %eq3A_1931 = vector.broadcast %eq3A_1930 : i32 to vector<16xi32>
      %eq3A_1932 = arith.cmpi eq, %get3A_1909, %eq3A_1931 : vector<16xi32>
      %jit3A_1933 = arith.constant 1 : i32
      %jit3A_1934 = arith.constant 0 : i32
      %broadcast_in_dim3A_1935 = vector.broadcast %jit3A_1933 : i32 to vector<16xi32>
      %broadcast_in_dim3A_1936 = vector.broadcast %jit3A_1934 : i32 to vector<16xi32>
      %select_n3A_1937 = arith.select %eq3A_1932, %broadcast_in_dim3A_1935, %broadcast_in_dim3A_1936 : vector<16xi1>, vector<16xi32>
      %reduce_sum3A_1938 = arith.constant true
      %reduce_sum3A_1939 = vector.broadcast %reduce_sum3A_1938 : i1 to vector<16xi1>
      %reduce_sum3A_1940 = tpu.scan <sum>, %select_n3A_1937 masked %reduce_sum3A_1939 : vector<16xi32>, vector<16xi1> -> vector<16xi32>
      %reduce_sum3A_1941 = vector.extract %reduce_sum3A_1940[15] : i32 from vector<16xi32>
      %eq3A_1942 = arith.constant 1 : i32
      %eq3A_1943 = vector.broadcast %eq3A_1942 : i32 to vector<16xi32>
      %eq3A_1944 = arith.cmpi eq, %iota3A, %eq3A_1943 : vector<16xi32>
      %jit3A_1945 = arith.constant 0 : i32
      %broadcast_in_dim3A_1946 = vector.broadcast %reduce_sum3A_1941 : i32 to vector<16xi32>
      %broadcast_in_dim3A_1947 = vector.broadcast %jit3A_1945 : i32 to vector<16xi32>
      %select_n3A_1948 = arith.select %eq3A_1944, %broadcast_in_dim3A_1946, %broadcast_in_dim3A_1947 : vector<16xi1>, vector<16xi32>
      %add3A_1949 = arith.addi %add3A_1929, %select_n3A_1948 : vector<16xi32>
      %eq3A_1950 = arith.constant 2 : i32
      %eq3A_1951 = vector.broadcast %eq3A_1950 : i32 to vector<16xi32>
      %eq3A_1952 = arith.cmpi eq, %get3A_1909, %eq3A_1951 : vector<16xi32>
      %jit3A_1953 = arith.constant 1 : i32
      %jit3A_1954 = arith.constant 0 : i32
      %broadcast_in_dim3A_1955 = vector.broadcast %jit3A_1953 : i32 to vector<16xi32>
      %broadcast_in_dim3A_1956 = vector.broadcast %jit3A_1954 : i32 to vector<16xi32>
      %select_n3A_1957 = arith.select %eq3A_1952, %broadcast_in_dim3A_1955, %broadcast_in_dim3A_1956 : vector<16xi1>, vector<16xi32>
      %reduce_sum3A_1958 = arith.constant true
      %reduce_sum3A_1959 = vector.broadcast %reduce_sum3A_1958 : i1 to vector<16xi1>
      %reduce_sum3A_1960 = tpu.scan <sum>, %select_n3A_1957 masked %reduce_sum3A_1959 : vector<16xi32>, vector<16xi1> -> vector<16xi32>
      %reduce_sum3A_1961 = vector.extract %reduce_sum3A_1960[15] : i32 from vector<16xi32>
      %eq3A_1962 = arith.constant 2 : i32
      %eq3A_1963 = vector.broadcast %eq3A_1962 : i32 to vector<16xi32>
      %eq3A_1964 = arith.cmpi eq, %iota3A, %eq3A_1963 : vector<16xi32>
      %jit3A_1965 = arith.constant 0 : i32
      %broadcast_in_dim3A_1966 = vector.broadcast %reduce_sum3A_1961 : i32 to vector<16xi32>
      %broadcast_in_dim3A_1967 = vector.broadcast %jit3A_1965 : i32 to vector<16xi32>
      %select_n3A_1968 = arith.select %eq3A_1964, %broadcast_in_dim3A_1966, %broadcast_in_dim3A_1967 : vector<16xi1>, vector<16xi32>
      %add3A_1969 = arith.addi %add3A_1949, %select_n3A_1968 : vector<16xi32>
      %eq3A_1970 = arith.constant 3 : i32
      %eq3A_1971 = vector.broadcast %eq3A_1970 : i32 to vector<16xi32>
      %eq3A_1972 = arith.cmpi eq, %get3A_1909, %eq3A_1971 : vector<16xi32>
      %jit3A_1973 = arith.constant 1 : i32
      %jit3A_1974 = arith.constant 0 : i32
      %broadcast_in_dim3A_1975 = vector.broadcast %jit3A_1973 : i32 to vector<16xi32>
      %broadcast_in_dim3A_1976 = vector.broadcast %jit3A_1974 : i32 to vector<16xi32>
      %select_n3A_1977 = arith.select %eq3A_1972, %broadcast_in_dim3A_1975, %broadcast_in_dim3A_1976 : vector<16xi1>, vector<16xi32>
      %reduce_sum3A_1978 = arith.constant true
      %reduce_sum3A_1979 = vector.broadcast %reduce_sum3A_1978 : i1 to vector<16xi1>
      %reduce_sum3A_1980 = tpu.scan <sum>, %select_n3A_1977 masked %reduce_sum3A_1979 : vector<16xi32>, vector<16xi1> -> vector<16xi32>
      %reduce_sum3A_1981 = vector.extract %reduce_sum3A_1980[15] : i32 from vector<16xi32>
      %eq3A_1982 = arith.constant 3 : i32
      %eq3A_1983 = vector.broadcast %eq3A_1982 : i32 to vector<16xi32>
      %eq3A_1984 = arith.cmpi eq, %iota3A, %eq3A_1983 : vector<16xi32>
      %jit3A_1985 = arith.constant 0 : i32
      %broadcast_in_dim3A_1986 = vector.broadcast %reduce_sum3A_1981 : i32 to vector<16xi32>
      %broadcast_in_dim3A_1987 = vector.broadcast %jit3A_1985 : i32 to vector<16xi32>
      %select_n3A_1988 = arith.select %eq3A_1984, %broadcast_in_dim3A_1986, %broadcast_in_dim3A_1987 : vector<16xi1>, vector<16xi32>
      %add3A_1989 = arith.addi %add3A_1969, %select_n3A_1988 : vector<16xi32>
      %eq3A_1990 = arith.constant 4 : i32
      %eq3A_1991 = vector.broadcast %eq3A_1990 : i32 to vector<16xi32>
      %eq3A_1992 = arith.cmpi eq, %get3A_1909, %eq3A_1991 : vector<16xi32>
      %jit3A_1993 = arith.constant 1 : i32
      %jit3A_1994 = arith.constant 0 : i32
      %broadcast_in_dim3A_1995 = vector.broadcast %jit3A_1993 : i32 to vector<16xi32>
      %broadcast_in_dim3A_1996 = vector.broadcast %jit3A_1994 : i32 to vector<16xi32>
      %select_n3A_1997 = arith.select %eq3A_1992, %broadcast_in_dim3A_1995, %broadcast_in_dim3A_1996 : vector<16xi1>, vector<16xi32>
      %reduce_sum3A_1998 = arith.constant true
      %reduce_sum3A_1999 = vector.broadcast %reduce_sum3A_1998 : i1 to vector<16xi1>
      %reduce_sum3A_2000 = tpu.scan <sum>, %select_n3A_1997 masked %reduce_sum3A_1999 : vector<16xi32>, vector<16xi1> -> vector<16xi32>
      %reduce_sum3A_2001 = vector.extract %reduce_sum3A_2000[15] : i32 from vector<16xi32>
      %eq3A_2002 = arith.constant 4 : i32
      %eq3A_2003 = vector.broadcast %eq3A_2002 : i32 to vector<16xi32>
      %eq3A_2004 = arith.cmpi eq, %iota3A, %eq3A_2003 : vector<16xi32>
      %jit3A_2005 = arith.constant 0 : i32
      %broadcast_in_dim3A_2006 = vector.broadcast %reduce_sum3A_2001 : i32 to vector<16xi32>
      %broadcast_in_dim3A_2007 = vector.broadcast %jit3A_2005 : i32 to vector<16xi32>
      %select_n3A_2008 = arith.select %eq3A_2004, %broadcast_in_dim3A_2006, %broadcast_in_dim3A_2007 : vector<16xi1>, vector<16xi32>
      %add3A_2009 = arith.addi %add3A_1989, %select_n3A_2008 : vector<16xi32>
      %eq3A_2010 = arith.constant 5 : i32
      %eq3A_2011 = vector.broadcast %eq3A_2010 : i32 to vector<16xi32>
      %eq3A_2012 = arith.cmpi eq, %get3A_1909, %eq3A_2011 : vector<16xi32>
      %jit3A_2013 = arith.constant 1 : i32
      %jit3A_2014 = arith.constant 0 : i32
      %broadcast_in_dim3A_2015 = vector.broadcast %jit3A_2013 : i32 to vector<16xi32>
      %broadcast_in_dim3A_2016 = vector.broadcast %jit3A_2014 : i32 to vector<16xi32>
      %select_n3A_2017 = arith.select %eq3A_2012, %broadcast_in_dim3A_2015, %broadcast_in_dim3A_2016 : vector<16xi1>, vector<16xi32>
      %reduce_sum3A_2018 = arith.constant true
      %reduce_sum3A_2019 = vector.broadcast %reduce_sum3A_2018 : i1 to vector<16xi1>
      %reduce_sum3A_2020 = tpu.scan <sum>, %select_n3A_2017 masked %reduce_sum3A_2019 : vector<16xi32>, vector<16xi1> -> vector<16xi32>
      %reduce_sum3A_2021 = vector.extract %reduce_sum3A_2020[15] : i32 from vector<16xi32>
      %eq3A_2022 = arith.constant 5 : i32
      %eq3A_2023 = vector.broadcast %eq3A_2022 : i32 to vector<16xi32>
      %eq3A_2024 = arith.cmpi eq, %iota3A, %eq3A_2023 : vector<16xi32>
      %jit3A_2025 = arith.constant 0 : i32
      %broadcast_in_dim3A_2026 = vector.broadcast %reduce_sum3A_2021 : i32 to vector<16xi32>
      %broadcast_in_dim3A_2027 = vector.broadcast %jit3A_2025 : i32 to vector<16xi32>
      %select_n3A_2028 = arith.select %eq3A_2024, %broadcast_in_dim3A_2026, %broadcast_in_dim3A_2027 : vector<16xi1>, vector<16xi32>
      %add3A_2029 = arith.addi %add3A_2009, %select_n3A_2028 : vector<16xi32>
      %eq3A_2030 = arith.constant 6 : i32
      %eq3A_2031 = vector.broadcast %eq3A_2030 : i32 to vector<16xi32>
      %eq3A_2032 = arith.cmpi eq, %get3A_1909, %eq3A_2031 : vector<16xi32>
      %jit3A_2033 = arith.constant 1 : i32
      %jit3A_2034 = arith.constant 0 : i32
      %broadcast_in_dim3A_2035 = vector.broadcast %jit3A_2033 : i32 to vector<16xi32>
      %broadcast_in_dim3A_2036 = vector.broadcast %jit3A_2034 : i32 to vector<16xi32>
      %select_n3A_2037 = arith.select %eq3A_2032, %broadcast_in_dim3A_2035, %broadcast_in_dim3A_2036 : vector<16xi1>, vector<16xi32>
      %reduce_sum3A_2038 = arith.constant true
      %reduce_sum3A_2039 = vector.broadcast %reduce_sum3A_2038 : i1 to vector<16xi1>
      %reduce_sum3A_2040 = tpu.scan <sum>, %select_n3A_2037 masked %reduce_sum3A_2039 : vector<16xi32>, vector<16xi1> -> vector<16xi32>
      %reduce_sum3A_2041 = vector.extract %reduce_sum3A_2040[15] : i32 from vector<16xi32>
      %eq3A_2042 = arith.constant 6 : i32
      %eq3A_2043 = vector.broadcast %eq3A_2042 : i32 to vector<16xi32>
      %eq3A_2044 = arith.cmpi eq, %iota3A, %eq3A_2043 : vector<16xi32>
      %jit3A_2045 = arith.constant 0 : i32
      %broadcast_in_dim3A_2046 = vector.broadcast %reduce_sum3A_2041 : i32 to vector<16xi32>
      %broadcast_in_dim3A_2047 = vector.broadcast %jit3A_2045 : i32 to vector<16xi32>
      %select_n3A_2048 = arith.select %eq3A_2044, %broadcast_in_dim3A_2046, %broadcast_in_dim3A_2047 : vector<16xi1>, vector<16xi32>
      %add3A_2049 = arith.addi %add3A_2029, %select_n3A_2048 : vector<16xi32>
      %eq3A_2050 = arith.constant 7 : i32
      %eq3A_2051 = vector.broadcast %eq3A_2050 : i32 to vector<16xi32>
      %eq3A_2052 = arith.cmpi eq, %get3A_1909, %eq3A_2051 : vector<16xi32>
      %jit3A_2053 = arith.constant 1 : i32
      %jit3A_2054 = arith.constant 0 : i32
      %broadcast_in_dim3A_2055 = vector.broadcast %jit3A_2053 : i32 to vector<16xi32>
      %broadcast_in_dim3A_2056 = vector.broadcast %jit3A_2054 : i32 to vector<16xi32>
      %select_n3A_2057 = arith.select %eq3A_2052, %broadcast_in_dim3A_2055, %broadcast_in_dim3A_2056 : vector<16xi1>, vector<16xi32>
      %reduce_sum3A_2058 = arith.constant true
      %reduce_sum3A_2059 = vector.broadcast %reduce_sum3A_2058 : i1 to vector<16xi1>
      %reduce_sum3A_2060 = tpu.scan <sum>, %select_n3A_2057 masked %reduce_sum3A_2059 : vector<16xi32>, vector<16xi1> -> vector<16xi32>
      %reduce_sum3A_2061 = vector.extract %reduce_sum3A_2060[15] : i32 from vector<16xi32>
      %eq3A_2062 = arith.constant 7 : i32
      %eq3A_2063 = vector.broadcast %eq3A_2062 : i32 to vector<16xi32>
      %eq3A_2064 = arith.cmpi eq, %iota3A, %eq3A_2063 : vector<16xi32>
      %jit3A_2065 = arith.constant 0 : i32
      %broadcast_in_dim3A_2066 = vector.broadcast %reduce_sum3A_2061 : i32 to vector<16xi32>
      %broadcast_in_dim3A_2067 = vector.broadcast %jit3A_2065 : i32 to vector<16xi32>
      %select_n3A_2068 = arith.select %eq3A_2064, %broadcast_in_dim3A_2066, %broadcast_in_dim3A_2067 : vector<16xi1>, vector<16xi32>
      %add3A_2069 = arith.addi %add3A_2049, %select_n3A_2068 : vector<16xi32>
      scf.yield %add3A_2069 : vector<16xi32>
    }
    %while3A_19 = arith.constant 1 : i32
    %while3A_20 = scf.for %while3A_1904 = %while3A_16 to %while3A_12 step %while3A_19 iter_args(%while3A_1905 = %while3A_18) -> (vector<16xi32>)  : i32 {
      %mul3A_1906 = arith.constant 16 : i32
      %mul3A_1907 = arith.muli %while3A_1904, %mul3A_1906 : i32
      %get3A_1908 = arith.index_cast %mul3A_1907 : i32 to index
      %get3A_1909 = tpu.vector_load %arg5[%get3A_1908] {strides = array<i32>} : memref<4096xi32, #tpu.memory_space<vmem>>, vector<16xi32>,
      %eq3A_1910 = arith.constant 0 : i32
      %eq3A_1911 = vector.broadcast %eq3A_1910 : i32 to vector<16xi32>
      %eq3A_1912 = arith.cmpi eq, %get3A_1909, %eq3A_1911 : vector<16xi32>
      %jit3A_1913 = arith.constant 1 : i32
      %jit3A_1914 = arith.constant 0 : i32
      %broadcast_in_dim3A_1915 = vector.broadcast %jit3A_1913 : i32 to vector<16xi32>
      %broadcast_in_dim3A_1916 = vector.broadcast %jit3A_1914 : i32 to vector<16xi32>
      %select_n3A_1917 = arith.select %eq3A_1912, %broadcast_in_dim3A_1915, %broadcast_in_dim3A_1916 : vector<16xi1>, vector<16xi32>
      %reduce_sum3A_1918 = arith.constant true
      %reduce_sum3A_1919 = vector.broadcast %reduce_sum3A_1918 : i1 to vector<16xi1>
      %reduce_sum3A_1920 = tpu.scan <sum>, %select_n3A_1917 masked %reduce_sum3A_1919 : vector<16xi32>, vector<16xi1> -> vector<16xi32>
      %reduce_sum3A_1921 = vector.extract %reduce_sum3A_1920[15] : i32 from vector<16xi32>
      %eq3A_1922 = arith.constant 0 : i32
      %eq3A_1923 = vector.broadcast %eq3A_1922 : i32 to vector<16xi32>
      %eq3A_1924 = arith.cmpi eq, %iota3A, %eq3A_1923 : vector<16xi32>
      %jit3A_1925 = arith.constant 0 : i32
      %broadcast_in_dim3A_1926 = vector.broadcast %reduce_sum3A_1921 : i32 to vector<16xi32>
      %broadcast_in_dim3A_1927 = vector.broadcast %jit3A_1925 : i32 to vector<16xi32>
      %select_n3A_1928 = arith.select %eq3A_1924, %broadcast_in_dim3A_1926, %broadcast_in_dim3A_1927 : vector<16xi1>, vector<16xi32>
      %add3A_1929 = arith.addi %while3A_1905, %select_n3A_1928 : vector<16xi32>
      %eq3A_1930 = arith.constant 1 : i32
      %eq3A_1931 = vector.broadcast %eq3A_1930 : i32 to vector<16xi32>
      %eq3A_1932 = arith.cmpi eq, %get3A_1909, %eq3A_1931 : vector<16xi32>
      %jit3A_1933 = arith.constant 1 : i32
      %jit3A_1934 = arith.constant 0 : i32
      %broadcast_in_dim3A_1935 = vector.broadcast %jit3A_1933 : i32 to vector<16xi32>
      %broadcast_in_dim3A_1936 = vector.broadcast %jit3A_1934 : i32 to vector<16xi32>
      %select_n3A_1937 = arith.select %eq3A_1932, %broadcast_in_dim3A_1935, %broadcast_in_dim3A_1936 : vector<16xi1>, vector<16xi32>
      %reduce_sum3A_1938 = arith.constant true
      %reduce_sum3A_1939 = vector.broadcast %reduce_sum3A_1938 : i1 to vector<16xi1>
      %reduce_sum3A_1940 = tpu.scan <sum>, %select_n3A_1937 masked %reduce_sum3A_1939 : vector<16xi32>, vector<16xi1> -> vector<16xi32>
      %reduce_sum3A_1941 = vector.extract %reduce_sum3A_1940[15] : i32 from vector<16xi32>
      %eq3A_1942 = arith.constant 1 : i32
      %eq3A_1943 = vector.broadcast %eq3A_1942 : i32 to vector<16xi32>
      %eq3A_1944 = arith.cmpi eq, %iota3A, %eq3A_1943 : vector<16xi32>
      %jit3A_1945 = arith.constant 0 : i32
      %broadcast_in_dim3A_1946 = vector.broadcast %reduce_sum3A_1941 : i32 to vector<16xi32>
      %broadcast_in_dim3A_1947 = vector.broadcast %jit3A_1945 : i32 to vector<16xi32>
      %select_n3A_1948 = arith.select %eq3A_1944, %broadcast_in_dim3A_1946, %broadcast_in_dim3A_1947 : vector<16xi1>, vector<16xi32>
      %add3A_1949 = arith.addi %add3A_1929, %select_n3A_1948 : vector<16xi32>
      %eq3A_1950 = arith.constant 2 : i32
      %eq3A_1951 = vector.broadcast %eq3A_1950 : i32 to vector<16xi32>
      %eq3A_1952 = arith.cmpi eq, %get3A_1909, %eq3A_1951 : vector<16xi32>
      %jit3A_1953 = arith.constant 1 : i32
      %jit3A_1954 = arith.constant 0 : i32
      %broadcast_in_dim3A_1955 = vector.broadcast %jit3A_1953 : i32 to vector<16xi32>
      %broadcast_in_dim3A_1956 = vector.broadcast %jit3A_1954 : i32 to vector<16xi32>
      %select_n3A_1957 = arith.select %eq3A_1952, %broadcast_in_dim3A_1955, %broadcast_in_dim3A_1956 : vector<16xi1>, vector<16xi32>
      %reduce_sum3A_1958 = arith.constant true
      %reduce_sum3A_1959 = vector.broadcast %reduce_sum3A_1958 : i1 to vector<16xi1>
      %reduce_sum3A_1960 = tpu.scan <sum>, %select_n3A_1957 masked %reduce_sum3A_1959 : vector<16xi32>, vector<16xi1> -> vector<16xi32>
      %reduce_sum3A_1961 = vector.extract %reduce_sum3A_1960[15] : i32 from vector<16xi32>
      %eq3A_1962 = arith.constant 2 : i32
      %eq3A_1963 = vector.broadcast %eq3A_1962 : i32 to vector<16xi32>
      %eq3A_1964 = arith.cmpi eq, %iota3A, %eq3A_1963 : vector<16xi32>
      %jit3A_1965 = arith.constant 0 : i32
      %broadcast_in_dim3A_1966 = vector.broadcast %reduce_sum3A_1961 : i32 to vector<16xi32>
      %broadcast_in_dim3A_1967 = vector.broadcast %jit3A_1965 : i32 to vector<16xi32>
      %select_n3A_1968 = arith.select %eq3A_1964, %broadcast_in_dim3A_1966, %broadcast_in_dim3A_1967 : vector<16xi1>, vector<16xi32>
      %add3A_1969 = arith.addi %add3A_1949, %select_n3A_1968 : vector<16xi32>
      %eq3A_1970 = arith.constant 3 : i32
      %eq3A_1971 = vector.broadcast %eq3A_1970 : i32 to vector<16xi32>
      %eq3A_1972 = arith.cmpi eq, %get3A_1909, %eq3A_1971 : vector<16xi32>
      %jit3A_1973 = arith.constant 1 : i32
      %jit3A_1974 = arith.constant 0 : i32
      %broadcast_in_dim3A_1975 = vector.broadcast %jit3A_1973 : i32 to vector<16xi32>
      %broadcast_in_dim3A_1976 = vector.broadcast %jit3A_1974 : i32 to vector<16xi32>
      %select_n3A_1977 = arith.select %eq3A_1972, %broadcast_in_dim3A_1975, %broadcast_in_dim3A_1976 : vector<16xi1>, vector<16xi32>
      %reduce_sum3A_1978 = arith.constant true
      %reduce_sum3A_1979 = vector.broadcast %reduce_sum3A_1978 : i1 to vector<16xi1>
      %reduce_sum3A_1980 = tpu.scan <sum>, %select_n3A_1977 masked %reduce_sum3A_1979 : vector<16xi32>, vector<16xi1> -> vector<16xi32>
      %reduce_sum3A_1981 = vector.extract %reduce_sum3A_1980[15] : i32 from vector<16xi32>
      %eq3A_1982 = arith.constant 3 : i32
      %eq3A_1983 = vector.broadcast %eq3A_1982 : i32 to vector<16xi32>
      %eq3A_1984 = arith.cmpi eq, %iota3A, %eq3A_1983 : vector<16xi32>
      %jit3A_1985 = arith.constant 0 : i32
      %broadcast_in_dim3A_1986 = vector.broadcast %reduce_sum3A_1981 : i32 to vector<16xi32>
      %broadcast_in_dim3A_1987 = vector.broadcast %jit3A_1985 : i32 to vector<16xi32>
      %select_n3A_1988 = arith.select %eq3A_1984, %broadcast_in_dim3A_1986, %broadcast_in_dim3A_1987 : vector<16xi1>, vector<16xi32>
      %add3A_1989 = arith.addi %add3A_1969, %select_n3A_1988 : vector<16xi32>
      %eq3A_1990 = arith.constant 4 : i32
      %eq3A_1991 = vector.broadcast %eq3A_1990 : i32 to vector<16xi32>
      %eq3A_1992 = arith.cmpi eq, %get3A_1909, %eq3A_1991 : vector<16xi32>
      %jit3A_1993 = arith.constant 1 : i32
      %jit3A_1994 = arith.constant 0 : i32
      %broadcast_in_dim3A_1995 = vector.broadcast %jit3A_1993 : i32 to vector<16xi32>
      %broadcast_in_dim3A_1996 = vector.broadcast %jit3A_1994 : i32 to vector<16xi32>
      %select_n3A_1997 = arith.select %eq3A_1992, %broadcast_in_dim3A_1995, %broadcast_in_dim3A_1996 : vector<16xi1>, vector<16xi32>
      %reduce_sum3A_1998 = arith.constant true
      %reduce_sum3A_1999 = vector.broadcast %reduce_sum3A_1998 : i1 to vector<16xi1>
      %reduce_sum3A_2000 = tpu.scan <sum>, %select_n3A_1997 masked %reduce_sum3A_1999 : vector<16xi32>, vector<16xi1> -> vector<16xi32>
      %reduce_sum3A_2001 = vector.extract %reduce_sum3A_2000[15] : i32 from vector<16xi32>
      %eq3A_2002 = arith.constant 4 : i32
      %eq3A_2003 = vector.broadcast %eq3A_2002 : i32 to vector<16xi32>
      %eq3A_2004 = arith.cmpi eq, %iota3A, %eq3A_2003 : vector<16xi32>
      %jit3A_2005 = arith.constant 0 : i32
      %broadcast_in_dim3A_2006 = vector.broadcast %reduce_sum3A_2001 : i32 to vector<16xi32>
      %broadcast_in_dim3A_2007 = vector.broadcast %jit3A_2005 : i32 to vector<16xi32>
      %select_n3A_2008 = arith.select %eq3A_2004, %broadcast_in_dim3A_2006, %broadcast_in_dim3A_2007 : vector<16xi1>, vector<16xi32>
      %add3A_2009 = arith.addi %add3A_1989, %select_n3A_2008 : vector<16xi32>
      %eq3A_2010 = arith.constant 5 : i32
      %eq3A_2011 = vector.broadcast %eq3A_2010 : i32 to vector<16xi32>
      %eq3A_2012 = arith.cmpi eq, %get3A_1909, %eq3A_2011 : vector<16xi32>
      %jit3A_2013 = arith.constant 1 : i32
      %jit3A_2014 = arith.constant 0 : i32
      %broadcast_in_dim3A_2015 = vector.broadcast %jit3A_2013 : i32 to vector<16xi32>
      %broadcast_in_dim3A_2016 = vector.broadcast %jit3A_2014 : i32 to vector<16xi32>
      %select_n3A_2017 = arith.select %eq3A_2012, %broadcast_in_dim3A_2015, %broadcast_in_dim3A_2016 : vector<16xi1>, vector<16xi32>
      %reduce_sum3A_2018 = arith.constant true
      %reduce_sum3A_2019 = vector.broadcast %reduce_sum3A_2018 : i1 to vector<16xi1>
      %reduce_sum3A_2020 = tpu.scan <sum>, %select_n3A_2017 masked %reduce_sum3A_2019 : vector<16xi32>, vector<16xi1> -> vector<16xi32>
      %reduce_sum3A_2021 = vector.extract %reduce_sum3A_2020[15] : i32 from vector<16xi32>
      %eq3A_2022 = arith.constant 5 : i32
      %eq3A_2023 = vector.broadcast %eq3A_2022 : i32 to vector<16xi32>
      %eq3A_2024 = arith.cmpi eq, %iota3A, %eq3A_2023 : vector<16xi32>
      %jit3A_2025 = arith.constant 0 : i32
      %broadcast_in_dim3A_2026 = vector.broadcast %reduce_sum3A_2021 : i32 to vector<16xi32>
      %broadcast_in_dim3A_2027 = vector.broadcast %jit3A_2025 : i32 to vector<16xi32>
      %select_n3A_2028 = arith.select %eq3A_2024, %broadcast_in_dim3A_2026, %broadcast_in_dim3A_2027 : vector<16xi1>, vector<16xi32>
      %add3A_2029 = arith.addi %add3A_2009, %select_n3A_2028 : vector<16xi32>
      %eq3A_2030 = arith.constant 6 : i32
      %eq3A_2031 = vector.broadcast %eq3A_2030 : i32 to vector<16xi32>
      %eq3A_2032 = arith.cmpi eq, %get3A_1909, %eq3A_2031 : vector<16xi32>
      %jit3A_2033 = arith.constant 1 : i32
      %jit3A_2034 = arith.constant 0 : i32
      %broadcast_in_dim3A_2035 = vector.broadcast %jit3A_2033 : i32 to vector<16xi32>
      %broadcast_in_dim3A_2036 = vector.broadcast %jit3A_2034 : i32 to vector<16xi32>
      %select_n3A_2037 = arith.select %eq3A_2032, %broadcast_in_dim3A_2035, %broadcast_in_dim3A_2036 : vector<16xi1>, vector<16xi32>
      %reduce_sum3A_2038 = arith.constant true
      %reduce_sum3A_2039 = vector.broadcast %reduce_sum3A_2038 : i1 to vector<16xi1>
      %reduce_sum3A_2040 = tpu.scan <sum>, %select_n3A_2037 masked %reduce_sum3A_2039 : vector<16xi32>, vector<16xi1> -> vector<16xi32>
      %reduce_sum3A_2041 = vector.extract %reduce_sum3A_2040[15] : i32 from vector<16xi32>
      %eq3A_2042 = arith.constant 6 : i32
      %eq3A_2043 = vector.broadcast %eq3A_2042 : i32 to vector<16xi32>
      %eq3A_2044 = arith.cmpi eq, %iota3A, %eq3A_2043 : vector<16xi32>
      %jit3A_2045 = arith.constant 0 : i32
      %broadcast_in_dim3A_2046 = vector.broadcast %reduce_sum3A_2041 : i32 to vector<16xi32>
      %broadcast_in_dim3A_2047 = vector.broadcast %jit3A_2045 : i32 to vector<16xi32>
      %select_n3A_2048 = arith.select %eq3A_2044, %broadcast_in_dim3A_2046, %broadcast_in_dim3A_2047 : vector<16xi1>, vector<16xi32>
      %add3A_2049 = arith.addi %add3A_2029, %select_n3A_2048 : vector<16xi32>
      %eq3A_2050 = arith.constant 7 : i32
      %eq3A_2051 = vector.broadcast %eq3A_2050 : i32 to vector<16xi32>
      %eq3A_2052 = arith.cmpi eq, %get3A_1909, %eq3A_2051 : vector<16xi32>
      %jit3A_2053 = arith.constant 1 : i32
      %jit3A_2054 = arith.constant 0 : i32
      %broadcast_in_dim3A_2055 = vector.broadcast %jit3A_2053 : i32 to vector<16xi32>
      %broadcast_in_dim3A_2056 = vector.broadcast %jit3A_2054 : i32 to vector<16xi32>
      %select_n3A_2057 = arith.select %eq3A_2052, %broadcast_in_dim3A_2055, %broadcast_in_dim3A_2056 : vector<16xi1>, vector<16xi32>
      %reduce_sum3A_2058 = arith.constant true
      %reduce_sum3A_2059 = vector.broadcast %reduce_sum3A_2058 : i1 to vector<16xi1>
      %reduce_sum3A_2060 = tpu.scan <sum>, %select_n3A_2057 masked %reduce_sum3A_2059 : vector<16xi32>, vector<16xi1> -> vector<16xi32>
      %reduce_sum3A_2061 = vector.extract %reduce_sum3A_2060[15] : i32 from vector<16xi32>
      %eq3A_2062 = arith.constant 7 : i32
      %eq3A_2063 = vector.broadcast %eq3A_2062 : i32 to vector<16xi32>
      %eq3A_2064 = arith.cmpi eq, %iota3A, %eq3A_2063 : vector<16xi32>
      %jit3A_2065 = arith.constant 0 : i32
      %broadcast_in_dim3A_2066 = vector.broadcast %reduce_sum3A_2061 : i32 to vector<16xi32>
      %broadcast_in_dim3A_2067 = vector.broadcast %jit3A_2065 : i32 to vector<16xi32>
      %select_n3A_2068 = arith.select %eq3A_2064, %broadcast_in_dim3A_2066, %broadcast_in_dim3A_2067 : vector<16xi1>, vector<16xi32>
      %add3A_2069 = arith.addi %add3A_2049, %select_n3A_2068 : vector<16xi32>
      scf.yield %add3A_2069 : vector<16xi32>
    }
    %eq3A = arith.constant 0 : i32
    %eq3A_21 = vector.broadcast %eq3A : i32 to vector<16xi32>
    %eq3A_22 = arith.cmpi eq, %iota3A, %eq3A_21 : vector<16xi32>
    %jit3A = arith.constant 0 : i32
    %broadcast_in_dim3A_23 = vector.broadcast %jit3A : i32 to vector<16xi32>
    %select_n3A = arith.select %eq3A_22, %scan3A_5, %broadcast_in_dim3A_23 : vector<16xi1>, vector<16xi32>
    %reduce_sum3A = arith.constant true
    %reduce_sum3A_24 = vector.broadcast %reduce_sum3A : i1 to vector<16xi1>
    %reduce_sum3A_25 = tpu.scan <sum>, %select_n3A masked %reduce_sum3A_24 : vector<16xi32>, vector<16xi1> -> vector<16xi32>
    %reduce_sum3A_26 = vector.extract %reduce_sum3A_25[15] : i32 from vector<16xi32>
    %eq3A_27 = arith.constant 0 : i32
    %eq3A_28 = vector.broadcast %eq3A_27 : i32 to vector<16xi32>
    %eq3A_29 = arith.cmpi eq, %iota3A, %eq3A_28 : vector<16xi32>
    %jit3A_30 = arith.constant 0 : i32
    %broadcast_in_dim3A_31 = vector.broadcast %jit3A_30 : i32 to vector<16xi32>
    %select_n3A_32 = arith.select %eq3A_29, %while3A_20, %broadcast_in_dim3A_31 : vector<16xi1>, vector<16xi32>
    %reduce_sum3A_33 = arith.constant true
    %reduce_sum3A_34 = vector.broadcast %reduce_sum3A_33 : i1 to vector<16xi1>
    %reduce_sum3A_35 = tpu.scan <sum>, %select_n3A_32 masked %reduce_sum3A_34 : vector<16xi32>, vector<16xi1> -> vector<16xi32>
    %reduce_sum3A_36 = vector.extract %reduce_sum3A_35[15] : i32 from vector<16xi32>
    %add3A_37 = arith.constant 0 : i32
    %add3A_38 = arith.addi %add3A_37, %reduce_sum3A_36 : i32
    %add3A_39 = arith.constant 255 : i32
    %add3A_40 = arith.addi %reduce_sum3A_26, %add3A_39 : i32
    %jit3A_41 = arith.constant 256 : i32
    %div3A = arith.divsi %add3A_40, %jit3A_41 : i32
    %sign3A = arith.constant 0 : i32
    %sign3A_42 = arith.cmpi sgt, %add3A_40, %sign3A : i32
    %sign3A_43 = arith.extui %sign3A_42 : i1 to i32
    %sign3A_44 = arith.constant 0 : i32
    %sign3A_45 = arith.cmpi slt, %add3A_40, %sign3A_44 : i32
    %sign3A_46 = arith.extui %sign3A_45 : i1 to i32
    %sign3A_47 = arith.subi %sign3A_43, %sign3A_46 : i32
    %sign3A_48 = arith.constant 0 : i32
    %sign3A_49 = arith.cmpi sgt, %jit3A_41, %sign3A_48 : i32
    %sign3A_50 = arith.extui %sign3A_49 : i1 to i32
    %sign3A_51 = arith.constant 0 : i32
    %sign3A_52 = arith.cmpi slt, %jit3A_41, %sign3A_51 : i32
    %sign3A_53 = arith.extui %sign3A_52 : i1 to i32
    %sign3A_54 = arith.subi %sign3A_50, %sign3A_53 : i32
    %ne3A = arith.cmpi ne, %sign3A_47, %sign3A_54 : i32
    %rem3A = arith.remsi %add3A_40, %jit3A_41 : i32
    %ne3A_55 = arith.constant 0 : i32
    %ne3A_56 = arith.cmpi ne, %rem3A, %ne3A_55 : i32
    %and3A = arith.andi %ne3A, %ne3A_56 : i1
    %sub3A = arith.constant 1 : i32
    %sub3A_57 = arith.subi %div3A, %sub3A : i32
    %select_n3A_58 = arith.select %and3A, %sub3A_57, %div3A : i32
    %mul3A_59 = arith.constant 256 : i32
    %mul3A_60 = arith.muli %select_n3A_58, %mul3A_59 : i32
    %add3A_61 = arith.constant 0 : i32
    %add3A_62 = arith.addi %add3A_61, %mul3A_60 : i32
    %eq3A_63 = arith.constant 1 : i32
    %eq3A_64 = vector.broadcast %eq3A_63 : i32 to vector<16xi32>
    %eq3A_65 = arith.cmpi eq, %iota3A, %eq3A_64 : vector<16xi32>
    %jit3A_66 = arith.constant 0 : i32
    %broadcast_in_dim3A_67 = vector.broadcast %jit3A_66 : i32 to vector<16xi32>
    %select_n3A_68 = arith.select %eq3A_65, %scan3A_5, %broadcast_in_dim3A_67 : vector<16xi1>, vector<16xi32>
    %reduce_sum3A_69 = arith.constant true
    %reduce_sum3A_70 = vector.broadcast %reduce_sum3A_69 : i1 to vector<16xi1>
    %reduce_sum3A_71 = tpu.scan <sum>, %select_n3A_68 masked %reduce_sum3A_70 : vector<16xi32>, vector<16xi1> -> vector<16xi32>
    %reduce_sum3A_72 = vector.extract %reduce_sum3A_71[15] : i32 from vector<16xi32>
    %eq3A_73 = arith.constant 1 : i32
    %eq3A_74 = vector.broadcast %eq3A_73 : i32 to vector<16xi32>
    %eq3A_75 = arith.cmpi eq, %iota3A, %eq3A_74 : vector<16xi32>
    %jit3A_76 = arith.constant 0 : i32
    %broadcast_in_dim3A_77 = vector.broadcast %jit3A_76 : i32 to vector<16xi32>
    %select_n3A_78 = arith.select %eq3A_75, %while3A_20, %broadcast_in_dim3A_77 : vector<16xi1>, vector<16xi32>
    %reduce_sum3A_79 = arith.constant true
    %reduce_sum3A_80 = vector.broadcast %reduce_sum3A_79 : i1 to vector<16xi1>
    %reduce_sum3A_81 = tpu.scan <sum>, %select_n3A_78 masked %reduce_sum3A_80 : vector<16xi32>, vector<16xi1> -> vector<16xi32>
    %reduce_sum3A_82 = vector.extract %reduce_sum3A_81[15] : i32 from vector<16xi32>
    %add3A_83 = arith.addi %add3A_62, %reduce_sum3A_82 : i32
    %add3A_84 = arith.constant 255 : i32
    %add3A_85 = arith.addi %reduce_sum3A_72, %add3A_84 : i32
    %jit3A_86 = arith.constant 256 : i32
    %div3A_87 = arith.divsi %add3A_85, %jit3A_86 : i32
    %sign3A_88 = arith.constant 0 : i32
    %sign3A_89 = arith.cmpi sgt, %add3A_85, %sign3A_88 : i32
    %sign3A_90 = arith.extui %sign3A_89 : i1 to i32
    %sign3A_91 = arith.constant 0 : i32
    %sign3A_92 = arith.cmpi slt, %add3A_85, %sign3A_91 : i32
    %sign3A_93 = arith.extui %sign3A_92 : i1 to i32
    %sign3A_94 = arith.subi %sign3A_90, %sign3A_93 : i32
    %sign3A_95 = arith.constant 0 : i32
    %sign3A_96 = arith.cmpi sgt, %jit3A_86, %sign3A_95 : i32
    %sign3A_97 = arith.extui %sign3A_96 : i1 to i32
    %sign3A_98 = arith.constant 0 : i32
    %sign3A_99 = arith.cmpi slt, %jit3A_86, %sign3A_98 : i32
    %sign3A_100 = arith.extui %sign3A_99 : i1 to i32
    %sign3A_101 = arith.subi %sign3A_97, %sign3A_100 : i32
    %ne3A_102 = arith.cmpi ne, %sign3A_94, %sign3A_101 : i32
    %rem3A_103 = arith.remsi %add3A_85, %jit3A_86 : i32
    %ne3A_104 = arith.constant 0 : i32
    %ne3A_105 = arith.cmpi ne, %rem3A_103, %ne3A_104 : i32
    %and3A_106 = arith.andi %ne3A_102, %ne3A_105 : i1
    %sub3A_107 = arith.constant 1 : i32
    %sub3A_108 = arith.subi %div3A_87, %sub3A_107 : i32
    %select_n3A_109 = arith.select %and3A_106, %sub3A_108, %div3A_87 : i32
    %mul3A_110 = arith.constant 256 : i32
    %mul3A_111 = arith.muli %select_n3A_109, %mul3A_110 : i32
    %add3A_112 = arith.addi %add3A_62, %mul3A_111 : i32
    %eq3A_113 = arith.constant 2 : i32
    %eq3A_114 = vector.broadcast %eq3A_113 : i32 to vector<16xi32>
    %eq3A_115 = arith.cmpi eq, %iota3A, %eq3A_114 : vector<16xi32>
    %jit3A_116 = arith.constant 0 : i32
    %broadcast_in_dim3A_117 = vector.broadcast %jit3A_116 : i32 to vector<16xi32>
    %select_n3A_118 = arith.select %eq3A_115, %scan3A_5, %broadcast_in_dim3A_117 : vector<16xi1>, vector<16xi32>
    %reduce_sum3A_119 = arith.constant true
    %reduce_sum3A_120 = vector.broadcast %reduce_sum3A_119 : i1 to vector<16xi1>
    %reduce_sum3A_121 = tpu.scan <sum>, %select_n3A_118 masked %reduce_sum3A_120 : vector<16xi32>, vector<16xi1> -> vector<16xi32>
    %reduce_sum3A_122 = vector.extract %reduce_sum3A_121[15] : i32 from vector<16xi32>
    %eq3A_123 = arith.constant 2 : i32
    %eq3A_124 = vector.broadcast %eq3A_123 : i32 to vector<16xi32>
    %eq3A_125 = arith.cmpi eq, %iota3A, %eq3A_124 : vector<16xi32>
    %jit3A_126 = arith.constant 0 : i32
    %broadcast_in_dim3A_127 = vector.broadcast %jit3A_126 : i32 to vector<16xi32>
    %select_n3A_128 = arith.select %eq3A_125, %while3A_20, %broadcast_in_dim3A_127 : vector<16xi1>, vector<16xi32>
    %reduce_sum3A_129 = arith.constant true
    %reduce_sum3A_130 = vector.broadcast %reduce_sum3A_129 : i1 to vector<16xi1>
    %reduce_sum3A_131 = tpu.scan <sum>, %select_n3A_128 masked %reduce_sum3A_130 : vector<16xi32>, vector<16xi1> -> vector<16xi32>
    %reduce_sum3A_132 = vector.extract %reduce_sum3A_131[15] : i32 from vector<16xi32>
    %add3A_133 = arith.addi %add3A_112, %reduce_sum3A_132 : i32
    %add3A_134 = arith.constant 255 : i32
    %add3A_135 = arith.addi %reduce_sum3A_122, %add3A_134 : i32
    %jit3A_136 = arith.constant 256 : i32
    %div3A_137 = arith.divsi %add3A_135, %jit3A_136 : i32
    %sign3A_138 = arith.constant 0 : i32
    %sign3A_139 = arith.cmpi sgt, %add3A_135, %sign3A_138 : i32
    %sign3A_140 = arith.extui %sign3A_139 : i1 to i32
    %sign3A_141 = arith.constant 0 : i32
    %sign3A_142 = arith.cmpi slt, %add3A_135, %sign3A_141 : i32
    %sign3A_143 = arith.extui %sign3A_142 : i1 to i32
    %sign3A_144 = arith.subi %sign3A_140, %sign3A_143 : i32
    %sign3A_145 = arith.constant 0 : i32
    %sign3A_146 = arith.cmpi sgt, %jit3A_136, %sign3A_145 : i32
    %sign3A_147 = arith.extui %sign3A_146 : i1 to i32
    %sign3A_148 = arith.constant 0 : i32
    %sign3A_149 = arith.cmpi slt, %jit3A_136, %sign3A_148 : i32
    %sign3A_150 = arith.extui %sign3A_149 : i1 to i32
    %sign3A_151 = arith.subi %sign3A_147, %sign3A_150 : i32
    %ne3A_152 = arith.cmpi ne, %sign3A_144, %sign3A_151 : i32
    %rem3A_153 = arith.remsi %add3A_135, %jit3A_136 : i32
    %ne3A_154 = arith.constant 0 : i32
    %ne3A_155 = arith.cmpi ne, %rem3A_153, %ne3A_154 : i32
    %and3A_156 = arith.andi %ne3A_152, %ne3A_155 : i1
    %sub3A_157 = arith.constant 1 : i32
    %sub3A_158 = arith.subi %div3A_137, %sub3A_157 : i32
    %select_n3A_159 = arith.select %and3A_156, %sub3A_158, %div3A_137 : i32
    %mul3A_160 = arith.constant 256 : i32
    %mul3A_161 = arith.muli %select_n3A_159, %mul3A_160 : i32
    %add3A_162 = arith.addi %add3A_112, %mul3A_161 : i32
    %eq3A_163 = arith.constant 3 : i32
    %eq3A_164 = vector.broadcast %eq3A_163 : i32 to vector<16xi32>
    %eq3A_165 = arith.cmpi eq, %iota3A, %eq3A_164 : vector<16xi32>
    %jit3A_166 = arith.constant 0 : i32
    %broadcast_in_dim3A_167 = vector.broadcast %jit3A_166 : i32 to vector<16xi32>
    %select_n3A_168 = arith.select %eq3A_165, %scan3A_5, %broadcast_in_dim3A_167 : vector<16xi1>, vector<16xi32>
    %reduce_sum3A_169 = arith.constant true
    %reduce_sum3A_170 = vector.broadcast %reduce_sum3A_169 : i1 to vector<16xi1>
    %reduce_sum3A_171 = tpu.scan <sum>, %select_n3A_168 masked %reduce_sum3A_170 : vector<16xi32>, vector<16xi1> -> vector<16xi32>
    %reduce_sum3A_172 = vector.extract %reduce_sum3A_171[15] : i32 from vector<16xi32>
    %eq3A_173 = arith.constant 3 : i32
    %eq3A_174 = vector.broadcast %eq3A_173 : i32 to vector<16xi32>
    %eq3A_175 = arith.cmpi eq, %iota3A, %eq3A_174 : vector<16xi32>
    %jit3A_176 = arith.constant 0 : i32
    %broadcast_in_dim3A_177 = vector.broadcast %jit3A_176 : i32 to vector<16xi32>
    %select_n3A_178 = arith.select %eq3A_175, %while3A_20, %broadcast_in_dim3A_177 : vector<16xi1>, vector<16xi32>
    %reduce_sum3A_179 = arith.constant true
    %reduce_sum3A_180 = vector.broadcast %reduce_sum3A_179 : i1 to vector<16xi1>
    %reduce_sum3A_181 = tpu.scan <sum>, %select_n3A_178 masked %reduce_sum3A_180 : vector<16xi32>, vector<16xi1> -> vector<16xi32>
    %reduce_sum3A_182 = vector.extract %reduce_sum3A_181[15] : i32 from vector<16xi32>
    %add3A_183 = arith.addi %add3A_162, %reduce_sum3A_182 : i32
    %add3A_184 = arith.constant 255 : i32
    %add3A_185 = arith.addi %reduce_sum3A_172, %add3A_184 : i32
    %jit3A_186 = arith.constant 256 : i32
    %div3A_187 = arith.divsi %add3A_185, %jit3A_186 : i32
    %sign3A_188 = arith.constant 0 : i32
    %sign3A_189 = arith.cmpi sgt, %add3A_185, %sign3A_188 : i32
    %sign3A_190 = arith.extui %sign3A_189 : i1 to i32
    %sign3A_191 = arith.constant 0 : i32
    %sign3A_192 = arith.cmpi slt, %add3A_185, %sign3A_191 : i32
    %sign3A_193 = arith.extui %sign3A_192 : i1 to i32
    %sign3A_194 = arith.subi %sign3A_190, %sign3A_193 : i32
    %sign3A_195 = arith.constant 0 : i32
    %sign3A_196 = arith.cmpi sgt, %jit3A_186, %sign3A_195 : i32
    %sign3A_197 = arith.extui %sign3A_196 : i1 to i32
    %sign3A_198 = arith.constant 0 : i32
    %sign3A_199 = arith.cmpi slt, %jit3A_186, %sign3A_198 : i32
    %sign3A_200 = arith.extui %sign3A_199 : i1 to i32
    %sign3A_201 = arith.subi %sign3A_197, %sign3A_200 : i32
    %ne3A_202 = arith.cmpi ne, %sign3A_194, %sign3A_201 : i32
    %rem3A_203 = arith.remsi %add3A_185, %jit3A_186 : i32
    %ne3A_204 = arith.constant 0 : i32
    %ne3A_205 = arith.cmpi ne, %rem3A_203, %ne3A_204 : i32
    %and3A_206 = arith.andi %ne3A_202, %ne3A_205 : i1
    %sub3A_207 = arith.constant 1 : i32
    %sub3A_208 = arith.subi %div3A_187, %sub3A_207 : i32
    %select_n3A_209 = arith.select %and3A_206, %sub3A_208, %div3A_187 : i32
    %mul3A_210 = arith.constant 256 : i32
    %mul3A_211 = arith.muli %select_n3A_209, %mul3A_210 : i32
    %add3A_212 = arith.addi %add3A_162, %mul3A_211 : i32
    %eq3A_213 = arith.constant 4 : i32
    %eq3A_214 = vector.broadcast %eq3A_213 : i32 to vector<16xi32>
    %eq3A_215 = arith.cmpi eq, %iota3A, %eq3A_214 : vector<16xi32>
    %jit3A_216 = arith.constant 0 : i32
    %broadcast_in_dim3A_217 = vector.broadcast %jit3A_216 : i32 to vector<16xi32>
    %select_n3A_218 = arith.select %eq3A_215, %scan3A_5, %broadcast_in_dim3A_217 : vector<16xi1>, vector<16xi32>
    %reduce_sum3A_219 = arith.constant true
    %reduce_sum3A_220 = vector.broadcast %reduce_sum3A_219 : i1 to vector<16xi1>
    %reduce_sum3A_221 = tpu.scan <sum>, %select_n3A_218 masked %reduce_sum3A_220 : vector<16xi32>, vector<16xi1> -> vector<16xi32>
    %reduce_sum3A_222 = vector.extract %reduce_sum3A_221[15] : i32 from vector<16xi32>
    %eq3A_223 = arith.constant 4 : i32
    %eq3A_224 = vector.broadcast %eq3A_223 : i32 to vector<16xi32>
    %eq3A_225 = arith.cmpi eq, %iota3A, %eq3A_224 : vector<16xi32>
    %jit3A_226 = arith.constant 0 : i32
    %broadcast_in_dim3A_227 = vector.broadcast %jit3A_226 : i32 to vector<16xi32>
    %select_n3A_228 = arith.select %eq3A_225, %while3A_20, %broadcast_in_dim3A_227 : vector<16xi1>, vector<16xi32>
    %reduce_sum3A_229 = arith.constant true
    %reduce_sum3A_230 = vector.broadcast %reduce_sum3A_229 : i1 to vector<16xi1>
    %reduce_sum3A_231 = tpu.scan <sum>, %select_n3A_228 masked %reduce_sum3A_230 : vector<16xi32>, vector<16xi1> -> vector<16xi32>
    %reduce_sum3A_232 = vector.extract %reduce_sum3A_231[15] : i32 from vector<16xi32>
    %add3A_233 = arith.addi %add3A_212, %reduce_sum3A_232 : i32
    %add3A_234 = arith.constant 255 : i32
    %add3A_235 = arith.addi %reduce_sum3A_222, %add3A_234 : i32
    %jit3A_236 = arith.constant 256 : i32
    %div3A_237 = arith.divsi %add3A_235, %jit3A_236 : i32
    %sign3A_238 = arith.constant 0 : i32
    %sign3A_239 = arith.cmpi sgt, %add3A_235, %sign3A_238 : i32
    %sign3A_240 = arith.extui %sign3A_239 : i1 to i32
    %sign3A_241 = arith.constant 0 : i32
    %sign3A_242 = arith.cmpi slt, %add3A_235, %sign3A_241 : i32
    %sign3A_243 = arith.extui %sign3A_242 : i1 to i32
    %sign3A_244 = arith.subi %sign3A_240, %sign3A_243 : i32
    %sign3A_245 = arith.constant 0 : i32
    %sign3A_246 = arith.cmpi sgt, %jit3A_236, %sign3A_245 : i32
    %sign3A_247 = arith.extui %sign3A_246 : i1 to i32
    %sign3A_248 = arith.constant 0 : i32
    %sign3A_249 = arith.cmpi slt, %jit3A_236, %sign3A_248 : i32
    %sign3A_250 = arith.extui %sign3A_249 : i1 to i32
    %sign3A_251 = arith.subi %sign3A_247, %sign3A_250 : i32
    %ne3A_252 = arith.cmpi ne, %sign3A_244, %sign3A_251 : i32
    %rem3A_253 = arith.remsi %add3A_235, %jit3A_236 : i32
    %ne3A_254 = arith.constant 0 : i32
    %ne3A_255 = arith.cmpi ne, %rem3A_253, %ne3A_254 : i32
    %and3A_256 = arith.andi %ne3A_252, %ne3A_255 : i1
    %sub3A_257 = arith.constant 1 : i32
    %sub3A_258 = arith.subi %div3A_237, %sub3A_257 : i32
    %select_n3A_259 = arith.select %and3A_256, %sub3A_258, %div3A_237 : i32
    %mul3A_260 = arith.constant 256 : i32
    %mul3A_261 = arith.muli %select_n3A_259, %mul3A_260 : i32
    %add3A_262 = arith.addi %add3A_212, %mul3A_261 : i32
    %eq3A_263 = arith.constant 5 : i32
    %eq3A_264 = vector.broadcast %eq3A_263 : i32 to vector<16xi32>
    %eq3A_265 = arith.cmpi eq, %iota3A, %eq3A_264 : vector<16xi32>
    %jit3A_266 = arith.constant 0 : i32
    %broadcast_in_dim3A_267 = vector.broadcast %jit3A_266 : i32 to vector<16xi32>
    %select_n3A_268 = arith.select %eq3A_265, %scan3A_5, %broadcast_in_dim3A_267 : vector<16xi1>, vector<16xi32>
    %reduce_sum3A_269 = arith.constant true
    %reduce_sum3A_270 = vector.broadcast %reduce_sum3A_269 : i1 to vector<16xi1>
    %reduce_sum3A_271 = tpu.scan <sum>, %select_n3A_268 masked %reduce_sum3A_270 : vector<16xi32>, vector<16xi1> -> vector<16xi32>
    %reduce_sum3A_272 = vector.extract %reduce_sum3A_271[15] : i32 from vector<16xi32>
    %eq3A_273 = arith.constant 5 : i32
    %eq3A_274 = vector.broadcast %eq3A_273 : i32 to vector<16xi32>
    %eq3A_275 = arith.cmpi eq, %iota3A, %eq3A_274 : vector<16xi32>
    %jit3A_276 = arith.constant 0 : i32
    %broadcast_in_dim3A_277 = vector.broadcast %jit3A_276 : i32 to vector<16xi32>
    %select_n3A_278 = arith.select %eq3A_275, %while3A_20, %broadcast_in_dim3A_277 : vector<16xi1>, vector<16xi32>
    %reduce_sum3A_279 = arith.constant true
    %reduce_sum3A_280 = vector.broadcast %reduce_sum3A_279 : i1 to vector<16xi1>
    %reduce_sum3A_281 = tpu.scan <sum>, %select_n3A_278 masked %reduce_sum3A_280 : vector<16xi32>, vector<16xi1> -> vector<16xi32>
    %reduce_sum3A_282 = vector.extract %reduce_sum3A_281[15] : i32 from vector<16xi32>
    %add3A_283 = arith.addi %add3A_262, %reduce_sum3A_282 : i32
    %add3A_284 = arith.constant 255 : i32
    %add3A_285 = arith.addi %reduce_sum3A_272, %add3A_284 : i32
    %jit3A_286 = arith.constant 256 : i32
    %div3A_287 = arith.divsi %add3A_285, %jit3A_286 : i32
    %sign3A_288 = arith.constant 0 : i32
    %sign3A_289 = arith.cmpi sgt, %add3A_285, %sign3A_288 : i32
    %sign3A_290 = arith.extui %sign3A_289 : i1 to i32
    %sign3A_291 = arith.constant 0 : i32
    %sign3A_292 = arith.cmpi slt, %add3A_285, %sign3A_291 : i32
    %sign3A_293 = arith.extui %sign3A_292 : i1 to i32
    %sign3A_294 = arith.subi %sign3A_290, %sign3A_293 : i32
    %sign3A_295 = arith.constant 0 : i32
    %sign3A_296 = arith.cmpi sgt, %jit3A_286, %sign3A_295 : i32
    %sign3A_297 = arith.extui %sign3A_296 : i1 to i32
    %sign3A_298 = arith.constant 0 : i32
    %sign3A_299 = arith.cmpi slt, %jit3A_286, %sign3A_298 : i32
    %sign3A_300 = arith.extui %sign3A_299 : i1 to i32
    %sign3A_301 = arith.subi %sign3A_297, %sign3A_300 : i32
    %ne3A_302 = arith.cmpi ne, %sign3A_294, %sign3A_301 : i32
    %rem3A_303 = arith.remsi %add3A_285, %jit3A_286 : i32
    %ne3A_304 = arith.constant 0 : i32
    %ne3A_305 = arith.cmpi ne, %rem3A_303, %ne3A_304 : i32
    %and3A_306 = arith.andi %ne3A_302, %ne3A_305 : i1
    %sub3A_307 = arith.constant 1 : i32
    %sub3A_308 = arith.subi %div3A_287, %sub3A_307 : i32
    %select_n3A_309 = arith.select %and3A_306, %sub3A_308, %div3A_287 : i32
    %mul3A_310 = arith.constant 256 : i32
    %mul3A_311 = arith.muli %select_n3A_309, %mul3A_310 : i32
    %add3A_312 = arith.addi %add3A_262, %mul3A_311 : i32
    %eq3A_313 = arith.constant 6 : i32
    %eq3A_314 = vector.broadcast %eq3A_313 : i32 to vector<16xi32>
    %eq3A_315 = arith.cmpi eq, %iota3A, %eq3A_314 : vector<16xi32>
    %jit3A_316 = arith.constant 0 : i32
    %broadcast_in_dim3A_317 = vector.broadcast %jit3A_316 : i32 to vector<16xi32>
    %select_n3A_318 = arith.select %eq3A_315, %scan3A_5, %broadcast_in_dim3A_317 : vector<16xi1>, vector<16xi32>
    %reduce_sum3A_319 = arith.constant true
    %reduce_sum3A_320 = vector.broadcast %reduce_sum3A_319 : i1 to vector<16xi1>
    %reduce_sum3A_321 = tpu.scan <sum>, %select_n3A_318 masked %reduce_sum3A_320 : vector<16xi32>, vector<16xi1> -> vector<16xi32>
    %reduce_sum3A_322 = vector.extract %reduce_sum3A_321[15] : i32 from vector<16xi32>
    %eq3A_323 = arith.constant 6 : i32
    %eq3A_324 = vector.broadcast %eq3A_323 : i32 to vector<16xi32>
    %eq3A_325 = arith.cmpi eq, %iota3A, %eq3A_324 : vector<16xi32>
    %jit3A_326 = arith.constant 0 : i32
    %broadcast_in_dim3A_327 = vector.broadcast %jit3A_326 : i32 to vector<16xi32>
    %select_n3A_328 = arith.select %eq3A_325, %while3A_20, %broadcast_in_dim3A_327 : vector<16xi1>, vector<16xi32>
    %reduce_sum3A_329 = arith.constant true
    %reduce_sum3A_330 = vector.broadcast %reduce_sum3A_329 : i1 to vector<16xi1>
    %reduce_sum3A_331 = tpu.scan <sum>, %select_n3A_328 masked %reduce_sum3A_330 : vector<16xi32>, vector<16xi1> -> vector<16xi32>
    %reduce_sum3A_332 = vector.extract %reduce_sum3A_331[15] : i32 from vector<16xi32>
    %add3A_333 = arith.addi %add3A_312, %reduce_sum3A_332 : i32
    %add3A_334 = arith.constant 255 : i32
    %add3A_335 = arith.addi %reduce_sum3A_322, %add3A_334 : i32
    %jit3A_336 = arith.constant 256 : i32
    %div3A_337 = arith.divsi %add3A_335, %jit3A_336 : i32
    %sign3A_338 = arith.constant 0 : i32
    %sign3A_339 = arith.cmpi sgt, %add3A_335, %sign3A_338 : i32
    %sign3A_340 = arith.extui %sign3A_339 : i1 to i32
    %sign3A_341 = arith.constant 0 : i32
    %sign3A_342 = arith.cmpi slt, %add3A_335, %sign3A_341 : i32
    %sign3A_343 = arith.extui %sign3A_342 : i1 to i32
    %sign3A_344 = arith.subi %sign3A_340, %sign3A_343 : i32
    %sign3A_345 = arith.constant 0 : i32
    %sign3A_346 = arith.cmpi sgt, %jit3A_336, %sign3A_345 : i32
    %sign3A_347 = arith.extui %sign3A_346 : i1 to i32
    %sign3A_348 = arith.constant 0 : i32
    %sign3A_349 = arith.cmpi slt, %jit3A_336, %sign3A_348 : i32
    %sign3A_350 = arith.extui %sign3A_349 : i1 to i32
    %sign3A_351 = arith.subi %sign3A_347, %sign3A_350 : i32
    %ne3A_352 = arith.cmpi ne, %sign3A_344, %sign3A_351 : i32
    %rem3A_353 = arith.remsi %add3A_335, %jit3A_336 : i32
    %ne3A_354 = arith.constant 0 : i32
    %ne3A_355 = arith.cmpi ne, %rem3A_353, %ne3A_354 : i32
    %and3A_356 = arith.andi %ne3A_352, %ne3A_355 : i1
    %sub3A_357 = arith.constant 1 : i32
    %sub3A_358 = arith.subi %div3A_337, %sub3A_357 : i32
    %select_n3A_359 = arith.select %and3A_356, %sub3A_358, %div3A_337 : i32
    %mul3A_360 = arith.constant 256 : i32
    %mul3A_361 = arith.muli %select_n3A_359, %mul3A_360 : i32
    %add3A_362 = arith.addi %add3A_312, %mul3A_361 : i32
    %eq3A_363 = arith.constant 7 : i32
    %eq3A_364 = vector.broadcast %eq3A_363 : i32 to vector<16xi32>
    %eq3A_365 = arith.cmpi eq, %iota3A, %eq3A_364 : vector<16xi32>
    %jit3A_366 = arith.constant 0 : i32
    %broadcast_in_dim3A_367 = vector.broadcast %jit3A_366 : i32 to vector<16xi32>
    %select_n3A_368 = arith.select %eq3A_365, %scan3A_5, %broadcast_in_dim3A_367 : vector<16xi1>, vector<16xi32>
    %reduce_sum3A_369 = arith.constant true
    %reduce_sum3A_370 = vector.broadcast %reduce_sum3A_369 : i1 to vector<16xi1>
    %reduce_sum3A_371 = tpu.scan <sum>, %select_n3A_368 masked %reduce_sum3A_370 : vector<16xi32>, vector<16xi1> -> vector<16xi32>
    %reduce_sum3A_372 = vector.extract %reduce_sum3A_371[15] : i32 from vector<16xi32>
    %eq3A_373 = arith.constant 7 : i32
    %eq3A_374 = vector.broadcast %eq3A_373 : i32 to vector<16xi32>
    %eq3A_375 = arith.cmpi eq, %iota3A, %eq3A_374 : vector<16xi32>
    %jit3A_376 = arith.constant 0 : i32
    %broadcast_in_dim3A_377 = vector.broadcast %jit3A_376 : i32 to vector<16xi32>
    %select_n3A_378 = arith.select %eq3A_375, %while3A_20, %broadcast_in_dim3A_377 : vector<16xi1>, vector<16xi32>
    %reduce_sum3A_379 = arith.constant true
    %reduce_sum3A_380 = vector.broadcast %reduce_sum3A_379 : i1 to vector<16xi1>
    %reduce_sum3A_381 = tpu.scan <sum>, %select_n3A_378 masked %reduce_sum3A_380 : vector<16xi32>, vector<16xi1> -> vector<16xi32>
    %reduce_sum3A_382 = vector.extract %reduce_sum3A_381[15] : i32 from vector<16xi32>
    %add3A_383 = arith.addi %add3A_362, %reduce_sum3A_382 : i32
    %add3A_384 = arith.constant 255 : i32
    %add3A_385 = arith.addi %reduce_sum3A_372, %add3A_384 : i32
    %jit3A_386 = arith.constant 256 : i32
    %div3A_387 = arith.divsi %add3A_385, %jit3A_386 : i32
    %sign3A_388 = arith.constant 0 : i32
    %sign3A_389 = arith.cmpi sgt, %add3A_385, %sign3A_388 : i32
    %sign3A_390 = arith.extui %sign3A_389 : i1 to i32
    %sign3A_391 = arith.constant 0 : i32
    %sign3A_392 = arith.cmpi slt, %add3A_385, %sign3A_391 : i32
    %sign3A_393 = arith.extui %sign3A_392 : i1 to i32
    %sign3A_394 = arith.subi %sign3A_390, %sign3A_393 : i32
    %sign3A_395 = arith.constant 0 : i32
    %sign3A_396 = arith.cmpi sgt, %jit3A_386, %sign3A_395 : i32
    %sign3A_397 = arith.extui %sign3A_396 : i1 to i32
    %sign3A_398 = arith.constant 0 : i32
    %sign3A_399 = arith.cmpi slt, %jit3A_386, %sign3A_398 : i32
    %sign3A_400 = arith.extui %sign3A_399 : i1 to i32
    %sign3A_401 = arith.subi %sign3A_397, %sign3A_400 : i32
    %ne3A_402 = arith.cmpi ne, %sign3A_394, %sign3A_401 : i32
    %rem3A_403 = arith.remsi %add3A_385, %jit3A_386 : i32
    %ne3A_404 = arith.constant 0 : i32
    %ne3A_405 = arith.cmpi ne, %rem3A_403, %ne3A_404 : i32
    %and3A_406 = arith.andi %ne3A_402, %ne3A_405 : i1
    %sub3A_407 = arith.constant 1 : i32
    %sub3A_408 = arith.subi %div3A_387, %sub3A_407 : i32
    %select_n3A_409 = arith.select %and3A_406, %sub3A_408, %div3A_387 : i32
    %mul3A_410 = arith.constant 256 : i32
    %mul3A_411 = arith.muli %select_n3A_409, %mul3A_410 : i32
    %add3A_412 = arith.addi %add3A_362, %mul3A_411 : i32
    %mul3A_413 = arith.constant 128 : i32
    %mul3A_414 = arith.muli %add3A, %mul3A_413 : i32
    %add3A_415 = arith.constant 0 : i32
    %add3A_416 = arith.addi %mul3A_414, %add3A_415 : i32
    %get3A = arith.index_cast %add3A_416 : i32 to index
    %get3A_417 = tpu.vector_load %arg5[%get3A] {strides = array<i32>} : memref<4096xi32, #tpu.memory_space<vmem>>, vector<16xi32>,
    %broadcast_in_dim3A_418 = arith.constant 0 : i32
    %broadcast_in_dim3A_419 = vector.broadcast %broadcast_in_dim3A_418 : i32 to vector<16xi32>
    %eq3A_420 = arith.constant 0 : i32
    %eq3A_421 = vector.broadcast %eq3A_420 : i32 to vector<16xi32>
    %eq3A_422 = arith.cmpi eq, %get3A_417, %eq3A_421 : vector<16xi32>
    %jit3A_423 = arith.constant 1 : i32
    %jit3A_424 = arith.constant 0 : i32
    %broadcast_in_dim3A_425 = vector.broadcast %jit3A_423 : i32 to vector<16xi32>
    %broadcast_in_dim3A_426 = vector.broadcast %jit3A_424 : i32 to vector<16xi32>
    %select_n3A_427 = arith.select %eq3A_422, %broadcast_in_dim3A_425, %broadcast_in_dim3A_426 : vector<16xi1>, vector<16xi32>
    %broadcast_in_dim3A_428 = arith.constant true
    %broadcast_in_dim3A_429 = vector.broadcast %broadcast_in_dim3A_428 : i1 to vector<16xi1>
    %masked_cumsum3A = tpu.scan <sum>, %select_n3A_427 masked %broadcast_in_dim3A_429 : vector<16xi32>, vector<16xi1> -> vector<16xi32>
    %add3A_430 = vector.broadcast %add3A_38 : i32 to vector<16xi32>
    %add3A_431 = arith.addi %add3A_430, %masked_cumsum3A : vector<16xi32>
    %sub3A_432 = arith.constant 1 : i32
    %sub3A_433 = vector.broadcast %sub3A_432 : i32 to vector<16xi32>
    %sub3A_434 = arith.subi %add3A_431, %sub3A_433 : vector<16xi32>
    %select_n3A_435 = arith.select %eq3A_422, %sub3A_434, %broadcast_in_dim3A_419 : vector<16xi1>, vector<16xi32>
    %reduce_sum3A_436 = arith.constant true
    %reduce_sum3A_437 = vector.broadcast %reduce_sum3A_436 : i1 to vector<16xi1>
    %reduce_sum3A_438 = tpu.scan <sum>, %select_n3A_427 masked %reduce_sum3A_437 : vector<16xi32>, vector<16xi1> -> vector<16xi32>
    %reduce_sum3A_439 = vector.extract %reduce_sum3A_438[15] : i32 from vector<16xi32>
    %add3A_440 = arith.addi %add3A_38, %reduce_sum3A_439 : i32
    %eq3A_441 = arith.constant 1 : i32
    %eq3A_442 = vector.broadcast %eq3A_441 : i32 to vector<16xi32>
    %eq3A_443 = arith.cmpi eq, %get3A_417, %eq3A_442 : vector<16xi32>
    %jit3A_444 = arith.constant 1 : i32
    %jit3A_445 = arith.constant 0 : i32
    %broadcast_in_dim3A_446 = vector.broadcast %jit3A_444 : i32 to vector<16xi32>
    %broadcast_in_dim3A_447 = vector.broadcast %jit3A_445 : i32 to vector<16xi32>
    %select_n3A_448 = arith.select %eq3A_443, %broadcast_in_dim3A_446, %broadcast_in_dim3A_447 : vector<16xi1>, vector<16xi32>
    %broadcast_in_dim3A_449 = arith.constant true
    %broadcast_in_dim3A_450 = vector.broadcast %broadcast_in_dim3A_449 : i1 to vector<16xi1>
    %masked_cumsum3A_451 = tpu.scan <sum>, %select_n3A_448 masked %broadcast_in_dim3A_450 : vector<16xi32>, vector<16xi1> -> vector<16xi32>
    %add3A_452 = vector.broadcast %add3A_83 : i32 to vector<16xi32>
    %add3A_453 = arith.addi %add3A_452, %masked_cumsum3A_451 : vector<16xi32>
    %sub3A_454 = arith.constant 1 : i32
    %sub3A_455 = vector.broadcast %sub3A_454 : i32 to vector<16xi32>
    %sub3A_456 = arith.subi %add3A_453, %sub3A_455 : vector<16xi32>
    %select_n3A_457 = arith.select %eq3A_443, %sub3A_456, %select_n3A_435 : vector<16xi1>, vector<16xi32>
    %reduce_sum3A_458 = arith.constant true
    %reduce_sum3A_459 = vector.broadcast %reduce_sum3A_458 : i1 to vector<16xi1>
    %reduce_sum3A_460 = tpu.scan <sum>, %select_n3A_448 masked %reduce_sum3A_459 : vector<16xi32>, vector<16xi1> -> vector<16xi32>
    %reduce_sum3A_461 = vector.extract %reduce_sum3A_460[15] : i32 from vector<16xi32>
    %add3A_462 = arith.addi %add3A_83, %reduce_sum3A_461 : i32
    %eq3A_463 = arith.constant 2 : i32
    %eq3A_464 = vector.broadcast %eq3A_463 : i32 to vector<16xi32>
    %eq3A_465 = arith.cmpi eq, %get3A_417, %eq3A_464 : vector<16xi32>
    %jit3A_466 = arith.constant 1 : i32
    %jit3A_467 = arith.constant 0 : i32
    %broadcast_in_dim3A_468 = vector.broadcast %jit3A_466 : i32 to vector<16xi32>
    %broadcast_in_dim3A_469 = vector.broadcast %jit3A_467 : i32 to vector<16xi32>
    %select_n3A_470 = arith.select %eq3A_465, %broadcast_in_dim3A_468, %broadcast_in_dim3A_469 : vector<16xi1>, vector<16xi32>
    %broadcast_in_dim3A_471 = arith.constant true
    %broadcast_in_dim3A_472 = vector.broadcast %broadcast_in_dim3A_471 : i1 to vector<16xi1>
    %masked_cumsum3A_473 = tpu.scan <sum>, %select_n3A_470 masked %broadcast_in_dim3A_472 : vector<16xi32>, vector<16xi1> -> vector<16xi32>
    %add3A_474 = vector.broadcast %add3A_133 : i32 to vector<16xi32>
    %add3A_475 = arith.addi %add3A_474, %masked_cumsum3A_473 : vector<16xi32>
    %sub3A_476 = arith.constant 1 : i32
    %sub3A_477 = vector.broadcast %sub3A_476 : i32 to vector<16xi32>
    %sub3A_478 = arith.subi %add3A_475, %sub3A_477 : vector<16xi32>
    %select_n3A_479 = arith.select %eq3A_465, %sub3A_478, %select_n3A_457 : vector<16xi1>, vector<16xi32>
    %reduce_sum3A_480 = arith.constant true
    %reduce_sum3A_481 = vector.broadcast %reduce_sum3A_480 : i1 to vector<16xi1>
    %reduce_sum3A_482 = tpu.scan <sum>, %select_n3A_470 masked %reduce_sum3A_481 : vector<16xi32>, vector<16xi1> -> vector<16xi32>
    %reduce_sum3A_483 = vector.extract %reduce_sum3A_482[15] : i32 from vector<16xi32>
    %add3A_484 = arith.addi %add3A_133, %reduce_sum3A_483 : i32
    %eq3A_485 = arith.constant 3 : i32
    %eq3A_486 = vector.broadcast %eq3A_485 : i32 to vector<16xi32>
    %eq3A_487 = arith.cmpi eq, %get3A_417, %eq3A_486 : vector<16xi32>
    %jit3A_488 = arith.constant 1 : i32
    %jit3A_489 = arith.constant 0 : i32
    %broadcast_in_dim3A_490 = vector.broadcast %jit3A_488 : i32 to vector<16xi32>
    %broadcast_in_dim3A_491 = vector.broadcast %jit3A_489 : i32 to vector<16xi32>
    %select_n3A_492 = arith.select %eq3A_487, %broadcast_in_dim3A_490, %broadcast_in_dim3A_491 : vector<16xi1>, vector<16xi32>
    %broadcast_in_dim3A_493 = arith.constant true
    %broadcast_in_dim3A_494 = vector.broadcast %broadcast_in_dim3A_493 : i1 to vector<16xi1>
    %masked_cumsum3A_495 = tpu.scan <sum>, %select_n3A_492 masked %broadcast_in_dim3A_494 : vector<16xi32>, vector<16xi1> -> vector<16xi32>
    %add3A_496 = vector.broadcast %add3A_183 : i32 to vector<16xi32>
    %add3A_497 = arith.addi %add3A_496, %masked_cumsum3A_495 : vector<16xi32>
    %sub3A_498 = arith.constant 1 : i32
    %sub3A_499 = vector.broadcast %sub3A_498 : i32 to vector<16xi32>
    %sub3A_500 = arith.subi %add3A_497, %sub3A_499 : vector<16xi32>
    %select_n3A_501 = arith.select %eq3A_487, %sub3A_500, %select_n3A_479 : vector<16xi1>, vector<16xi32>
    %reduce_sum3A_502 = arith.constant true
    %reduce_sum3A_503 = vector.broadcast %reduce_sum3A_502 : i1 to vector<16xi1>
    %reduce_sum3A_504 = tpu.scan <sum>, %select_n3A_492 masked %reduce_sum3A_503 : vector<16xi32>, vector<16xi1> -> vector<16xi32>
    %reduce_sum3A_505 = vector.extract %reduce_sum3A_504[15] : i32 from vector<16xi32>
    %add3A_506 = arith.addi %add3A_183, %reduce_sum3A_505 : i32
    %eq3A_507 = arith.constant 4 : i32
    %eq3A_508 = vector.broadcast %eq3A_507 : i32 to vector<16xi32>
    %eq3A_509 = arith.cmpi eq, %get3A_417, %eq3A_508 : vector<16xi32>
    %jit3A_510 = arith.constant 1 : i32
    %jit3A_511 = arith.constant 0 : i32
    %broadcast_in_dim3A_512 = vector.broadcast %jit3A_510 : i32 to vector<16xi32>
    %broadcast_in_dim3A_513 = vector.broadcast %jit3A_511 : i32 to vector<16xi32>
    %select_n3A_514 = arith.select %eq3A_509, %broadcast_in_dim3A_512, %broadcast_in_dim3A_513 : vector<16xi1>, vector<16xi32>
    %broadcast_in_dim3A_515 = arith.constant true
    %broadcast_in_dim3A_516 = vector.broadcast %broadcast_in_dim3A_515 : i1 to vector<16xi1>
    %masked_cumsum3A_517 = tpu.scan <sum>, %select_n3A_514 masked %broadcast_in_dim3A_516 : vector<16xi32>, vector<16xi1> -> vector<16xi32>
    %add3A_518 = vector.broadcast %add3A_233 : i32 to vector<16xi32>
    %add3A_519 = arith.addi %add3A_518, %masked_cumsum3A_517 : vector<16xi32>
    %sub3A_520 = arith.constant 1 : i32
    %sub3A_521 = vector.broadcast %sub3A_520 : i32 to vector<16xi32>
    %sub3A_522 = arith.subi %add3A_519, %sub3A_521 : vector<16xi32>
    %select_n3A_523 = arith.select %eq3A_509, %sub3A_522, %select_n3A_501 : vector<16xi1>, vector<16xi32>
    %reduce_sum3A_524 = arith.constant true
    %reduce_sum3A_525 = vector.broadcast %reduce_sum3A_524 : i1 to vector<16xi1>
    %reduce_sum3A_526 = tpu.scan <sum>, %select_n3A_514 masked %reduce_sum3A_525 : vector<16xi32>, vector<16xi1> -> vector<16xi32>
    %reduce_sum3A_527 = vector.extract %reduce_sum3A_526[15] : i32 from vector<16xi32>
    %add3A_528 = arith.addi %add3A_233, %reduce_sum3A_527 : i32
    %eq3A_529 = arith.constant 5 : i32
    %eq3A_530 = vector.broadcast %eq3A_529 : i32 to vector<16xi32>
    %eq3A_531 = arith.cmpi eq, %get3A_417, %eq3A_530 : vector<16xi32>
    %jit3A_532 = arith.constant 1 : i32
    %jit3A_533 = arith.constant 0 : i32
    %broadcast_in_dim3A_534 = vector.broadcast %jit3A_532 : i32 to vector<16xi32>
    %broadcast_in_dim3A_535 = vector.broadcast %jit3A_533 : i32 to vector<16xi32>
    %select_n3A_536 = arith.select %eq3A_531, %broadcast_in_dim3A_534, %broadcast_in_dim3A_535 : vector<16xi1>, vector<16xi32>
    %broadcast_in_dim3A_537 = arith.constant true
    %broadcast_in_dim3A_538 = vector.broadcast %broadcast_in_dim3A_537 : i1 to vector<16xi1>
    %masked_cumsum3A_539 = tpu.scan <sum>, %select_n3A_536 masked %broadcast_in_dim3A_538 : vector<16xi32>, vector<16xi1> -> vector<16xi32>
    %add3A_540 = vector.broadcast %add3A_283 : i32 to vector<16xi32>
    %add3A_541 = arith.addi %add3A_540, %masked_cumsum3A_539 : vector<16xi32>
    %sub3A_542 = arith.constant 1 : i32
    %sub3A_543 = vector.broadcast %sub3A_542 : i32 to vector<16xi32>
    %sub3A_544 = arith.subi %add3A_541, %sub3A_543 : vector<16xi32>
    %select_n3A_545 = arith.select %eq3A_531, %sub3A_544, %select_n3A_523 : vector<16xi1>, vector<16xi32>
    %reduce_sum3A_546 = arith.constant true
    %reduce_sum3A_547 = vector.broadcast %reduce_sum3A_546 : i1 to vector<16xi1>
    %reduce_sum3A_548 = tpu.scan <sum>, %select_n3A_536 masked %reduce_sum3A_547 : vector<16xi32>, vector<16xi1> -> vector<16xi32>
    %reduce_sum3A_549 = vector.extract %reduce_sum3A_548[15] : i32 from vector<16xi32>
    %add3A_550 = arith.addi %add3A_283, %reduce_sum3A_549 : i32
    %eq3A_551 = arith.constant 6 : i32
    %eq3A_552 = vector.broadcast %eq3A_551 : i32 to vector<16xi32>
    %eq3A_553 = arith.cmpi eq, %get3A_417, %eq3A_552 : vector<16xi32>
    %jit3A_554 = arith.constant 1 : i32
    %jit3A_555 = arith.constant 0 : i32
    %broadcast_in_dim3A_556 = vector.broadcast %jit3A_554 : i32 to vector<16xi32>
    %broadcast_in_dim3A_557 = vector.broadcast %jit3A_555 : i32 to vector<16xi32>
    %select_n3A_558 = arith.select %eq3A_553, %broadcast_in_dim3A_556, %broadcast_in_dim3A_557 : vector<16xi1>, vector<16xi32>
    %broadcast_in_dim3A_559 = arith.constant true
    %broadcast_in_dim3A_560 = vector.broadcast %broadcast_in_dim3A_559 : i1 to vector<16xi1>
    %masked_cumsum3A_561 = tpu.scan <sum>, %select_n3A_558 masked %broadcast_in_dim3A_560 : vector<16xi32>, vector<16xi1> -> vector<16xi32>
    %add3A_562 = vector.broadcast %add3A_333 : i32 to vector<16xi32>
    %add3A_563 = arith.addi %add3A_562, %masked_cumsum3A_561 : vector<16xi32>
    %sub3A_564 = arith.constant 1 : i32
    %sub3A_565 = vector.broadcast %sub3A_564 : i32 to vector<16xi32>
    %sub3A_566 = arith.subi %add3A_563, %sub3A_565 : vector<16xi32>
    %select_n3A_567 = arith.select %eq3A_553, %sub3A_566, %select_n3A_545 : vector<16xi1>, vector<16xi32>
    %reduce_sum3A_568 = arith.constant true
    %reduce_sum3A_569 = vector.broadcast %reduce_sum3A_568 : i1 to vector<16xi1>
    %reduce_sum3A_570 = tpu.scan <sum>, %select_n3A_558 masked %reduce_sum3A_569 : vector<16xi32>, vector<16xi1> -> vector<16xi32>
    %reduce_sum3A_571 = vector.extract %reduce_sum3A_570[15] : i32 from vector<16xi32>
    %add3A_572 = arith.addi %add3A_333, %reduce_sum3A_571 : i32
    %eq3A_573 = arith.constant 7 : i32
    %eq3A_574 = vector.broadcast %eq3A_573 : i32 to vector<16xi32>
    %eq3A_575 = arith.cmpi eq, %get3A_417, %eq3A_574 : vector<16xi32>
    %jit3A_576 = arith.constant 1 : i32
    %jit3A_577 = arith.constant 0 : i32
    %broadcast_in_dim3A_578 = vector.broadcast %jit3A_576 : i32 to vector<16xi32>
    %broadcast_in_dim3A_579 = vector.broadcast %jit3A_577 : i32 to vector<16xi32>
    %select_n3A_580 = arith.select %eq3A_575, %broadcast_in_dim3A_578, %broadcast_in_dim3A_579 : vector<16xi1>, vector<16xi32>
    %broadcast_in_dim3A_581 = arith.constant true
    %broadcast_in_dim3A_582 = vector.broadcast %broadcast_in_dim3A_581 : i1 to vector<16xi1>
    %masked_cumsum3A_583 = tpu.scan <sum>, %select_n3A_580 masked %broadcast_in_dim3A_582 : vector<16xi32>, vector<16xi1> -> vector<16xi32>
    %add3A_584 = vector.broadcast %add3A_383 : i32 to vector<16xi32>
    %add3A_585 = arith.addi %add3A_584, %masked_cumsum3A_583 : vector<16xi32>
    %sub3A_586 = arith.constant 1 : i32
    %sub3A_587 = vector.broadcast %sub3A_586 : i32 to vector<16xi32>
    %sub3A_588 = arith.subi %add3A_585, %sub3A_587 : vector<16xi32>
    %select_n3A_589 = arith.select %eq3A_575, %sub3A_588, %select_n3A_567 : vector<16xi1>, vector<16xi32>
    %reduce_sum3A_590 = arith.constant true
    %reduce_sum3A_591 = vector.broadcast %reduce_sum3A_590 : i1 to vector<16xi1>
    %reduce_sum3A_592 = tpu.scan <sum>, %select_n3A_580 masked %reduce_sum3A_591 : vector<16xi32>, vector<16xi1> -> vector<16xi32>
    %reduce_sum3A_593 = vector.extract %reduce_sum3A_592[15] : i32 from vector<16xi32>
    %add3A_594 = arith.addi %add3A_383, %reduce_sum3A_593 : i32
    %swap3A = arith.constant 0 : index
    %swap3A_595 = tpu.vector_load %arg6[%swap3A] {strides = array<i32>} : memref<128xi32, #tpu.memory_space<vmem>>, vector<16xi32>,
    tpu.vector_store %arg6[%swap3A], %select_n3A_589 {strides = array<i32>} : memref<128xi32, #tpu.memory_space<vmem>>, vector<16xi32>,
    %mul3A_596 = arith.constant 128 : i32
    %mul3A_597 = arith.muli %add3A, %mul3A_596 : i32
    %add3A_598 = arith.constant 16 : i32
    %add3A_599 = arith.addi %mul3A_597, %add3A_598 : i32
    %get3A_600 = arith.index_cast %add3A_599 : i32 to index
    %get3A_601 = tpu.vector_load %arg5[%get3A_600] {strides = array<i32>} : memref<4096xi32, #tpu.memory_space<vmem>>, vector<16xi32>,
    %broadcast_in_dim3A_602 = arith.constant 0 : i32
    %broadcast_in_dim3A_603 = vector.broadcast %broadcast_in_dim3A_602 : i32 to vector<16xi32>
    %eq3A_604 = arith.constant 0 : i32
    %eq3A_605 = vector.broadcast %eq3A_604 : i32 to vector<16xi32>
    %eq3A_606 = arith.cmpi eq, %get3A_601, %eq3A_605 : vector<16xi32>
    %jit3A_607 = arith.constant 1 : i32
    %jit3A_608 = arith.constant 0 : i32
    %broadcast_in_dim3A_609 = vector.broadcast %jit3A_607 : i32 to vector<16xi32>
    %broadcast_in_dim3A_610 = vector.broadcast %jit3A_608 : i32 to vector<16xi32>
    %select_n3A_611 = arith.select %eq3A_606, %broadcast_in_dim3A_609, %broadcast_in_dim3A_610 : vector<16xi1>, vector<16xi32>
    %broadcast_in_dim3A_612 = arith.constant true
    %broadcast_in_dim3A_613 = vector.broadcast %broadcast_in_dim3A_612 : i1 to vector<16xi1>
    %masked_cumsum3A_614 = tpu.scan <sum>, %select_n3A_611 masked %broadcast_in_dim3A_613 : vector<16xi32>, vector<16xi1> -> vector<16xi32>
    %add3A_615 = vector.broadcast %add3A_440 : i32 to vector<16xi32>
    %add3A_616 = arith.addi %add3A_615, %masked_cumsum3A_614 : vector<16xi32>
    %sub3A_617 = arith.constant 1 : i32
    %sub3A_618 = vector.broadcast %sub3A_617 : i32 to vector<16xi32>
    %sub3A_619 = arith.subi %add3A_616, %sub3A_618 : vector<16xi32>
    %select_n3A_620 = arith.select %eq3A_606, %sub3A_619, %broadcast_in_dim3A_603 : vector<16xi1>, vector<16xi32>
    %reduce_sum3A_621 = arith.constant true
    %reduce_sum3A_622 = vector.broadcast %reduce_sum3A_621 : i1 to vector<16xi1>
    %reduce_sum3A_623 = tpu.scan <sum>, %select_n3A_611 masked %reduce_sum3A_622 : vector<16xi32>, vector<16xi1> -> vector<16xi32>
    %reduce_sum3A_624 = vector.extract %reduce_sum3A_623[15] : i32 from vector<16xi32>
    %add3A_625 = arith.addi %add3A_440, %reduce_sum3A_624 : i32
    %eq3A_626 = arith.constant 1 : i32
    %eq3A_627 = vector.broadcast %eq3A_626 : i32 to vector<16xi32>
    %eq3A_628 = arith.cmpi eq, %get3A_601, %eq3A_627 : vector<16xi32>
    %jit3A_629 = arith.constant 1 : i32
    %jit3A_630 = arith.constant 0 : i32
    %broadcast_in_dim3A_631 = vector.broadcast %jit3A_629 : i32 to vector<16xi32>
    %broadcast_in_dim3A_632 = vector.broadcast %jit3A_630 : i32 to vector<16xi32>
    %select_n3A_633 = arith.select %eq3A_628, %broadcast_in_dim3A_631, %broadcast_in_dim3A_632 : vector<16xi1>, vector<16xi32>
    %broadcast_in_dim3A_634 = arith.constant true
    %broadcast_in_dim3A_635 = vector.broadcast %broadcast_in_dim3A_634 : i1 to vector<16xi1>
    %masked_cumsum3A_636 = tpu.scan <sum>, %select_n3A_633 masked %broadcast_in_dim3A_635 : vector<16xi32>, vector<16xi1> -> vector<16xi32>
    %add3A_637 = vector.broadcast %add3A_462 : i32 to vector<16xi32>
    %add3A_638 = arith.addi %add3A_637, %masked_cumsum3A_636 : vector<16xi32>
    %sub3A_639 = arith.constant 1 : i32
    %sub3A_640 = vector.broadcast %sub3A_639 : i32 to vector<16xi32>
    %sub3A_641 = arith.subi %add3A_638, %sub3A_640 : vector<16xi32>
    %select_n3A_642 = arith.select %eq3A_628, %sub3A_641, %select_n3A_620 : vector<16xi1>, vector<16xi32>
    %reduce_sum3A_643 = arith.constant true
    %reduce_sum3A_644 = vector.broadcast %reduce_sum3A_643 : i1 to vector<16xi1>
    %reduce_sum3A_645 = tpu.scan <sum>, %select_n3A_633 masked %reduce_sum3A_644 : vector<16xi32>, vector<16xi1> -> vector<16xi32>
    %reduce_sum3A_646 = vector.extract %reduce_sum3A_645[15] : i32 from vector<16xi32>
    %add3A_647 = arith.addi %add3A_462, %reduce_sum3A_646 : i32
    %eq3A_648 = arith.constant 2 : i32
    %eq3A_649 = vector.broadcast %eq3A_648 : i32 to vector<16xi32>
    %eq3A_650 = arith.cmpi eq, %get3A_601, %eq3A_649 : vector<16xi32>
    %jit3A_651 = arith.constant 1 : i32
    %jit3A_652 = arith.constant 0 : i32
    %broadcast_in_dim3A_653 = vector.broadcast %jit3A_651 : i32 to vector<16xi32>
    %broadcast_in_dim3A_654 = vector.broadcast %jit3A_652 : i32 to vector<16xi32>
    %select_n3A_655 = arith.select %eq3A_650, %broadcast_in_dim3A_653, %broadcast_in_dim3A_654 : vector<16xi1>, vector<16xi32>
    %broadcast_in_dim3A_656 = arith.constant true
    %broadcast_in_dim3A_657 = vector.broadcast %broadcast_in_dim3A_656 : i1 to vector<16xi1>
    %masked_cumsum3A_658 = tpu.scan <sum>, %select_n3A_655 masked %broadcast_in_dim3A_657 : vector<16xi32>, vector<16xi1> -> vector<16xi32>
    %add3A_659 = vector.broadcast %add3A_484 : i32 to vector<16xi32>
    %add3A_660 = arith.addi %add3A_659, %masked_cumsum3A_658 : vector<16xi32>
    %sub3A_661 = arith.constant 1 : i32
    %sub3A_662 = vector.broadcast %sub3A_661 : i32 to vector<16xi32>
    %sub3A_663 = arith.subi %add3A_660, %sub3A_662 : vector<16xi32>
    %select_n3A_664 = arith.select %eq3A_650, %sub3A_663, %select_n3A_642 : vector<16xi1>, vector<16xi32>
    %reduce_sum3A_665 = arith.constant true
    %reduce_sum3A_666 = vector.broadcast %reduce_sum3A_665 : i1 to vector<16xi1>
    %reduce_sum3A_667 = tpu.scan <sum>, %select_n3A_655 masked %reduce_sum3A_666 : vector<16xi32>, vector<16xi1> -> vector<16xi32>
    %reduce_sum3A_668 = vector.extract %reduce_sum3A_667[15] : i32 from vector<16xi32>
    %add3A_669 = arith.addi %add3A_484, %reduce_sum3A_668 : i32
    %eq3A_670 = arith.constant 3 : i32
    %eq3A_671 = vector.broadcast %eq3A_670 : i32 to vector<16xi32>
    %eq3A_672 = arith.cmpi eq, %get3A_601, %eq3A_671 : vector<16xi32>
    %jit3A_673 = arith.constant 1 : i32
    %jit3A_674 = arith.constant 0 : i32
    %broadcast_in_dim3A_675 = vector.broadcast %jit3A_673 : i32 to vector<16xi32>
    %broadcast_in_dim3A_676 = vector.broadcast %jit3A_674 : i32 to vector<16xi32>
    %select_n3A_677 = arith.select %eq3A_672, %broadcast_in_dim3A_675, %broadcast_in_dim3A_676 : vector<16xi1>, vector<16xi32>
    %broadcast_in_dim3A_678 = arith.constant true
    %broadcast_in_dim3A_679 = vector.broadcast %broadcast_in_dim3A_678 : i1 to vector<16xi1>
    %masked_cumsum3A_680 = tpu.scan <sum>, %select_n3A_677 masked %broadcast_in_dim3A_679 : vector<16xi32>, vector<16xi1> -> vector<16xi32>
    %add3A_681 = vector.broadcast %add3A_506 : i32 to vector<16xi32>
    %add3A_682 = arith.addi %add3A_681, %masked_cumsum3A_680 : vector<16xi32>
    %sub3A_683 = arith.constant 1 : i32
    %sub3A_684 = vector.broadcast %sub3A_683 : i32 to vector<16xi32>
    %sub3A_685 = arith.subi %add3A_682, %sub3A_684 : vector<16xi32>
    %select_n3A_686 = arith.select %eq3A_672, %sub3A_685, %select_n3A_664 : vector<16xi1>, vector<16xi32>
    %reduce_sum3A_687 = arith.constant true
    %reduce_sum3A_688 = vector.broadcast %reduce_sum3A_687 : i1 to vector<16xi1>
    %reduce_sum3A_689 = tpu.scan <sum>, %select_n3A_677 masked %reduce_sum3A_688 : vector<16xi32>, vector<16xi1> -> vector<16xi32>
    %reduce_sum3A_690 = vector.extract %reduce_sum3A_689[15] : i32 from vector<16xi32>
    %add3A_691 = arith.addi %add3A_506, %reduce_sum3A_690 : i32
    %eq3A_692 = arith.constant 4 : i32
    %eq3A_693 = vector.broadcast %eq3A_692 : i32 to vector<16xi32>
    %eq3A_694 = arith.cmpi eq, %get3A_601, %eq3A_693 : vector<16xi32>
    %jit3A_695 = arith.constant 1 : i32
    %jit3A_696 = arith.constant 0 : i32
    %broadcast_in_dim3A_697 = vector.broadcast %jit3A_695 : i32 to vector<16xi32>
    %broadcast_in_dim3A_698 = vector.broadcast %jit3A_696 : i32 to vector<16xi32>
    %select_n3A_699 = arith.select %eq3A_694, %broadcast_in_dim3A_697, %broadcast_in_dim3A_698 : vector<16xi1>, vector<16xi32>
    %broadcast_in_dim3A_700 = arith.constant true
    %broadcast_in_dim3A_701 = vector.broadcast %broadcast_in_dim3A_700 : i1 to vector<16xi1>
    %masked_cumsum3A_702 = tpu.scan <sum>, %select_n3A_699 masked %broadcast_in_dim3A_701 : vector<16xi32>, vector<16xi1> -> vector<16xi32>
    %add3A_703 = vector.broadcast %add3A_528 : i32 to vector<16xi32>
    %add3A_704 = arith.addi %add3A_703, %masked_cumsum3A_702 : vector<16xi32>
    %sub3A_705 = arith.constant 1 : i32
    %sub3A_706 = vector.broadcast %sub3A_705 : i32 to vector<16xi32>
    %sub3A_707 = arith.subi %add3A_704, %sub3A_706 : vector<16xi32>
    %select_n3A_708 = arith.select %eq3A_694, %sub3A_707, %select_n3A_686 : vector<16xi1>, vector<16xi32>
    %reduce_sum3A_709 = arith.constant true
    %reduce_sum3A_710 = vector.broadcast %reduce_sum3A_709 : i1 to vector<16xi1>
    %reduce_sum3A_711 = tpu.scan <sum>, %select_n3A_699 masked %reduce_sum3A_710 : vector<16xi32>, vector<16xi1> -> vector<16xi32>
    %reduce_sum3A_712 = vector.extract %reduce_sum3A_711[15] : i32 from vector<16xi32>
    %add3A_713 = arith.addi %add3A_528, %reduce_sum3A_712 : i32
    %eq3A_714 = arith.constant 5 : i32
    %eq3A_715 = vector.broadcast %eq3A_714 : i32 to vector<16xi32>
    %eq3A_716 = arith.cmpi eq, %get3A_601, %eq3A_715 : vector<16xi32>
    %jit3A_717 = arith.constant 1 : i32
    %jit3A_718 = arith.constant 0 : i32
    %broadcast_in_dim3A_719 = vector.broadcast %jit3A_717 : i32 to vector<16xi32>
    %broadcast_in_dim3A_720 = vector.broadcast %jit3A_718 : i32 to vector<16xi32>
    %select_n3A_721 = arith.select %eq3A_716, %broadcast_in_dim3A_719, %broadcast_in_dim3A_720 : vector<16xi1>, vector<16xi32>
    %broadcast_in_dim3A_722 = arith.constant true
    %broadcast_in_dim3A_723 = vector.broadcast %broadcast_in_dim3A_722 : i1 to vector<16xi1>
    %masked_cumsum3A_724 = tpu.scan <sum>, %select_n3A_721 masked %broadcast_in_dim3A_723 : vector<16xi32>, vector<16xi1> -> vector<16xi32>
    %add3A_725 = vector.broadcast %add3A_550 : i32 to vector<16xi32>
    %add3A_726 = arith.addi %add3A_725, %masked_cumsum3A_724 : vector<16xi32>
    %sub3A_727 = arith.constant 1 : i32
    %sub3A_728 = vector.broadcast %sub3A_727 : i32 to vector<16xi32>
    %sub3A_729 = arith.subi %add3A_726, %sub3A_728 : vector<16xi32>
    %select_n3A_730 = arith.select %eq3A_716, %sub3A_729, %select_n3A_708 : vector<16xi1>, vector<16xi32>
    %reduce_sum3A_731 = arith.constant true
    %reduce_sum3A_732 = vector.broadcast %reduce_sum3A_731 : i1 to vector<16xi1>
    %reduce_sum3A_733 = tpu.scan <sum>, %select_n3A_721 masked %reduce_sum3A_732 : vector<16xi32>, vector<16xi1> -> vector<16xi32>
    %reduce_sum3A_734 = vector.extract %reduce_sum3A_733[15] : i32 from vector<16xi32>
    %add3A_735 = arith.addi %add3A_550, %reduce_sum3A_734 : i32
    %eq3A_736 = arith.constant 6 : i32
    %eq3A_737 = vector.broadcast %eq3A_736 : i32 to vector<16xi32>
    %eq3A_738 = arith.cmpi eq, %get3A_601, %eq3A_737 : vector<16xi32>
    %jit3A_739 = arith.constant 1 : i32
    %jit3A_740 = arith.constant 0 : i32
    %broadcast_in_dim3A_741 = vector.broadcast %jit3A_739 : i32 to vector<16xi32>
    %broadcast_in_dim3A_742 = vector.broadcast %jit3A_740 : i32 to vector<16xi32>
    %select_n3A_743 = arith.select %eq3A_738, %broadcast_in_dim3A_741, %broadcast_in_dim3A_742 : vector<16xi1>, vector<16xi32>
    %broadcast_in_dim3A_744 = arith.constant true
    %broadcast_in_dim3A_745 = vector.broadcast %broadcast_in_dim3A_744 : i1 to vector<16xi1>
    %masked_cumsum3A_746 = tpu.scan <sum>, %select_n3A_743 masked %broadcast_in_dim3A_745 : vector<16xi32>, vector<16xi1> -> vector<16xi32>
    %add3A_747 = vector.broadcast %add3A_572 : i32 to vector<16xi32>
    %add3A_748 = arith.addi %add3A_747, %masked_cumsum3A_746 : vector<16xi32>
    %sub3A_749 = arith.constant 1 : i32
    %sub3A_750 = vector.broadcast %sub3A_749 : i32 to vector<16xi32>
    %sub3A_751 = arith.subi %add3A_748, %sub3A_750 : vector<16xi32>
    %select_n3A_752 = arith.select %eq3A_738, %sub3A_751, %select_n3A_730 : vector<16xi1>, vector<16xi32>
    %reduce_sum3A_753 = arith.constant true
    %reduce_sum3A_754 = vector.broadcast %reduce_sum3A_753 : i1 to vector<16xi1>
    %reduce_sum3A_755 = tpu.scan <sum>, %select_n3A_743 masked %reduce_sum3A_754 : vector<16xi32>, vector<16xi1> -> vector<16xi32>
    %reduce_sum3A_756 = vector.extract %reduce_sum3A_755[15] : i32 from vector<16xi32>
    %add3A_757 = arith.addi %add3A_572, %reduce_sum3A_756 : i32
    %eq3A_758 = arith.constant 7 : i32
    %eq3A_759 = vector.broadcast %eq3A_758 : i32 to vector<16xi32>
    %eq3A_760 = arith.cmpi eq, %get3A_601, %eq3A_759 : vector<16xi32>
    %jit3A_761 = arith.constant 1 : i32
    %jit3A_762 = arith.constant 0 : i32
    %broadcast_in_dim3A_763 = vector.broadcast %jit3A_761 : i32 to vector<16xi32>
    %broadcast_in_dim3A_764 = vector.broadcast %jit3A_762 : i32 to vector<16xi32>
    %select_n3A_765 = arith.select %eq3A_760, %broadcast_in_dim3A_763, %broadcast_in_dim3A_764 : vector<16xi1>, vector<16xi32>
    %broadcast_in_dim3A_766 = arith.constant true
    %broadcast_in_dim3A_767 = vector.broadcast %broadcast_in_dim3A_766 : i1 to vector<16xi1>
    %masked_cumsum3A_768 = tpu.scan <sum>, %select_n3A_765 masked %broadcast_in_dim3A_767 : vector<16xi32>, vector<16xi1> -> vector<16xi32>
    %add3A_769 = vector.broadcast %add3A_594 : i32 to vector<16xi32>
    %add3A_770 = arith.addi %add3A_769, %masked_cumsum3A_768 : vector<16xi32>
    %sub3A_771 = arith.constant 1 : i32
    %sub3A_772 = vector.broadcast %sub3A_771 : i32 to vector<16xi32>
    %sub3A_773 = arith.subi %add3A_770, %sub3A_772 : vector<16xi32>
    %select_n3A_774 = arith.select %eq3A_760, %sub3A_773, %select_n3A_752 : vector<16xi1>, vector<16xi32>
    %reduce_sum3A_775 = arith.constant true
    %reduce_sum3A_776 = vector.broadcast %reduce_sum3A_775 : i1 to vector<16xi1>
    %reduce_sum3A_777 = tpu.scan <sum>, %select_n3A_765 masked %reduce_sum3A_776 : vector<16xi32>, vector<16xi1> -> vector<16xi32>
    %reduce_sum3A_778 = vector.extract %reduce_sum3A_777[15] : i32 from vector<16xi32>
    %add3A_779 = arith.addi %add3A_594, %reduce_sum3A_778 : i32
    %swap3A_780 = arith.constant 16 : index
    %swap3A_781 = tpu.vector_load %arg6[%swap3A_780] {strides = array<i32>} : memref<128xi32, #tpu.memory_space<vmem>>, vector<16xi32>,
    tpu.vector_store %arg6[%swap3A_780], %select_n3A_774 {strides = array<i32>} : memref<128xi32, #tpu.memory_space<vmem>>, vector<16xi32>,
    %mul3A_782 = arith.constant 128 : i32
    %mul3A_783 = arith.muli %add3A, %mul3A_782 : i32
    %add3A_784 = arith.constant 32 : i32
    %add3A_785 = arith.addi %mul3A_783, %add3A_784 : i32
    %get3A_786 = arith.index_cast %add3A_785 : i32 to index
    %get3A_787 = tpu.vector_load %arg5[%get3A_786] {strides = array<i32>} : memref<4096xi32, #tpu.memory_space<vmem>>, vector<16xi32>,
    %broadcast_in_dim3A_788 = arith.constant 0 : i32
    %broadcast_in_dim3A_789 = vector.broadcast %broadcast_in_dim3A_788 : i32 to vector<16xi32>
    %eq3A_790 = arith.constant 0 : i32
    %eq3A_791 = vector.broadcast %eq3A_790 : i32 to vector<16xi32>
    %eq3A_792 = arith.cmpi eq, %get3A_787, %eq3A_791 : vector<16xi32>
    %jit3A_793 = arith.constant 1 : i32
    %jit3A_794 = arith.constant 0 : i32
    %broadcast_in_dim3A_795 = vector.broadcast %jit3A_793 : i32 to vector<16xi32>
    %broadcast_in_dim3A_796 = vector.broadcast %jit3A_794 : i32 to vector<16xi32>
    %select_n3A_797 = arith.select %eq3A_792, %broadcast_in_dim3A_795, %broadcast_in_dim3A_796 : vector<16xi1>, vector<16xi32>
    %broadcast_in_dim3A_798 = arith.constant true
    %broadcast_in_dim3A_799 = vector.broadcast %broadcast_in_dim3A_798 : i1 to vector<16xi1>
    %masked_cumsum3A_800 = tpu.scan <sum>, %select_n3A_797 masked %broadcast_in_dim3A_799 : vector<16xi32>, vector<16xi1> -> vector<16xi32>
    %add3A_801 = vector.broadcast %add3A_625 : i32 to vector<16xi32>
    %add3A_802 = arith.addi %add3A_801, %masked_cumsum3A_800 : vector<16xi32>
    %sub3A_803 = arith.constant 1 : i32
    %sub3A_804 = vector.broadcast %sub3A_803 : i32 to vector<16xi32>
    %sub3A_805 = arith.subi %add3A_802, %sub3A_804 : vector<16xi32>
    %select_n3A_806 = arith.select %eq3A_792, %sub3A_805, %broadcast_in_dim3A_789 : vector<16xi1>, vector<16xi32>
    %reduce_sum3A_807 = arith.constant true
    %reduce_sum3A_808 = vector.broadcast %reduce_sum3A_807 : i1 to vector<16xi1>
    %reduce_sum3A_809 = tpu.scan <sum>, %select_n3A_797 masked %reduce_sum3A_808 : vector<16xi32>, vector<16xi1> -> vector<16xi32>
    %reduce_sum3A_810 = vector.extract %reduce_sum3A_809[15] : i32 from vector<16xi32>
    %add3A_811 = arith.addi %add3A_625, %reduce_sum3A_810 : i32
    %eq3A_812 = arith.constant 1 : i32
    %eq3A_813 = vector.broadcast %eq3A_812 : i32 to vector<16xi32>
    %eq3A_814 = arith.cmpi eq, %get3A_787, %eq3A_813 : vector<16xi32>
    %jit3A_815 = arith.constant 1 : i32
    %jit3A_816 = arith.constant 0 : i32
    %broadcast_in_dim3A_817 = vector.broadcast %jit3A_815 : i32 to vector<16xi32>
    %broadcast_in_dim3A_818 = vector.broadcast %jit3A_816 : i32 to vector<16xi32>
    %select_n3A_819 = arith.select %eq3A_814, %broadcast_in_dim3A_817, %broadcast_in_dim3A_818 : vector<16xi1>, vector<16xi32>
    %broadcast_in_dim3A_820 = arith.constant true
    %broadcast_in_dim3A_821 = vector.broadcast %broadcast_in_dim3A_820 : i1 to vector<16xi1>
    %masked_cumsum3A_822 = tpu.scan <sum>, %select_n3A_819 masked %broadcast_in_dim3A_821 : vector<16xi32>, vector<16xi1> -> vector<16xi32>
    %add3A_823 = vector.broadcast %add3A_647 : i32 to vector<16xi32>
    %add3A_824 = arith.addi %add3A_823, %masked_cumsum3A_822 : vector<16xi32>
    %sub3A_825 = arith.constant 1 : i32
    %sub3A_826 = vector.broadcast %sub3A_825 : i32 to vector<16xi32>
    %sub3A_827 = arith.subi %add3A_824, %sub3A_826 : vector<16xi32>
    %select_n3A_828 = arith.select %eq3A_814, %sub3A_827, %select_n3A_806 : vector<16xi1>, vector<16xi32>
    %reduce_sum3A_829 = arith.constant true
    %reduce_sum3A_830 = vector.broadcast %reduce_sum3A_829 : i1 to vector<16xi1>
    %reduce_sum3A_831 = tpu.scan <sum>, %select_n3A_819 masked %reduce_sum3A_830 : vector<16xi32>, vector<16xi1> -> vector<16xi32>
    %reduce_sum3A_832 = vector.extract %reduce_sum3A_831[15] : i32 from vector<16xi32>
    %add3A_833 = arith.addi %add3A_647, %reduce_sum3A_832 : i32
    %eq3A_834 = arith.constant 2 : i32
    %eq3A_835 = vector.broadcast %eq3A_834 : i32 to vector<16xi32>
    %eq3A_836 = arith.cmpi eq, %get3A_787, %eq3A_835 : vector<16xi32>
    %jit3A_837 = arith.constant 1 : i32
    %jit3A_838 = arith.constant 0 : i32
    %broadcast_in_dim3A_839 = vector.broadcast %jit3A_837 : i32 to vector<16xi32>
    %broadcast_in_dim3A_840 = vector.broadcast %jit3A_838 : i32 to vector<16xi32>
    %select_n3A_841 = arith.select %eq3A_836, %broadcast_in_dim3A_839, %broadcast_in_dim3A_840 : vector<16xi1>, vector<16xi32>
    %broadcast_in_dim3A_842 = arith.constant true
    %broadcast_in_dim3A_843 = vector.broadcast %broadcast_in_dim3A_842 : i1 to vector<16xi1>
    %masked_cumsum3A_844 = tpu.scan <sum>, %select_n3A_841 masked %broadcast_in_dim3A_843 : vector<16xi32>, vector<16xi1> -> vector<16xi32>
    %add3A_845 = vector.broadcast %add3A_669 : i32 to vector<16xi32>
    %add3A_846 = arith.addi %add3A_845, %masked_cumsum3A_844 : vector<16xi32>
    %sub3A_847 = arith.constant 1 : i32
    %sub3A_848 = vector.broadcast %sub3A_847 : i32 to vector<16xi32>
    %sub3A_849 = arith.subi %add3A_846, %sub3A_848 : vector<16xi32>
    %select_n3A_850 = arith.select %eq3A_836, %sub3A_849, %select_n3A_828 : vector<16xi1>, vector<16xi32>
    %reduce_sum3A_851 = arith.constant true
    %reduce_sum3A_852 = vector.broadcast %reduce_sum3A_851 : i1 to vector<16xi1>
    %reduce_sum3A_853 = tpu.scan <sum>, %select_n3A_841 masked %reduce_sum3A_852 : vector<16xi32>, vector<16xi1> -> vector<16xi32>
    %reduce_sum3A_854 = vector.extract %reduce_sum3A_853[15] : i32 from vector<16xi32>
    %add3A_855 = arith.addi %add3A_669, %reduce_sum3A_854 : i32
    %eq3A_856 = arith.constant 3 : i32
    %eq3A_857 = vector.broadcast %eq3A_856 : i32 to vector<16xi32>
    %eq3A_858 = arith.cmpi eq, %get3A_787, %eq3A_857 : vector<16xi32>
    %jit3A_859 = arith.constant 1 : i32
    %jit3A_860 = arith.constant 0 : i32
    %broadcast_in_dim3A_861 = vector.broadcast %jit3A_859 : i32 to vector<16xi32>
    %broadcast_in_dim3A_862 = vector.broadcast %jit3A_860 : i32 to vector<16xi32>
    %select_n3A_863 = arith.select %eq3A_858, %broadcast_in_dim3A_861, %broadcast_in_dim3A_862 : vector<16xi1>, vector<16xi32>
    %broadcast_in_dim3A_864 = arith.constant true
    %broadcast_in_dim3A_865 = vector.broadcast %broadcast_in_dim3A_864 : i1 to vector<16xi1>
    %masked_cumsum3A_866 = tpu.scan <sum>, %select_n3A_863 masked %broadcast_in_dim3A_865 : vector<16xi32>, vector<16xi1> -> vector<16xi32>
    %add3A_867 = vector.broadcast %add3A_691 : i32 to vector<16xi32>
    %add3A_868 = arith.addi %add3A_867, %masked_cumsum3A_866 : vector<16xi32>
    %sub3A_869 = arith.constant 1 : i32
    %sub3A_870 = vector.broadcast %sub3A_869 : i32 to vector<16xi32>
    %sub3A_871 = arith.subi %add3A_868, %sub3A_870 : vector<16xi32>
    %select_n3A_872 = arith.select %eq3A_858, %sub3A_871, %select_n3A_850 : vector<16xi1>, vector<16xi32>
    %reduce_sum3A_873 = arith.constant true
    %reduce_sum3A_874 = vector.broadcast %reduce_sum3A_873 : i1 to vector<16xi1>
    %reduce_sum3A_875 = tpu.scan <sum>, %select_n3A_863 masked %reduce_sum3A_874 : vector<16xi32>, vector<16xi1> -> vector<16xi32>
    %reduce_sum3A_876 = vector.extract %reduce_sum3A_875[15] : i32 from vector<16xi32>
    %add3A_877 = arith.addi %add3A_691, %reduce_sum3A_876 : i32
    %eq3A_878 = arith.constant 4 : i32
    %eq3A_879 = vector.broadcast %eq3A_878 : i32 to vector<16xi32>
    %eq3A_880 = arith.cmpi eq, %get3A_787, %eq3A_879 : vector<16xi32>
    %jit3A_881 = arith.constant 1 : i32
    %jit3A_882 = arith.constant 0 : i32
    %broadcast_in_dim3A_883 = vector.broadcast %jit3A_881 : i32 to vector<16xi32>
    %broadcast_in_dim3A_884 = vector.broadcast %jit3A_882 : i32 to vector<16xi32>
    %select_n3A_885 = arith.select %eq3A_880, %broadcast_in_dim3A_883, %broadcast_in_dim3A_884 : vector<16xi1>, vector<16xi32>
    %broadcast_in_dim3A_886 = arith.constant true
    %broadcast_in_dim3A_887 = vector.broadcast %broadcast_in_dim3A_886 : i1 to vector<16xi1>
    %masked_cumsum3A_888 = tpu.scan <sum>, %select_n3A_885 masked %broadcast_in_dim3A_887 : vector<16xi32>, vector<16xi1> -> vector<16xi32>
    %add3A_889 = vector.broadcast %add3A_713 : i32 to vector<16xi32>
    %add3A_890 = arith.addi %add3A_889, %masked_cumsum3A_888 : vector<16xi32>
    %sub3A_891 = arith.constant 1 : i32
    %sub3A_892 = vector.broadcast %sub3A_891 : i32 to vector<16xi32>
    %sub3A_893 = arith.subi %add3A_890, %sub3A_892 : vector<16xi32>
    %select_n3A_894 = arith.select %eq3A_880, %sub3A_893, %select_n3A_872 : vector<16xi1>, vector<16xi32>
    %reduce_sum3A_895 = arith.constant true
    %reduce_sum3A_896 = vector.broadcast %reduce_sum3A_895 : i1 to vector<16xi1>
    %reduce_sum3A_897 = tpu.scan <sum>, %select_n3A_885 masked %reduce_sum3A_896 : vector<16xi32>, vector<16xi1> -> vector<16xi32>
    %reduce_sum3A_898 = vector.extract %reduce_sum3A_897[15] : i32 from vector<16xi32>
    %add3A_899 = arith.addi %add3A_713, %reduce_sum3A_898 : i32
    %eq3A_900 = arith.constant 5 : i32
    %eq3A_901 = vector.broadcast %eq3A_900 : i32 to vector<16xi32>
    %eq3A_902 = arith.cmpi eq, %get3A_787, %eq3A_901 : vector<16xi32>
    %jit3A_903 = arith.constant 1 : i32
    %jit3A_904 = arith.constant 0 : i32
    %broadcast_in_dim3A_905 = vector.broadcast %jit3A_903 : i32 to vector<16xi32>
    %broadcast_in_dim3A_906 = vector.broadcast %jit3A_904 : i32 to vector<16xi32>
    %select_n3A_907 = arith.select %eq3A_902, %broadcast_in_dim3A_905, %broadcast_in_dim3A_906 : vector<16xi1>, vector<16xi32>
    %broadcast_in_dim3A_908 = arith.constant true
    %broadcast_in_dim3A_909 = vector.broadcast %broadcast_in_dim3A_908 : i1 to vector<16xi1>
    %masked_cumsum3A_910 = tpu.scan <sum>, %select_n3A_907 masked %broadcast_in_dim3A_909 : vector<16xi32>, vector<16xi1> -> vector<16xi32>
    %add3A_911 = vector.broadcast %add3A_735 : i32 to vector<16xi32>
    %add3A_912 = arith.addi %add3A_911, %masked_cumsum3A_910 : vector<16xi32>
    %sub3A_913 = arith.constant 1 : i32
    %sub3A_914 = vector.broadcast %sub3A_913 : i32 to vector<16xi32>
    %sub3A_915 = arith.subi %add3A_912, %sub3A_914 : vector<16xi32>
    %select_n3A_916 = arith.select %eq3A_902, %sub3A_915, %select_n3A_894 : vector<16xi1>, vector<16xi32>
    %reduce_sum3A_917 = arith.constant true
    %reduce_sum3A_918 = vector.broadcast %reduce_sum3A_917 : i1 to vector<16xi1>
    %reduce_sum3A_919 = tpu.scan <sum>, %select_n3A_907 masked %reduce_sum3A_918 : vector<16xi32>, vector<16xi1> -> vector<16xi32>
    %reduce_sum3A_920 = vector.extract %reduce_sum3A_919[15] : i32 from vector<16xi32>
    %add3A_921 = arith.addi %add3A_735, %reduce_sum3A_920 : i32
    %eq3A_922 = arith.constant 6 : i32
    %eq3A_923 = vector.broadcast %eq3A_922 : i32 to vector<16xi32>
    %eq3A_924 = arith.cmpi eq, %get3A_787, %eq3A_923 : vector<16xi32>
    %jit3A_925 = arith.constant 1 : i32
    %jit3A_926 = arith.constant 0 : i32
    %broadcast_in_dim3A_927 = vector.broadcast %jit3A_925 : i32 to vector<16xi32>
    %broadcast_in_dim3A_928 = vector.broadcast %jit3A_926 : i32 to vector<16xi32>
    %select_n3A_929 = arith.select %eq3A_924, %broadcast_in_dim3A_927, %broadcast_in_dim3A_928 : vector<16xi1>, vector<16xi32>
    %broadcast_in_dim3A_930 = arith.constant true
    %broadcast_in_dim3A_931 = vector.broadcast %broadcast_in_dim3A_930 : i1 to vector<16xi1>
    %masked_cumsum3A_932 = tpu.scan <sum>, %select_n3A_929 masked %broadcast_in_dim3A_931 : vector<16xi32>, vector<16xi1> -> vector<16xi32>
    %add3A_933 = vector.broadcast %add3A_757 : i32 to vector<16xi32>
    %add3A_934 = arith.addi %add3A_933, %masked_cumsum3A_932 : vector<16xi32>
    %sub3A_935 = arith.constant 1 : i32
    %sub3A_936 = vector.broadcast %sub3A_935 : i32 to vector<16xi32>
    %sub3A_937 = arith.subi %add3A_934, %sub3A_936 : vector<16xi32>
    %select_n3A_938 = arith.select %eq3A_924, %sub3A_937, %select_n3A_916 : vector<16xi1>, vector<16xi32>
    %reduce_sum3A_939 = arith.constant true
    %reduce_sum3A_940 = vector.broadcast %reduce_sum3A_939 : i1 to vector<16xi1>
    %reduce_sum3A_941 = tpu.scan <sum>, %select_n3A_929 masked %reduce_sum3A_940 : vector<16xi32>, vector<16xi1> -> vector<16xi32>
    %reduce_sum3A_942 = vector.extract %reduce_sum3A_941[15] : i32 from vector<16xi32>
    %add3A_943 = arith.addi %add3A_757, %reduce_sum3A_942 : i32
    %eq3A_944 = arith.constant 7 : i32
    %eq3A_945 = vector.broadcast %eq3A_944 : i32 to vector<16xi32>
    %eq3A_946 = arith.cmpi eq, %get3A_787, %eq3A_945 : vector<16xi32>
    %jit3A_947 = arith.constant 1 : i32
    %jit3A_948 = arith.constant 0 : i32
    %broadcast_in_dim3A_949 = vector.broadcast %jit3A_947 : i32 to vector<16xi32>
    %broadcast_in_dim3A_950 = vector.broadcast %jit3A_948 : i32 to vector<16xi32>
    %select_n3A_951 = arith.select %eq3A_946, %broadcast_in_dim3A_949, %broadcast_in_dim3A_950 : vector<16xi1>, vector<16xi32>
    %broadcast_in_dim3A_952 = arith.constant true
    %broadcast_in_dim3A_953 = vector.broadcast %broadcast_in_dim3A_952 : i1 to vector<16xi1>
    %masked_cumsum3A_954 = tpu.scan <sum>, %select_n3A_951 masked %broadcast_in_dim3A_953 : vector<16xi32>, vector<16xi1> -> vector<16xi32>
    %add3A_955 = vector.broadcast %add3A_779 : i32 to vector<16xi32>
    %add3A_956 = arith.addi %add3A_955, %masked_cumsum3A_954 : vector<16xi32>
    %sub3A_957 = arith.constant 1 : i32
    %sub3A_958 = vector.broadcast %sub3A_957 : i32 to vector<16xi32>
    %sub3A_959 = arith.subi %add3A_956, %sub3A_958 : vector<16xi32>
    %select_n3A_960 = arith.select %eq3A_946, %sub3A_959, %select_n3A_938 : vector<16xi1>, vector<16xi32>
    %reduce_sum3A_961 = arith.constant true
    %reduce_sum3A_962 = vector.broadcast %reduce_sum3A_961 : i1 to vector<16xi1>
    %reduce_sum3A_963 = tpu.scan <sum>, %select_n3A_951 masked %reduce_sum3A_962 : vector<16xi32>, vector<16xi1> -> vector<16xi32>
    %reduce_sum3A_964 = vector.extract %reduce_sum3A_963[15] : i32 from vector<16xi32>
    %add3A_965 = arith.addi %add3A_779, %reduce_sum3A_964 : i32
    %swap3A_966 = arith.constant 32 : index
    %swap3A_967 = tpu.vector_load %arg6[%swap3A_966] {strides = array<i32>} : memref<128xi32, #tpu.memory_space<vmem>>, vector<16xi32>,
    tpu.vector_store %arg6[%swap3A_966], %select_n3A_960 {strides = array<i32>} : memref<128xi32, #tpu.memory_space<vmem>>, vector<16xi32>,
    %mul3A_968 = arith.constant 128 : i32
    %mul3A_969 = arith.muli %add3A, %mul3A_968 : i32
    %add3A_970 = arith.constant 48 : i32
    %add3A_971 = arith.addi %mul3A_969, %add3A_970 : i32
    %get3A_972 = arith.index_cast %add3A_971 : i32 to index
    %get3A_973 = tpu.vector_load %arg5[%get3A_972] {strides = array<i32>} : memref<4096xi32, #tpu.memory_space<vmem>>, vector<16xi32>,
    %broadcast_in_dim3A_974 = arith.constant 0 : i32
    %broadcast_in_dim3A_975 = vector.broadcast %broadcast_in_dim3A_974 : i32 to vector<16xi32>
    %eq3A_976 = arith.constant 0 : i32
    %eq3A_977 = vector.broadcast %eq3A_976 : i32 to vector<16xi32>
    %eq3A_978 = arith.cmpi eq, %get3A_973, %eq3A_977 : vector<16xi32>
    %jit3A_979 = arith.constant 1 : i32
    %jit3A_980 = arith.constant 0 : i32
    %broadcast_in_dim3A_981 = vector.broadcast %jit3A_979 : i32 to vector<16xi32>
    %broadcast_in_dim3A_982 = vector.broadcast %jit3A_980 : i32 to vector<16xi32>
    %select_n3A_983 = arith.select %eq3A_978, %broadcast_in_dim3A_981, %broadcast_in_dim3A_982 : vector<16xi1>, vector<16xi32>
    %broadcast_in_dim3A_984 = arith.constant true
    %broadcast_in_dim3A_985 = vector.broadcast %broadcast_in_dim3A_984 : i1 to vector<16xi1>
    %masked_cumsum3A_986 = tpu.scan <sum>, %select_n3A_983 masked %broadcast_in_dim3A_985 : vector<16xi32>, vector<16xi1> -> vector<16xi32>
    %add3A_987 = vector.broadcast %add3A_811 : i32 to vector<16xi32>
    %add3A_988 = arith.addi %add3A_987, %masked_cumsum3A_986 : vector<16xi32>
    %sub3A_989 = arith.constant 1 : i32
    %sub3A_990 = vector.broadcast %sub3A_989 : i32 to vector<16xi32>
    %sub3A_991 = arith.subi %add3A_988, %sub3A_990 : vector<16xi32>
    %select_n3A_992 = arith.select %eq3A_978, %sub3A_991, %broadcast_in_dim3A_975 : vector<16xi1>, vector<16xi32>
    %reduce_sum3A_993 = arith.constant true
    %reduce_sum3A_994 = vector.broadcast %reduce_sum3A_993 : i1 to vector<16xi1>
    %reduce_sum3A_995 = tpu.scan <sum>, %select_n3A_983 masked %reduce_sum3A_994 : vector<16xi32>, vector<16xi1> -> vector<16xi32>
    %reduce_sum3A_996 = vector.extract %reduce_sum3A_995[15] : i32 from vector<16xi32>
    %add3A_997 = arith.addi %add3A_811, %reduce_sum3A_996 : i32
    %eq3A_998 = arith.constant 1 : i32
    %eq3A_999 = vector.broadcast %eq3A_998 : i32 to vector<16xi32>
    %eq3A_1000 = arith.cmpi eq, %get3A_973, %eq3A_999 : vector<16xi32>
    %jit3A_1001 = arith.constant 1 : i32
    %jit3A_1002 = arith.constant 0 : i32
    %broadcast_in_dim3A_1003 = vector.broadcast %jit3A_1001 : i32 to vector<16xi32>
    %broadcast_in_dim3A_1004 = vector.broadcast %jit3A_1002 : i32 to vector<16xi32>
    %select_n3A_1005 = arith.select %eq3A_1000, %broadcast_in_dim3A_1003, %broadcast_in_dim3A_1004 : vector<16xi1>, vector<16xi32>
    %broadcast_in_dim3A_1006 = arith.constant true
    %broadcast_in_dim3A_1007 = vector.broadcast %broadcast_in_dim3A_1006 : i1 to vector<16xi1>
    %masked_cumsum3A_1008 = tpu.scan <sum>, %select_n3A_1005 masked %broadcast_in_dim3A_1007 : vector<16xi32>, vector<16xi1> -> vector<16xi32>
    %add3A_1009 = vector.broadcast %add3A_833 : i32 to vector<16xi32>
    %add3A_1010 = arith.addi %add3A_1009, %masked_cumsum3A_1008 : vector<16xi32>
    %sub3A_1011 = arith.constant 1 : i32
    %sub3A_1012 = vector.broadcast %sub3A_1011 : i32 to vector<16xi32>
    %sub3A_1013 = arith.subi %add3A_1010, %sub3A_1012 : vector<16xi32>
    %select_n3A_1014 = arith.select %eq3A_1000, %sub3A_1013, %select_n3A_992 : vector<16xi1>, vector<16xi32>
    %reduce_sum3A_1015 = arith.constant true
    %reduce_sum3A_1016 = vector.broadcast %reduce_sum3A_1015 : i1 to vector<16xi1>
    %reduce_sum3A_1017 = tpu.scan <sum>, %select_n3A_1005 masked %reduce_sum3A_1016 : vector<16xi32>, vector<16xi1> -> vector<16xi32>
    %reduce_sum3A_1018 = vector.extract %reduce_sum3A_1017[15] : i32 from vector<16xi32>
    %add3A_1019 = arith.addi %add3A_833, %reduce_sum3A_1018 : i32
    %eq3A_1020 = arith.constant 2 : i32
    %eq3A_1021 = vector.broadcast %eq3A_1020 : i32 to vector<16xi32>
    %eq3A_1022 = arith.cmpi eq, %get3A_973, %eq3A_1021 : vector<16xi32>
    %jit3A_1023 = arith.constant 1 : i32
    %jit3A_1024 = arith.constant 0 : i32
    %broadcast_in_dim3A_1025 = vector.broadcast %jit3A_1023 : i32 to vector<16xi32>
    %broadcast_in_dim3A_1026 = vector.broadcast %jit3A_1024 : i32 to vector<16xi32>
    %select_n3A_1027 = arith.select %eq3A_1022, %broadcast_in_dim3A_1025, %broadcast_in_dim3A_1026 : vector<16xi1>, vector<16xi32>
    %broadcast_in_dim3A_1028 = arith.constant true
    %broadcast_in_dim3A_1029 = vector.broadcast %broadcast_in_dim3A_1028 : i1 to vector<16xi1>
    %masked_cumsum3A_1030 = tpu.scan <sum>, %select_n3A_1027 masked %broadcast_in_dim3A_1029 : vector<16xi32>, vector<16xi1> -> vector<16xi32>
    %add3A_1031 = vector.broadcast %add3A_855 : i32 to vector<16xi32>
    %add3A_1032 = arith.addi %add3A_1031, %masked_cumsum3A_1030 : vector<16xi32>
    %sub3A_1033 = arith.constant 1 : i32
    %sub3A_1034 = vector.broadcast %sub3A_1033 : i32 to vector<16xi32>
    %sub3A_1035 = arith.subi %add3A_1032, %sub3A_1034 : vector<16xi32>
    %select_n3A_1036 = arith.select %eq3A_1022, %sub3A_1035, %select_n3A_1014 : vector<16xi1>, vector<16xi32>
    %reduce_sum3A_1037 = arith.constant true
    %reduce_sum3A_1038 = vector.broadcast %reduce_sum3A_1037 : i1 to vector<16xi1>
    %reduce_sum3A_1039 = tpu.scan <sum>, %select_n3A_1027 masked %reduce_sum3A_1038 : vector<16xi32>, vector<16xi1> -> vector<16xi32>
    %reduce_sum3A_1040 = vector.extract %reduce_sum3A_1039[15] : i32 from vector<16xi32>
    %add3A_1041 = arith.addi %add3A_855, %reduce_sum3A_1040 : i32
    %eq3A_1042 = arith.constant 3 : i32
    %eq3A_1043 = vector.broadcast %eq3A_1042 : i32 to vector<16xi32>
    %eq3A_1044 = arith.cmpi eq, %get3A_973, %eq3A_1043 : vector<16xi32>
    %jit3A_1045 = arith.constant 1 : i32
    %jit3A_1046 = arith.constant 0 : i32
    %broadcast_in_dim3A_1047 = vector.broadcast %jit3A_1045 : i32 to vector<16xi32>
    %broadcast_in_dim3A_1048 = vector.broadcast %jit3A_1046 : i32 to vector<16xi32>
    %select_n3A_1049 = arith.select %eq3A_1044, %broadcast_in_dim3A_1047, %broadcast_in_dim3A_1048 : vector<16xi1>, vector<16xi32>
    %broadcast_in_dim3A_1050 = arith.constant true
    %broadcast_in_dim3A_1051 = vector.broadcast %broadcast_in_dim3A_1050 : i1 to vector<16xi1>
    %masked_cumsum3A_1052 = tpu.scan <sum>, %select_n3A_1049 masked %broadcast_in_dim3A_1051 : vector<16xi32>, vector<16xi1> -> vector<16xi32>
    %add3A_1053 = vector.broadcast %add3A_877 : i32 to vector<16xi32>
    %add3A_1054 = arith.addi %add3A_1053, %masked_cumsum3A_1052 : vector<16xi32>
    %sub3A_1055 = arith.constant 1 : i32
    %sub3A_1056 = vector.broadcast %sub3A_1055 : i32 to vector<16xi32>
    %sub3A_1057 = arith.subi %add3A_1054, %sub3A_1056 : vector<16xi32>
    %select_n3A_1058 = arith.select %eq3A_1044, %sub3A_1057, %select_n3A_1036 : vector<16xi1>, vector<16xi32>
    %reduce_sum3A_1059 = arith.constant true
    %reduce_sum3A_1060 = vector.broadcast %reduce_sum3A_1059 : i1 to vector<16xi1>
    %reduce_sum3A_1061 = tpu.scan <sum>, %select_n3A_1049 masked %reduce_sum3A_1060 : vector<16xi32>, vector<16xi1> -> vector<16xi32>
    %reduce_sum3A_1062 = vector.extract %reduce_sum3A_1061[15] : i32 from vector<16xi32>
    %add3A_1063 = arith.addi %add3A_877, %reduce_sum3A_1062 : i32
    %eq3A_1064 = arith.constant 4 : i32
    %eq3A_1065 = vector.broadcast %eq3A_1064 : i32 to vector<16xi32>
    %eq3A_1066 = arith.cmpi eq, %get3A_973, %eq3A_1065 : vector<16xi32>
    %jit3A_1067 = arith.constant 1 : i32
    %jit3A_1068 = arith.constant 0 : i32
    %broadcast_in_dim3A_1069 = vector.broadcast %jit3A_1067 : i32 to vector<16xi32>
    %broadcast_in_dim3A_1070 = vector.broadcast %jit3A_1068 : i32 to vector<16xi32>
    %select_n3A_1071 = arith.select %eq3A_1066, %broadcast_in_dim3A_1069, %broadcast_in_dim3A_1070 : vector<16xi1>, vector<16xi32>
    %broadcast_in_dim3A_1072 = arith.constant true
    %broadcast_in_dim3A_1073 = vector.broadcast %broadcast_in_dim3A_1072 : i1 to vector<16xi1>
    %masked_cumsum3A_1074 = tpu.scan <sum>, %select_n3A_1071 masked %broadcast_in_dim3A_1073 : vector<16xi32>, vector<16xi1> -> vector<16xi32>
    %add3A_1075 = vector.broadcast %add3A_899 : i32 to vector<16xi32>
    %add3A_1076 = arith.addi %add3A_1075, %masked_cumsum3A_1074 : vector<16xi32>
    %sub3A_1077 = arith.constant 1 : i32
    %sub3A_1078 = vector.broadcast %sub3A_1077 : i32 to vector<16xi32>
    %sub3A_1079 = arith.subi %add3A_1076, %sub3A_1078 : vector<16xi32>
    %select_n3A_1080 = arith.select %eq3A_1066, %sub3A_1079, %select_n3A_1058 : vector<16xi1>, vector<16xi32>
    %reduce_sum3A_1081 = arith.constant true
    %reduce_sum3A_1082 = vector.broadcast %reduce_sum3A_1081 : i1 to vector<16xi1>
    %reduce_sum3A_1083 = tpu.scan <sum>, %select_n3A_1071 masked %reduce_sum3A_1082 : vector<16xi32>, vector<16xi1> -> vector<16xi32>
    %reduce_sum3A_1084 = vector.extract %reduce_sum3A_1083[15] : i32 from vector<16xi32>
    %add3A_1085 = arith.addi %add3A_899, %reduce_sum3A_1084 : i32
    %eq3A_1086 = arith.constant 5 : i32
    %eq3A_1087 = vector.broadcast %eq3A_1086 : i32 to vector<16xi32>
    %eq3A_1088 = arith.cmpi eq, %get3A_973, %eq3A_1087 : vector<16xi32>
    %jit3A_1089 = arith.constant 1 : i32
    %jit3A_1090 = arith.constant 0 : i32
    %broadcast_in_dim3A_1091 = vector.broadcast %jit3A_1089 : i32 to vector<16xi32>
    %broadcast_in_dim3A_1092 = vector.broadcast %jit3A_1090 : i32 to vector<16xi32>
    %select_n3A_1093 = arith.select %eq3A_1088, %broadcast_in_dim3A_1091, %broadcast_in_dim3A_1092 : vector<16xi1>, vector<16xi32>
    %broadcast_in_dim3A_1094 = arith.constant true
    %broadcast_in_dim3A_1095 = vector.broadcast %broadcast_in_dim3A_1094 : i1 to vector<16xi1>
    %masked_cumsum3A_1096 = tpu.scan <sum>, %select_n3A_1093 masked %broadcast_in_dim3A_1095 : vector<16xi32>, vector<16xi1> -> vector<16xi32>
    %add3A_1097 = vector.broadcast %add3A_921 : i32 to vector<16xi32>
    %add3A_1098 = arith.addi %add3A_1097, %masked_cumsum3A_1096 : vector<16xi32>
    %sub3A_1099 = arith.constant 1 : i32
    %sub3A_1100 = vector.broadcast %sub3A_1099 : i32 to vector<16xi32>
    %sub3A_1101 = arith.subi %add3A_1098, %sub3A_1100 : vector<16xi32>
    %select_n3A_1102 = arith.select %eq3A_1088, %sub3A_1101, %select_n3A_1080 : vector<16xi1>, vector<16xi32>
    %reduce_sum3A_1103 = arith.constant true
    %reduce_sum3A_1104 = vector.broadcast %reduce_sum3A_1103 : i1 to vector<16xi1>
    %reduce_sum3A_1105 = tpu.scan <sum>, %select_n3A_1093 masked %reduce_sum3A_1104 : vector<16xi32>, vector<16xi1> -> vector<16xi32>
    %reduce_sum3A_1106 = vector.extract %reduce_sum3A_1105[15] : i32 from vector<16xi32>
    %add3A_1107 = arith.addi %add3A_921, %reduce_sum3A_1106 : i32
    %eq3A_1108 = arith.constant 6 : i32
    %eq3A_1109 = vector.broadcast %eq3A_1108 : i32 to vector<16xi32>
    %eq3A_1110 = arith.cmpi eq, %get3A_973, %eq3A_1109 : vector<16xi32>
    %jit3A_1111 = arith.constant 1 : i32
    %jit3A_1112 = arith.constant 0 : i32
    %broadcast_in_dim3A_1113 = vector.broadcast %jit3A_1111 : i32 to vector<16xi32>
    %broadcast_in_dim3A_1114 = vector.broadcast %jit3A_1112 : i32 to vector<16xi32>
    %select_n3A_1115 = arith.select %eq3A_1110, %broadcast_in_dim3A_1113, %broadcast_in_dim3A_1114 : vector<16xi1>, vector<16xi32>
    %broadcast_in_dim3A_1116 = arith.constant true
    %broadcast_in_dim3A_1117 = vector.broadcast %broadcast_in_dim3A_1116 : i1 to vector<16xi1>
    %masked_cumsum3A_1118 = tpu.scan <sum>, %select_n3A_1115 masked %broadcast_in_dim3A_1117 : vector<16xi32>, vector<16xi1> -> vector<16xi32>
    %add3A_1119 = vector.broadcast %add3A_943 : i32 to vector<16xi32>
    %add3A_1120 = arith.addi %add3A_1119, %masked_cumsum3A_1118 : vector<16xi32>
    %sub3A_1121 = arith.constant 1 : i32
    %sub3A_1122 = vector.broadcast %sub3A_1121 : i32 to vector<16xi32>
    %sub3A_1123 = arith.subi %add3A_1120, %sub3A_1122 : vector<16xi32>
    %select_n3A_1124 = arith.select %eq3A_1110, %sub3A_1123, %select_n3A_1102 : vector<16xi1>, vector<16xi32>
    %reduce_sum3A_1125 = arith.constant true
    %reduce_sum3A_1126 = vector.broadcast %reduce_sum3A_1125 : i1 to vector<16xi1>
    %reduce_sum3A_1127 = tpu.scan <sum>, %select_n3A_1115 masked %reduce_sum3A_1126 : vector<16xi32>, vector<16xi1> -> vector<16xi32>
    %reduce_sum3A_1128 = vector.extract %reduce_sum3A_1127[15] : i32 from vector<16xi32>
    %add3A_1129 = arith.addi %add3A_943, %reduce_sum3A_1128 : i32
    %eq3A_1130 = arith.constant 7 : i32
    %eq3A_1131 = vector.broadcast %eq3A_1130 : i32 to vector<16xi32>
    %eq3A_1132 = arith.cmpi eq, %get3A_973, %eq3A_1131 : vector<16xi32>
    %jit3A_1133 = arith.constant 1 : i32
    %jit3A_1134 = arith.constant 0 : i32
    %broadcast_in_dim3A_1135 = vector.broadcast %jit3A_1133 : i32 to vector<16xi32>
    %broadcast_in_dim3A_1136 = vector.broadcast %jit3A_1134 : i32 to vector<16xi32>
    %select_n3A_1137 = arith.select %eq3A_1132, %broadcast_in_dim3A_1135, %broadcast_in_dim3A_1136 : vector<16xi1>, vector<16xi32>
    %broadcast_in_dim3A_1138 = arith.constant true
    %broadcast_in_dim3A_1139 = vector.broadcast %broadcast_in_dim3A_1138 : i1 to vector<16xi1>
    %masked_cumsum3A_1140 = tpu.scan <sum>, %select_n3A_1137 masked %broadcast_in_dim3A_1139 : vector<16xi32>, vector<16xi1> -> vector<16xi32>
    %add3A_1141 = vector.broadcast %add3A_965 : i32 to vector<16xi32>
    %add3A_1142 = arith.addi %add3A_1141, %masked_cumsum3A_1140 : vector<16xi32>
    %sub3A_1143 = arith.constant 1 : i32
    %sub3A_1144 = vector.broadcast %sub3A_1143 : i32 to vector<16xi32>
    %sub3A_1145 = arith.subi %add3A_1142, %sub3A_1144 : vector<16xi32>
    %select_n3A_1146 = arith.select %eq3A_1132, %sub3A_1145, %select_n3A_1124 : vector<16xi1>, vector<16xi32>
    %reduce_sum3A_1147 = arith.constant true
    %reduce_sum3A_1148 = vector.broadcast %reduce_sum3A_1147 : i1 to vector<16xi1>
    %reduce_sum3A_1149 = tpu.scan <sum>, %select_n3A_1137 masked %reduce_sum3A_1148 : vector<16xi32>, vector<16xi1> -> vector<16xi32>
    %reduce_sum3A_1150 = vector.extract %reduce_sum3A_1149[15] : i32 from vector<16xi32>
    %add3A_1151 = arith.addi %add3A_965, %reduce_sum3A_1150 : i32
    %swap3A_1152 = arith.constant 48 : index
    %swap3A_1153 = tpu.vector_load %arg6[%swap3A_1152] {strides = array<i32>} : memref<128xi32, #tpu.memory_space<vmem>>, vector<16xi32>,
    tpu.vector_store %arg6[%swap3A_1152], %select_n3A_1146 {strides = array<i32>} : memref<128xi32, #tpu.memory_space<vmem>>, vector<16xi32>,
    %mul3A_1154 = arith.constant 128 : i32
    %mul3A_1155 = arith.muli %add3A, %mul3A_1154 : i32
    %add3A_1156 = arith.constant 64 : i32
    %add3A_1157 = arith.addi %mul3A_1155, %add3A_1156 : i32
    %get3A_1158 = arith.index_cast %add3A_1157 : i32 to index
    %get3A_1159 = tpu.vector_load %arg5[%get3A_1158] {strides = array<i32>} : memref<4096xi32, #tpu.memory_space<vmem>>, vector<16xi32>,
    %broadcast_in_dim3A_1160 = arith.constant 0 : i32
    %broadcast_in_dim3A_1161 = vector.broadcast %broadcast_in_dim3A_1160 : i32 to vector<16xi32>
    %eq3A_1162 = arith.constant 0 : i32
    %eq3A_1163 = vector.broadcast %eq3A_1162 : i32 to vector<16xi32>
    %eq3A_1164 = arith.cmpi eq, %get3A_1159, %eq3A_1163 : vector<16xi32>
    %jit3A_1165 = arith.constant 1 : i32
    %jit3A_1166 = arith.constant 0 : i32
    %broadcast_in_dim3A_1167 = vector.broadcast %jit3A_1165 : i32 to vector<16xi32>
    %broadcast_in_dim3A_1168 = vector.broadcast %jit3A_1166 : i32 to vector<16xi32>
    %select_n3A_1169 = arith.select %eq3A_1164, %broadcast_in_dim3A_1167, %broadcast_in_dim3A_1168 : vector<16xi1>, vector<16xi32>
    %broadcast_in_dim3A_1170 = arith.constant true
    %broadcast_in_dim3A_1171 = vector.broadcast %broadcast_in_dim3A_1170 : i1 to vector<16xi1>
    %masked_cumsum3A_1172 = tpu.scan <sum>, %select_n3A_1169 masked %broadcast_in_dim3A_1171 : vector<16xi32>, vector<16xi1> -> vector<16xi32>
    %add3A_1173 = vector.broadcast %add3A_997 : i32 to vector<16xi32>
    %add3A_1174 = arith.addi %add3A_1173, %masked_cumsum3A_1172 : vector<16xi32>
    %sub3A_1175 = arith.constant 1 : i32
    %sub3A_1176 = vector.broadcast %sub3A_1175 : i32 to vector<16xi32>
    %sub3A_1177 = arith.subi %add3A_1174, %sub3A_1176 : vector<16xi32>
    %select_n3A_1178 = arith.select %eq3A_1164, %sub3A_1177, %broadcast_in_dim3A_1161 : vector<16xi1>, vector<16xi32>
    %reduce_sum3A_1179 = arith.constant true
    %reduce_sum3A_1180 = vector.broadcast %reduce_sum3A_1179 : i1 to vector<16xi1>
    %reduce_sum3A_1181 = tpu.scan <sum>, %select_n3A_1169 masked %reduce_sum3A_1180 : vector<16xi32>, vector<16xi1> -> vector<16xi32>
    %reduce_sum3A_1182 = vector.extract %reduce_sum3A_1181[15] : i32 from vector<16xi32>
    %add3A_1183 = arith.addi %add3A_997, %reduce_sum3A_1182 : i32
    %eq3A_1184 = arith.constant 1 : i32
    %eq3A_1185 = vector.broadcast %eq3A_1184 : i32 to vector<16xi32>
    %eq3A_1186 = arith.cmpi eq, %get3A_1159, %eq3A_1185 : vector<16xi32>
    %jit3A_1187 = arith.constant 1 : i32
    %jit3A_1188 = arith.constant 0 : i32
    %broadcast_in_dim3A_1189 = vector.broadcast %jit3A_1187 : i32 to vector<16xi32>
    %broadcast_in_dim3A_1190 = vector.broadcast %jit3A_1188 : i32 to vector<16xi32>
    %select_n3A_1191 = arith.select %eq3A_1186, %broadcast_in_dim3A_1189, %broadcast_in_dim3A_1190 : vector<16xi1>, vector<16xi32>
    %broadcast_in_dim3A_1192 = arith.constant true
    %broadcast_in_dim3A_1193 = vector.broadcast %broadcast_in_dim3A_1192 : i1 to vector<16xi1>
    %masked_cumsum3A_1194 = tpu.scan <sum>, %select_n3A_1191 masked %broadcast_in_dim3A_1193 : vector<16xi32>, vector<16xi1> -> vector<16xi32>
    %add3A_1195 = vector.broadcast %add3A_1019 : i32 to vector<16xi32>
    %add3A_1196 = arith.addi %add3A_1195, %masked_cumsum3A_1194 : vector<16xi32>
    %sub3A_1197 = arith.constant 1 : i32
    %sub3A_1198 = vector.broadcast %sub3A_1197 : i32 to vector<16xi32>
    %sub3A_1199 = arith.subi %add3A_1196, %sub3A_1198 : vector<16xi32>
    %select_n3A_1200 = arith.select %eq3A_1186, %sub3A_1199, %select_n3A_1178 : vector<16xi1>, vector<16xi32>
    %reduce_sum3A_1201 = arith.constant true
    %reduce_sum3A_1202 = vector.broadcast %reduce_sum3A_1201 : i1 to vector<16xi1>
    %reduce_sum3A_1203 = tpu.scan <sum>, %select_n3A_1191 masked %reduce_sum3A_1202 : vector<16xi32>, vector<16xi1> -> vector<16xi32>
    %reduce_sum3A_1204 = vector.extract %reduce_sum3A_1203[15] : i32 from vector<16xi32>
    %add3A_1205 = arith.addi %add3A_1019, %reduce_sum3A_1204 : i32
    %eq3A_1206 = arith.constant 2 : i32
    %eq3A_1207 = vector.broadcast %eq3A_1206 : i32 to vector<16xi32>
    %eq3A_1208 = arith.cmpi eq, %get3A_1159, %eq3A_1207 : vector<16xi32>
    %jit3A_1209 = arith.constant 1 : i32
    %jit3A_1210 = arith.constant 0 : i32
    %broadcast_in_dim3A_1211 = vector.broadcast %jit3A_1209 : i32 to vector<16xi32>
    %broadcast_in_dim3A_1212 = vector.broadcast %jit3A_1210 : i32 to vector<16xi32>
    %select_n3A_1213 = arith.select %eq3A_1208, %broadcast_in_dim3A_1211, %broadcast_in_dim3A_1212 : vector<16xi1>, vector<16xi32>
    %broadcast_in_dim3A_1214 = arith.constant true
    %broadcast_in_dim3A_1215 = vector.broadcast %broadcast_in_dim3A_1214 : i1 to vector<16xi1>
    %masked_cumsum3A_1216 = tpu.scan <sum>, %select_n3A_1213 masked %broadcast_in_dim3A_1215 : vector<16xi32>, vector<16xi1> -> vector<16xi32>
    %add3A_1217 = vector.broadcast %add3A_1041 : i32 to vector<16xi32>
    %add3A_1218 = arith.addi %add3A_1217, %masked_cumsum3A_1216 : vector<16xi32>
    %sub3A_1219 = arith.constant 1 : i32
    %sub3A_1220 = vector.broadcast %sub3A_1219 : i32 to vector<16xi32>
    %sub3A_1221 = arith.subi %add3A_1218, %sub3A_1220 : vector<16xi32>
    %select_n3A_1222 = arith.select %eq3A_1208, %sub3A_1221, %select_n3A_1200 : vector<16xi1>, vector<16xi32>
    %reduce_sum3A_1223 = arith.constant true
    %reduce_sum3A_1224 = vector.broadcast %reduce_sum3A_1223 : i1 to vector<16xi1>
    %reduce_sum3A_1225 = tpu.scan <sum>, %select_n3A_1213 masked %reduce_sum3A_1224 : vector<16xi32>, vector<16xi1> -> vector<16xi32>
    %reduce_sum3A_1226 = vector.extract %reduce_sum3A_1225[15] : i32 from vector<16xi32>
    %add3A_1227 = arith.addi %add3A_1041, %reduce_sum3A_1226 : i32
    %eq3A_1228 = arith.constant 3 : i32
    %eq3A_1229 = vector.broadcast %eq3A_1228 : i32 to vector<16xi32>
    %eq3A_1230 = arith.cmpi eq, %get3A_1159, %eq3A_1229 : vector<16xi32>
    %jit3A_1231 = arith.constant 1 : i32
    %jit3A_1232 = arith.constant 0 : i32
    %broadcast_in_dim3A_1233 = vector.broadcast %jit3A_1231 : i32 to vector<16xi32>
    %broadcast_in_dim3A_1234 = vector.broadcast %jit3A_1232 : i32 to vector<16xi32>
    %select_n3A_1235 = arith.select %eq3A_1230, %broadcast_in_dim3A_1233, %broadcast_in_dim3A_1234 : vector<16xi1>, vector<16xi32>
    %broadcast_in_dim3A_1236 = arith.constant true
    %broadcast_in_dim3A_1237 = vector.broadcast %broadcast_in_dim3A_1236 : i1 to vector<16xi1>
    %masked_cumsum3A_1238 = tpu.scan <sum>, %select_n3A_1235 masked %broadcast_in_dim3A_1237 : vector<16xi32>, vector<16xi1> -> vector<16xi32>
    %add3A_1239 = vector.broadcast %add3A_1063 : i32 to vector<16xi32>
    %add3A_1240 = arith.addi %add3A_1239, %masked_cumsum3A_1238 : vector<16xi32>
    %sub3A_1241 = arith.constant 1 : i32
    %sub3A_1242 = vector.broadcast %sub3A_1241 : i32 to vector<16xi32>
    %sub3A_1243 = arith.subi %add3A_1240, %sub3A_1242 : vector<16xi32>
    %select_n3A_1244 = arith.select %eq3A_1230, %sub3A_1243, %select_n3A_1222 : vector<16xi1>, vector<16xi32>
    %reduce_sum3A_1245 = arith.constant true
    %reduce_sum3A_1246 = vector.broadcast %reduce_sum3A_1245 : i1 to vector<16xi1>
    %reduce_sum3A_1247 = tpu.scan <sum>, %select_n3A_1235 masked %reduce_sum3A_1246 : vector<16xi32>, vector<16xi1> -> vector<16xi32>
    %reduce_sum3A_1248 = vector.extract %reduce_sum3A_1247[15] : i32 from vector<16xi32>
    %add3A_1249 = arith.addi %add3A_1063, %reduce_sum3A_1248 : i32
    %eq3A_1250 = arith.constant 4 : i32
    %eq3A_1251 = vector.broadcast %eq3A_1250 : i32 to vector<16xi32>
    %eq3A_1252 = arith.cmpi eq, %get3A_1159, %eq3A_1251 : vector<16xi32>
    %jit3A_1253 = arith.constant 1 : i32
    %jit3A_1254 = arith.constant 0 : i32
    %broadcast_in_dim3A_1255 = vector.broadcast %jit3A_1253 : i32 to vector<16xi32>
    %broadcast_in_dim3A_1256 = vector.broadcast %jit3A_1254 : i32 to vector<16xi32>
    %select_n3A_1257 = arith.select %eq3A_1252, %broadcast_in_dim3A_1255, %broadcast_in_dim3A_1256 : vector<16xi1>, vector<16xi32>
    %broadcast_in_dim3A_1258 = arith.constant true
    %broadcast_in_dim3A_1259 = vector.broadcast %broadcast_in_dim3A_1258 : i1 to vector<16xi1>
    %masked_cumsum3A_1260 = tpu.scan <sum>, %select_n3A_1257 masked %broadcast_in_dim3A_1259 : vector<16xi32>, vector<16xi1> -> vector<16xi32>
    %add3A_1261 = vector.broadcast %add3A_1085 : i32 to vector<16xi32>
    %add3A_1262 = arith.addi %add3A_1261, %masked_cumsum3A_1260 : vector<16xi32>
    %sub3A_1263 = arith.constant 1 : i32
    %sub3A_1264 = vector.broadcast %sub3A_1263 : i32 to vector<16xi32>
    %sub3A_1265 = arith.subi %add3A_1262, %sub3A_1264 : vector<16xi32>
    %select_n3A_1266 = arith.select %eq3A_1252, %sub3A_1265, %select_n3A_1244 : vector<16xi1>, vector<16xi32>
    %reduce_sum3A_1267 = arith.constant true
    %reduce_sum3A_1268 = vector.broadcast %reduce_sum3A_1267 : i1 to vector<16xi1>
    %reduce_sum3A_1269 = tpu.scan <sum>, %select_n3A_1257 masked %reduce_sum3A_1268 : vector<16xi32>, vector<16xi1> -> vector<16xi32>
    %reduce_sum3A_1270 = vector.extract %reduce_sum3A_1269[15] : i32 from vector<16xi32>
    %add3A_1271 = arith.addi %add3A_1085, %reduce_sum3A_1270 : i32
    %eq3A_1272 = arith.constant 5 : i32
    %eq3A_1273 = vector.broadcast %eq3A_1272 : i32 to vector<16xi32>
    %eq3A_1274 = arith.cmpi eq, %get3A_1159, %eq3A_1273 : vector<16xi32>
    %jit3A_1275 = arith.constant 1 : i32
    %jit3A_1276 = arith.constant 0 : i32
    %broadcast_in_dim3A_1277 = vector.broadcast %jit3A_1275 : i32 to vector<16xi32>
    %broadcast_in_dim3A_1278 = vector.broadcast %jit3A_1276 : i32 to vector<16xi32>
    %select_n3A_1279 = arith.select %eq3A_1274, %broadcast_in_dim3A_1277, %broadcast_in_dim3A_1278 : vector<16xi1>, vector<16xi32>
    %broadcast_in_dim3A_1280 = arith.constant true
    %broadcast_in_dim3A_1281 = vector.broadcast %broadcast_in_dim3A_1280 : i1 to vector<16xi1>
    %masked_cumsum3A_1282 = tpu.scan <sum>, %select_n3A_1279 masked %broadcast_in_dim3A_1281 : vector<16xi32>, vector<16xi1> -> vector<16xi32>
    %add3A_1283 = vector.broadcast %add3A_1107 : i32 to vector<16xi32>
    %add3A_1284 = arith.addi %add3A_1283, %masked_cumsum3A_1282 : vector<16xi32>
    %sub3A_1285 = arith.constant 1 : i32
    %sub3A_1286 = vector.broadcast %sub3A_1285 : i32 to vector<16xi32>
    %sub3A_1287 = arith.subi %add3A_1284, %sub3A_1286 : vector<16xi32>
    %select_n3A_1288 = arith.select %eq3A_1274, %sub3A_1287, %select_n3A_1266 : vector<16xi1>, vector<16xi32>
    %reduce_sum3A_1289 = arith.constant true
    %reduce_sum3A_1290 = vector.broadcast %reduce_sum3A_1289 : i1 to vector<16xi1>
    %reduce_sum3A_1291 = tpu.scan <sum>, %select_n3A_1279 masked %reduce_sum3A_1290 : vector<16xi32>, vector<16xi1> -> vector<16xi32>
    %reduce_sum3A_1292 = vector.extract %reduce_sum3A_1291[15] : i32 from vector<16xi32>
    %add3A_1293 = arith.addi %add3A_1107, %reduce_sum3A_1292 : i32
    %eq3A_1294 = arith.constant 6 : i32
    %eq3A_1295 = vector.broadcast %eq3A_1294 : i32 to vector<16xi32>
    %eq3A_1296 = arith.cmpi eq, %get3A_1159, %eq3A_1295 : vector<16xi32>
    %jit3A_1297 = arith.constant 1 : i32
    %jit3A_1298 = arith.constant 0 : i32
    %broadcast_in_dim3A_1299 = vector.broadcast %jit3A_1297 : i32 to vector<16xi32>
    %broadcast_in_dim3A_1300 = vector.broadcast %jit3A_1298 : i32 to vector<16xi32>
    %select_n3A_1301 = arith.select %eq3A_1296, %broadcast_in_dim3A_1299, %broadcast_in_dim3A_1300 : vector<16xi1>, vector<16xi32>
    %broadcast_in_dim3A_1302 = arith.constant true
    %broadcast_in_dim3A_1303 = vector.broadcast %broadcast_in_dim3A_1302 : i1 to vector<16xi1>
    %masked_cumsum3A_1304 = tpu.scan <sum>, %select_n3A_1301 masked %broadcast_in_dim3A_1303 : vector<16xi32>, vector<16xi1> -> vector<16xi32>
    %add3A_1305 = vector.broadcast %add3A_1129 : i32 to vector<16xi32>
    %add3A_1306 = arith.addi %add3A_1305, %masked_cumsum3A_1304 : vector<16xi32>
    %sub3A_1307 = arith.constant 1 : i32
    %sub3A_1308 = vector.broadcast %sub3A_1307 : i32 to vector<16xi32>
    %sub3A_1309 = arith.subi %add3A_1306, %sub3A_1308 : vector<16xi32>
    %select_n3A_1310 = arith.select %eq3A_1296, %sub3A_1309, %select_n3A_1288 : vector<16xi1>, vector<16xi32>
    %reduce_sum3A_1311 = arith.constant true
    %reduce_sum3A_1312 = vector.broadcast %reduce_sum3A_1311 : i1 to vector<16xi1>
    %reduce_sum3A_1313 = tpu.scan <sum>, %select_n3A_1301 masked %reduce_sum3A_1312 : vector<16xi32>, vector<16xi1> -> vector<16xi32>
    %reduce_sum3A_1314 = vector.extract %reduce_sum3A_1313[15] : i32 from vector<16xi32>
    %add3A_1315 = arith.addi %add3A_1129, %reduce_sum3A_1314 : i32
    %eq3A_1316 = arith.constant 7 : i32
    %eq3A_1317 = vector.broadcast %eq3A_1316 : i32 to vector<16xi32>
    %eq3A_1318 = arith.cmpi eq, %get3A_1159, %eq3A_1317 : vector<16xi32>
    %jit3A_1319 = arith.constant 1 : i32
    %jit3A_1320 = arith.constant 0 : i32
    %broadcast_in_dim3A_1321 = vector.broadcast %jit3A_1319 : i32 to vector<16xi32>
    %broadcast_in_dim3A_1322 = vector.broadcast %jit3A_1320 : i32 to vector<16xi32>
    %select_n3A_1323 = arith.select %eq3A_1318, %broadcast_in_dim3A_1321, %broadcast_in_dim3A_1322 : vector<16xi1>, vector<16xi32>
    %broadcast_in_dim3A_1324 = arith.constant true
    %broadcast_in_dim3A_1325 = vector.broadcast %broadcast_in_dim3A_1324 : i1 to vector<16xi1>
    %masked_cumsum3A_1326 = tpu.scan <sum>, %select_n3A_1323 masked %broadcast_in_dim3A_1325 : vector<16xi32>, vector<16xi1> -> vector<16xi32>
    %add3A_1327 = vector.broadcast %add3A_1151 : i32 to vector<16xi32>
    %add3A_1328 = arith.addi %add3A_1327, %masked_cumsum3A_1326 : vector<16xi32>
    %sub3A_1329 = arith.constant 1 : i32
    %sub3A_1330 = vector.broadcast %sub3A_1329 : i32 to vector<16xi32>
    %sub3A_1331 = arith.subi %add3A_1328, %sub3A_1330 : vector<16xi32>
    %select_n3A_1332 = arith.select %eq3A_1318, %sub3A_1331, %select_n3A_1310 : vector<16xi1>, vector<16xi32>
    %reduce_sum3A_1333 = arith.constant true
    %reduce_sum3A_1334 = vector.broadcast %reduce_sum3A_1333 : i1 to vector<16xi1>
    %reduce_sum3A_1335 = tpu.scan <sum>, %select_n3A_1323 masked %reduce_sum3A_1334 : vector<16xi32>, vector<16xi1> -> vector<16xi32>
    %reduce_sum3A_1336 = vector.extract %reduce_sum3A_1335[15] : i32 from vector<16xi32>
    %add3A_1337 = arith.addi %add3A_1151, %reduce_sum3A_1336 : i32
    %swap3A_1338 = arith.constant 64 : index
    %swap3A_1339 = tpu.vector_load %arg6[%swap3A_1338] {strides = array<i32>} : memref<128xi32, #tpu.memory_space<vmem>>, vector<16xi32>,
    tpu.vector_store %arg6[%swap3A_1338], %select_n3A_1332 {strides = array<i32>} : memref<128xi32, #tpu.memory_space<vmem>>, vector<16xi32>,
    %mul3A_1340 = arith.constant 128 : i32
    %mul3A_1341 = arith.muli %add3A, %mul3A_1340 : i32
    %add3A_1342 = arith.constant 80 : i32
    %add3A_1343 = arith.addi %mul3A_1341, %add3A_1342 : i32
    %get3A_1344 = arith.index_cast %add3A_1343 : i32 to index
    %get3A_1345 = tpu.vector_load %arg5[%get3A_1344] {strides = array<i32>} : memref<4096xi32, #tpu.memory_space<vmem>>, vector<16xi32>,
    %broadcast_in_dim3A_1346 = arith.constant 0 : i32
    %broadcast_in_dim3A_1347 = vector.broadcast %broadcast_in_dim3A_1346 : i32 to vector<16xi32>
    %eq3A_1348 = arith.constant 0 : i32
    %eq3A_1349 = vector.broadcast %eq3A_1348 : i32 to vector<16xi32>
    %eq3A_1350 = arith.cmpi eq, %get3A_1345, %eq3A_1349 : vector<16xi32>
    %jit3A_1351 = arith.constant 1 : i32
    %jit3A_1352 = arith.constant 0 : i32
    %broadcast_in_dim3A_1353 = vector.broadcast %jit3A_1351 : i32 to vector<16xi32>
    %broadcast_in_dim3A_1354 = vector.broadcast %jit3A_1352 : i32 to vector<16xi32>
    %select_n3A_1355 = arith.select %eq3A_1350, %broadcast_in_dim3A_1353, %broadcast_in_dim3A_1354 : vector<16xi1>, vector<16xi32>
    %broadcast_in_dim3A_1356 = arith.constant true
    %broadcast_in_dim3A_1357 = vector.broadcast %broadcast_in_dim3A_1356 : i1 to vector<16xi1>
    %masked_cumsum3A_1358 = tpu.scan <sum>, %select_n3A_1355 masked %broadcast_in_dim3A_1357 : vector<16xi32>, vector<16xi1> -> vector<16xi32>
    %add3A_1359 = vector.broadcast %add3A_1183 : i32 to vector<16xi32>
    %add3A_1360 = arith.addi %add3A_1359, %masked_cumsum3A_1358 : vector<16xi32>
    %sub3A_1361 = arith.constant 1 : i32
    %sub3A_1362 = vector.broadcast %sub3A_1361 : i32 to vector<16xi32>
    %sub3A_1363 = arith.subi %add3A_1360, %sub3A_1362 : vector<16xi32>
    %select_n3A_1364 = arith.select %eq3A_1350, %sub3A_1363, %broadcast_in_dim3A_1347 : vector<16xi1>, vector<16xi32>
    %reduce_sum3A_1365 = arith.constant true
    %reduce_sum3A_1366 = vector.broadcast %reduce_sum3A_1365 : i1 to vector<16xi1>
    %reduce_sum3A_1367 = tpu.scan <sum>, %select_n3A_1355 masked %reduce_sum3A_1366 : vector<16xi32>, vector<16xi1> -> vector<16xi32>
    %reduce_sum3A_1368 = vector.extract %reduce_sum3A_1367[15] : i32 from vector<16xi32>
    %add3A_1369 = arith.addi %add3A_1183, %reduce_sum3A_1368 : i32
    %eq3A_1370 = arith.constant 1 : i32
    %eq3A_1371 = vector.broadcast %eq3A_1370 : i32 to vector<16xi32>
    %eq3A_1372 = arith.cmpi eq, %get3A_1345, %eq3A_1371 : vector<16xi32>
    %jit3A_1373 = arith.constant 1 : i32
    %jit3A_1374 = arith.constant 0 : i32
    %broadcast_in_dim3A_1375 = vector.broadcast %jit3A_1373 : i32 to vector<16xi32>
    %broadcast_in_dim3A_1376 = vector.broadcast %jit3A_1374 : i32 to vector<16xi32>
    %select_n3A_1377 = arith.select %eq3A_1372, %broadcast_in_dim3A_1375, %broadcast_in_dim3A_1376 : vector<16xi1>, vector<16xi32>
    %broadcast_in_dim3A_1378 = arith.constant true
    %broadcast_in_dim3A_1379 = vector.broadcast %broadcast_in_dim3A_1378 : i1 to vector<16xi1>
    %masked_cumsum3A_1380 = tpu.scan <sum>, %select_n3A_1377 masked %broadcast_in_dim3A_1379 : vector<16xi32>, vector<16xi1> -> vector<16xi32>
    %add3A_1381 = vector.broadcast %add3A_1205 : i32 to vector<16xi32>
    %add3A_1382 = arith.addi %add3A_1381, %masked_cumsum3A_1380 : vector<16xi32>
    %sub3A_1383 = arith.constant 1 : i32
    %sub3A_1384 = vector.broadcast %sub3A_1383 : i32 to vector<16xi32>
    %sub3A_1385 = arith.subi %add3A_1382, %sub3A_1384 : vector<16xi32>
    %select_n3A_1386 = arith.select %eq3A_1372, %sub3A_1385, %select_n3A_1364 : vector<16xi1>, vector<16xi32>
    %reduce_sum3A_1387 = arith.constant true
    %reduce_sum3A_1388 = vector.broadcast %reduce_sum3A_1387 : i1 to vector<16xi1>
    %reduce_sum3A_1389 = tpu.scan <sum>, %select_n3A_1377 masked %reduce_sum3A_1388 : vector<16xi32>, vector<16xi1> -> vector<16xi32>
    %reduce_sum3A_1390 = vector.extract %reduce_sum3A_1389[15] : i32 from vector<16xi32>
    %add3A_1391 = arith.addi %add3A_1205, %reduce_sum3A_1390 : i32
    %eq3A_1392 = arith.constant 2 : i32
    %eq3A_1393 = vector.broadcast %eq3A_1392 : i32 to vector<16xi32>
    %eq3A_1394 = arith.cmpi eq, %get3A_1345, %eq3A_1393 : vector<16xi32>
    %jit3A_1395 = arith.constant 1 : i32
    %jit3A_1396 = arith.constant 0 : i32
    %broadcast_in_dim3A_1397 = vector.broadcast %jit3A_1395 : i32 to vector<16xi32>
    %broadcast_in_dim3A_1398 = vector.broadcast %jit3A_1396 : i32 to vector<16xi32>
    %select_n3A_1399 = arith.select %eq3A_1394, %broadcast_in_dim3A_1397, %broadcast_in_dim3A_1398 : vector<16xi1>, vector<16xi32>
    %broadcast_in_dim3A_1400 = arith.constant true
    %broadcast_in_dim3A_1401 = vector.broadcast %broadcast_in_dim3A_1400 : i1 to vector<16xi1>
    %masked_cumsum3A_1402 = tpu.scan <sum>, %select_n3A_1399 masked %broadcast_in_dim3A_1401 : vector<16xi32>, vector<16xi1> -> vector<16xi32>
    %add3A_1403 = vector.broadcast %add3A_1227 : i32 to vector<16xi32>
    %add3A_1404 = arith.addi %add3A_1403, %masked_cumsum3A_1402 : vector<16xi32>
    %sub3A_1405 = arith.constant 1 : i32
    %sub3A_1406 = vector.broadcast %sub3A_1405 : i32 to vector<16xi32>
    %sub3A_1407 = arith.subi %add3A_1404, %sub3A_1406 : vector<16xi32>
    %select_n3A_1408 = arith.select %eq3A_1394, %sub3A_1407, %select_n3A_1386 : vector<16xi1>, vector<16xi32>
    %reduce_sum3A_1409 = arith.constant true
    %reduce_sum3A_1410 = vector.broadcast %reduce_sum3A_1409 : i1 to vector<16xi1>
    %reduce_sum3A_1411 = tpu.scan <sum>, %select_n3A_1399 masked %reduce_sum3A_1410 : vector<16xi32>, vector<16xi1> -> vector<16xi32>
    %reduce_sum3A_1412 = vector.extract %reduce_sum3A_1411[15] : i32 from vector<16xi32>
    %add3A_1413 = arith.addi %add3A_1227, %reduce_sum3A_1412 : i32
    %eq3A_1414 = arith.constant 3 : i32
    %eq3A_1415 = vector.broadcast %eq3A_1414 : i32 to vector<16xi32>
    %eq3A_1416 = arith.cmpi eq, %get3A_1345, %eq3A_1415 : vector<16xi32>
    %jit3A_1417 = arith.constant 1 : i32
    %jit3A_1418 = arith.constant 0 : i32
    %broadcast_in_dim3A_1419 = vector.broadcast %jit3A_1417 : i32 to vector<16xi32>
    %broadcast_in_dim3A_1420 = vector.broadcast %jit3A_1418 : i32 to vector<16xi32>
    %select_n3A_1421 = arith.select %eq3A_1416, %broadcast_in_dim3A_1419, %broadcast_in_dim3A_1420 : vector<16xi1>, vector<16xi32>
    %broadcast_in_dim3A_1422 = arith.constant true
    %broadcast_in_dim3A_1423 = vector.broadcast %broadcast_in_dim3A_1422 : i1 to vector<16xi1>
    %masked_cumsum3A_1424 = tpu.scan <sum>, %select_n3A_1421 masked %broadcast_in_dim3A_1423 : vector<16xi32>, vector<16xi1> -> vector<16xi32>
    %add3A_1425 = vector.broadcast %add3A_1249 : i32 to vector<16xi32>
    %add3A_1426 = arith.addi %add3A_1425, %masked_cumsum3A_1424 : vector<16xi32>
    %sub3A_1427 = arith.constant 1 : i32
    %sub3A_1428 = vector.broadcast %sub3A_1427 : i32 to vector<16xi32>
    %sub3A_1429 = arith.subi %add3A_1426, %sub3A_1428 : vector<16xi32>
    %select_n3A_1430 = arith.select %eq3A_1416, %sub3A_1429, %select_n3A_1408 : vector<16xi1>, vector<16xi32>
    %reduce_sum3A_1431 = arith.constant true
    %reduce_sum3A_1432 = vector.broadcast %reduce_sum3A_1431 : i1 to vector<16xi1>
    %reduce_sum3A_1433 = tpu.scan <sum>, %select_n3A_1421 masked %reduce_sum3A_1432 : vector<16xi32>, vector<16xi1> -> vector<16xi32>
    %reduce_sum3A_1434 = vector.extract %reduce_sum3A_1433[15] : i32 from vector<16xi32>
    %add3A_1435 = arith.addi %add3A_1249, %reduce_sum3A_1434 : i32
    %eq3A_1436 = arith.constant 4 : i32
    %eq3A_1437 = vector.broadcast %eq3A_1436 : i32 to vector<16xi32>
    %eq3A_1438 = arith.cmpi eq, %get3A_1345, %eq3A_1437 : vector<16xi32>
    %jit3A_1439 = arith.constant 1 : i32
    %jit3A_1440 = arith.constant 0 : i32
    %broadcast_in_dim3A_1441 = vector.broadcast %jit3A_1439 : i32 to vector<16xi32>
    %broadcast_in_dim3A_1442 = vector.broadcast %jit3A_1440 : i32 to vector<16xi32>
    %select_n3A_1443 = arith.select %eq3A_1438, %broadcast_in_dim3A_1441, %broadcast_in_dim3A_1442 : vector<16xi1>, vector<16xi32>
    %broadcast_in_dim3A_1444 = arith.constant true
    %broadcast_in_dim3A_1445 = vector.broadcast %broadcast_in_dim3A_1444 : i1 to vector<16xi1>
    %masked_cumsum3A_1446 = tpu.scan <sum>, %select_n3A_1443 masked %broadcast_in_dim3A_1445 : vector<16xi32>, vector<16xi1> -> vector<16xi32>
    %add3A_1447 = vector.broadcast %add3A_1271 : i32 to vector<16xi32>
    %add3A_1448 = arith.addi %add3A_1447, %masked_cumsum3A_1446 : vector<16xi32>
    %sub3A_1449 = arith.constant 1 : i32
    %sub3A_1450 = vector.broadcast %sub3A_1449 : i32 to vector<16xi32>
    %sub3A_1451 = arith.subi %add3A_1448, %sub3A_1450 : vector<16xi32>
    %select_n3A_1452 = arith.select %eq3A_1438, %sub3A_1451, %select_n3A_1430 : vector<16xi1>, vector<16xi32>
    %reduce_sum3A_1453 = arith.constant true
    %reduce_sum3A_1454 = vector.broadcast %reduce_sum3A_1453 : i1 to vector<16xi1>
    %reduce_sum3A_1455 = tpu.scan <sum>, %select_n3A_1443 masked %reduce_sum3A_1454 : vector<16xi32>, vector<16xi1> -> vector<16xi32>
    %reduce_sum3A_1456 = vector.extract %reduce_sum3A_1455[15] : i32 from vector<16xi32>
    %add3A_1457 = arith.addi %add3A_1271, %reduce_sum3A_1456 : i32
    %eq3A_1458 = arith.constant 5 : i32
    %eq3A_1459 = vector.broadcast %eq3A_1458 : i32 to vector<16xi32>
    %eq3A_1460 = arith.cmpi eq, %get3A_1345, %eq3A_1459 : vector<16xi32>
    %jit3A_1461 = arith.constant 1 : i32
    %jit3A_1462 = arith.constant 0 : i32
    %broadcast_in_dim3A_1463 = vector.broadcast %jit3A_1461 : i32 to vector<16xi32>
    %broadcast_in_dim3A_1464 = vector.broadcast %jit3A_1462 : i32 to vector<16xi32>
    %select_n3A_1465 = arith.select %eq3A_1460, %broadcast_in_dim3A_1463, %broadcast_in_dim3A_1464 : vector<16xi1>, vector<16xi32>
    %broadcast_in_dim3A_1466 = arith.constant true
    %broadcast_in_dim3A_1467 = vector.broadcast %broadcast_in_dim3A_1466 : i1 to vector<16xi1>
    %masked_cumsum3A_1468 = tpu.scan <sum>, %select_n3A_1465 masked %broadcast_in_dim3A_1467 : vector<16xi32>, vector<16xi1> -> vector<16xi32>
    %add3A_1469 = vector.broadcast %add3A_1293 : i32 to vector<16xi32>
    %add3A_1470 = arith.addi %add3A_1469, %masked_cumsum3A_1468 : vector<16xi32>
    %sub3A_1471 = arith.constant 1 : i32
    %sub3A_1472 = vector.broadcast %sub3A_1471 : i32 to vector<16xi32>
    %sub3A_1473 = arith.subi %add3A_1470, %sub3A_1472 : vector<16xi32>
    %select_n3A_1474 = arith.select %eq3A_1460, %sub3A_1473, %select_n3A_1452 : vector<16xi1>, vector<16xi32>
    %reduce_sum3A_1475 = arith.constant true
    %reduce_sum3A_1476 = vector.broadcast %reduce_sum3A_1475 : i1 to vector<16xi1>
    %reduce_sum3A_1477 = tpu.scan <sum>, %select_n3A_1465 masked %reduce_sum3A_1476 : vector<16xi32>, vector<16xi1> -> vector<16xi32>
    %reduce_sum3A_1478 = vector.extract %reduce_sum3A_1477[15] : i32 from vector<16xi32>
    %add3A_1479 = arith.addi %add3A_1293, %reduce_sum3A_1478 : i32
    %eq3A_1480 = arith.constant 6 : i32
    %eq3A_1481 = vector.broadcast %eq3A_1480 : i32 to vector<16xi32>
    %eq3A_1482 = arith.cmpi eq, %get3A_1345, %eq3A_1481 : vector<16xi32>
    %jit3A_1483 = arith.constant 1 : i32
    %jit3A_1484 = arith.constant 0 : i32
    %broadcast_in_dim3A_1485 = vector.broadcast %jit3A_1483 : i32 to vector<16xi32>
    %broadcast_in_dim3A_1486 = vector.broadcast %jit3A_1484 : i32 to vector<16xi32>
    %select_n3A_1487 = arith.select %eq3A_1482, %broadcast_in_dim3A_1485, %broadcast_in_dim3A_1486 : vector<16xi1>, vector<16xi32>
    %broadcast_in_dim3A_1488 = arith.constant true
    %broadcast_in_dim3A_1489 = vector.broadcast %broadcast_in_dim3A_1488 : i1 to vector<16xi1>
    %masked_cumsum3A_1490 = tpu.scan <sum>, %select_n3A_1487 masked %broadcast_in_dim3A_1489 : vector<16xi32>, vector<16xi1> -> vector<16xi32>
    %add3A_1491 = vector.broadcast %add3A_1315 : i32 to vector<16xi32>
    %add3A_1492 = arith.addi %add3A_1491, %masked_cumsum3A_1490 : vector<16xi32>
    %sub3A_1493 = arith.constant 1 : i32
    %sub3A_1494 = vector.broadcast %sub3A_1493 : i32 to vector<16xi32>
    %sub3A_1495 = arith.subi %add3A_1492, %sub3A_1494 : vector<16xi32>
    %select_n3A_1496 = arith.select %eq3A_1482, %sub3A_1495, %select_n3A_1474 : vector<16xi1>, vector<16xi32>
    %reduce_sum3A_1497 = arith.constant true
    %reduce_sum3A_1498 = vector.broadcast %reduce_sum3A_1497 : i1 to vector<16xi1>
    %reduce_sum3A_1499 = tpu.scan <sum>, %select_n3A_1487 masked %reduce_sum3A_1498 : vector<16xi32>, vector<16xi1> -> vector<16xi32>
    %reduce_sum3A_1500 = vector.extract %reduce_sum3A_1499[15] : i32 from vector<16xi32>
    %add3A_1501 = arith.addi %add3A_1315, %reduce_sum3A_1500 : i32
    %eq3A_1502 = arith.constant 7 : i32
    %eq3A_1503 = vector.broadcast %eq3A_1502 : i32 to vector<16xi32>
    %eq3A_1504 = arith.cmpi eq, %get3A_1345, %eq3A_1503 : vector<16xi32>
    %jit3A_1505 = arith.constant 1 : i32
    %jit3A_1506 = arith.constant 0 : i32
    %broadcast_in_dim3A_1507 = vector.broadcast %jit3A_1505 : i32 to vector<16xi32>
    %broadcast_in_dim3A_1508 = vector.broadcast %jit3A_1506 : i32 to vector<16xi32>
    %select_n3A_1509 = arith.select %eq3A_1504, %broadcast_in_dim3A_1507, %broadcast_in_dim3A_1508 : vector<16xi1>, vector<16xi32>
    %broadcast_in_dim3A_1510 = arith.constant true
    %broadcast_in_dim3A_1511 = vector.broadcast %broadcast_in_dim3A_1510 : i1 to vector<16xi1>
    %masked_cumsum3A_1512 = tpu.scan <sum>, %select_n3A_1509 masked %broadcast_in_dim3A_1511 : vector<16xi32>, vector<16xi1> -> vector<16xi32>
    %add3A_1513 = vector.broadcast %add3A_1337 : i32 to vector<16xi32>
    %add3A_1514 = arith.addi %add3A_1513, %masked_cumsum3A_1512 : vector<16xi32>
    %sub3A_1515 = arith.constant 1 : i32
    %sub3A_1516 = vector.broadcast %sub3A_1515 : i32 to vector<16xi32>
    %sub3A_1517 = arith.subi %add3A_1514, %sub3A_1516 : vector<16xi32>
    %select_n3A_1518 = arith.select %eq3A_1504, %sub3A_1517, %select_n3A_1496 : vector<16xi1>, vector<16xi32>
    %reduce_sum3A_1519 = arith.constant true
    %reduce_sum3A_1520 = vector.broadcast %reduce_sum3A_1519 : i1 to vector<16xi1>
    %reduce_sum3A_1521 = tpu.scan <sum>, %select_n3A_1509 masked %reduce_sum3A_1520 : vector<16xi32>, vector<16xi1> -> vector<16xi32>
    %reduce_sum3A_1522 = vector.extract %reduce_sum3A_1521[15] : i32 from vector<16xi32>
    %add3A_1523 = arith.addi %add3A_1337, %reduce_sum3A_1522 : i32
    %swap3A_1524 = arith.constant 80 : index
    %swap3A_1525 = tpu.vector_load %arg6[%swap3A_1524] {strides = array<i32>} : memref<128xi32, #tpu.memory_space<vmem>>, vector<16xi32>,
    tpu.vector_store %arg6[%swap3A_1524], %select_n3A_1518 {strides = array<i32>} : memref<128xi32, #tpu.memory_space<vmem>>, vector<16xi32>,
    %mul3A_1526 = arith.constant 128 : i32
    %mul3A_1527 = arith.muli %add3A, %mul3A_1526 : i32
    %add3A_1528 = arith.constant 96 : i32
    %add3A_1529 = arith.addi %mul3A_1527, %add3A_1528 : i32
    %get3A_1530 = arith.index_cast %add3A_1529 : i32 to index
    %get3A_1531 = tpu.vector_load %arg5[%get3A_1530] {strides = array<i32>} : memref<4096xi32, #tpu.memory_space<vmem>>, vector<16xi32>,
    %broadcast_in_dim3A_1532 = arith.constant 0 : i32
    %broadcast_in_dim3A_1533 = vector.broadcast %broadcast_in_dim3A_1532 : i32 to vector<16xi32>
    %eq3A_1534 = arith.constant 0 : i32
    %eq3A_1535 = vector.broadcast %eq3A_1534 : i32 to vector<16xi32>
    %eq3A_1536 = arith.cmpi eq, %get3A_1531, %eq3A_1535 : vector<16xi32>
    %jit3A_1537 = arith.constant 1 : i32
    %jit3A_1538 = arith.constant 0 : i32
    %broadcast_in_dim3A_1539 = vector.broadcast %jit3A_1537 : i32 to vector<16xi32>
    %broadcast_in_dim3A_1540 = vector.broadcast %jit3A_1538 : i32 to vector<16xi32>
    %select_n3A_1541 = arith.select %eq3A_1536, %broadcast_in_dim3A_1539, %broadcast_in_dim3A_1540 : vector<16xi1>, vector<16xi32>
    %broadcast_in_dim3A_1542 = arith.constant true
    %broadcast_in_dim3A_1543 = vector.broadcast %broadcast_in_dim3A_1542 : i1 to vector<16xi1>
    %masked_cumsum3A_1544 = tpu.scan <sum>, %select_n3A_1541 masked %broadcast_in_dim3A_1543 : vector<16xi32>, vector<16xi1> -> vector<16xi32>
    %add3A_1545 = vector.broadcast %add3A_1369 : i32 to vector<16xi32>
    %add3A_1546 = arith.addi %add3A_1545, %masked_cumsum3A_1544 : vector<16xi32>
    %sub3A_1547 = arith.constant 1 : i32
    %sub3A_1548 = vector.broadcast %sub3A_1547 : i32 to vector<16xi32>
    %sub3A_1549 = arith.subi %add3A_1546, %sub3A_1548 : vector<16xi32>
    %select_n3A_1550 = arith.select %eq3A_1536, %sub3A_1549, %broadcast_in_dim3A_1533 : vector<16xi1>, vector<16xi32>
    %reduce_sum3A_1551 = arith.constant true
    %reduce_sum3A_1552 = vector.broadcast %reduce_sum3A_1551 : i1 to vector<16xi1>
    %reduce_sum3A_1553 = tpu.scan <sum>, %select_n3A_1541 masked %reduce_sum3A_1552 : vector<16xi32>, vector<16xi1> -> vector<16xi32>
    %reduce_sum3A_1554 = vector.extract %reduce_sum3A_1553[15] : i32 from vector<16xi32>
    %add3A_1555 = arith.addi %add3A_1369, %reduce_sum3A_1554 : i32
    %eq3A_1556 = arith.constant 1 : i32
    %eq3A_1557 = vector.broadcast %eq3A_1556 : i32 to vector<16xi32>
    %eq3A_1558 = arith.cmpi eq, %get3A_1531, %eq3A_1557 : vector<16xi32>
    %jit3A_1559 = arith.constant 1 : i32
    %jit3A_1560 = arith.constant 0 : i32
    %broadcast_in_dim3A_1561 = vector.broadcast %jit3A_1559 : i32 to vector<16xi32>
    %broadcast_in_dim3A_1562 = vector.broadcast %jit3A_1560 : i32 to vector<16xi32>
    %select_n3A_1563 = arith.select %eq3A_1558, %broadcast_in_dim3A_1561, %broadcast_in_dim3A_1562 : vector<16xi1>, vector<16xi32>
    %broadcast_in_dim3A_1564 = arith.constant true
    %broadcast_in_dim3A_1565 = vector.broadcast %broadcast_in_dim3A_1564 : i1 to vector<16xi1>
    %masked_cumsum3A_1566 = tpu.scan <sum>, %select_n3A_1563 masked %broadcast_in_dim3A_1565 : vector<16xi32>, vector<16xi1> -> vector<16xi32>
    %add3A_1567 = vector.broadcast %add3A_1391 : i32 to vector<16xi32>
    %add3A_1568 = arith.addi %add3A_1567, %masked_cumsum3A_1566 : vector<16xi32>
    %sub3A_1569 = arith.constant 1 : i32
    %sub3A_1570 = vector.broadcast %sub3A_1569 : i32 to vector<16xi32>
    %sub3A_1571 = arith.subi %add3A_1568, %sub3A_1570 : vector<16xi32>
    %select_n3A_1572 = arith.select %eq3A_1558, %sub3A_1571, %select_n3A_1550 : vector<16xi1>, vector<16xi32>
    %reduce_sum3A_1573 = arith.constant true
    %reduce_sum3A_1574 = vector.broadcast %reduce_sum3A_1573 : i1 to vector<16xi1>
    %reduce_sum3A_1575 = tpu.scan <sum>, %select_n3A_1563 masked %reduce_sum3A_1574 : vector<16xi32>, vector<16xi1> -> vector<16xi32>
    %reduce_sum3A_1576 = vector.extract %reduce_sum3A_1575[15] : i32 from vector<16xi32>
    %add3A_1577 = arith.addi %add3A_1391, %reduce_sum3A_1576 : i32
    %eq3A_1578 = arith.constant 2 : i32
    %eq3A_1579 = vector.broadcast %eq3A_1578 : i32 to vector<16xi32>
    %eq3A_1580 = arith.cmpi eq, %get3A_1531, %eq3A_1579 : vector<16xi32>
    %jit3A_1581 = arith.constant 1 : i32
    %jit3A_1582 = arith.constant 0 : i32
    %broadcast_in_dim3A_1583 = vector.broadcast %jit3A_1581 : i32 to vector<16xi32>
    %broadcast_in_dim3A_1584 = vector.broadcast %jit3A_1582 : i32 to vector<16xi32>
    %select_n3A_1585 = arith.select %eq3A_1580, %broadcast_in_dim3A_1583, %broadcast_in_dim3A_1584 : vector<16xi1>, vector<16xi32>
    %broadcast_in_dim3A_1586 = arith.constant true
    %broadcast_in_dim3A_1587 = vector.broadcast %broadcast_in_dim3A_1586 : i1 to vector<16xi1>
    %masked_cumsum3A_1588 = tpu.scan <sum>, %select_n3A_1585 masked %broadcast_in_dim3A_1587 : vector<16xi32>, vector<16xi1> -> vector<16xi32>
    %add3A_1589 = vector.broadcast %add3A_1413 : i32 to vector<16xi32>
    %add3A_1590 = arith.addi %add3A_1589, %masked_cumsum3A_1588 : vector<16xi32>
    %sub3A_1591 = arith.constant 1 : i32
    %sub3A_1592 = vector.broadcast %sub3A_1591 : i32 to vector<16xi32>
    %sub3A_1593 = arith.subi %add3A_1590, %sub3A_1592 : vector<16xi32>
    %select_n3A_1594 = arith.select %eq3A_1580, %sub3A_1593, %select_n3A_1572 : vector<16xi1>, vector<16xi32>
    %reduce_sum3A_1595 = arith.constant true
    %reduce_sum3A_1596 = vector.broadcast %reduce_sum3A_1595 : i1 to vector<16xi1>
    %reduce_sum3A_1597 = tpu.scan <sum>, %select_n3A_1585 masked %reduce_sum3A_1596 : vector<16xi32>, vector<16xi1> -> vector<16xi32>
    %reduce_sum3A_1598 = vector.extract %reduce_sum3A_1597[15] : i32 from vector<16xi32>
    %add3A_1599 = arith.addi %add3A_1413, %reduce_sum3A_1598 : i32
    %eq3A_1600 = arith.constant 3 : i32
    %eq3A_1601 = vector.broadcast %eq3A_1600 : i32 to vector<16xi32>
    %eq3A_1602 = arith.cmpi eq, %get3A_1531, %eq3A_1601 : vector<16xi32>
    %jit3A_1603 = arith.constant 1 : i32
    %jit3A_1604 = arith.constant 0 : i32
    %broadcast_in_dim3A_1605 = vector.broadcast %jit3A_1603 : i32 to vector<16xi32>
    %broadcast_in_dim3A_1606 = vector.broadcast %jit3A_1604 : i32 to vector<16xi32>
    %select_n3A_1607 = arith.select %eq3A_1602, %broadcast_in_dim3A_1605, %broadcast_in_dim3A_1606 : vector<16xi1>, vector<16xi32>
    %broadcast_in_dim3A_1608 = arith.constant true
    %broadcast_in_dim3A_1609 = vector.broadcast %broadcast_in_dim3A_1608 : i1 to vector<16xi1>
    %masked_cumsum3A_1610 = tpu.scan <sum>, %select_n3A_1607 masked %broadcast_in_dim3A_1609 : vector<16xi32>, vector<16xi1> -> vector<16xi32>
    %add3A_1611 = vector.broadcast %add3A_1435 : i32 to vector<16xi32>
    %add3A_1612 = arith.addi %add3A_1611, %masked_cumsum3A_1610 : vector<16xi32>
    %sub3A_1613 = arith.constant 1 : i32
    %sub3A_1614 = vector.broadcast %sub3A_1613 : i32 to vector<16xi32>
    %sub3A_1615 = arith.subi %add3A_1612, %sub3A_1614 : vector<16xi32>
    %select_n3A_1616 = arith.select %eq3A_1602, %sub3A_1615, %select_n3A_1594 : vector<16xi1>, vector<16xi32>
    %reduce_sum3A_1617 = arith.constant true
    %reduce_sum3A_1618 = vector.broadcast %reduce_sum3A_1617 : i1 to vector<16xi1>
    %reduce_sum3A_1619 = tpu.scan <sum>, %select_n3A_1607 masked %reduce_sum3A_1618 : vector<16xi32>, vector<16xi1> -> vector<16xi32>
    %reduce_sum3A_1620 = vector.extract %reduce_sum3A_1619[15] : i32 from vector<16xi32>
    %add3A_1621 = arith.addi %add3A_1435, %reduce_sum3A_1620 : i32
    %eq3A_1622 = arith.constant 4 : i32
    %eq3A_1623 = vector.broadcast %eq3A_1622 : i32 to vector<16xi32>
    %eq3A_1624 = arith.cmpi eq, %get3A_1531, %eq3A_1623 : vector<16xi32>
    %jit3A_1625 = arith.constant 1 : i32
    %jit3A_1626 = arith.constant 0 : i32
    %broadcast_in_dim3A_1627 = vector.broadcast %jit3A_1625 : i32 to vector<16xi32>
    %broadcast_in_dim3A_1628 = vector.broadcast %jit3A_1626 : i32 to vector<16xi32>
    %select_n3A_1629 = arith.select %eq3A_1624, %broadcast_in_dim3A_1627, %broadcast_in_dim3A_1628 : vector<16xi1>, vector<16xi32>
    %broadcast_in_dim3A_1630 = arith.constant true
    %broadcast_in_dim3A_1631 = vector.broadcast %broadcast_in_dim3A_1630 : i1 to vector<16xi1>
    %masked_cumsum3A_1632 = tpu.scan <sum>, %select_n3A_1629 masked %broadcast_in_dim3A_1631 : vector<16xi32>, vector<16xi1> -> vector<16xi32>
    %add3A_1633 = vector.broadcast %add3A_1457 : i32 to vector<16xi32>
    %add3A_1634 = arith.addi %add3A_1633, %masked_cumsum3A_1632 : vector<16xi32>
    %sub3A_1635 = arith.constant 1 : i32
    %sub3A_1636 = vector.broadcast %sub3A_1635 : i32 to vector<16xi32>
    %sub3A_1637 = arith.subi %add3A_1634, %sub3A_1636 : vector<16xi32>
    %select_n3A_1638 = arith.select %eq3A_1624, %sub3A_1637, %select_n3A_1616 : vector<16xi1>, vector<16xi32>
    %reduce_sum3A_1639 = arith.constant true
    %reduce_sum3A_1640 = vector.broadcast %reduce_sum3A_1639 : i1 to vector<16xi1>
    %reduce_sum3A_1641 = tpu.scan <sum>, %select_n3A_1629 masked %reduce_sum3A_1640 : vector<16xi32>, vector<16xi1> -> vector<16xi32>
    %reduce_sum3A_1642 = vector.extract %reduce_sum3A_1641[15] : i32 from vector<16xi32>
    %add3A_1643 = arith.addi %add3A_1457, %reduce_sum3A_1642 : i32
    %eq3A_1644 = arith.constant 5 : i32
    %eq3A_1645 = vector.broadcast %eq3A_1644 : i32 to vector<16xi32>
    %eq3A_1646 = arith.cmpi eq, %get3A_1531, %eq3A_1645 : vector<16xi32>
    %jit3A_1647 = arith.constant 1 : i32
    %jit3A_1648 = arith.constant 0 : i32
    %broadcast_in_dim3A_1649 = vector.broadcast %jit3A_1647 : i32 to vector<16xi32>
    %broadcast_in_dim3A_1650 = vector.broadcast %jit3A_1648 : i32 to vector<16xi32>
    %select_n3A_1651 = arith.select %eq3A_1646, %broadcast_in_dim3A_1649, %broadcast_in_dim3A_1650 : vector<16xi1>, vector<16xi32>
    %broadcast_in_dim3A_1652 = arith.constant true
    %broadcast_in_dim3A_1653 = vector.broadcast %broadcast_in_dim3A_1652 : i1 to vector<16xi1>
    %masked_cumsum3A_1654 = tpu.scan <sum>, %select_n3A_1651 masked %broadcast_in_dim3A_1653 : vector<16xi32>, vector<16xi1> -> vector<16xi32>
    %add3A_1655 = vector.broadcast %add3A_1479 : i32 to vector<16xi32>
    %add3A_1656 = arith.addi %add3A_1655, %masked_cumsum3A_1654 : vector<16xi32>
    %sub3A_1657 = arith.constant 1 : i32
    %sub3A_1658 = vector.broadcast %sub3A_1657 : i32 to vector<16xi32>
    %sub3A_1659 = arith.subi %add3A_1656, %sub3A_1658 : vector<16xi32>
    %select_n3A_1660 = arith.select %eq3A_1646, %sub3A_1659, %select_n3A_1638 : vector<16xi1>, vector<16xi32>
    %reduce_sum3A_1661 = arith.constant true
    %reduce_sum3A_1662 = vector.broadcast %reduce_sum3A_1661 : i1 to vector<16xi1>
    %reduce_sum3A_1663 = tpu.scan <sum>, %select_n3A_1651 masked %reduce_sum3A_1662 : vector<16xi32>, vector<16xi1> -> vector<16xi32>
    %reduce_sum3A_1664 = vector.extract %reduce_sum3A_1663[15] : i32 from vector<16xi32>
    %add3A_1665 = arith.addi %add3A_1479, %reduce_sum3A_1664 : i32
    %eq3A_1666 = arith.constant 6 : i32
    %eq3A_1667 = vector.broadcast %eq3A_1666 : i32 to vector<16xi32>
    %eq3A_1668 = arith.cmpi eq, %get3A_1531, %eq3A_1667 : vector<16xi32>
    %jit3A_1669 = arith.constant 1 : i32
    %jit3A_1670 = arith.constant 0 : i32
    %broadcast_in_dim3A_1671 = vector.broadcast %jit3A_1669 : i32 to vector<16xi32>
    %broadcast_in_dim3A_1672 = vector.broadcast %jit3A_1670 : i32 to vector<16xi32>
    %select_n3A_1673 = arith.select %eq3A_1668, %broadcast_in_dim3A_1671, %broadcast_in_dim3A_1672 : vector<16xi1>, vector<16xi32>
    %broadcast_in_dim3A_1674 = arith.constant true
    %broadcast_in_dim3A_1675 = vector.broadcast %broadcast_in_dim3A_1674 : i1 to vector<16xi1>
    %masked_cumsum3A_1676 = tpu.scan <sum>, %select_n3A_1673 masked %broadcast_in_dim3A_1675 : vector<16xi32>, vector<16xi1> -> vector<16xi32>
    %add3A_1677 = vector.broadcast %add3A_1501 : i32 to vector<16xi32>
    %add3A_1678 = arith.addi %add3A_1677, %masked_cumsum3A_1676 : vector<16xi32>
    %sub3A_1679 = arith.constant 1 : i32
    %sub3A_1680 = vector.broadcast %sub3A_1679 : i32 to vector<16xi32>
    %sub3A_1681 = arith.subi %add3A_1678, %sub3A_1680 : vector<16xi32>
    %select_n3A_1682 = arith.select %eq3A_1668, %sub3A_1681, %select_n3A_1660 : vector<16xi1>, vector<16xi32>
    %reduce_sum3A_1683 = arith.constant true
    %reduce_sum3A_1684 = vector.broadcast %reduce_sum3A_1683 : i1 to vector<16xi1>
    %reduce_sum3A_1685 = tpu.scan <sum>, %select_n3A_1673 masked %reduce_sum3A_1684 : vector<16xi32>, vector<16xi1> -> vector<16xi32>
    %reduce_sum3A_1686 = vector.extract %reduce_sum3A_1685[15] : i32 from vector<16xi32>
    %add3A_1687 = arith.addi %add3A_1501, %reduce_sum3A_1686 : i32
    %eq3A_1688 = arith.constant 7 : i32
    %eq3A_1689 = vector.broadcast %eq3A_1688 : i32 to vector<16xi32>
    %eq3A_1690 = arith.cmpi eq, %get3A_1531, %eq3A_1689 : vector<16xi32>
    %jit3A_1691 = arith.constant 1 : i32
    %jit3A_1692 = arith.constant 0 : i32
    %broadcast_in_dim3A_1693 = vector.broadcast %jit3A_1691 : i32 to vector<16xi32>
    %broadcast_in_dim3A_1694 = vector.broadcast %jit3A_1692 : i32 to vector<16xi32>
    %select_n3A_1695 = arith.select %eq3A_1690, %broadcast_in_dim3A_1693, %broadcast_in_dim3A_1694 : vector<16xi1>, vector<16xi32>
    %broadcast_in_dim3A_1696 = arith.constant true
    %broadcast_in_dim3A_1697 = vector.broadcast %broadcast_in_dim3A_1696 : i1 to vector<16xi1>
    %masked_cumsum3A_1698 = tpu.scan <sum>, %select_n3A_1695 masked %broadcast_in_dim3A_1697 : vector<16xi32>, vector<16xi1> -> vector<16xi32>
    %add3A_1699 = vector.broadcast %add3A_1523 : i32 to vector<16xi32>
    %add3A_1700 = arith.addi %add3A_1699, %masked_cumsum3A_1698 : vector<16xi32>
    %sub3A_1701 = arith.constant 1 : i32
    %sub3A_1702 = vector.broadcast %sub3A_1701 : i32 to vector<16xi32>
    %sub3A_1703 = arith.subi %add3A_1700, %sub3A_1702 : vector<16xi32>
    %select_n3A_1704 = arith.select %eq3A_1690, %sub3A_1703, %select_n3A_1682 : vector<16xi1>, vector<16xi32>
    %reduce_sum3A_1705 = arith.constant true
    %reduce_sum3A_1706 = vector.broadcast %reduce_sum3A_1705 : i1 to vector<16xi1>
    %reduce_sum3A_1707 = tpu.scan <sum>, %select_n3A_1695 masked %reduce_sum3A_1706 : vector<16xi32>, vector<16xi1> -> vector<16xi32>
    %reduce_sum3A_1708 = vector.extract %reduce_sum3A_1707[15] : i32 from vector<16xi32>
    %add3A_1709 = arith.addi %add3A_1523, %reduce_sum3A_1708 : i32
    %swap3A_1710 = arith.constant 96 : index
    %swap3A_1711 = tpu.vector_load %arg6[%swap3A_1710] {strides = array<i32>} : memref<128xi32, #tpu.memory_space<vmem>>, vector<16xi32>,
    tpu.vector_store %arg6[%swap3A_1710], %select_n3A_1704 {strides = array<i32>} : memref<128xi32, #tpu.memory_space<vmem>>, vector<16xi32>,
    %mul3A_1712 = arith.constant 128 : i32
    %mul3A_1713 = arith.muli %add3A, %mul3A_1712 : i32
    %add3A_1714 = arith.constant 112 : i32
    %add3A_1715 = arith.addi %mul3A_1713, %add3A_1714 : i32
    %get3A_1716 = arith.index_cast %add3A_1715 : i32 to index
    %get3A_1717 = tpu.vector_load %arg5[%get3A_1716] {strides = array<i32>} : memref<4096xi32, #tpu.memory_space<vmem>>, vector<16xi32>,
    %broadcast_in_dim3A_1718 = arith.constant 0 : i32
    %broadcast_in_dim3A_1719 = vector.broadcast %broadcast_in_dim3A_1718 : i32 to vector<16xi32>
    %eq3A_1720 = arith.constant 0 : i32
    %eq3A_1721 = vector.broadcast %eq3A_1720 : i32 to vector<16xi32>
    %eq3A_1722 = arith.cmpi eq, %get3A_1717, %eq3A_1721 : vector<16xi32>
    %jit3A_1723 = arith.constant 1 : i32
    %jit3A_1724 = arith.constant 0 : i32
    %broadcast_in_dim3A_1725 = vector.broadcast %jit3A_1723 : i32 to vector<16xi32>
    %broadcast_in_dim3A_1726 = vector.broadcast %jit3A_1724 : i32 to vector<16xi32>
    %select_n3A_1727 = arith.select %eq3A_1722, %broadcast_in_dim3A_1725, %broadcast_in_dim3A_1726 : vector<16xi1>, vector<16xi32>
    %broadcast_in_dim3A_1728 = arith.constant true
    %broadcast_in_dim3A_1729 = vector.broadcast %broadcast_in_dim3A_1728 : i1 to vector<16xi1>
    %masked_cumsum3A_1730 = tpu.scan <sum>, %select_n3A_1727 masked %broadcast_in_dim3A_1729 : vector<16xi32>, vector<16xi1> -> vector<16xi32>
    %add3A_1731 = vector.broadcast %add3A_1555 : i32 to vector<16xi32>
    %add3A_1732 = arith.addi %add3A_1731, %masked_cumsum3A_1730 : vector<16xi32>
    %sub3A_1733 = arith.constant 1 : i32
    %sub3A_1734 = vector.broadcast %sub3A_1733 : i32 to vector<16xi32>
    %sub3A_1735 = arith.subi %add3A_1732, %sub3A_1734 : vector<16xi32>
    %select_n3A_1736 = arith.select %eq3A_1722, %sub3A_1735, %broadcast_in_dim3A_1719 : vector<16xi1>, vector<16xi32>
    %reduce_sum3A_1737 = arith.constant true
    %reduce_sum3A_1738 = vector.broadcast %reduce_sum3A_1737 : i1 to vector<16xi1>
    %reduce_sum3A_1739 = tpu.scan <sum>, %select_n3A_1727 masked %reduce_sum3A_1738 : vector<16xi32>, vector<16xi1> -> vector<16xi32>
    %reduce_sum3A_1740 = vector.extract %reduce_sum3A_1739[15] : i32 from vector<16xi32>
    %add3A_1741 = arith.addi %add3A_1555, %reduce_sum3A_1740 : i32
    %eq3A_1742 = arith.constant 1 : i32
    %eq3A_1743 = vector.broadcast %eq3A_1742 : i32 to vector<16xi32>
    %eq3A_1744 = arith.cmpi eq, %get3A_1717, %eq3A_1743 : vector<16xi32>
    %jit3A_1745 = arith.constant 1 : i32
    %jit3A_1746 = arith.constant 0 : i32
    %broadcast_in_dim3A_1747 = vector.broadcast %jit3A_1745 : i32 to vector<16xi32>
    %broadcast_in_dim3A_1748 = vector.broadcast %jit3A_1746 : i32 to vector<16xi32>
    %select_n3A_1749 = arith.select %eq3A_1744, %broadcast_in_dim3A_1747, %broadcast_in_dim3A_1748 : vector<16xi1>, vector<16xi32>
    %broadcast_in_dim3A_1750 = arith.constant true
    %broadcast_in_dim3A_1751 = vector.broadcast %broadcast_in_dim3A_1750 : i1 to vector<16xi1>
    %masked_cumsum3A_1752 = tpu.scan <sum>, %select_n3A_1749 masked %broadcast_in_dim3A_1751 : vector<16xi32>, vector<16xi1> -> vector<16xi32>
    %add3A_1753 = vector.broadcast %add3A_1577 : i32 to vector<16xi32>
    %add3A_1754 = arith.addi %add3A_1753, %masked_cumsum3A_1752 : vector<16xi32>
    %sub3A_1755 = arith.constant 1 : i32
    %sub3A_1756 = vector.broadcast %sub3A_1755 : i32 to vector<16xi32>
    %sub3A_1757 = arith.subi %add3A_1754, %sub3A_1756 : vector<16xi32>
    %select_n3A_1758 = arith.select %eq3A_1744, %sub3A_1757, %select_n3A_1736 : vector<16xi1>, vector<16xi32>
    %reduce_sum3A_1759 = arith.constant true
    %reduce_sum3A_1760 = vector.broadcast %reduce_sum3A_1759 : i1 to vector<16xi1>
    %reduce_sum3A_1761 = tpu.scan <sum>, %select_n3A_1749 masked %reduce_sum3A_1760 : vector<16xi32>, vector<16xi1> -> vector<16xi32>
    %reduce_sum3A_1762 = vector.extract %reduce_sum3A_1761[15] : i32 from vector<16xi32>
    %add3A_1763 = arith.addi %add3A_1577, %reduce_sum3A_1762 : i32
    %eq3A_1764 = arith.constant 2 : i32
    %eq3A_1765 = vector.broadcast %eq3A_1764 : i32 to vector<16xi32>
    %eq3A_1766 = arith.cmpi eq, %get3A_1717, %eq3A_1765 : vector<16xi32>
    %jit3A_1767 = arith.constant 1 : i32
    %jit3A_1768 = arith.constant 0 : i32
    %broadcast_in_dim3A_1769 = vector.broadcast %jit3A_1767 : i32 to vector<16xi32>
    %broadcast_in_dim3A_1770 = vector.broadcast %jit3A_1768 : i32 to vector<16xi32>
    %select_n3A_1771 = arith.select %eq3A_1766, %broadcast_in_dim3A_1769, %broadcast_in_dim3A_1770 : vector<16xi1>, vector<16xi32>
    %broadcast_in_dim3A_1772 = arith.constant true
    %broadcast_in_dim3A_1773 = vector.broadcast %broadcast_in_dim3A_1772 : i1 to vector<16xi1>
    %masked_cumsum3A_1774 = tpu.scan <sum>, %select_n3A_1771 masked %broadcast_in_dim3A_1773 : vector<16xi32>, vector<16xi1> -> vector<16xi32>
    %add3A_1775 = vector.broadcast %add3A_1599 : i32 to vector<16xi32>
    %add3A_1776 = arith.addi %add3A_1775, %masked_cumsum3A_1774 : vector<16xi32>
    %sub3A_1777 = arith.constant 1 : i32
    %sub3A_1778 = vector.broadcast %sub3A_1777 : i32 to vector<16xi32>
    %sub3A_1779 = arith.subi %add3A_1776, %sub3A_1778 : vector<16xi32>
    %select_n3A_1780 = arith.select %eq3A_1766, %sub3A_1779, %select_n3A_1758 : vector<16xi1>, vector<16xi32>
    %reduce_sum3A_1781 = arith.constant true
    %reduce_sum3A_1782 = vector.broadcast %reduce_sum3A_1781 : i1 to vector<16xi1>
    %reduce_sum3A_1783 = tpu.scan <sum>, %select_n3A_1771 masked %reduce_sum3A_1782 : vector<16xi32>, vector<16xi1> -> vector<16xi32>
    %reduce_sum3A_1784 = vector.extract %reduce_sum3A_1783[15] : i32 from vector<16xi32>
    %add3A_1785 = arith.addi %add3A_1599, %reduce_sum3A_1784 : i32
    %eq3A_1786 = arith.constant 3 : i32
    %eq3A_1787 = vector.broadcast %eq3A_1786 : i32 to vector<16xi32>
    %eq3A_1788 = arith.cmpi eq, %get3A_1717, %eq3A_1787 : vector<16xi32>
    %jit3A_1789 = arith.constant 1 : i32
    %jit3A_1790 = arith.constant 0 : i32
    %broadcast_in_dim3A_1791 = vector.broadcast %jit3A_1789 : i32 to vector<16xi32>
    %broadcast_in_dim3A_1792 = vector.broadcast %jit3A_1790 : i32 to vector<16xi32>
    %select_n3A_1793 = arith.select %eq3A_1788, %broadcast_in_dim3A_1791, %broadcast_in_dim3A_1792 : vector<16xi1>, vector<16xi32>
    %broadcast_in_dim3A_1794 = arith.constant true
    %broadcast_in_dim3A_1795 = vector.broadcast %broadcast_in_dim3A_1794 : i1 to vector<16xi1>
    %masked_cumsum3A_1796 = tpu.scan <sum>, %select_n3A_1793 masked %broadcast_in_dim3A_1795 : vector<16xi32>, vector<16xi1> -> vector<16xi32>
    %add3A_1797 = vector.broadcast %add3A_1621 : i32 to vector<16xi32>
    %add3A_1798 = arith.addi %add3A_1797, %masked_cumsum3A_1796 : vector<16xi32>
    %sub3A_1799 = arith.constant 1 : i32
    %sub3A_1800 = vector.broadcast %sub3A_1799 : i32 to vector<16xi32>
    %sub3A_1801 = arith.subi %add3A_1798, %sub3A_1800 : vector<16xi32>
    %select_n3A_1802 = arith.select %eq3A_1788, %sub3A_1801, %select_n3A_1780 : vector<16xi1>, vector<16xi32>
    %reduce_sum3A_1803 = arith.constant true
    %reduce_sum3A_1804 = vector.broadcast %reduce_sum3A_1803 : i1 to vector<16xi1>
    %reduce_sum3A_1805 = tpu.scan <sum>, %select_n3A_1793 masked %reduce_sum3A_1804 : vector<16xi32>, vector<16xi1> -> vector<16xi32>
    %reduce_sum3A_1806 = vector.extract %reduce_sum3A_1805[15] : i32 from vector<16xi32>
    %add3A_1807 = arith.addi %add3A_1621, %reduce_sum3A_1806 : i32
    %eq3A_1808 = arith.constant 4 : i32
    %eq3A_1809 = vector.broadcast %eq3A_1808 : i32 to vector<16xi32>
    %eq3A_1810 = arith.cmpi eq, %get3A_1717, %eq3A_1809 : vector<16xi32>
    %jit3A_1811 = arith.constant 1 : i32
    %jit3A_1812 = arith.constant 0 : i32
    %broadcast_in_dim3A_1813 = vector.broadcast %jit3A_1811 : i32 to vector<16xi32>
    %broadcast_in_dim3A_1814 = vector.broadcast %jit3A_1812 : i32 to vector<16xi32>
    %select_n3A_1815 = arith.select %eq3A_1810, %broadcast_in_dim3A_1813, %broadcast_in_dim3A_1814 : vector<16xi1>, vector<16xi32>
    %broadcast_in_dim3A_1816 = arith.constant true
    %broadcast_in_dim3A_1817 = vector.broadcast %broadcast_in_dim3A_1816 : i1 to vector<16xi1>
    %masked_cumsum3A_1818 = tpu.scan <sum>, %select_n3A_1815 masked %broadcast_in_dim3A_1817 : vector<16xi32>, vector<16xi1> -> vector<16xi32>
    %add3A_1819 = vector.broadcast %add3A_1643 : i32 to vector<16xi32>
    %add3A_1820 = arith.addi %add3A_1819, %masked_cumsum3A_1818 : vector<16xi32>
    %sub3A_1821 = arith.constant 1 : i32
    %sub3A_1822 = vector.broadcast %sub3A_1821 : i32 to vector<16xi32>
    %sub3A_1823 = arith.subi %add3A_1820, %sub3A_1822 : vector<16xi32>
    %select_n3A_1824 = arith.select %eq3A_1810, %sub3A_1823, %select_n3A_1802 : vector<16xi1>, vector<16xi32>
    %reduce_sum3A_1825 = arith.constant true
    %reduce_sum3A_1826 = vector.broadcast %reduce_sum3A_1825 : i1 to vector<16xi1>
    %reduce_sum3A_1827 = tpu.scan <sum>, %select_n3A_1815 masked %reduce_sum3A_1826 : vector<16xi32>, vector<16xi1> -> vector<16xi32>
    %reduce_sum3A_1828 = vector.extract %reduce_sum3A_1827[15] : i32 from vector<16xi32>
    %add3A_1829 = arith.addi %add3A_1643, %reduce_sum3A_1828 : i32
    %eq3A_1830 = arith.constant 5 : i32
    %eq3A_1831 = vector.broadcast %eq3A_1830 : i32 to vector<16xi32>
    %eq3A_1832 = arith.cmpi eq, %get3A_1717, %eq3A_1831 : vector<16xi32>
    %jit3A_1833 = arith.constant 1 : i32
    %jit3A_1834 = arith.constant 0 : i32
    %broadcast_in_dim3A_1835 = vector.broadcast %jit3A_1833 : i32 to vector<16xi32>
    %broadcast_in_dim3A_1836 = vector.broadcast %jit3A_1834 : i32 to vector<16xi32>
    %select_n3A_1837 = arith.select %eq3A_1832, %broadcast_in_dim3A_1835, %broadcast_in_dim3A_1836 : vector<16xi1>, vector<16xi32>
    %broadcast_in_dim3A_1838 = arith.constant true
    %broadcast_in_dim3A_1839 = vector.broadcast %broadcast_in_dim3A_1838 : i1 to vector<16xi1>
    %masked_cumsum3A_1840 = tpu.scan <sum>, %select_n3A_1837 masked %broadcast_in_dim3A_1839 : vector<16xi32>, vector<16xi1> -> vector<16xi32>
    %add3A_1841 = vector.broadcast %add3A_1665 : i32 to vector<16xi32>
    %add3A_1842 = arith.addi %add3A_1841, %masked_cumsum3A_1840 : vector<16xi32>
    %sub3A_1843 = arith.constant 1 : i32
    %sub3A_1844 = vector.broadcast %sub3A_1843 : i32 to vector<16xi32>
    %sub3A_1845 = arith.subi %add3A_1842, %sub3A_1844 : vector<16xi32>
    %select_n3A_1846 = arith.select %eq3A_1832, %sub3A_1845, %select_n3A_1824 : vector<16xi1>, vector<16xi32>
    %reduce_sum3A_1847 = arith.constant true
    %reduce_sum3A_1848 = vector.broadcast %reduce_sum3A_1847 : i1 to vector<16xi1>
    %reduce_sum3A_1849 = tpu.scan <sum>, %select_n3A_1837 masked %reduce_sum3A_1848 : vector<16xi32>, vector<16xi1> -> vector<16xi32>
    %reduce_sum3A_1850 = vector.extract %reduce_sum3A_1849[15] : i32 from vector<16xi32>
    %add3A_1851 = arith.addi %add3A_1665, %reduce_sum3A_1850 : i32
    %eq3A_1852 = arith.constant 6 : i32
    %eq3A_1853 = vector.broadcast %eq3A_1852 : i32 to vector<16xi32>
    %eq3A_1854 = arith.cmpi eq, %get3A_1717, %eq3A_1853 : vector<16xi32>
    %jit3A_1855 = arith.constant 1 : i32
    %jit3A_1856 = arith.constant 0 : i32
    %broadcast_in_dim3A_1857 = vector.broadcast %jit3A_1855 : i32 to vector<16xi32>
    %broadcast_in_dim3A_1858 = vector.broadcast %jit3A_1856 : i32 to vector<16xi32>
    %select_n3A_1859 = arith.select %eq3A_1854, %broadcast_in_dim3A_1857, %broadcast_in_dim3A_1858 : vector<16xi1>, vector<16xi32>
    %broadcast_in_dim3A_1860 = arith.constant true
    %broadcast_in_dim3A_1861 = vector.broadcast %broadcast_in_dim3A_1860 : i1 to vector<16xi1>
    %masked_cumsum3A_1862 = tpu.scan <sum>, %select_n3A_1859 masked %broadcast_in_dim3A_1861 : vector<16xi32>, vector<16xi1> -> vector<16xi32>
    %add3A_1863 = vector.broadcast %add3A_1687 : i32 to vector<16xi32>
    %add3A_1864 = arith.addi %add3A_1863, %masked_cumsum3A_1862 : vector<16xi32>
    %sub3A_1865 = arith.constant 1 : i32
    %sub3A_1866 = vector.broadcast %sub3A_1865 : i32 to vector<16xi32>
    %sub3A_1867 = arith.subi %add3A_1864, %sub3A_1866 : vector<16xi32>
    %select_n3A_1868 = arith.select %eq3A_1854, %sub3A_1867, %select_n3A_1846 : vector<16xi1>, vector<16xi32>
    %reduce_sum3A_1869 = arith.constant true
    %reduce_sum3A_1870 = vector.broadcast %reduce_sum3A_1869 : i1 to vector<16xi1>
    %reduce_sum3A_1871 = tpu.scan <sum>, %select_n3A_1859 masked %reduce_sum3A_1870 : vector<16xi32>, vector<16xi1> -> vector<16xi32>
    %reduce_sum3A_1872 = vector.extract %reduce_sum3A_1871[15] : i32 from vector<16xi32>
    %add3A_1873 = arith.addi %add3A_1687, %reduce_sum3A_1872 : i32
    %eq3A_1874 = arith.constant 7 : i32
    %eq3A_1875 = vector.broadcast %eq3A_1874 : i32 to vector<16xi32>
    %eq3A_1876 = arith.cmpi eq, %get3A_1717, %eq3A_1875 : vector<16xi32>
    %jit3A_1877 = arith.constant 1 : i32
    %jit3A_1878 = arith.constant 0 : i32
    %broadcast_in_dim3A_1879 = vector.broadcast %jit3A_1877 : i32 to vector<16xi32>
    %broadcast_in_dim3A_1880 = vector.broadcast %jit3A_1878 : i32 to vector<16xi32>
    %select_n3A_1881 = arith.select %eq3A_1876, %broadcast_in_dim3A_1879, %broadcast_in_dim3A_1880 : vector<16xi1>, vector<16xi32>
    %broadcast_in_dim3A_1882 = arith.constant true
    %broadcast_in_dim3A_1883 = vector.broadcast %broadcast_in_dim3A_1882 : i1 to vector<16xi1>
    %masked_cumsum3A_1884 = tpu.scan <sum>, %select_n3A_1881 masked %broadcast_in_dim3A_1883 : vector<16xi32>, vector<16xi1> -> vector<16xi32>
    %add3A_1885 = vector.broadcast %add3A_1709 : i32 to vector<16xi32>
    %add3A_1886 = arith.addi %add3A_1885, %masked_cumsum3A_1884 : vector<16xi32>
    %sub3A_1887 = arith.constant 1 : i32
    %sub3A_1888 = vector.broadcast %sub3A_1887 : i32 to vector<16xi32>
    %sub3A_1889 = arith.subi %add3A_1886, %sub3A_1888 : vector<16xi32>
    %select_n3A_1890 = arith.select %eq3A_1876, %sub3A_1889, %select_n3A_1868 : vector<16xi1>, vector<16xi32>
    %reduce_sum3A_1891 = arith.constant true
    %reduce_sum3A_1892 = vector.broadcast %reduce_sum3A_1891 : i1 to vector<16xi1>
    %reduce_sum3A_1893 = tpu.scan <sum>, %select_n3A_1881 masked %reduce_sum3A_1892 : vector<16xi32>, vector<16xi1> -> vector<16xi32>
    %reduce_sum3A_1894 = vector.extract %reduce_sum3A_1893[15] : i32 from vector<16xi32>
    %add3A_1895 = arith.addi %add3A_1709, %reduce_sum3A_1894 : i32
    %swap3A_1896 = arith.constant 112 : index
    %swap3A_1897 = tpu.vector_load %arg6[%swap3A_1896] {strides = array<i32>} : memref<128xi32, #tpu.memory_space<vmem>>, vector<16xi32>,
    tpu.vector_store %arg6[%swap3A_1896], %select_n3A_1890 {strides = array<i32>} : memref<128xi32, #tpu.memory_space<vmem>>, vector<16xi32>,
    %mul3A_1898 = arith.constant 128 : i32
    %mul3A_1899 = arith.muli %add3A, %mul3A_1898 : i32
    "tpu.region"() ({
      %run_scoped3A = tpu.sem_alloc : memref<!tpu.dma_semaphore, #tpu.memory_space<semaphore_mem>>
      %dma_start3A = tpu.memref_slice %arg3[%mul3A_1899] : memref<4096xi32, #tpu.memory_space<hbm>> -> memref<128xi32, #tpu.memory_space<hbm>>
      %dma_start3A_1904 = tpu.memref_slice %arg3[%mul3A_1899] : memref<4096xi32, #tpu.memory_space<hbm>> -> memref<128xi32, #tpu.memory_space<hbm>>
      tpu.enqueue_dma source(%arg6 : memref<128xi32, #tpu.memory_space<vmem>>) target(%dma_start3A_1904 : memref<128xi32, #tpu.memory_space<hbm>>) target_semaphore(%run_scoped3A : memref<!tpu.dma_semaphore, #tpu.memory_space<semaphore_mem>>)
      %dma_wait3A = tpu.memref_slice %arg3[%mul3A_1899] : memref<4096xi32, #tpu.memory_space<hbm>> -> memref<128xi32, #tpu.memory_space<hbm>>
      %dma_wait3A_1905 = tpu.memref_slice %arg3[%mul3A_1899] : memref<4096xi32, #tpu.memory_space<hbm>> -> memref<128xi32, #tpu.memory_space<hbm>>
      tpu.wait_dma2 semaphore(%run_scoped3A : memref<!tpu.dma_semaphore, #tpu.memory_space<semaphore_mem>>) src(%arg6 : memref<128xi32, #tpu.memory_space<vmem>>) dst(%dma_wait3A_1905 : memref<128xi32, #tpu.memory_space<hbm>>)
      tpu.yield
    }) : () -> ()
    %eq3A_1900 = arith.constant 0 : i32
    %eq3A_1901 = arith.cmpi eq, %add3A, %eq3A_1900 : i32
    %convert_element_type3A = arith.extui %eq3A_1901 : i1 to i32
    %cond3A = arith.constant 0 : i32
    %cond3A_1902 = arith.constant 0 : i32
    %cond3A_1903 = arith.cmpi ne, %convert_element_type3A, %cond3A_1902 : i32
    scf.if %cond3A_1903 {
      %mul3A_1904 = arith.constant 256 : i32
      %mul3A_1905 = vector.broadcast %mul3A_1904 : i32 to vector<16xi32>
      %mul3A_1906 = arith.muli %iota3A, %mul3A_1905 : vector<16xi32>
      %add3A_1907 = arith.constant 16 : i32
      %add3A_1908 = vector.broadcast %add3A_1907 : i32 to vector<16xi32>
      %add3A_1909 = arith.addi %iota3A, %add3A_1908 : vector<16xi32>
      %mul3A_1910 = arith.constant 256 : i32
      %mul3A_1911 = vector.broadcast %mul3A_1910 : i32 to vector<16xi32>
      %mul3A_1912 = arith.muli %add3A_1909, %mul3A_1911 : vector<16xi32>
      %broadcast_in_dim3A_1913 = arith.constant -1 : i32
      %broadcast_in_dim3A_1914 = vector.broadcast %broadcast_in_dim3A_1913 : i32 to vector<16xi32>
      %broadcast_in_dim3A_1915 = arith.constant -1 : i32
      %broadcast_in_dim3A_1916 = vector.broadcast %broadcast_in_dim3A_1915 : i32 to vector<16xi32>
      %ge3A = vector.broadcast %cond3A : i32 to vector<16xi32>
      %ge3A_1917 = arith.cmpi sge, %mul3A_1906, %ge3A : vector<16xi32>
      %jit3A_1918 = arith.constant 1 : i32
      %jit3A_1919 = arith.constant 0 : i32
      %broadcast_in_dim3A_1920 = vector.broadcast %jit3A_1918 : i32 to vector<16xi32>
      %broadcast_in_dim3A_1921 = vector.broadcast %jit3A_1919 : i32 to vector<16xi32>
      %select_n3A_1922 = arith.select %ge3A_1917, %broadcast_in_dim3A_1920, %broadcast_in_dim3A_1921 : vector<16xi1>, vector<16xi32>
      %add3A_1923 = arith.addi %broadcast_in_dim3A_1914, %select_n3A_1922 : vector<16xi32>
      %ge3A_1924 = vector.broadcast %cond3A : i32 to vector<16xi32>
      %ge3A_1925 = arith.cmpi sge, %mul3A_1912, %ge3A_1924 : vector<16xi32>
      %jit3A_1926 = arith.constant 1 : i32
      %jit3A_1927 = arith.constant 0 : i32
      %broadcast_in_dim3A_1928 = vector.broadcast %jit3A_1926 : i32 to vector<16xi32>
      %broadcast_in_dim3A_1929 = vector.broadcast %jit3A_1927 : i32 to vector<16xi32>
      %select_n3A_1930 = arith.select %ge3A_1925, %broadcast_in_dim3A_1928, %broadcast_in_dim3A_1929 : vector<16xi1>, vector<16xi32>
      %add3A_1931 = arith.addi %broadcast_in_dim3A_1916, %select_n3A_1930 : vector<16xi32>
      %ge3A_1932 = vector.broadcast %add3A_62 : i32 to vector<16xi32>
      %ge3A_1933 = arith.cmpi sge, %mul3A_1906, %ge3A_1932 : vector<16xi32>
      %jit3A_1934 = arith.constant 1 : i32
      %jit3A_1935 = arith.constant 0 : i32
      %broadcast_in_dim3A_1936 = vector.broadcast %jit3A_1934 : i32 to vector<16xi32>
      %broadcast_in_dim3A_1937 = vector.broadcast %jit3A_1935 : i32 to vector<16xi32>
      %select_n3A_1938 = arith.select %ge3A_1933, %broadcast_in_dim3A_1936, %broadcast_in_dim3A_1937 : vector<16xi1>, vector<16xi32>
      %add3A_1939 = arith.addi %add3A_1923, %select_n3A_1938 : vector<16xi32>
      %ge3A_1940 = vector.broadcast %add3A_62 : i32 to vector<16xi32>
      %ge3A_1941 = arith.cmpi sge, %mul3A_1912, %ge3A_1940 : vector<16xi32>
      %jit3A_1942 = arith.constant 1 : i32
      %jit3A_1943 = arith.constant 0 : i32
      %broadcast_in_dim3A_1944 = vector.broadcast %jit3A_1942 : i32 to vector<16xi32>
      %broadcast_in_dim3A_1945 = vector.broadcast %jit3A_1943 : i32 to vector<16xi32>
      %select_n3A_1946 = arith.select %ge3A_1941, %broadcast_in_dim3A_1944, %broadcast_in_dim3A_1945 : vector<16xi1>, vector<16xi32>
      %add3A_1947 = arith.addi %add3A_1931, %select_n3A_1946 : vector<16xi32>
      %ge3A_1948 = vector.broadcast %add3A_112 : i32 to vector<16xi32>
      %ge3A_1949 = arith.cmpi sge, %mul3A_1906, %ge3A_1948 : vector<16xi32>
      %jit3A_1950 = arith.constant 1 : i32
      %jit3A_1951 = arith.constant 0 : i32
      %broadcast_in_dim3A_1952 = vector.broadcast %jit3A_1950 : i32 to vector<16xi32>
      %broadcast_in_dim3A_1953 = vector.broadcast %jit3A_1951 : i32 to vector<16xi32>
      %select_n3A_1954 = arith.select %ge3A_1949, %broadcast_in_dim3A_1952, %broadcast_in_dim3A_1953 : vector<16xi1>, vector<16xi32>
      %add3A_1955 = arith.addi %add3A_1939, %select_n3A_1954 : vector<16xi32>
      %ge3A_1956 = vector.broadcast %add3A_112 : i32 to vector<16xi32>
      %ge3A_1957 = arith.cmpi sge, %mul3A_1912, %ge3A_1956 : vector<16xi32>
      %jit3A_1958 = arith.constant 1 : i32
      %jit3A_1959 = arith.constant 0 : i32
      %broadcast_in_dim3A_1960 = vector.broadcast %jit3A_1958 : i32 to vector<16xi32>
      %broadcast_in_dim3A_1961 = vector.broadcast %jit3A_1959 : i32 to vector<16xi32>
      %select_n3A_1962 = arith.select %ge3A_1957, %broadcast_in_dim3A_1960, %broadcast_in_dim3A_1961 : vector<16xi1>, vector<16xi32>
      %add3A_1963 = arith.addi %add3A_1947, %select_n3A_1962 : vector<16xi32>
      %ge3A_1964 = vector.broadcast %add3A_162 : i32 to vector<16xi32>
      %ge3A_1965 = arith.cmpi sge, %mul3A_1906, %ge3A_1964 : vector<16xi32>
      %jit3A_1966 = arith.constant 1 : i32
      %jit3A_1967 = arith.constant 0 : i32
      %broadcast_in_dim3A_1968 = vector.broadcast %jit3A_1966 : i32 to vector<16xi32>
      %broadcast_in_dim3A_1969 = vector.broadcast %jit3A_1967 : i32 to vector<16xi32>
      %select_n3A_1970 = arith.select %ge3A_1965, %broadcast_in_dim3A_1968, %broadcast_in_dim3A_1969 : vector<16xi1>, vector<16xi32>
      %add3A_1971 = arith.addi %add3A_1955, %select_n3A_1970 : vector<16xi32>
      %ge3A_1972 = vector.broadcast %add3A_162 : i32 to vector<16xi32>
      %ge3A_1973 = arith.cmpi sge, %mul3A_1912, %ge3A_1972 : vector<16xi32>
      %jit3A_1974 = arith.constant 1 : i32
      %jit3A_1975 = arith.constant 0 : i32
      %broadcast_in_dim3A_1976 = vector.broadcast %jit3A_1974 : i32 to vector<16xi32>
      %broadcast_in_dim3A_1977 = vector.broadcast %jit3A_1975 : i32 to vector<16xi32>
      %select_n3A_1978 = arith.select %ge3A_1973, %broadcast_in_dim3A_1976, %broadcast_in_dim3A_1977 : vector<16xi1>, vector<16xi32>
      %add3A_1979 = arith.addi %add3A_1963, %select_n3A_1978 : vector<16xi32>
      %ge3A_1980 = vector.broadcast %add3A_212 : i32 to vector<16xi32>
      %ge3A_1981 = arith.cmpi sge, %mul3A_1906, %ge3A_1980 : vector<16xi32>
      %jit3A_1982 = arith.constant 1 : i32
      %jit3A_1983 = arith.constant 0 : i32
      %broadcast_in_dim3A_1984 = vector.broadcast %jit3A_1982 : i32 to vector<16xi32>
      %broadcast_in_dim3A_1985 = vector.broadcast %jit3A_1983 : i32 to vector<16xi32>
      %select_n3A_1986 = arith.select %ge3A_1981, %broadcast_in_dim3A_1984, %broadcast_in_dim3A_1985 : vector<16xi1>, vector<16xi32>
      %add3A_1987 = arith.addi %add3A_1971, %select_n3A_1986 : vector<16xi32>
      %ge3A_1988 = vector.broadcast %add3A_212 : i32 to vector<16xi32>
      %ge3A_1989 = arith.cmpi sge, %mul3A_1912, %ge3A_1988 : vector<16xi32>
      %jit3A_1990 = arith.constant 1 : i32
      %jit3A_1991 = arith.constant 0 : i32
      %broadcast_in_dim3A_1992 = vector.broadcast %jit3A_1990 : i32 to vector<16xi32>
      %broadcast_in_dim3A_1993 = vector.broadcast %jit3A_1991 : i32 to vector<16xi32>
      %select_n3A_1994 = arith.select %ge3A_1989, %broadcast_in_dim3A_1992, %broadcast_in_dim3A_1993 : vector<16xi1>, vector<16xi32>
      %add3A_1995 = arith.addi %add3A_1979, %select_n3A_1994 : vector<16xi32>
      %ge3A_1996 = vector.broadcast %add3A_262 : i32 to vector<16xi32>
      %ge3A_1997 = arith.cmpi sge, %mul3A_1906, %ge3A_1996 : vector<16xi32>
      %jit3A_1998 = arith.constant 1 : i32
      %jit3A_1999 = arith.constant 0 : i32
      %broadcast_in_dim3A_2000 = vector.broadcast %jit3A_1998 : i32 to vector<16xi32>
      %broadcast_in_dim3A_2001 = vector.broadcast %jit3A_1999 : i32 to vector<16xi32>
      %select_n3A_2002 = arith.select %ge3A_1997, %broadcast_in_dim3A_2000, %broadcast_in_dim3A_2001 : vector<16xi1>, vector<16xi32>
      %add3A_2003 = arith.addi %add3A_1987, %select_n3A_2002 : vector<16xi32>
      %ge3A_2004 = vector.broadcast %add3A_262 : i32 to vector<16xi32>
      %ge3A_2005 = arith.cmpi sge, %mul3A_1912, %ge3A_2004 : vector<16xi32>
      %jit3A_2006 = arith.constant 1 : i32
      %jit3A_2007 = arith.constant 0 : i32
      %broadcast_in_dim3A_2008 = vector.broadcast %jit3A_2006 : i32 to vector<16xi32>
      %broadcast_in_dim3A_2009 = vector.broadcast %jit3A_2007 : i32 to vector<16xi32>
      %select_n3A_2010 = arith.select %ge3A_2005, %broadcast_in_dim3A_2008, %broadcast_in_dim3A_2009 : vector<16xi1>, vector<16xi32>
      %add3A_2011 = arith.addi %add3A_1995, %select_n3A_2010 : vector<16xi32>
      %ge3A_2012 = vector.broadcast %add3A_312 : i32 to vector<16xi32>
      %ge3A_2013 = arith.cmpi sge, %mul3A_1906, %ge3A_2012 : vector<16xi32>
      %jit3A_2014 = arith.constant 1 : i32
      %jit3A_2015 = arith.constant 0 : i32
      %broadcast_in_dim3A_2016 = vector.broadcast %jit3A_2014 : i32 to vector<16xi32>
      %broadcast_in_dim3A_2017 = vector.broadcast %jit3A_2015 : i32 to vector<16xi32>
      %select_n3A_2018 = arith.select %ge3A_2013, %broadcast_in_dim3A_2016, %broadcast_in_dim3A_2017 : vector<16xi1>, vector<16xi32>
      %add3A_2019 = arith.addi %add3A_2003, %select_n3A_2018 : vector<16xi32>
      %ge3A_2020 = vector.broadcast %add3A_312 : i32 to vector<16xi32>
      %ge3A_2021 = arith.cmpi sge, %mul3A_1912, %ge3A_2020 : vector<16xi32>
      %jit3A_2022 = arith.constant 1 : i32
      %jit3A_2023 = arith.constant 0 : i32
      %broadcast_in_dim3A_2024 = vector.broadcast %jit3A_2022 : i32 to vector<16xi32>
      %broadcast_in_dim3A_2025 = vector.broadcast %jit3A_2023 : i32 to vector<16xi32>
      %select_n3A_2026 = arith.select %ge3A_2021, %broadcast_in_dim3A_2024, %broadcast_in_dim3A_2025 : vector<16xi1>, vector<16xi32>
      %add3A_2027 = arith.addi %add3A_2011, %select_n3A_2026 : vector<16xi32>
      %ge3A_2028 = vector.broadcast %add3A_362 : i32 to vector<16xi32>
      %ge3A_2029 = arith.cmpi sge, %mul3A_1906, %ge3A_2028 : vector<16xi32>
      %jit3A_2030 = arith.constant 1 : i32
      %jit3A_2031 = arith.constant 0 : i32
      %broadcast_in_dim3A_2032 = vector.broadcast %jit3A_2030 : i32 to vector<16xi32>
      %broadcast_in_dim3A_2033 = vector.broadcast %jit3A_2031 : i32 to vector<16xi32>
      %select_n3A_2034 = arith.select %ge3A_2029, %broadcast_in_dim3A_2032, %broadcast_in_dim3A_2033 : vector<16xi1>, vector<16xi32>
      %add3A_2035 = arith.addi %add3A_2019, %select_n3A_2034 : vector<16xi32>
      %ge3A_2036 = vector.broadcast %add3A_362 : i32 to vector<16xi32>
      %ge3A_2037 = arith.cmpi sge, %mul3A_1912, %ge3A_2036 : vector<16xi32>
      %jit3A_2038 = arith.constant 1 : i32
      %jit3A_2039 = arith.constant 0 : i32
      %broadcast_in_dim3A_2040 = vector.broadcast %jit3A_2038 : i32 to vector<16xi32>
      %broadcast_in_dim3A_2041 = vector.broadcast %jit3A_2039 : i32 to vector<16xi32>
      %select_n3A_2042 = arith.select %ge3A_2037, %broadcast_in_dim3A_2040, %broadcast_in_dim3A_2041 : vector<16xi1>, vector<16xi32>
      %add3A_2043 = arith.addi %add3A_2027, %select_n3A_2042 : vector<16xi32>
      %swap3A_2044 = arith.constant 0 : index
      %swap3A_2045 = tpu.vector_load %arg7[%swap3A_2044] {strides = array<i32>} : memref<64xi32, #tpu.memory_space<vmem>>, vector<16xi32>,
      tpu.vector_store %arg7[%swap3A_2044], %add3A_2035 {strides = array<i32>} : memref<64xi32, #tpu.memory_space<vmem>>, vector<16xi32>,
      %swap3A_2046 = arith.constant 16 : index
      %swap3A_2047 = tpu.vector_load %arg7[%swap3A_2046] {strides = array<i32>} : memref<64xi32, #tpu.memory_space<vmem>>, vector<16xi32>,
      tpu.vector_store %arg7[%swap3A_2046], %add3A_2043 {strides = array<i32>} : memref<64xi32, #tpu.memory_space<vmem>>, vector<16xi32>,
      %lt3A = vector.broadcast %add3A_412 : i32 to vector<16xi32>
      %lt3A_2048 = arith.cmpi slt, %mul3A_1906, %lt3A : vector<16xi32>
      %jit3A_2049 = arith.constant 1 : i32
      %jit3A_2050 = arith.constant 0 : i32
      %broadcast_in_dim3A_2051 = vector.broadcast %jit3A_2049 : i32 to vector<16xi32>
      %broadcast_in_dim3A_2052 = vector.broadcast %jit3A_2050 : i32 to vector<16xi32>
      %select_n3A_2053 = arith.select %lt3A_2048, %broadcast_in_dim3A_2051, %broadcast_in_dim3A_2052 : vector<16xi1>, vector<16xi32>
      %swap3A_2054 = arith.constant 32 : index
      %swap3A_2055 = tpu.vector_load %arg7[%swap3A_2054] {strides = array<i32>} : memref<64xi32, #tpu.memory_space<vmem>>, vector<16xi32>,
      tpu.vector_store %arg7[%swap3A_2054], %select_n3A_2053 {strides = array<i32>} : memref<64xi32, #tpu.memory_space<vmem>>, vector<16xi32>,
      %lt3A_2056 = vector.broadcast %add3A_412 : i32 to vector<16xi32>
      %lt3A_2057 = arith.cmpi slt, %mul3A_1912, %lt3A_2056 : vector<16xi32>
      %jit3A_2058 = arith.constant 1 : i32
      %jit3A_2059 = arith.constant 0 : i32
      %broadcast_in_dim3A_2060 = vector.broadcast %jit3A_2058 : i32 to vector<16xi32>
      %broadcast_in_dim3A_2061 = vector.broadcast %jit3A_2059 : i32 to vector<16xi32>
      %select_n3A_2062 = arith.select %lt3A_2057, %broadcast_in_dim3A_2060, %broadcast_in_dim3A_2061 : vector<16xi1>, vector<16xi32>
      %swap3A_2063 = arith.constant 48 : index
      %swap3A_2064 = tpu.vector_load %arg7[%swap3A_2063] {strides = array<i32>} : memref<64xi32, #tpu.memory_space<vmem>>, vector<16xi32>,
      tpu.vector_store %arg7[%swap3A_2063], %select_n3A_2062 {strides = array<i32>} : memref<64xi32, #tpu.memory_space<vmem>>, vector<16xi32>,
      "tpu.region"() ({
        %run_scoped3A = tpu.sem_alloc : memref<!tpu.dma_semaphore, #tpu.memory_space<semaphore_mem>>
        tpu.enqueue_dma source(%arg7 : memref<64xi32, #tpu.memory_space<vmem>>) target(%arg4 : memref<64xi32, #tpu.memory_space<hbm>>) target_semaphore(%run_scoped3A : memref<!tpu.dma_semaphore, #tpu.memory_space<semaphore_mem>>)
        tpu.wait_dma2 semaphore(%run_scoped3A : memref<!tpu.dma_semaphore, #tpu.memory_space<semaphore_mem>>) src(%arg7 : memref<64xi32, #tpu.memory_space<vmem>>) dst(%arg4 : memref<64xi32, #tpu.memory_space<hbm>>)
        tpu.yield
      }) : () -> ()
    } else {
    }
    return
  }
}

module attributes {stable_mosaic.version = 14 : i64} {
  func.func @_router_body(%arg0: i32, %arg1: memref<512x768xf32, #tpu.memory_space<vmem>>, %arg2: memref<8x768xf32, #tpu.memory_space<vmem>>, %arg3: memref<1x8xf32, #tpu.memory_space<vmem>>, %arg4: memref<512x1xf32, #tpu.memory_space<vmem>>, %arg5: memref<512x1xf32, #tpu.memory_space<vmem>>, %arg6: memref<512x1xi32, #tpu.memory_space<vmem>>, %arg7: memref<512x1xi32, #tpu.memory_space<vmem>>) attributes {dimension_semantics = [#tpu.dimension_semantics<parallel>], iteration_bounds = array<i64: 4>, scalar_prefetch = 0 : i64, scratch_operands = 0 : i64, tpu.core_type = #tpu.core_type<tc>, window_params = [{transform_indices = @transform_0, window_bounds = array<i64: 512, 768>}, {pipeline_mode = #tpu.pipeline_mode<synchronous>, transform_indices = @transform_1, window_bounds = array<i64: 8, 768>}, {pipeline_mode = #tpu.pipeline_mode<synchronous>, transform_indices = @transform_2, window_bounds = array<i64: 1, 8>}, {transform_indices = @transform_3, window_bounds = array<i64: 512, 1>}, {transform_indices = @transform_4, window_bounds = array<i64: 512, 1>}, {transform_indices = @transform_5, window_bounds = array<i64: 512, 1>}, {transform_indices = @transform_6, window_bounds = array<i64: 512, 1>}]} {
    %get3A = arith.constant 0 : index
    %get3A_0 = arith.constant 0 : index
    %get3A_1 = vector.load %arg1[%get3A, %get3A_0] : memref<512x768xf32, #tpu.memory_space<vmem>>, vector<512x768xf32>
    %get3A_2 = arith.constant 0 : index
    %get3A_3 = arith.constant 0 : index
    %get3A_4 = vector.load %arg2[%get3A_2, %get3A_3] : memref<8x768xf32, #tpu.memory_space<vmem>>, vector<8x768xf32>
    %dot_general3A = arith.constant dense<0.000000e+00> : vector<512x8xf32>
    %dot_general3A_5 = tpu.matmul %get3A_1, %get3A_4, %dot_general3A {dimension_numbers = #tpu.dot_dimension_numbers<[1], [1], [0], [0], [0, 0, 1, 0], [], []>, transpose_lhs_hint = false} : vector<512x768xf32>, vector<8x768xf32>, vector<512x8xf32> -> vector<512x8xf32>
    %get3A_6 = arith.constant 0 : index
    %get3A_7 = arith.constant 0 : index
    %get3A_8 = vector.load %arg3[%get3A_6, %get3A_7] : memref<1x8xf32, #tpu.memory_space<vmem>>, vector<1x8xf32>
    %add3A = vector.broadcast %get3A_8 : vector<1x8xf32> to vector<512x8xf32>
    %add3A_9 = arith.addf %dot_general3A_5, %add3A : vector<512x8xf32>
    %iota3A = tpu.iota {dimensions = array<i32: 1>} : vector<512x8xi32>
    %reduce_max3A = arith.constant dense<0xFF800000> : vector<512xf32>
    %reduce_max3A_10 = vector.multi_reduction <maximumf>, %add3A_9, %reduce_max3A [1] : vector<512x8xf32> to vector<512xf32>
    %broadcast_in_dim3A = vector.shape_cast %reduce_max3A_10 : vector<512xf32> to vector<512x1xf32>
    %eq3A = vector.broadcast %broadcast_in_dim3A : vector<512x1xf32> to vector<512x8xf32>
    %eq3A_11 = arith.cmpf oeq, %add3A_9, %eq3A : vector<512x8xf32>
    %jit3A = arith.constant 8 : i32
    %broadcast_in_dim3A_12 = vector.broadcast %jit3A : i32 to vector<512x8xi32>
    %select_n3A = arith.select %eq3A_11, %iota3A, %broadcast_in_dim3A_12 : vector<512x8xi1>, vector<512x8xi32>
    %reduce_min3A = arith.constant dense<2147483647> : vector<512xi32>
    %reduce_min3A_13 = vector.multi_reduction <minsi>, %select_n3A, %reduce_min3A [1] : vector<512x8xi32> to vector<512xi32>
    %broadcast_in_dim3A_14 = vector.shape_cast %reduce_min3A_13 : vector<512xi32> to vector<512x1xi32>
    %eq3A_15 = vector.broadcast %broadcast_in_dim3A_14 : vector<512x1xi32> to vector<512x8xi32>
    %eq3A_16 = arith.cmpi eq, %iota3A, %eq3A_15 : vector<512x8xi32>
    %jit3A_17 = arith.constant 0xFF800000 : f32
    %broadcast_in_dim3A_18 = vector.broadcast %jit3A_17 : f32 to vector<512x8xf32>
    %select_n3A_19 = arith.select %eq3A_16, %broadcast_in_dim3A_18, %add3A_9 : vector<512x8xi1>, vector<512x8xf32>
    %reduce_max3A_20 = arith.constant dense<0xFF800000> : vector<512xf32>
    %reduce_max3A_21 = vector.multi_reduction <maximumf>, %select_n3A_19, %reduce_max3A_20 [1] : vector<512x8xf32> to vector<512xf32>
    %broadcast_in_dim3A_22 = vector.shape_cast %reduce_max3A_21 : vector<512xf32> to vector<512x1xf32>
    %eq3A_23 = vector.broadcast %broadcast_in_dim3A_22 : vector<512x1xf32> to vector<512x8xf32>
    %eq3A_24 = arith.cmpf oeq, %select_n3A_19, %eq3A_23 : vector<512x8xf32>
    %jit3A_25 = arith.constant 8 : i32
    %broadcast_in_dim3A_26 = vector.broadcast %jit3A_25 : i32 to vector<512x8xi32>
    %select_n3A_27 = arith.select %eq3A_24, %iota3A, %broadcast_in_dim3A_26 : vector<512x8xi1>, vector<512x8xi32>
    %reduce_min3A_28 = arith.constant dense<2147483647> : vector<512xi32>
    %reduce_min3A_29 = vector.multi_reduction <minsi>, %select_n3A_27, %reduce_min3A_28 [1] : vector<512x8xi32> to vector<512xi32>
    %broadcast_in_dim3A_30 = vector.shape_cast %reduce_min3A_29 : vector<512xi32> to vector<512x1xi32>
    %sub3A = arith.subf %broadcast_in_dim3A_22, %broadcast_in_dim3A : vector<512x1xf32>
    %exp3A = math.exp %sub3A : vector<512x1xf32>
    %add3A_31 = arith.constant 1.000000e+00 : f32
    %add3A_32 = vector.broadcast %add3A_31 : f32 to vector<512x1xf32>
    %add3A_33 = arith.addf %add3A_32, %exp3A : vector<512x1xf32>
    %div3A = arith.constant 1.000000e+00 : f32
    %div3A_34 = vector.broadcast %div3A : f32 to vector<512x1xf32>
    %div3A_35 = arith.divf %div3A_34, %add3A_33 : vector<512x1xf32>
    %swap3A = arith.constant 0 : index
    %swap3A_36 = arith.constant 0 : index
    %swap3A_37 = vector.load %arg4[%swap3A, %swap3A_36] : memref<512x1xf32, #tpu.memory_space<vmem>>, vector<512x1xf32>
    tpu.vector_store %arg4[%swap3A, %swap3A_36], %div3A_35 {strides = array<i32>} : memref<512x1xf32, #tpu.memory_space<vmem>>, vector<512x1xf32>,
    %sub3A_38 = arith.constant 1.000000e+00 : f32
    %sub3A_39 = vector.broadcast %sub3A_38 : f32 to vector<512x1xf32>
    %sub3A_40 = arith.subf %sub3A_39, %div3A_35 : vector<512x1xf32>
    %swap3A_41 = arith.constant 0 : index
    %swap3A_42 = arith.constant 0 : index
    %swap3A_43 = vector.load %arg5[%swap3A_41, %swap3A_42] : memref<512x1xf32, #tpu.memory_space<vmem>>, vector<512x1xf32>
    tpu.vector_store %arg5[%swap3A_41, %swap3A_42], %sub3A_40 {strides = array<i32>} : memref<512x1xf32, #tpu.memory_space<vmem>>, vector<512x1xf32>,
    %swap3A_44 = arith.constant 0 : index
    %swap3A_45 = arith.constant 0 : index
    %swap3A_46 = vector.load %arg6[%swap3A_44, %swap3A_45] : memref<512x1xi32, #tpu.memory_space<vmem>>, vector<512x1xi32>
    tpu.vector_store %arg6[%swap3A_44, %swap3A_45], %broadcast_in_dim3A_14 {strides = array<i32>} : memref<512x1xi32, #tpu.memory_space<vmem>>, vector<512x1xi32>,
    %swap3A_47 = arith.constant 0 : index
    %swap3A_48 = arith.constant 0 : index
    %swap3A_49 = vector.load %arg7[%swap3A_47, %swap3A_48] : memref<512x1xi32, #tpu.memory_space<vmem>>, vector<512x1xi32>
    tpu.vector_store %arg7[%swap3A_47, %swap3A_48], %broadcast_in_dim3A_30 {strides = array<i32>} : memref<512x1xi32, #tpu.memory_space<vmem>>, vector<512x1xi32>,
    return
  }
  func.func @transform_0(%arg0: i32) -> (i32, i32) {
    %c0_i32 = arith.constant 0 : i32
    %c0_i32_0 = arith.constant 0 : i32
    return %arg0, %c0_i32 : i32, i32
  }
  func.func @transform_1(%arg0: i32) -> (i32, i32) {
    %c0_i32 = arith.constant 0 : i32
    %c0_i32_0 = arith.constant 0 : i32
    %c0_i32_1 = arith.constant 0 : i32
    return %c0_i32, %c0_i32_0 : i32, i32
  }
  func.func @transform_2(%arg0: i32) -> (i32, i32) {
    %c0_i32 = arith.constant 0 : i32
    %c0_i32_0 = arith.constant 0 : i32
    %c0_i32_1 = arith.constant 0 : i32
    return %c0_i32, %c0_i32_0 : i32, i32
  }
  func.func @transform_3(%arg0: i32) -> (i32, i32) {
    %c0_i32 = arith.constant 0 : i32
    %c0_i32_0 = arith.constant 0 : i32
    return %arg0, %c0_i32 : i32, i32
  }
  func.func @transform_4(%arg0: i32) -> (i32, i32) {
    %c0_i32 = arith.constant 0 : i32
    %c0_i32_0 = arith.constant 0 : i32
    return %arg0, %c0_i32 : i32, i32
  }
  func.func @transform_5(%arg0: i32) -> (i32, i32) {
    %c0_i32 = arith.constant 0 : i32
    %c0_i32_0 = arith.constant 0 : i32
    return %arg0, %c0_i32 : i32, i32
  }
  func.func @transform_6(%arg0: i32) -> (i32, i32) {
    %c0_i32 = arith.constant 0 : i32
    %c0_i32_0 = arith.constant 0 : i32
    return %arg0, %c0_i32 : i32, i32
  }
}

module attributes {stable_mosaic.version = 14 : i64} {
  func.func @_shared_body(%arg0: i32, %arg1: memref<512x768xf32, #tpu.memory_space<vmem>>, %arg2: memref<3072x768xf32, #tpu.memory_space<vmem>>, %arg3: memref<1x3072xf32, #tpu.memory_space<vmem>>, %arg4: memref<768x3072xf32, #tpu.memory_space<vmem>>, %arg5: memref<1x768xf32, #tpu.memory_space<vmem>>, %arg6: memref<512x768xf32, #tpu.memory_space<vmem>>, %arg7: memref<3072x768xbf16, #tpu.memory_space<vmem>>, %arg8: memref<768x3072xbf16, #tpu.memory_space<vmem>>) attributes {dimension_semantics = [#tpu.dimension_semantics<arbitrary>], iteration_bounds = array<i64: 4>, scalar_prefetch = 0 : i64, scratch_operands = 2 : i64, tpu.core_type = #tpu.core_type<tc>, window_params = [{transform_indices = @transform_0, window_bounds = array<i64: 512, 768>}, {pipeline_mode = #tpu.pipeline_mode<synchronous>, transform_indices = @transform_1, window_bounds = array<i64: 3072, 768>}, {pipeline_mode = #tpu.pipeline_mode<synchronous>, transform_indices = @transform_2, window_bounds = array<i64: 1, 3072>}, {pipeline_mode = #tpu.pipeline_mode<synchronous>, transform_indices = @transform_3, window_bounds = array<i64: 768, 3072>}, {pipeline_mode = #tpu.pipeline_mode<synchronous>, transform_indices = @transform_4, window_bounds = array<i64: 1, 768>}, {transform_indices = @transform_5, window_bounds = array<i64: 512, 768>}]} {
    %eq3A = arith.constant 0 : i32
    %eq3A_0 = arith.cmpi eq, %arg0, %eq3A : i32
    %convert_element_type3A = arith.extui %eq3A_0 : i1 to i32
    %cond3A = arith.constant 0 : i32
    %cond3A_1 = arith.cmpi ne, %convert_element_type3A, %cond3A : i32
    scf.if %cond3A_1 {
      %get3A_40 = arith.constant 0 : index
      %get3A_41 = arith.constant 0 : index
      %get3A_42 = vector.load %arg2[%get3A_40, %get3A_41] : memref<3072x768xf32, #tpu.memory_space<vmem>>, vector<3072x768xf32>
      %convert_element_type3A_43 = arith.truncf %get3A_42 : vector<3072x768xf32> to vector<3072x768xbf16>
      %swap3A_44 = arith.constant 0 : index
      %swap3A_45 = arith.constant 0 : index
      %swap3A_46 = vector.load %arg7[%swap3A_44, %swap3A_45] : memref<3072x768xbf16, #tpu.memory_space<vmem>>, vector<3072x768xbf16>
      tpu.vector_store %arg7[%swap3A_44, %swap3A_45], %convert_element_type3A_43 {strides = array<i32>} : memref<3072x768xbf16, #tpu.memory_space<vmem>>, vector<3072x768xbf16>,
      %get3A_47 = arith.constant 0 : index
      %get3A_48 = arith.constant 0 : index
      %get3A_49 = vector.load %arg4[%get3A_47, %get3A_48] : memref<768x3072xf32, #tpu.memory_space<vmem>>, vector<768x3072xf32>
      %convert_element_type3A_50 = arith.truncf %get3A_49 : vector<768x3072xf32> to vector<768x3072xbf16>
      %swap3A_51 = arith.constant 0 : index
      %swap3A_52 = arith.constant 0 : index
      %swap3A_53 = vector.load %arg8[%swap3A_51, %swap3A_52] : memref<768x3072xbf16, #tpu.memory_space<vmem>>, vector<768x3072xbf16>
      tpu.vector_store %arg8[%swap3A_51, %swap3A_52], %convert_element_type3A_50 {strides = array<i32>} : memref<768x3072xbf16, #tpu.memory_space<vmem>>, vector<768x3072xbf16>,
    } else {
    }
    %get3A = arith.constant 0 : index
    %get3A_2 = arith.constant 0 : index
    %get3A_3 = vector.load %arg1[%get3A, %get3A_2] : memref<512x768xf32, #tpu.memory_space<vmem>>, vector<512x768xf32>
    %convert_element_type3A_4 = arith.truncf %get3A_3 : vector<512x768xf32> to vector<512x768xbf16>
    %get3A_5 = arith.constant 0 : index
    %get3A_6 = arith.constant 0 : index
    %get3A_7 = vector.load %arg7[%get3A_5, %get3A_6] : memref<3072x768xbf16, #tpu.memory_space<vmem>>, vector<3072x768xbf16>
    %dot_general3A = arith.constant dense<0.000000e+00> : vector<512x3072xf32>
    %dot_general3A_8 = tpu.matmul %convert_element_type3A_4, %get3A_7, %dot_general3A {dimension_numbers = #tpu.dot_dimension_numbers<[1], [1], [0], [0], [0, 0, 1, 0], [], []>, transpose_lhs_hint = false} : vector<512x768xbf16>, vector<3072x768xbf16>, vector<512x3072xf32> -> vector<512x3072xf32>
    %get3A_9 = arith.constant 0 : index
    %get3A_10 = arith.constant 0 : index
    %get3A_11 = vector.load %arg3[%get3A_9, %get3A_10] : memref<1x3072xf32, #tpu.memory_space<vmem>>, vector<1x3072xf32>
    %add3A = vector.broadcast %get3A_11 : vector<1x3072xf32> to vector<512x3072xf32>
    %add3A_12 = arith.addf %dot_general3A_8, %add3A : vector<512x3072xf32>
    %integer_pow3A = arith.mulf %add3A_12, %add3A_12 : vector<512x3072xf32>
    %integer_pow3A_13 = arith.mulf %add3A_12, %integer_pow3A : vector<512x3072xf32>
    %mul3A = arith.constant 4.471500e-02 : f32
    %mul3A_14 = vector.broadcast %mul3A : f32 to vector<512x3072xf32>
    %mul3A_15 = arith.mulf %mul3A_14, %integer_pow3A_13 : vector<512x3072xf32>
    %add3A_16 = arith.addf %add3A_12, %mul3A_15 : vector<512x3072xf32>
    %mul3A_17 = arith.constant 0.797884583 : f32
    %mul3A_18 = vector.broadcast %mul3A_17 : f32 to vector<512x3072xf32>
    %mul3A_19 = arith.mulf %mul3A_18, %add3A_16 : vector<512x3072xf32>
    %tanh3A = math.tanh %mul3A_19 : vector<512x3072xf32>
    %add3A_20 = arith.constant 1.000000e+00 : f32
    %add3A_21 = vector.broadcast %add3A_20 : f32 to vector<512x3072xf32>
    %add3A_22 = arith.addf %add3A_21, %tanh3A : vector<512x3072xf32>
    %mul3A_23 = arith.constant 5.000000e-01 : f32
    %mul3A_24 = vector.broadcast %mul3A_23 : f32 to vector<512x3072xf32>
    %mul3A_25 = arith.mulf %mul3A_24, %add3A_22 : vector<512x3072xf32>
    %mul3A_26 = arith.mulf %add3A_12, %mul3A_25 : vector<512x3072xf32>
    %convert_element_type3A_27 = arith.truncf %mul3A_26 : vector<512x3072xf32> to vector<512x3072xbf16>
    %get3A_28 = arith.constant 0 : index
    %get3A_29 = arith.constant 0 : index
    %get3A_30 = vector.load %arg8[%get3A_28, %get3A_29] : memref<768x3072xbf16, #tpu.memory_space<vmem>>, vector<768x3072xbf16>
    %dot_general3A_31 = arith.constant dense<0.000000e+00> : vector<512x768xf32>
    %dot_general3A_32 = tpu.matmul %convert_element_type3A_27, %get3A_30, %dot_general3A_31 {dimension_numbers = #tpu.dot_dimension_numbers<[1], [1], [0], [0], [0, 0, 1, 0], [], []>, transpose_lhs_hint = false} : vector<512x3072xbf16>, vector<768x3072xbf16>, vector<512x768xf32> -> vector<512x768xf32>
    %get3A_33 = arith.constant 0 : index
    %get3A_34 = arith.constant 0 : index
    %get3A_35 = vector.load %arg5[%get3A_33, %get3A_34] : memref<1x768xf32, #tpu.memory_space<vmem>>, vector<1x768xf32>
    %add3A_36 = vector.broadcast %get3A_35 : vector<1x768xf32> to vector<512x768xf32>
    %add3A_37 = arith.addf %dot_general3A_32, %add3A_36 : vector<512x768xf32>
    %swap3A = arith.constant 0 : index
    %swap3A_38 = arith.constant 0 : index
    %swap3A_39 = vector.load %arg6[%swap3A, %swap3A_38] : memref<512x768xf32, #tpu.memory_space<vmem>>, vector<512x768xf32>
    tpu.vector_store %arg6[%swap3A, %swap3A_38], %add3A_37 {strides = array<i32>} : memref<512x768xf32, #tpu.memory_space<vmem>>, vector<512x768xf32>,
    return
  }
  func.func @transform_0(%arg0: i32) -> (i32, i32) {
    %c0_i32 = arith.constant 0 : i32
    %c0_i32_0 = arith.constant 0 : i32
    return %arg0, %c0_i32 : i32, i32
  }
  func.func @transform_1(%arg0: i32) -> (i32, i32) {
    %c0_i32 = arith.constant 0 : i32
    %c0_i32_0 = arith.constant 0 : i32
    %c0_i32_1 = arith.constant 0 : i32
    return %c0_i32, %c0_i32_0 : i32, i32
  }
  func.func @transform_2(%arg0: i32) -> (i32, i32) {
    %c0_i32 = arith.constant 0 : i32
    %c0_i32_0 = arith.constant 0 : i32
    %c0_i32_1 = arith.constant 0 : i32
    return %c0_i32, %c0_i32_0 : i32, i32
  }
  func.func @transform_3(%arg0: i32) -> (i32, i32) {
    %c0_i32 = arith.constant 0 : i32
    %c0_i32_0 = arith.constant 0 : i32
    %c0_i32_1 = arith.constant 0 : i32
    return %c0_i32, %c0_i32_0 : i32, i32
  }
  func.func @transform_4(%arg0: i32) -> (i32, i32) {
    %c0_i32 = arith.constant 0 : i32
    %c0_i32_0 = arith.constant 0 : i32
    %c0_i32_1 = arith.constant 0 : i32
    return %c0_i32, %c0_i32_0 : i32, i32
  }
  func.func @transform_5(%arg0: i32) -> (i32, i32) {
    %c0_i32 = arith.constant 0 : i32
    %c0_i32_0 = arith.constant 0 : i32
    return %arg0, %c0_i32 : i32, i32
  }
}

module attributes {stable_mosaic.version = 14 : i64} {
  func.func @_experts_body(%arg0: i32, %arg1: i32, %arg2: memref<32xi32, #tpu.memory_space<smem>>, %arg3: memref<32xi32, #tpu.memory_space<smem>>, %arg4: memref<256x768xf32, #tpu.memory_space<vmem>>, %arg5: memref<1x768x768xf32, #tpu.memory_space<vmem>>, %arg6: memref<1x1x768xf32, #tpu.memory_space<vmem>>, %arg7: memref<1x768x768xf32, #tpu.memory_space<vmem>>, %arg8: memref<1x1x768xf32, #tpu.memory_space<vmem>>, %arg9: memref<256x768xf32, #tpu.memory_space<vmem>>) attributes {dimension_semantics = [#tpu.dimension_semantics<arbitrary>, #tpu.dimension_semantics<arbitrary>], iteration_bounds = array<i64: 24, 4>, scalar_prefetch = 2 : i64, scratch_operands = 0 : i64, tpu.core_type = #tpu.core_type<tc>, window_params = [{transform_indices = @transform_0, window_bounds = array<i64: 256, 768>}, {transform_indices = @transform_1, window_bounds = array<i64: 1, 768, 768>}, {transform_indices = @transform_2, window_bounds = array<i64: 1, 1, 768>}, {transform_indices = @transform_3, window_bounds = array<i64: 1, 768, 768>}, {transform_indices = @transform_4, window_bounds = array<i64: 1, 1, 768>}, {transform_indices = @transform_5, window_bounds = array<i64: 256, 768>}]} {
    %get3A = arith.index_cast %arg0 : i32 to index
    %get3A_0 = memref.load %arg3[%get3A] : memref<32xi32, #tpu.memory_space<smem>>
    %eq3A = arith.constant 1 : i32
    %eq3A_1 = arith.cmpi eq, %get3A_0, %eq3A : i32
    %convert_element_type3A = arith.extui %eq3A_1 : i1 to i32
    %cond3A = arith.constant 0 : i32
    %cond3A_2 = arith.cmpi ne, %convert_element_type3A, %cond3A : i32
    scf.if %cond3A_2 {
      %get3A_3 = arith.constant 0 : index
      %get3A_4 = arith.constant 0 : index
      %get3A_5 = vector.load %arg4[%get3A_3, %get3A_4] : memref<256x768xf32, #tpu.memory_space<vmem>>, vector<256x768xf32>
      %get3A_6 = arith.constant 0 : index
      %get3A_7 = arith.constant 0 : index
      %get3A_8 = arith.constant 0 : index
      %get3A_9 = vector.load %arg5[%get3A_6, %get3A_7, %get3A_8] : memref<1x768x768xf32, #tpu.memory_space<vmem>>, vector<1x768x768xf32>
      %get3A_10 = vector.shape_cast %get3A_9 : vector<1x768x768xf32> to vector<768x768xf32>
      %dot_general3A = arith.constant dense<0.000000e+00> : vector<256x768xf32>
      %dot_general3A_11 = tpu.matmul %get3A_5, %get3A_10, %dot_general3A {dimension_numbers = #tpu.dot_dimension_numbers<[1], [0], [0], [1], [0, 0, 1, 1], [], []>, transpose_lhs_hint = false} : vector<256x768xf32>, vector<768x768xf32>, vector<256x768xf32> -> vector<256x768xf32>
      %get3A_12 = arith.constant 0 : index
      %get3A_13 = arith.constant 0 : index
      %get3A_14 = arith.constant 0 : index
      %get3A_15 = vector.load %arg6[%get3A_12, %get3A_13, %get3A_14] : memref<1x1x768xf32, #tpu.memory_space<vmem>>, vector<1x1x768xf32>
      %get3A_16 = vector.shape_cast %get3A_15 : vector<1x1x768xf32> to vector<1x768xf32>
      %add3A = vector.broadcast %get3A_16 : vector<1x768xf32> to vector<256x768xf32>
      %add3A_17 = arith.addf %dot_general3A_11, %add3A : vector<256x768xf32>
      %integer_pow3A = arith.mulf %add3A_17, %add3A_17 : vector<256x768xf32>
      %integer_pow3A_18 = arith.mulf %add3A_17, %integer_pow3A : vector<256x768xf32>
      %mul3A = arith.constant 4.471500e-02 : f32
      %mul3A_19 = vector.broadcast %mul3A : f32 to vector<256x768xf32>
      %mul3A_20 = arith.mulf %mul3A_19, %integer_pow3A_18 : vector<256x768xf32>
      %add3A_21 = arith.addf %add3A_17, %mul3A_20 : vector<256x768xf32>
      %mul3A_22 = arith.constant 0.797884583 : f32
      %mul3A_23 = vector.broadcast %mul3A_22 : f32 to vector<256x768xf32>
      %mul3A_24 = arith.mulf %mul3A_23, %add3A_21 : vector<256x768xf32>
      %tanh3A = math.tanh %mul3A_24 : vector<256x768xf32>
      %add3A_25 = arith.constant 1.000000e+00 : f32
      %add3A_26 = vector.broadcast %add3A_25 : f32 to vector<256x768xf32>
      %add3A_27 = arith.addf %add3A_26, %tanh3A : vector<256x768xf32>
      %mul3A_28 = arith.constant 5.000000e-01 : f32
      %mul3A_29 = vector.broadcast %mul3A_28 : f32 to vector<256x768xf32>
      %mul3A_30 = arith.mulf %mul3A_29, %add3A_27 : vector<256x768xf32>
      %mul3A_31 = arith.mulf %add3A_17, %mul3A_30 : vector<256x768xf32>
      %get3A_32 = arith.constant 0 : index
      %get3A_33 = arith.constant 0 : index
      %get3A_34 = arith.constant 0 : index
      %get3A_35 = vector.load %arg7[%get3A_32, %get3A_33, %get3A_34] : memref<1x768x768xf32, #tpu.memory_space<vmem>>, vector<1x768x768xf32>
      %get3A_36 = vector.shape_cast %get3A_35 : vector<1x768x768xf32> to vector<768x768xf32>
      %dot_general3A_37 = arith.constant dense<0.000000e+00> : vector<256x768xf32>
      %dot_general3A_38 = tpu.matmul %mul3A_31, %get3A_36, %dot_general3A_37 {dimension_numbers = #tpu.dot_dimension_numbers<[1], [0], [0], [1], [0, 0, 1, 1], [], []>, transpose_lhs_hint = false} : vector<256x768xf32>, vector<768x768xf32>, vector<256x768xf32> -> vector<256x768xf32>
      %eq3A_39 = arith.constant 0 : i32
      %eq3A_40 = arith.cmpi eq, %arg1, %eq3A_39 : i32
      %convert_element_type3A_41 = arith.extui %eq3A_40 : i1 to i32
      %cond3A_42 = arith.constant 0 : i32
      %cond3A_43 = arith.cmpi ne, %convert_element_type3A_41, %cond3A_42 : i32
      scf.if %cond3A_43 {
        %get3A_48 = arith.constant 0 : index
        %get3A_49 = arith.constant 0 : index
        %get3A_50 = arith.constant 0 : index
        %get3A_51 = vector.load %arg8[%get3A_48, %get3A_49, %get3A_50] : memref<1x1x768xf32, #tpu.memory_space<vmem>>, vector<1x1x768xf32>
        %get3A_52 = vector.shape_cast %get3A_51 : vector<1x1x768xf32> to vector<1x768xf32>
        %add3A_53 = vector.broadcast %get3A_52 : vector<1x768xf32> to vector<256x768xf32>
        %add3A_54 = arith.addf %dot_general3A_38, %add3A_53 : vector<256x768xf32>
        %swap3A = arith.constant 0 : index
        %swap3A_55 = arith.constant 0 : index
        %swap3A_56 = vector.load %arg9[%swap3A, %swap3A_55] : memref<256x768xf32, #tpu.memory_space<vmem>>, vector<256x768xf32>
        tpu.vector_store %arg9[%swap3A, %swap3A_55], %add3A_54 {strides = array<i32>} : memref<256x768xf32, #tpu.memory_space<vmem>>, vector<256x768xf32>,
      } else {
      }
      %gt3A = arith.constant 0 : i32
      %gt3A_44 = arith.cmpi sgt, %arg1, %gt3A : i32
      %convert_element_type3A_45 = arith.extui %gt3A_44 : i1 to i32
      %cond3A_46 = arith.constant 0 : i32
      %cond3A_47 = arith.cmpi ne, %convert_element_type3A_45, %cond3A_46 : i32
      scf.if %cond3A_47 {
        %get3A_48 = arith.constant 0 : index
        %get3A_49 = arith.constant 0 : index
        %get3A_50 = vector.load %arg9[%get3A_48, %get3A_49] : memref<256x768xf32, #tpu.memory_space<vmem>>, vector<256x768xf32>
        %add3A_51 = arith.addf %get3A_50, %dot_general3A_38 : vector<256x768xf32>
        %swap3A = arith.constant 0 : index
        %swap3A_52 = arith.constant 0 : index
        %swap3A_53 = vector.load %arg9[%swap3A, %swap3A_52] : memref<256x768xf32, #tpu.memory_space<vmem>>, vector<256x768xf32>
        tpu.vector_store %arg9[%swap3A, %swap3A_52], %add3A_51 {strides = array<i32>} : memref<256x768xf32, #tpu.memory_space<vmem>>, vector<256x768xf32>,
      } else {
      }
    } else {
    }
    return
  }
  func.func @transform_0(%arg0: i32, %arg1: i32, %arg2: memref<32xi32, #tpu.memory_space<smem>>, %arg3: memref<32xi32, #tpu.memory_space<smem>>) -> (i32, i32) {
    %c0_i32 = arith.constant 0 : i32
    %c0_i32_0 = arith.constant 0 : i32
    return %arg0, %c0_i32 : i32, i32
  }
  func.func @transform_1(%arg0: i32, %arg1: i32, %arg2: memref<32xi32, #tpu.memory_space<smem>>, %arg3: memref<32xi32, #tpu.memory_space<smem>>) -> (i32, i32, i32) {
    %get3A = arith.index_cast %arg0 : i32 to index
    %get3A_0 = memref.load %arg2[%get3A] : memref<32xi32, #tpu.memory_space<smem>>
    %get3A_1 = arith.index_cast %arg0 : i32 to index
    %get3A_2 = memref.load %arg3[%get3A_1] : memref<32xi32, #tpu.memory_space<smem>>
    %eq3A = arith.constant 1 : i32
    %eq3A_3 = arith.cmpi eq, %get3A_2, %eq3A : i32
    %jit3A = arith.constant 3 : i32
    %select_n3A = arith.select %eq3A_3, %arg1, %jit3A : i32
    %c0_i32 = arith.constant 0 : i32
    %c0_i32_4 = arith.constant 0 : i32
    return %get3A_0, %c0_i32, %select_n3A : i32, i32, i32
  }
  func.func @transform_2(%arg0: i32, %arg1: i32, %arg2: memref<32xi32, #tpu.memory_space<smem>>, %arg3: memref<32xi32, #tpu.memory_space<smem>>) -> (i32, i32, i32) {
    %get3A = arith.index_cast %arg0 : i32 to index
    %get3A_0 = memref.load %arg2[%get3A] : memref<32xi32, #tpu.memory_space<smem>>
    %get3A_1 = arith.index_cast %arg0 : i32 to index
    %get3A_2 = memref.load %arg3[%get3A_1] : memref<32xi32, #tpu.memory_space<smem>>
    %eq3A = arith.constant 1 : i32
    %eq3A_3 = arith.cmpi eq, %get3A_2, %eq3A : i32
    %jit3A = arith.constant 3 : i32
    %select_n3A = arith.select %eq3A_3, %arg1, %jit3A : i32
    %c0_i32 = arith.constant 0 : i32
    %c0_i32_4 = arith.constant 0 : i32
    return %get3A_0, %c0_i32, %select_n3A : i32, i32, i32
  }
  func.func @transform_3(%arg0: i32, %arg1: i32, %arg2: memref<32xi32, #tpu.memory_space<smem>>, %arg3: memref<32xi32, #tpu.memory_space<smem>>) -> (i32, i32, i32) {
    %get3A = arith.index_cast %arg0 : i32 to index
    %get3A_0 = memref.load %arg2[%get3A] : memref<32xi32, #tpu.memory_space<smem>>
    %get3A_1 = arith.index_cast %arg0 : i32 to index
    %get3A_2 = memref.load %arg3[%get3A_1] : memref<32xi32, #tpu.memory_space<smem>>
    %eq3A = arith.constant 1 : i32
    %eq3A_3 = arith.cmpi eq, %get3A_2, %eq3A : i32
    %jit3A = arith.constant 3 : i32
    %select_n3A = arith.select %eq3A_3, %arg1, %jit3A : i32
    %c0_i32 = arith.constant 0 : i32
    %c0_i32_4 = arith.constant 0 : i32
    return %get3A_0, %select_n3A, %c0_i32 : i32, i32, i32
  }
  func.func @transform_4(%arg0: i32, %arg1: i32, %arg2: memref<32xi32, #tpu.memory_space<smem>>, %arg3: memref<32xi32, #tpu.memory_space<smem>>) -> (i32, i32, i32) {
    %get3A = arith.index_cast %arg0 : i32 to index
    %get3A_0 = memref.load %arg2[%get3A] : memref<32xi32, #tpu.memory_space<smem>>
    %c0_i32 = arith.constant 0 : i32
    %c0_i32_1 = arith.constant 0 : i32
    %c0_i32_2 = arith.constant 0 : i32
    return %get3A_0, %c0_i32, %c0_i32_1 : i32, i32, i32
  }
  func.func @transform_5(%arg0: i32, %arg1: i32, %arg2: memref<32xi32, #tpu.memory_space<smem>>, %arg3: memref<32xi32, #tpu.memory_space<smem>>) -> (i32, i32) {
    %c0_i32 = arith.constant 0 : i32
    %c0_i32_0 = arith.constant 0 : i32
    return %arg0, %c0_i32 : i32, i32
  }
}

</mosaic_0001>

<sc_bundles>
// kernel: kernel.11.cloned.1.call-start
scs
__scs_entry_jumppad:
0x0: {  	(pc) =	sbr.rel $0x88, $3  }
0x1: {  	(tag) =	ssettag $0x0;
	lr =	simm.s32 $0x1  }
0x2: {  	[smem:$0x3F96] =	sst lr;
	_ =	strace $0xD0000000  }
0x3: {  	_ = 	snop  }
0x4: {  	_ = 	snop  }
0x5: {  	_ = 	snop  }
0x6: {  	_ = 	snop  }
0x7: {  	_ = 	snop  }
__scs_overlays_trampoline_lowered:
0x8: {  	[smem:$0x3FA5] =	sst s0  }
0x9: {  	[smem:$0x3FA6] =	sst s1  }
0xa: {  	[smem:$0x3FA7] =	sst s2  }
0xb: {  	[smem:$0x3FA8] =	sst s3  }
0xc: {  	[smem:$0x3FA9] =	sst s4  }
0xd: {  	[smem:$0x3FAA] =	sst s5  }
0xe: {  	[smem:$0x3FAB] =	sst s6  }
0xf: {  	[smem:$0x3FAC] =	sst s7  }
0x10: {  	[smem:$0x3FAD] =	sst s8  }
0x11: {  	[smem:$0x3FAE] =	sst s9;
	s0 =	simm.s32 @!p0 $0x0  }
0x12: {  	s1 =	sld [smem:$0x3F94];
	s0 =	simm.s32 @p0 $0x1  }
0x13: {  	[smem:$0x3FAF] =	sst s0;
	s0 =	simm.s32 @!p1 $0x0  }
0x14: {  	s2 =	sld [smem:$0x3F93];
	s0 =	simm.s32 @p1 $0x1  }
0x15: {  	[smem:$0x3FB0] =	sst s0;
	s0 =	simm.s32 @!p2 $0x0  }
0x16: {  	s3 =	sld [smem:$0x3FDB];
	s0 =	simm.s32 @p2 $0x1  }
0x17: {  	s4 =	simm.s32 $0x1BF5;
	[smem:$0x3FB2] =	sst s0  }
0x18: {  	s0 =	sld [smem:$0x3F95];
	_ =	swait.ge [sflag:s4], $0x0  }
0x19: {  	s7 =	sld [smem:$0x3F96]  }
0x1a: {  	s8 =	sadd.s32 $0xFFFFE003, lr  }
0x1b: {  	s9 =	sadd.s32 $0xFFFFFEF7, lr;
	s5 =	simm.s32 $0xFFFFFFFF;
	p2 =	slt.u32 s8, $0xFFFFF086  }
0x1c: {  	p1 =	slt.u32 s9, $0xF7A;
	s5 =	simm.s32 @!p2 $0x0  }
0x1d: {  	s5 =	simm.s32 @p1 $0x1;
	p0 =	seq.s32 s7, s2  }
0x1e: {  	s7 =	smul.u32 @!p0 $0xF7A, s2;
	p2 =	seq.s32 @!p0 s5, $0x0  }
0x1f: {  	s9 =	smul.u32 $0xF7A, s1;
	s8 =	simm.s32 @!p0 $0x1BF5;
	p2 =	por !p2, p0  }
0x20: {  	[sflag:s8] =	ssyncset.s32 @!p0 $0xFFFFF086;
	s6 =	sadd.s32 @!p0 s3, s7;
	s7 =	simm.s32 @!p0 $0x108  }
0x21: {  	s3 =	sadd.s32 s3, s9;
	s6 =	sadd.s32 @!p0 $0x88, s6;
	s7 =	simm.s32 @p2 $0x1082  }
0x22: {  	[simem:s7], [sflag:s8] =	dma.local @!p0 [hbm:s6], $0xF7A  }
0x23: {  	s9 =	sor.u32 $0xD0000000, s2;
	s6 =	simm.s32 $0x108;
	_ =	swait.ge @!p0 [sflag:s8], $0x0  }
0x24: {  	s3 =	sadd.s32 $0x88, s3;
	s6 =	simm.s32 @!p1 $0x1082;
	[sflag:s4] =	ssyncset.s32 $0xFFFFF086  }
0x25: {  	[simem:s6], [sflag:s4] =	dma.local [hbm:s3], $0xF7A  }
0x26: {  	[smem:$0x3F96] =	sst s1;
	(tag) =	ssettag s2;
	_ =	strace s9  }
0x27: {  	s1 =	sld [smem:$0x3FA6]  }
0x28: {  	s2 =	sld [smem:$0x3FA7]  }
0x29: {  	s4 =	sld [smem:$0x3FA9]  }
0x2a: {  	p0 =	seq.s32 s5, $0x0;
	s5 =	sld [smem:$0x3FAA]  }
0x2b: {  	s6 =	sld [smem:$0x3FAB]  }
0x2c: {  	s7 =	sld [smem:$0x3FAC]  }
0x2d: {  	s3 =	simm.s32 $0x108;
	s8 =	sld [smem:$0x3FAD]  }
0x2e: {  	s3 =	simm.s32 @!p0 $0x1082;
	s9 =	sld [smem:$0x3FAE]  }
0x2f: {  	lr =	sadd.s32 s0, s3;
	s0 =	sld [smem:$0x3FA5]  }
0x30: {  	s3 =	sld [smem:$0x3FA8]  }
0x31: {  	[smem:$0x3FB1] =	sst s10  }
0x32: {  	s10 =	sld [smem:$0x3FAF];
	_ =	sdelay $0x3  }
0x33: {  	p0 =	seq.s32 s10, $0x1;
	s10 =	sld [smem:$0x3FB1];
	_ =	sdelay $0x3  }
0x34: {  	[smem:$0x3FB1] =	sst s10  }
0x35: {  	s10 =	sld [smem:$0x3FB0];
	_ =	sdelay $0x3  }
0x36: {  	p1 =	seq.s32 s10, $0x1;
	s10 =	sld [smem:$0x3FB1];
	_ =	sdelay $0x3  }
0x37: {  	[smem:$0x3FB1] =	sst s10  }
0x38: {  	s10 =	sld [smem:$0x3FB2]  }
0x39: {  	_ = 	snop;
	(pc) =	sbr.ind lr, $3  }
0x3a: {  	_ = 	snop  }
0x3b: {  	_ = 	snop  }
0x3c: {  	p2 =	seq.s32 s10, $0x1;
	s10 =	sld [smem:$0x3FB1]  }
0x3d: {  	_ =	shalt  }
0x3e: {  	_ =	shalt  }
0x3f: {  	_ =	shalt  }
0x40: {  	_ =	shalt  }
0x41: {  	_ =	shalt  }
0x42: {  	_ =	shalt  }
0x43: {  	_ =	shalt  }
0x44: {  	_ =	shalt  }
0x45: {  	_ =	shalt  }
0x46: {  	_ =	shalt  }
0x47: {  	_ =	shalt  }
0x48: {  	_ =	shalt  }
0x49: {  	_ =	shalt  }
0x4a: {  	_ =	shalt  }
0x4b: {  	_ =	shalt  }
0x4c: {  	_ =	shalt  }
0x4d: {  	_ =	shalt  }
0x4e: {  	_ =	shalt  }
0x4f: {  	_ =	shalt  }
0x50: {  	_ =	shalt  }
0x51: {  	_ =	shalt  }
0x52: {  	_ =	shalt  }
0x53: {  	_ =	shalt  }
0x54: {  	_ =	shalt  }
0x55: {  	_ =	shalt  }
0x56: {  	_ =	shalt  }
0x57: {  	_ =	shalt  }
0x58: {  	_ =	shalt  }
0x59: {  	_ =	shalt  }
0x5a: {  	_ =	shalt  }
0x5b: {  	_ =	shalt  }
0x5c: {  	_ =	shalt  }
0x5d: {  	_ =	shalt  }
0x5e: {  	_ =	shalt  }
0x5f: {  	_ =	shalt  }
0x60: {  	_ =	shalt  }
0x61: {  	_ =	shalt  }
0x62: {  	_ =	shalt  }
0x63: {  	_ =	shalt  }
0x64: {  	_ =	shalt  }
0x65: {  	_ =	shalt  }
0x66: {  	_ =	shalt  }
0x67: {  	_ =	shalt  }
0x68: {  	_ =	shalt  }
0x69: {  	_ =	shalt  }
0x6a: {  	_ =	shalt  }
0x6b: {  	_ =	shalt  }
0x6c: {  	_ =	shalt  }
0x6d: {  	_ =	shalt  }
0x6e: {  	_ =	shalt  }
0x6f: {  	_ =	shalt  }
0x70: {  	_ =	shalt  }
0x71: {  	_ =	shalt  }
0x72: {  	_ =	shalt  }
0x73: {  	_ =	shalt  }
0x74: {  	_ =	shalt  }
0x75: {  	_ =	shalt  }
0x76: {  	_ =	shalt  }
0x77: {  	_ =	shalt  }
0x78: {  	_ =	shalt  }
0x79: {  	_ =	shalt  }
0x7a: {  	_ =	shalt  }
0x7b: {  	_ =	shalt  }
0x7c: {  	_ =	shalt  }
0x7d: {  	_ =	shalt  }
0x7e: {  	_ =	shalt  }
0x7f: {  	_ =	shalt  }
0x80: {  	_ =	shalt  }
0x81: {  	_ =	shalt  }
0x82: {  	_ =	shalt  }
0x83: {  	_ =	shalt  }
0x84: {  	_ =	shalt  }
0x85: {  	_ =	shalt  }
0x86: {  	_ =	shalt  }
0x87: {  	_ =	shalt  }
.Lfunc_end0:
.L_simem_size_0:
called_computation.1_lowered:
.L_overlay_start_0:
0x88: {  	s2 =	sld [smem:$0x3FD9]  }
0x89: {  	s3 =	sld [smem:$0x3FFE];
	_ =	sdelay $0x1  }
0x8a: {  	s1 =	srdreg.scid  }
0x8b: {  	s0 =	sand.u32 $0x1, s1  }
0x8c: {  	s17 =	sshll.u32 s0, $0xA;
	s2 =	sadd.s32 s3, s2  }
0x8d: {  	s2 =	sadd.s32 s2, s17  }
0x8e: {  	[smem:$0x3FBD] =	sst s2  }
0x8f: {  	_ = 	snop  }
0x90: {  	s2 =	sld [smem:$0x3FC9];
	(tm) =	ssettm $0x1  }
0x91: {  	s18 =	sld [smem:$0x3FFB];
	_ =	sdelay $0x3  }
0x92: {  	_ =	strace s18  }
0x93: {  	s3 =	sld [smem:$0x3FFC];
	_ =	sdelay $0x3  }
0x94: {  	_ =	strace s3  }
0x95: {  	s3 =	sld [smem:$0x3FFD];
	_ =	sdelay $0x3  }
0x96: {  	_ =	strace s3  }
0x97: {  	_ =	strace $0x8FFFFFFF  }
0x98: {  	s19 =	sld [smem:$0x3FDB];
	_ =	sdelay $0x1  }
0x99: {  	s4 =	simm.s32 $_scs_section_size  }
0x9a: {  	s5 =	simm.s32 $_size__tile_overlayer_lowered;
	s6 =	simm.s32 $_tile_overlayer_lowered  }
0x9b: {  	s22 =	simm.s32 $0x1BFF;
	s21 =	sshll.u32 s6, $0x1;
	s3 =	sadd.s32 s4, s19  }
0x9c: {  	s7 =	simm.s32 $0x0;
	s20 =	sshll.u32 s5, $0x1;
	s5 =	sadd.s32 s21, s3  }
0x9d: {  	[timem:s7], [sflag:s22] =	dma.local [hbm:s5], s20  }
0x9e: {  	_ =	swait.ge [sflag:s22], s20  }
0x9f: {  	s4 =	ssub.s32 $0x0, s20;
	[sflag:s22] =	ssyncset.done $0x0  }
0xa0: {  	[sflag:s22] =	ssyncadd.s32 s4;
	_ =	sdelay $0x1  }
0xa1: {  	s23 =	simm.s32 $0x1B8B  }
0xa2: {  	_ =	swait.ge [sflag:s23], $0x1  }
0xa3: {  	[sflag:s23] =	ssyncset.done $0x0  }
0xa4: {  	s25 =	simm.s32 $0x1B8E;
	s24 =	sld [smem:$0x3FFE];
	[sflag:s23] =	ssyncadd.s32 $0xFFFFFFFF  }
0xa5: {  	s26 =	simm.s32 $execute0_lowered;
	[smem:$0x3FD2] =	sst s25  }
0xa6: {  	s5 =	sshll.u32 s26, $0x1;
	_ =	strace $0x80000049;
	[dreg:$0x1] =	wrdreg $0xFFFFFFFF  }
0xa7: {  	s28 =	simm.s32 $_size_execute0_lowered;
	s3 =	sadd.s32 s3, s5;
	[dreg:$0x0] =	wrdreg $0x0  }
0xa8: {  	s5 =	sshll.u32 s28, $0x1;
	[dreg:$0x2] =	wrdreg s3  }
0xa9: {  	[dreg:$0x3] =	wrdreg s5  }
0xaa: {  	[dreg:$0x4] =	wrdreg $0xC0  }
0xab: {  	_ =	task [dreg:s7], $0x5FFFF  }
0xac: {  	[dreg:$0x1] =	wrdreg $0xFFFFFFFF  }
0xad: {  	[dreg:$0x0] =	wrdreg $0x60  }
0xae: {  	[dreg:$0x2] =	wrdreg s2  }
0xaf: {  	[dreg:$0x3] =	wrdreg s24  }
0xb0: {  	[dreg:$0x4] =	wrdreg $0x9  }
0xb1: {  	_ =	task.clear_ibuf [dreg:s7], $0x5FFFF;
	_ =	strace $0x90000049  }
0xb2: {  	s29 =	simm.s32 $0x9;
	_ =	strace $0x8000004B  }
0xb3: {  	_ =	swait.ge [sflag:s29], $0x1  }
0xb4: {  	[sflag:s29] =	ssyncadd.s32 $0xFFFFFFFF  }
0xb5: {  	_ =	strace $0x9000004B  }
0xb6: {  	_ =	sfence  }
0xb7: {  	s30 =	sld [smem:$0x0];
	_ =	sdelay $0x2  }
0xb8: {  	s31 =	sshll.u32 s1, $0xD;
	s1 =	sshrl.u32 s1, $0x2  }
0xb9: {  	s3 =	sand.u32 $0x4000, s31;
	s1 =	sadd.s32 s1, s30  }
0xba: {  	s0 =	sor.u32 s3, s0;
	s1 =	sshll.u32 s1, $0x11  }
0xbb: {  	s0 =	sor.u32 s1, s0  }
0xbc: {  	s0 =	sadd.s32 $0x8F2B, s0  }
0xbd: {  	[sflag:s0] =	ssyncadd.remote.s32 $0x1  }
0xbe: {  	_ =	sfence.sel $0xFFFF  }
0xbf: {  	[dreg:$0x0] =	wrdreg $0xFFFFFFFF;
	(pc) =	sbr.abs _section_cstart, $3  }
0xc0: {  	[dreg:$0x1] =	wrdreg $0xFFFFFFFF  }
0xc1: {  	_ =	task.clear_ibuf [dreg:s7], $0x2FFFF;
	_ =	strace $0x9FFFFFFF  }
0xc2: {  	(tm) =	ssettm $0x7FFFFFFF  }
0xc3: {  	_ =	shalt  }
tec
execute0_lowered:
.L_overlay_start_1:
0x0: {  	(tag) =	ssettag $0x1  }
0x1: {  	s0 =	rddreg [dreg:$0x0]  }
0x2: {  	s1 =	rddreg [dreg:$0x1]  }
0x3: {  	s2 =	srdreg.scid;
	s3 =	stileid.u32  }
0x4: {  	s26 =	simm.s32 $0x80;
	s8 =	simm.s32 $0x100;
	s11 =	simm.s32 $0x1900  }
0x5: {  	s12 =	simm.s32 $0x2100;
	s13 =	simm.s32 $0x2900;
	s14 =	simm.s32 $0x3100  }
0x6: {  	s15 =	simm.s32 $0x3900;
	s16 =	simm.s32 $0x4100;
	s17 =	simm.s32 $0x4900  }
0x7: {  	s18 =	simm.s32 $0x5100;
	s19 =	simm.s32 $0x5900;
	s20 =	simm.s32 $0x6100  }
0x8: {  	s21 =	simm.s32 $0x6900;
	s22 =	simm.s32 $0x7100;
	s23 =	simm.s32 $0x7900  }
0x9: {  	s28 =	simm.s32 $0x9900;
	s29 =	simm.s32 $0xA100;
	s30 =	simm.s32 $0xA900  }
0xa: {  	s31 =	simm.s32 $0xB100;
	s4 =	sand.u32 $0x1, s2;
	s2 =	simm.s32 $0x0  }
0xb: {  	s3 =	sshll.u32 s3, $0x4;
	s5 =	sshll.u32 s4, $0x3;
	[smem:$0x7FF] =	sst s2  }
0xc: {  	s4 =	ssub.s32 $0x2, s4;
	s5 =	sor.u32 s5, s3;
	_ =	strace $0x8000004A  }
0xd: {  	s3 =	sadd.s32 $0x2A00, s1;
	s24 =	sshrl.u32 s4, $0x1;
	[dreg:$0x6] =	wrdreg s26  }
0xe: {  	s26 =	simm.s32 $0x9100;
	s6 =	sadd.s32 s5, s1;
	s5 =	smul.u32 $0x300, s5  }
0xf: {  	s25 =	ssub.s32 s4, s24;
	s4 =	sadd.s32 $0x2B00, s1;
	s7 =	sadd.s32 $0x2800, s6  }
0x10: {  	s24 =	simm.s32 $0x8100;
	s6 =	sadd.s32 $0x2900, s6;
	[dreg:$0x3] =	wrdreg s7  }
0x11: {  	v2 =	vlaneseq.u32;
	[dreg:$0x4] =	wrdreg s6;
	s0 =	sadd.s32 s0, s5;
	s5 =	sadd.s32 $0x2C00, s1  }
0x12: {  	vm0 =	vmmov $0xffff;
	v1 =	vshrl.u32 v2, $0x3;
	s6 =	smax.u32 s25, $0x1;
	s7 =	simm.s32 $0x2;
	s25 =	simm.s32 $0x8900  }
0x13: {  	v0 =	vand.u32 $0x7, v2;
	v2 =	vor.u32 $0x8, v2;
	v1 =	vmul.u32 $0x8, v1;
	s1 =	simm.s32 $0x1;
	[dreg:$0x5] =	wrdreg s0;
	s0 =	simm.s32 $0xB900  }
.LBB2_1:
0x14: {  	s9 =	rddreg [dreg:$0x3]  }
0x15: {  	[tilespmem:s2], [sflag:$0x2] =	stream.linear.gather [hbm4b:s9+s2], $0x40, $0x38;
	[tilespmem:$0xC100] =	vst v63  }
0x16: {  	_ =	swait.ge [sflag:s7], $0x40  }
0x17: {  	s9 =	rddreg [dreg:$0x4];
	[sflag:s7] =	ssyncset.done $0x0  }
0x18: {  	s10 =	rddreg [dreg:$0x6];
	[sflag:s7] =	ssyncadd.s32 $0xFFFFFFC0  }
0x19: {  	[tilespmem:s10], [sflag:$0x2] =	stream.linear.gather [hbm4b:s9+s2], $0x40, $0x38;
	[tilespmem:$0xC100] =	vst v63  }
0x1a: {  	_ =	swait.ge [sflag:s7], $0x40  }
0x1b: {  	[sflag:s7] =	ssyncset.done $0x0  }
0x1c: {  	s10 =	rddreg [dreg:$0x5];
	[sflag:s7] =	ssyncadd.s32 $0xFFFFFFC0  }
0x1d: {  	[tilespmem:s8], [sflag:$0x2] =	stream.linear.gather [hbm4b:s10+s2], $0xC000, $0x38;
	[tilespmem:$0xC100] =	vst v63  }
0x1e: {  	_ =	swait.ge [sflag:s7], $0xC000  }
0x1f: {  	[sflag:s7] =	ssyncset.done $0x0  }
0x20: {  	[sflag:s7] =	ssyncadd.s32 $0xFFFF4000  }
0x21: {  	v3 =	vld [tilespmem:$0x0];
	_ =	sdelay $0x4  }
0x22: {  	v4 =	vshrl.u32 v3, $0x3  }
0x23: {  	v4 =	vmul.u32 $0x30, v4  }
0x24: {  	v3 =	vand.u32 $0x7, v3  }
0x25: {  	v3 =	vor.u32 v3, v4  }
0x26: {  	v4 =	vperm.xlane v3, v0;
	_ =	sdelay $0x1  }
0x27: {  	v4 =	vadd.s32 v1, v4;
	_ =	sdelay $0x3  }
0x28: {  	v3 =	vperm.xlane v3, v2  }
0x29: {  	[hbm4b:s3+s2] =	stream.indirect_vreg.scatter [tilespmem:s8], [sflag:$0x1], $0x80, v4, vm0, $0xb8;
	[tilespmem:$0xC100] =	vst v63  }
0x2a: {  	s9 =	simm.s32 $0x900;
	v3 =	vadd.s32 v1, v3  }
0x2b: {  	[hbm4b:s4+s2] =	stream.indirect_vreg.scatter [tilespmem:s9], [sflag:$0x1], $0x80, v4, vm0, $0xb8;
	[tilespmem:$0xC100] =	vst v63  }
0x2c: {  	s10 =	simm.s32 $0x1100  }
0x2d: {  	[hbm4b:s5+s2] =	stream.indirect_vreg.scatter [tilespmem:s10], [sflag:$0x1], $0x80, v4, vm0, $0xb8;
	[tilespmem:$0xC100] =	vst v63  }
0x2e: {  	_ = 	snop  }
0x2f: {  	[hbm4b:s3+s2] =	stream.indirect_vreg.scatter [tilespmem:s11], [sflag:$0x1], $0x80, v3, vm0, $0xb8;
	[tilespmem:$0xC100] =	vst v63  }
0x30: {  	_ = 	snop  }
0x31: {  	[hbm4b:s4+s2] =	stream.indirect_vreg.scatter [tilespmem:s12], [sflag:$0x1], $0x80, v3, vm0, $0xb8;
	[tilespmem:$0xC100] =	vst v63  }
0x32: {  	_ = 	snop  }
0x33: {  	[hbm4b:s5+s2] =	stream.indirect_vreg.scatter [tilespmem:s13], [sflag:$0x1], $0x80, v3, vm0, $0xb8;
	[tilespmem:$0xC100] =	vst v63  }
0x34: {  	v3 =	vld [tilespmem:$0x10];
	_ =	sdelay $0x4  }
0x35: {  	v57 =	vshrl.u32 v3, $0x3  }
0x36: {  	v4 =	vmul.u32 $0x30, v57  }
0x37: {  	v3 =	vand.u32 $0x7, v3  }
0x38: {  	v3 =	vor.u32 v3, v4  }
0x39: {  	v4 =	vperm.xlane v3, v0;
	_ =	sdelay $0x1  }
0x3a: {  	v4 =	vadd.s32 v1, v4;
	_ =	sdelay $0x3  }
0x3b: {  	v3 =	vperm.xlane v3, v2  }
0x3c: {  	[hbm4b:s3+s2] =	stream.indirect_vreg.scatter [tilespmem:s14], [sflag:$0x1], $0x80, v4, vm0, $0xb8;
	[tilespmem:$0xC100] =	vst v63  }
0x3d: {  	v3 =	vadd.s32 v1, v3  }
0x3e: {  	[hbm4b:s4+s2] =	stream.indirect_vreg.scatter [tilespmem:s15], [sflag:$0x1], $0x80, v4, vm0, $0xb8;
	[tilespmem:$0xC100] =	vst v63  }
0x3f: {  	_ = 	snop  }
0x40: {  	[hbm4b:s5+s2] =	stream.indirect_vreg.scatter [tilespmem:s16], [sflag:$0x1], $0x80, v4, vm0, $0xb8;
	[tilespmem:$0xC100] =	vst v63  }
0x41: {  	_ = 	snop  }
0x42: {  	[hbm4b:s3+s2] =	stream.indirect_vreg.scatter [tilespmem:s17], [sflag:$0x1], $0x80, v3, vm0, $0xb8;
	[tilespmem:$0xC100] =	vst v63  }
0x43: {  	_ = 	snop  }
0x44: {  	[hbm4b:s4+s2] =	stream.indirect_vreg.scatter [tilespmem:s18], [sflag:$0x1], $0x80, v3, vm0, $0xb8;
	[tilespmem:$0xC100] =	vst v63  }
0x45: {  	_ = 	snop  }
0x46: {  	[hbm4b:s5+s2] =	stream.indirect_vreg.scatter [tilespmem:s19], [sflag:$0x1], $0x80, v3, vm0, $0xb8;
	[tilespmem:$0xC100] =	vst v63  }
0x47: {  	v3 =	vld [tilespmem:$0x20];
	_ =	sdelay $0x4  }
0x48: {  	v58 =	vshrl.u32 v3, $0x3  }
0x49: {  	v4 =	vmul.u32 $0x30, v58  }
0x4a: {  	v3 =	vand.u32 $0x7, v3  }
0x4b: {  	v3 =	vor.u32 v3, v4  }
0x4c: {  	v4 =	vperm.xlane v3, v0;
	_ =	sdelay $0x1  }
0x4d: {  	v4 =	vadd.s32 v1, v4;
	_ =	sdelay $0x3  }
0x4e: {  	v3 =	vperm.xlane v3, v2  }
0x4f: {  	[hbm4b:s3+s2] =	stream.indirect_vreg.scatter [tilespmem:s20], [sflag:$0x1], $0x80, v4, vm0, $0xb8;
	[tilespmem:$0xC100] =	vst v63  }
0x50: {  	v3 =	vadd.s32 v1, v3  }
0x51: {  	[hbm4b:s4+s2] =	stream.indirect_vreg.scatter [tilespmem:s21], [sflag:$0x1], $0x80, v4, vm0, $0xb8;
	[tilespmem:$0xC100] =	vst v63  }
0x52: {  	_ = 	snop  }
0x53: {  	[hbm4b:s5+s2] =	stream.indirect_vreg.scatter [tilespmem:s22], [sflag:$0x1], $0x80, v4, vm0, $0xb8;
	[tilespmem:$0xC100] =	vst v63  }
0x54: {  	_ = 	snop  }
0x55: {  	[hbm4b:s3+s2] =	stream.indirect_vreg.scatter [tilespmem:s23], [sflag:$0x1], $0x80, v3, vm0, $0xb8;
	[tilespmem:$0xC100] =	vst v63  }
0x56: {  	_ = 	snop  }
0x57: {  	[hbm4b:s4+s2] =	stream.indirect_vreg.scatter [tilespmem:s24], [sflag:$0x1], $0x80, v3, vm0, $0xb8;
	[tilespmem:$0xC100] =	vst v63  }
0x58: {  	_ = 	snop  }
0x59: {  	[hbm4b:s5+s2] =	stream.indirect_vreg.scatter [tilespmem:s25], [sflag:$0x1], $0x80, v3, vm0, $0xb8;
	[tilespmem:$0xC100] =	vst v63  }
0x5a: {  	v3 =	vld [tilespmem:$0x30];
	_ =	sdelay $0x4  }
0x5b: {  	v59 =	vshrl.u32 v3, $0x3  }
0x5c: {  	v4 =	vmul.u32 $0x30, v59  }
0x5d: {  	v3 =	vand.u32 $0x7, v3  }
0x5e: {  	v3 =	vor.u32 v3, v4  }
0x5f: {  	v4 =	vperm.xlane v3, v0;
	_ =	sdelay $0x1  }
0x60: {  	v4 =	vadd.s32 v1, v4;
	_ =	sdelay $0x3  }
0x61: {  	v3 =	vperm.xlane v3, v2  }
0x62: {  	[hbm4b:s3+s2] =	stream.indirect_vreg.scatter [tilespmem:s26], [sflag:$0x1], $0x80, v4, vm0, $0xb8;
	[tilespmem:$0xC100] =	vst v63  }
0x63: {  	v3 =	vadd.s32 v1, v3  }
0x64: {  	[hbm4b:s4+s2] =	stream.indirect_vreg.scatter [tilespmem:s28], [sflag:$0x1], $0x80, v4, vm0, $0xb8;
	[tilespmem:$0xC100] =	vst v63  }
0x65: {  	_ = 	snop  }
0x66: {  	[hbm4b:s5+s2] =	stream.indirect_vreg.scatter [tilespmem:s29], [sflag:$0x1], $0x80, v4, vm0, $0xb8;
	[tilespmem:$0xC100] =	vst v63  }
0x67: {  	_ = 	snop  }
0x68: {  	[hbm4b:s3+s2] =	stream.indirect_vreg.scatter [tilespmem:s30], [sflag:$0x1], $0x80, v3, vm0, $0xb8;
	[tilespmem:$0xC100] =	vst v63  }
0x69: {  	_ = 	snop  }
0x6a: {  	[hbm4b:s4+s2] =	stream.indirect_vreg.scatter [tilespmem:s31], [sflag:$0x1], $0x80, v3, vm0, $0xb8;
	[tilespmem:$0xC100] =	vst v63  }
0x6b: {  	_ = 	snop  }
0x6c: {  	[hbm4b:s5+s2] =	stream.indirect_vreg.scatter [tilespmem:s0], [sflag:$0x1], $0x80, v3, vm0, $0xb8;
	[tilespmem:$0xC100] =	vst v63  }
0x6d: {  	_ =	swait.ge [sflag:s1], $0xC000  }
0x6e: {  	[sflag:s1] =	ssyncset.done $0x0  }
0x6f: {  	[sflag:s1] =	ssyncadd.s32 $0xFFFF4000  }
0x70: {  	v3 =	vld [tilespmem:$0x80];
	_ =	sdelay $0x4  }
0x71: {  	v60 =	vshrl.u32 v3, $0x3  }
0x72: {  	v4 =	vmul.u32 $0x30, v60  }
0x73: {  	v3 =	vand.u32 $0x7, v3  }
0x74: {  	v3 =	vor.u32 v3, v4  }
0x75: {  	v4 =	vperm.xlane v3, v0;
	_ =	sdelay $0x1  }
0x76: {  	v4 =	vadd.s32 v1, v4;
	_ =	sdelay $0x3  }
0x77: {  	v3 =	vperm.xlane v3, v2  }
0x78: {  	[hbm4b:s3+s2] =	stream.indirect_vreg.scatter [tilespmem:s8], [sflag:$0x1], $0x80, v4, vm0, $0xb8;
	[tilespmem:$0xC100] =	vst v63  }
0x79: {  	v3 =	vadd.s32 v1, v3  }
0x7a: {  	[hbm4b:s4+s2] =	stream.indirect_vreg.scatter [tilespmem:s9], [sflag:$0x1], $0x80, v4, vm0, $0xb8;
	[tilespmem:$0xC100] =	vst v63  }
0x7b: {  	_ = 	snop  }
0x7c: {  	[hbm4b:s5+s2] =	stream.indirect_vreg.scatter [tilespmem:s10], [sflag:$0x1], $0x80, v4, vm0, $0xb8;
	[tilespmem:$0xC100] =	vst v63  }
0x7d: {  	_ = 	snop  }
0x7e: {  	[hbm4b:s3+s2] =	stream.indirect_vreg.scatter [tilespmem:s11], [sflag:$0x1], $0x80, v3, vm0, $0xb8;
	[tilespmem:$0xC100] =	vst v63  }
0x7f: {  	_ = 	snop  }
0x80: {  	[hbm4b:s4+s2] =	stream.indirect_vreg.scatter [tilespmem:s12], [sflag:$0x1], $0x80, v3, vm0, $0xb8;
	[tilespmem:$0xC100] =	vst v63  }
0x81: {  	_ = 	snop  }
0x82: {  	[hbm4b:s5+s2] =	stream.indirect_vreg.scatter [tilespmem:s13], [sflag:$0x1], $0x80, v3, vm0, $0xb8;
	[tilespmem:$0xC100] =	vst v63  }
0x83: {  	v3 =	vld [tilespmem:$0x90];
	_ =	sdelay $0x4  }
0x84: {  	v61 =	vshrl.u32 v3, $0x3  }
0x85: {  	v4 =	vmul.u32 $0x30, v61  }
0x86: {  	v3 =	vand.u32 $0x7, v3  }
0x87: {  	v3 =	vor.u32 v3, v4  }
0x88: {  	v4 =	vperm.xlane v3, v0;
	_ =	sdelay $0x1  }
0x89: {  	v4 =	vadd.s32 v1, v4;
	_ =	sdelay $0x3  }
0x8a: {  	v3 =	vperm.xlane v3, v2  }
0x8b: {  	[hbm4b:s3+s2] =	stream.indirect_vreg.scatter [tilespmem:s14], [sflag:$0x1], $0x80, v4, vm0, $0xb8;
	[tilespmem:$0xC100] =	vst v63  }
0x8c: {  	v3 =	vadd.s32 v1, v3  }
0x8d: {  	[hbm4b:s4+s2] =	stream.indirect_vreg.scatter [tilespmem:s15], [sflag:$0x1], $0x80, v4, vm0, $0xb8;
	[tilespmem:$0xC100] =	vst v63  }
0x8e: {  	_ = 	snop  }
0x8f: {  	[hbm4b:s5+s2] =	stream.indirect_vreg.scatter [tilespmem:s16], [sflag:$0x1], $0x80, v4, vm0, $0xb8;
	[tilespmem:$0xC100] =	vst v63  }
0x90: {  	_ = 	snop  }
0x91: {  	[hbm4b:s3+s2] =	stream.indirect_vreg.scatter [tilespmem:s17], [sflag:$0x1], $0x80, v3, vm0, $0xb8;
	[tilespmem:$0xC100] =	vst v63  }
0x92: {  	_ = 	snop  }
0x93: {  	[hbm4b:s4+s2] =	stream.indirect_vreg.scatter [tilespmem:s18], [sflag:$0x1], $0x80, v3, vm0, $0xb8;
	[tilespmem:$0xC100] =	vst v63  }
0x94: {  	_ = 	snop  }
0x95: {  	[hbm4b:s5+s2] =	stream.indirect_vreg.scatter [tilespmem:s19], [sflag:$0x1], $0x80, v3, vm0, $0xb8;
	[tilespmem:$0xC100] =	vst v63  }
0x96: {  	v3 =	vld [tilespmem:$0xA0];
	_ =	sdelay $0x4  }
0x97: {  	v62 =	vshrl.u32 v3, $0x3  }
0x98: {  	v4 =	vmul.u32 $0x30, v62  }
0x99: {  	v3 =	vand.u32 $0x7, v3  }
0x9a: {  	v3 =	vor.u32 v3, v4  }
0x9b: {  	v4 =	vperm.xlane v3, v0;
	_ =	sdelay $0x1  }
0x9c: {  	v4 =	vadd.s32 v1, v4;
	_ =	sdelay $0x3  }
0x9d: {  	v3 =	vperm.xlane v3, v2  }
0x9e: {  	[hbm4b:s3+s2] =	stream.indirect_vreg.scatter [tilespmem:s20], [sflag:$0x1], $0x80, v4, vm0, $0xb8;
	[tilespmem:$0xC100] =	vst v63  }
0x9f: {  	v3 =	vadd.s32 v1, v3  }
0xa0: {  	[hbm4b:s4+s2] =	stream.indirect_vreg.scatter [tilespmem:s21], [sflag:$0x1], $0x80, v4, vm0, $0xb8;
	[tilespmem:$0xC100] =	vst v63  }
0xa1: {  	_ = 	snop  }
0xa2: {  	[hbm4b:s5+s2] =	stream.indirect_vreg.scatter [tilespmem:s22], [sflag:$0x1], $0x80, v4, vm0, $0xb8;
	[tilespmem:$0xC100] =	vst v63  }
0xa3: {  	_ = 	snop  }
0xa4: {  	[hbm4b:s3+s2] =	stream.indirect_vreg.scatter [tilespmem:s23], [sflag:$0x1], $0x80, v3, vm0, $0xb8;
	[tilespmem:$0xC100] =	vst v63  }
0xa5: {  	_ = 	snop  }
0xa6: {  	[hbm4b:s4+s2] =	stream.indirect_vreg.scatter [tilespmem:s24], [sflag:$0x1], $0x80, v3, vm0, $0xb8;
	[tilespmem:$0xC100] =	vst v63  }
0xa7: {  	_ = 	snop  }
0xa8: {  	[hbm4b:s5+s2] =	stream.indirect_vreg.scatter [tilespmem:s25], [sflag:$0x1], $0x80, v3, vm0, $0xb8;
	[tilespmem:$0xC100] =	vst v63  }
0xa9: {  	v3 =	vld [tilespmem:$0xB0];
	_ =	sdelay $0x4  }
0xaa: {  	v63 =	vshrl.u32 v3, $0x3  }
0xab: {  	v4 =	vmul.u32 $0x30, v63  }
0xac: {  	v3 =	vand.u32 $0x7, v3  }
0xad: {  	v3 =	vor.u32 v3, v4  }
0xae: {  	v4 =	vperm.xlane v3, v0;
	_ =	sdelay $0x1  }
0xaf: {  	v4 =	vadd.s32 v1, v4;
	_ =	sdelay $0x3  }
0xb0: {  	v3 =	vperm.xlane v3, v2  }
0xb1: {  	[hbm4b:s3+s2] =	stream.indirect_vreg.scatter [tilespmem:s26], [sflag:$0x1], $0x80, v4, vm0, $0xb8;
	[tilespmem:$0xC100] =	vst v63  }
0xb2: {  	v3 =	vadd.s32 v1, v3  }
0xb3: {  	[hbm4b:s4+s2] =	stream.indirect_vreg.scatter [tilespmem:s28], [sflag:$0x1], $0x80, v4, vm0, $0xb8;
	[tilespmem:$0xC100] =	vst v63  }
0xb4: {  	_ = 	snop  }
0xb5: {  	[hbm4b:s5+s2] =	stream.indirect_vreg.scatter [tilespmem:s29], [sflag:$0x1], $0x80, v4, vm0, $0xb8;
	[tilespmem:$0xC100] =	vst v63  }
0xb6: {  	_ = 	snop  }
0xb7: {  	[hbm4b:s3+s2] =	stream.indirect_vreg.scatter [tilespmem:s30], [sflag:$0x1], $0x80, v3, vm0, $0xb8;
	[tilespmem:$0xC100] =	vst v63  }
0xb8: {  	p0 =	sne.s32 s6, $0x1  }
0xb9: {  	[hbm4b:s4+s2] =	stream.indirect_vreg.scatter [tilespmem:s31], [sflag:$0x1], $0x80, v3, vm0, $0xb8;
	[tilespmem:$0xC100] =	vst v63  }
.Ltmp0:
0xba: {  	_ = 	snop;
	(pc) =	sbr.rel @p0 .LBB2_1-.Ltmp0, $4  }
0xbb: {  	[hbm4b:s5+s2] =	stream.indirect_vreg.scatter [tilespmem:s0], [sflag:$0x1], $0x80, v3, vm0, $0xb8;
	[tilespmem:$0xC100] =	vst v63  }
0xbc: {  	_ =	swait.ge [sflag:s1], $0xC000  }
0xbd: {  	[sflag:s1] =	ssyncset.done $0x0  }
0xbe: {  	s6 =	sadd.s32 $0xFFFFFFFF, s6;
	[sflag:s1] =	ssyncadd.s32 $0xFFFF4000  }
0xbf: {  	_ =	sfence.sel $0x180000  }
0xc0: {  	[bflag:$0x0] =	sbarrier.arrive $0xFFFF  }
0xc1: {  	_ =	strace $0x9000004A  }
0xc2: {  	s0 =	stileid.u32;
	[bflag:$0x2] =	sbarrier.arrive $0xFFFF  }
0xc3: {  	p0 =	sne.s32 s0, $0x0;
	s0 =	rddreg [dreg:$0x2]  }
0xc4: {  	s0 =	sadd.s32 @!p0 $0x100000, s0  }
0xc5: {  	[sflag:s0] =	ssyncadd.tile.s32 @!p0 $0x1;
	_ =	shalt  }
.Lfunc_end2:
_tile_overlayer_lowered:
.L_overlay_start_2:
0xc6: {  	(tag) =	ssettag $0x2  }
0xc7: {  	s0 =	rddreg [dreg:$0x0];
	s2 =	stileid.u32  }
0xc8: {  	s1 =	rddreg [dreg:$0x1];
	p0 =	sne.s32 s2, $0x0  }
0xc9: {  	s3 =	rddreg [dreg:$0x2];
	[bflag:$0x3] =	sbarrier.arrive $0xFFFF;
	s2 =	simm.s32 @!p0 $0x1C02  }
0xca: {  	[timem:s3], [sflag:s2] =	dma.local @!p0 [hbm:s0], s1  }
0xcb: {  	s0 =	simm.s32 @!p0 $0x2  }
0xcc: {  	_ =	swait.ge @!p0 [sflag:s0], s1  }
0xcd: {  	s1 =	ssub.s32 @!p0 $0x0, s1;
	[sflag:s0] =	ssyncset.done @!p0 $0x0  }
0xce: {  	[sflag:s0] =	ssyncadd.s32 @!p0 s1  }
0xcf: {  	[bflag:$0x3] =	sbarrier.arrive $0xFFFF  }
0xd0: {  	_ =	shalt  }

// kernel: kernel.14.cloned.1.call-start
scs
__scs_entry_jumppad:
0x0: {  	(pc) =	sbr.rel $0x88, $3  }
0x1: {  	(tag) =	ssettag $0x0;
	lr =	simm.s32 $0x1  }
0x2: {  	[smem:$0x3F96] =	sst lr;
	_ =	strace $0xD0000000  }
0x3: {  	_ = 	snop  }
0x4: {  	_ = 	snop  }
0x5: {  	_ = 	snop  }
0x6: {  	_ = 	snop  }
0x7: {  	_ = 	snop  }
__scs_overlays_trampoline_lowered:
0x8: {  	[smem:$0x3FA5] =	sst s0  }
0x9: {  	[smem:$0x3FA6] =	sst s1  }
0xa: {  	[smem:$0x3FA7] =	sst s2  }
0xb: {  	[smem:$0x3FA8] =	sst s3  }
0xc: {  	[smem:$0x3FA9] =	sst s4  }
0xd: {  	[smem:$0x3FAA] =	sst s5  }
0xe: {  	[smem:$0x3FAB] =	sst s6  }
0xf: {  	[smem:$0x3FAC] =	sst s7  }
0x10: {  	[smem:$0x3FAD] =	sst s8  }
0x11: {  	[smem:$0x3FAE] =	sst s9;
	s0 =	simm.s32 @!p0 $0x0  }
0x12: {  	s1 =	sld [smem:$0x3F94];
	s0 =	simm.s32 @p0 $0x1  }
0x13: {  	[smem:$0x3FAF] =	sst s0;
	s0 =	simm.s32 @!p1 $0x0  }
0x14: {  	s2 =	sld [smem:$0x3F93];
	s0 =	simm.s32 @p1 $0x1  }
0x15: {  	[smem:$0x3FB0] =	sst s0;
	s0 =	simm.s32 @!p2 $0x0  }
0x16: {  	s3 =	sld [smem:$0x3FDB];
	s0 =	simm.s32 @p2 $0x1  }
0x17: {  	s4 =	simm.s32 $0x1BF5;
	[smem:$0x3FB2] =	sst s0  }
0x18: {  	s0 =	sld [smem:$0x3F95];
	_ =	swait.ge [sflag:s4], $0x0  }
0x19: {  	s7 =	sld [smem:$0x3F96]  }
0x1a: {  	s8 =	sadd.s32 $0xFFFFE003, lr  }
0x1b: {  	s9 =	sadd.s32 $0xFFFFFEF7, lr;
	s5 =	simm.s32 $0xFFFFFFFF;
	p2 =	slt.u32 s8, $0xFFFFF086  }
0x1c: {  	p1 =	slt.u32 s9, $0xF7A;
	s5 =	simm.s32 @!p2 $0x0  }
0x1d: {  	s5 =	simm.s32 @p1 $0x1;
	p0 =	seq.s32 s7, s2  }
0x1e: {  	s7 =	smul.u32 @!p0 $0xF7A, s2;
	p2 =	seq.s32 @!p0 s5, $0x0  }
0x1f: {  	s9 =	smul.u32 $0xF7A, s1;
	s8 =	simm.s32 @!p0 $0x1BF5;
	p2 =	por !p2, p0  }
0x20: {  	[sflag:s8] =	ssyncset.s32 @!p0 $0xFFFFF086;
	s6 =	sadd.s32 @!p0 s3, s7;
	s7 =	simm.s32 @!p0 $0x108  }
0x21: {  	s3 =	sadd.s32 s3, s9;
	s6 =	sadd.s32 @!p0 $0x88, s6;
	s7 =	simm.s32 @p2 $0x1082  }
0x22: {  	[simem:s7], [sflag:s8] =	dma.local @!p0 [hbm:s6], $0xF7A  }
0x23: {  	s9 =	sor.u32 $0xD0000000, s2;
	s6 =	simm.s32 $0x108;
	_ =	swait.ge @!p0 [sflag:s8], $0x0  }
0x24: {  	s3 =	sadd.s32 $0x88, s3;
	s6 =	simm.s32 @!p1 $0x1082;
	[sflag:s4] =	ssyncset.s32 $0xFFFFF086  }
0x25: {  	[simem:s6], [sflag:s4] =	dma.local [hbm:s3], $0xF7A  }
0x26: {  	[smem:$0x3F96] =	sst s1;
	(tag) =	ssettag s2;
	_ =	strace s9  }
0x27: {  	s1 =	sld [smem:$0x3FA6]  }
0x28: {  	s2 =	sld [smem:$0x3FA7]  }
0x29: {  	s4 =	sld [smem:$0x3FA9]  }
0x2a: {  	p0 =	seq.s32 s5, $0x0;
	s5 =	sld [smem:$0x3FAA]  }
0x2b: {  	s6 =	sld [smem:$0x3FAB]  }
0x2c: {  	s7 =	sld [smem:$0x3FAC]  }
0x2d: {  	s3 =	simm.s32 $0x108;
	s8 =	sld [smem:$0x3FAD]  }
0x2e: {  	s3 =	simm.s32 @!p0 $0x1082;
	s9 =	sld [smem:$0x3FAE]  }
0x2f: {  	lr =	sadd.s32 s0, s3;
	s0 =	sld [smem:$0x3FA5]  }
0x30: {  	s3 =	sld [smem:$0x3FA8]  }
0x31: {  	[smem:$0x3FB1] =	sst s10  }
0x32: {  	s10 =	sld [smem:$0x3FAF];
	_ =	sdelay $0x3  }
0x33: {  	p0 =	seq.s32 s10, $0x1;
	s10 =	sld [smem:$0x3FB1];
	_ =	sdelay $0x3  }
0x34: {  	[smem:$0x3FB1] =	sst s10  }
0x35: {  	s10 =	sld [smem:$0x3FB0];
	_ =	sdelay $0x3  }
0x36: {  	p1 =	seq.s32 s10, $0x1;
	s10 =	sld [smem:$0x3FB1];
	_ =	sdelay $0x3  }
0x37: {  	[smem:$0x3FB1] =	sst s10  }
0x38: {  	s10 =	sld [smem:$0x3FB2]  }
0x39: {  	_ = 	snop;
	(pc) =	sbr.ind lr, $3  }
0x3a: {  	_ = 	snop  }
0x3b: {  	_ = 	snop  }
0x3c: {  	p2 =	seq.s32 s10, $0x1;
	s10 =	sld [smem:$0x3FB1]  }
0x3d: {  	_ =	shalt  }
0x3e: {  	_ =	shalt  }
0x3f: {  	_ =	shalt  }
0x40: {  	_ =	shalt  }
0x41: {  	_ =	shalt  }
0x42: {  	_ =	shalt  }
0x43: {  	_ =	shalt  }
0x44: {  	_ =	shalt  }
0x45: {  	_ =	shalt  }
0x46: {  	_ =	shalt  }
0x47: {  	_ =	shalt  }
0x48: {  	_ =	shalt  }
0x49: {  	_ =	shalt  }
0x4a: {  	_ =	shalt  }
0x4b: {  	_ =	shalt  }
0x4c: {  	_ =	shalt  }
0x4d: {  	_ =	shalt  }
0x4e: {  	_ =	shalt  }
0x4f: {  	_ =	shalt  }
0x50: {  	_ =	shalt  }
0x51: {  	_ =	shalt  }
0x52: {  	_ =	shalt  }
0x53: {  	_ =	shalt  }
0x54: {  	_ =	shalt  }
0x55: {  	_ =	shalt  }
0x56: {  	_ =	shalt  }
0x57: {  	_ =	shalt  }
0x58: {  	_ =	shalt  }
0x59: {  	_ =	shalt  }
0x5a: {  	_ =	shalt  }
0x5b: {  	_ =	shalt  }
0x5c: {  	_ =	shalt  }
0x5d: {  	_ =	shalt  }
0x5e: {  	_ =	shalt  }
0x5f: {  	_ =	shalt  }
0x60: {  	_ =	shalt  }
0x61: {  	_ =	shalt  }
0x62: {  	_ =	shalt  }
0x63: {  	_ =	shalt  }
0x64: {  	_ =	shalt  }
0x65: {  	_ =	shalt  }
0x66: {  	_ =	shalt  }
0x67: {  	_ =	shalt  }
0x68: {  	_ =	shalt  }
0x69: {  	_ =	shalt  }
0x6a: {  	_ =	shalt  }
0x6b: {  	_ =	shalt  }
0x6c: {  	_ =	shalt  }
0x6d: {  	_ =	shalt  }
0x6e: {  	_ =	shalt  }
0x6f: {  	_ =	shalt  }
0x70: {  	_ =	shalt  }
0x71: {  	_ =	shalt  }
0x72: {  	_ =	shalt  }
0x73: {  	_ =	shalt  }
0x74: {  	_ =	shalt  }
0x75: {  	_ =	shalt  }
0x76: {  	_ =	shalt  }
0x77: {  	_ =	shalt  }
0x78: {  	_ =	shalt  }
0x79: {  	_ =	shalt  }
0x7a: {  	_ =	shalt  }
0x7b: {  	_ =	shalt  }
0x7c: {  	_ =	shalt  }
0x7d: {  	_ =	shalt  }
0x7e: {  	_ =	shalt  }
0x7f: {  	_ =	shalt  }
0x80: {  	_ =	shalt  }
0x81: {  	_ =	shalt  }
0x82: {  	_ =	shalt  }
0x83: {  	_ =	shalt  }
0x84: {  	_ =	shalt  }
0x85: {  	_ =	shalt  }
0x86: {  	_ =	shalt  }
0x87: {  	_ =	shalt  }
.Lfunc_end0:
.L_simem_size_0:
called_computation.2_lowered:
.L_overlay_start_0:
0x88: {  	s2 =	sld [smem:$0x3FD9]  }
0x89: {  	s3 =	sld [smem:$0x3FFE];
	_ =	sdelay $0x1  }
0x8a: {  	s1 =	srdreg.scid  }
0x8b: {  	s0 =	sand.u32 $0x1, s1  }
0x8c: {  	s17 =	sshll.u32 s0, $0xA;
	s2 =	sadd.s32 s3, s2  }
0x8d: {  	s2 =	sadd.s32 s2, s17  }
0x8e: {  	[smem:$0x3FBD] =	sst s2  }
0x8f: {  	_ = 	snop  }
0x90: {  	s2 =	sld [smem:$0x3FD0];
	(tm) =	ssettm $0x1  }
0x91: {  	s18 =	sld [smem:$0x3FFB];
	_ =	sdelay $0x3  }
0x92: {  	_ =	strace s18  }
0x93: {  	s3 =	sld [smem:$0x3FFC];
	_ =	sdelay $0x3  }
0x94: {  	_ =	strace s3  }
0x95: {  	s3 =	sld [smem:$0x3FFD];
	_ =	sdelay $0x3  }
0x96: {  	_ =	strace s3  }
0x97: {  	_ =	strace $0x8FFFFFFF  }
0x98: {  	s19 =	sld [smem:$0x3FDB];
	_ =	sdelay $0x1  }
0x99: {  	s4 =	simm.s32 $_scs_section_size  }
0x9a: {  	s5 =	simm.s32 $_size__tile_overlayer_lowered;
	s6 =	simm.s32 $_tile_overlayer_lowered  }
0x9b: {  	s22 =	simm.s32 $0x1BFF;
	s21 =	sshll.u32 s6, $0x1;
	s3 =	sadd.s32 s4, s19  }
0x9c: {  	s7 =	simm.s32 $0x0;
	s20 =	sshll.u32 s5, $0x1;
	s5 =	sadd.s32 s21, s3  }
0x9d: {  	[timem:s7], [sflag:s22] =	dma.local [hbm:s5], s20  }
0x9e: {  	_ =	swait.ge [sflag:s22], s20  }
0x9f: {  	s4 =	ssub.s32 $0x0, s20;
	[sflag:s22] =	ssyncset.done $0x0  }
0xa0: {  	[sflag:s22] =	ssyncadd.s32 s4;
	_ =	sdelay $0x1  }
0xa1: {  	s23 =	simm.s32 $0x1B8B  }
0xa2: {  	_ =	swait.ge [sflag:s23], $0x1  }
0xa3: {  	[sflag:s23] =	ssyncset.done $0x0  }
0xa4: {  	s25 =	simm.s32 $0x1B8E;
	s24 =	sld [smem:$0x3FFE];
	[sflag:s23] =	ssyncadd.s32 $0xFFFFFFFF  }
0xa5: {  	s26 =	simm.s32 $execute0_lowered;
	[smem:$0x3FD2] =	sst s25  }
0xa6: {  	s5 =	sshll.u32 s26, $0x1;
	_ =	strace $0x8000004C;
	[dreg:$0x1] =	wrdreg $0xFFFFFFFF  }
0xa7: {  	s28 =	simm.s32 $_size_execute0_lowered;
	s3 =	sadd.s32 s3, s5;
	[dreg:$0x0] =	wrdreg $0x0  }
0xa8: {  	s5 =	sshll.u32 s28, $0x1;
	[dreg:$0x2] =	wrdreg s3  }
0xa9: {  	[dreg:$0x3] =	wrdreg s5  }
0xaa: {  	[dreg:$0x4] =	wrdreg $0xC0  }
0xab: {  	_ =	task [dreg:s7], $0x5FFFF  }
0xac: {  	[dreg:$0x1] =	wrdreg $0xFFFFFFFF  }
0xad: {  	[dreg:$0x0] =	wrdreg $0x60  }
0xae: {  	[dreg:$0x2] =	wrdreg s24  }
0xaf: {  	[dreg:$0x3] =	wrdreg s2  }
0xb0: {  	[dreg:$0x4] =	wrdreg $0x9  }
0xb1: {  	_ =	task.clear_ibuf [dreg:s7], $0x5FFFF;
	_ =	strace $0x9000004C  }
0xb2: {  	s29 =	simm.s32 $0x9;
	_ =	strace $0x8000004E  }
0xb3: {  	_ =	swait.ge [sflag:s29], $0x1  }
0xb4: {  	[sflag:s29] =	ssyncadd.s32 $0xFFFFFFFF  }
0xb5: {  	_ =	strace $0x9000004E  }
0xb6: {  	_ =	sfence  }
0xb7: {  	s30 =	sld [smem:$0x0];
	_ =	sdelay $0x2  }
0xb8: {  	s31 =	sshll.u32 s1, $0xD;
	s1 =	sshrl.u32 s1, $0x2  }
0xb9: {  	s3 =	sand.u32 $0x4000, s31;
	s1 =	sadd.s32 s1, s30  }
0xba: {  	s0 =	sor.u32 s3, s0;
	s1 =	sshll.u32 s1, $0x11  }
0xbb: {  	s0 =	sor.u32 s1, s0  }
0xbc: {  	s0 =	sadd.s32 $0x8F2B, s0  }
0xbd: {  	[sflag:s0] =	ssyncadd.remote.s32 $0x1  }
0xbe: {  	_ =	sfence.sel $0xFFFF  }
0xbf: {  	[dreg:$0x0] =	wrdreg $0xFFFFFFFF;
	(pc) =	sbr.abs _section_cstart, $3  }
0xc0: {  	[dreg:$0x1] =	wrdreg $0xFFFFFFFF  }
0xc1: {  	_ =	task.clear_ibuf [dreg:s7], $0x2FFFF;
	_ =	strace $0x9FFFFFFF  }
0xc2: {  	(tm) =	ssettm $0x7FFFFFFF  }
0xc3: {  	_ =	shalt  }
tec
execute0_lowered:
.L_overlay_start_1:
0x0: {  	(tag) =	ssettag $0x1  }
0x1: {  	s0 =	srdreg.scid  }
0x2: {  	s1 =	rddreg [dreg:$0x0];
	s2 =	stileid.u32  }
0x3: {  	s4 =	rddreg [dreg:$0x1];
	s13 =	simm.s32 $0x2;
	s15 =	simm.s32 $0x100  }
0x4: {  	s16 =	simm.s32 $0x180;
	s26 =	simm.s32 $0x200;
	s30 =	simm.s32 $0x11A00  }
0x5: {  	s31 =	simm.s32 $0x12200;
	s14 =	simm.s32 $0x13A00;
	s17 =	simm.s32 $0x14200  }
0x6: {  	s18 =	simm.s32 $0x14A00;
	s19 =	simm.s32 $0x15200;
	s20 =	simm.s32 $0x15A00  }
0x7: {  	s21 =	simm.s32 $0x16200;
	s22 =	simm.s32 $0x16A00;
	s23 =	simm.s32 $0x17200  }
0x8: {  	s24 =	simm.s32 $0x17A00;
	s25 =	simm.s32 $0x0;
	s0 =	sand.u32 $0x1, s0  }
0x9: {  	s3 =	sshll.u32 s2, $0x4;
	s2 =	simm.s32 $0x0;
	s7 =	sadd.s32 $0xC2A00, s1  }
0xa: {  	s9 =	sadd.s32 $0x2800, s1;
	s5 =	sshll.u32 s0, $0x3;
	[smem:$0x7FF] =	sst s2  }
0xb: {  	s0 =	ssub.s32 $0x2, s0;
	s5 =	sor.u32 s5, s3;
	_ =	strace $0x8000004D  }
0xc: {  	s3 =	sadd.s32 $0x2A00, s1;
	s10 =	sshrl.u32 s0, $0x1;
	s6 =	smul.u32 $0x300, s5  }
0xd: {  	s0 =	ssub.s32 s0, s10;
	s28 =	sadd.s32 s9, s5;
	s29 =	sor.u32 $0x100, s5  }
0xe: {  	v2 =	vlaneseq.u32;
	s5 =	sadd.s32 s7, s5;
	s10 =	sadd.s32 $0x2C00, s1;
	[dreg:$0x3] =	wrdreg s28  }
0xf: {  	v0 =	vand.u32 $0x7, v2;
	v1 =	vshrl.u32 v2, $0x3;
	s9 =	sadd.s32 s9, s29;
	[dreg:$0x5] =	wrdreg s5;
	s7 =	sadd.s32 s7, s29  }
0x10: {  	v63 =	vor.u32 $0x8, v2;
	v62 =	vmul.u32 $0x8, v1;
	[tilespmem:$0x1FFD0] =	vst v0;
	s12 =	smax.u32 s0, $0x1;
	s0 =	simm.s32 $0x13200;
	s8 =	sadd.s32 s6, s1  }
0x11: {  	[tilespmem:$0x1FFF0] =	vst v63;
	[dreg:$0x4] =	wrdreg s9;
	s9 =	sadd.s32 $0x2B00, s1;
	s11 =	sadd.s32 s4, s6  }
0x12: {  	vm0 =	vmmov $0xffff;
	[tilespmem:$0x1FFE0] =	vst v62;
	s1 =	simm.s32 $0x12A00;
	s4 =	simm.s32 $0x1;
	s8 =	sadd.s32 $0x92A00, s8  }
.LBB2_1:
0x13: {  	s5 =	rddreg [dreg:$0x3]  }
0x14: {  	[tilespmem:s2], [sflag:$0x2] =	stream.linear.gather [hbm4b:s5+s2], $0x40, $0x38;
	[tilespmem:$0x18200] =	vst v63  }
0x15: {  	_ =	swait.ge [sflag:s13], $0x40  }
0x16: {  	[sflag:s13] =	ssyncset.done $0x0  }
0x17: {  	s6 =	simm.s32 $0x80;
	s29 =	rddreg [dreg:$0x4];
	[sflag:s13] =	ssyncadd.s32 $0xFFFFFFC0  }
0x18: {  	[tilespmem:s6], [sflag:$0x2] =	stream.linear.gather [hbm4b:s29+s2], $0x40, $0x38;
	[tilespmem:$0x18200] =	vst v63  }
0x19: {  	_ =	swait.ge [sflag:s13], $0x40  }
0x1a: {  	[sflag:s13] =	ssyncset.done $0x0  }
0x1b: {  	s6 =	rddreg [dreg:$0x5];
	[sflag:s13] =	ssyncadd.s32 $0xFFFFFFC0  }
0x1c: {  	[tilespmem:s15], [sflag:$0x2] =	stream.linear.gather [hbm4b:s6+s2], $0x40, $0x38;
	[tilespmem:$0x18200] =	vst v63  }
0x1d: {  	_ =	swait.ge [sflag:s13], $0x40  }
0x1e: {  	[sflag:s13] =	ssyncset.done $0x0  }
0x1f: {  	[sflag:s13] =	ssyncadd.s32 $0xFFFFFFC0  }
0x20: {  	[tilespmem:s16], [sflag:$0x2] =	stream.linear.gather [hbm4b:s7+s2], $0x40, $0x38;
	[tilespmem:$0x18200] =	vst v63  }
0x21: {  	_ =	swait.ge [sflag:s13], $0x40  }
0x22: {  	[sflag:s13] =	ssyncset.done $0x0  }
0x23: {  	[sflag:s13] =	ssyncadd.s32 $0xFFFFFFC0  }
0x24: {  	[tilespmem:s26], [sflag:$0x2] =	stream.linear.gather [hbm4b:s8+s2], $0xC000, $0x38;
	[tilespmem:$0x18200] =	vst v63  }
0x25: {  	_ =	swait.ge [sflag:s13], $0xC000  }
0x26: {  	[sflag:s13] =	ssyncset.done $0x0  }
0x27: {  	[sflag:s13] =	ssyncadd.s32 $0xFFFF4000  }
0x28: {  	v3 =	vld [tilespmem:$0x0];
	_ =	sdelay $0x3  }
0x29: {  	v0 =	vld [tilespmem:$0x1FFD0]  }
0x2a: {  	v4 =	vshrl.u32 v3, $0x3  }
0x2b: {  	v1 =	vld [tilespmem:$0x1FFE0];
	v4 =	vmul.u32 $0x30, v4  }
0x2c: {  	v3 =	vand.u32 $0x7, v3  }
0x2d: {  	v3 =	vor.u32 v3, v4  }
0x2e: {  	v4 =	vperm.xlane v3, v0  }
0x2f: {  	v2 =	vld [tilespmem:$0x1FFF0]  }
0x30: {  	v4 =	vadd.s32 v1, v4;
	_ =	sdelay $0x3  }
0x31: {  	s29 =	simm.s32 $0xC200;
	v3 =	vperm.xlane v3, v2  }
0x32: {  	[tilespmem:s29], [sflag:$0x1] =	stream.indirect_vreg.gather [hbm4b:s3+s2], $0x80, v4, vm0, $0xb8;
	[tilespmem:$0x18200] =	vst v63  }
0x33: {  	s6 =	simm.s32 $0xCA00;
	v3 =	vadd.s32 v1, v3  }
0x34: {  	[tilespmem:s6], [sflag:$0x1] =	stream.indirect_vreg.gather [hbm4b:s9+s2], $0x80, v4, vm0, $0xb8;
	[tilespmem:$0x18200] =	vst v63  }
0x35: {  	s26 =	simm.s32 $0xD200  }
0x36: {  	[tilespmem:s26], [sflag:$0x1] =	stream.indirect_vreg.gather [hbm4b:s10+s2], $0x80, v4, vm0, $0xb8;
	[tilespmem:$0x18200] =	vst v63  }
0x37: {  	s29 =	simm.s32 $0xDA00  }
0x38: {  	[tilespmem:s29], [sflag:$0x1] =	stream.indirect_vreg.gather [hbm4b:s3+s2], $0x80, v3, vm0, $0xb8;
	[tilespmem:$0x18200] =	vst v63  }
0x39: {  	s6 =	simm.s32 $0xE200  }
0x3a: {  	[tilespmem:s6], [sflag:$0x1] =	stream.indirect_vreg.gather [hbm4b:s9+s2], $0x80, v3, vm0, $0xb8;
	[tilespmem:$0x18200] =	vst v63  }
0x3b: {  	s26 =	simm.s32 $0xEA00  }
0x3c: {  	[tilespmem:s26], [sflag:$0x1] =	stream.indirect_vreg.gather [hbm4b:s10+s2], $0x80, v3, vm0, $0xb8;
	[tilespmem:$0x18200] =	vst v63  }
0x3d: {  	v3 =	vld [tilespmem:$0x10];
	_ =	sdelay $0x4  }
0x3e: {  	v46 =	vshrl.u32 v3, $0x3  }
0x3f: {  	v4 =	vmul.u32 $0x30, v46  }
0x40: {  	v3 =	vand.u32 $0x7, v3  }
0x41: {  	v3 =	vor.u32 v3, v4  }
0x42: {  	v4 =	vperm.xlane v3, v0;
	_ =	sdelay $0x1  }
0x43: {  	v4 =	vadd.s32 v1, v4;
	_ =	sdelay $0x3  }
0x44: {  	s29 =	simm.s32 $0xF200;
	v3 =	vperm.xlane v3, v2  }
0x45: {  	[tilespmem:s29], [sflag:$0x1] =	stream.indirect_vreg.gather [hbm4b:s3+s2], $0x80, v4, vm0, $0xb8;
	[tilespmem:$0x18200] =	vst v63  }
0x46: {  	s6 =	simm.s32 $0xFA00;
	v3 =	vadd.s32 v1, v3  }
0x47: {  	[tilespmem:s6], [sflag:$0x1] =	stream.indirect_vreg.gather [hbm4b:s9+s2], $0x80, v4, vm0, $0xb8;
	[tilespmem:$0x18200] =	vst v63  }
0x48: {  	s26 =	simm.s32 $0x10200  }
0x49: {  	[tilespmem:s26], [sflag:$0x1] =	stream.indirect_vreg.gather [hbm4b:s10+s2], $0x80, v4, vm0, $0xb8;
	[tilespmem:$0x18200] =	vst v63  }
0x4a: {  	s29 =	simm.s32 $0x10A00  }
0x4b: {  	[tilespmem:s29], [sflag:$0x1] =	stream.indirect_vreg.gather [hbm4b:s3+s2], $0x80, v3, vm0, $0xb8;
	[tilespmem:$0x18200] =	vst v63  }
0x4c: {  	s6 =	simm.s32 $0x11200  }
0x4d: {  	[tilespmem:s6], [sflag:$0x1] =	stream.indirect_vreg.gather [hbm4b:s9+s2], $0x80, v3, vm0, $0xb8;
	[tilespmem:$0x18200] =	vst v63  }
0x4e: {  	_ = 	snop  }
0x4f: {  	[tilespmem:s30], [sflag:$0x1] =	stream.indirect_vreg.gather [hbm4b:s10+s2], $0x80, v3, vm0, $0xb8;
	[tilespmem:$0x18200] =	vst v63  }
0x50: {  	v3 =	vld [tilespmem:$0x20];
	_ =	sdelay $0x4  }
0x51: {  	v47 =	vshrl.u32 v3, $0x3  }
0x52: {  	v4 =	vmul.u32 $0x30, v47  }
0x53: {  	v3 =	vand.u32 $0x7, v3  }
0x54: {  	v3 =	vor.u32 v3, v4  }
0x55: {  	v4 =	vperm.xlane v3, v0;
	_ =	sdelay $0x1  }
0x56: {  	v4 =	vadd.s32 v1, v4;
	_ =	sdelay $0x3  }
0x57: {  	v3 =	vperm.xlane v3, v2  }
0x58: {  	[tilespmem:s31], [sflag:$0x1] =	stream.indirect_vreg.gather [hbm4b:s3+s2], $0x80, v4, vm0, $0xb8;
	[tilespmem:$0x18200] =	vst v63  }
0x59: {  	v3 =	vadd.s32 v1, v3  }
0x5a: {  	[tilespmem:s1], [sflag:$0x1] =	stream.indirect_vreg.gather [hbm4b:s9+s2], $0x80, v4, vm0, $0xb8;
	[tilespmem:$0x18200] =	vst v63  }
0x5b: {  	_ = 	snop  }
0x5c: {  	[tilespmem:s0], [sflag:$0x1] =	stream.indirect_vreg.gather [hbm4b:s10+s2], $0x80, v4, vm0, $0xb8;
	[tilespmem:$0x18200] =	vst v63  }
0x5d: {  	_ = 	snop  }
0x5e: {  	[tilespmem:s14], [sflag:$0x1] =	stream.indirect_vreg.gather [hbm4b:s3+s2], $0x80, v3, vm0, $0xb8;
	[tilespmem:$0x18200] =	vst v63  }
0x5f: {  	_ = 	snop  }
0x60: {  	[tilespmem:s17], [sflag:$0x1] =	stream.indirect_vreg.gather [hbm4b:s9+s2], $0x80, v3, vm0, $0xb8;
	[tilespmem:$0x18200] =	vst v63  }
0x61: {  	_ = 	snop  }
0x62: {  	[tilespmem:s18], [sflag:$0x1] =	stream.indirect_vreg.gather [hbm4b:s10+s2], $0x80, v3, vm0, $0xb8;
	[tilespmem:$0x18200] =	vst v63  }
0x63: {  	v3 =	vld [tilespmem:$0x30];
	_ =	sdelay $0x4  }
0x64: {  	v48 =	vshrl.u32 v3, $0x3  }
0x65: {  	v4 =	vmul.u32 $0x30, v48  }
0x66: {  	v3 =	vand.u32 $0x7, v3  }
0x67: {  	v3 =	vor.u32 v3, v4  }
0x68: {  	v4 =	vperm.xlane v3, v0;
	_ =	sdelay $0x1  }
0x69: {  	v4 =	vadd.s32 v1, v4;
	_ =	sdelay $0x3  }
0x6a: {  	v3 =	vperm.xlane v3, v2  }
0x6b: {  	[tilespmem:s19], [sflag:$0x1] =	stream.indirect_vreg.gather [hbm4b:s3+s2], $0x80, v4, vm0, $0xb8;
	[tilespmem:$0x18200] =	vst v63  }
0x6c: {  	v3 =	vadd.s32 v1, v3  }
0x6d: {  	[tilespmem:s20], [sflag:$0x1] =	stream.indirect_vreg.gather [hbm4b:s9+s2], $0x80, v4, vm0, $0xb8;
	[tilespmem:$0x18200] =	vst v63  }
0x6e: {  	_ = 	snop  }
0x6f: {  	[tilespmem:s21], [sflag:$0x1] =	stream.indirect_vreg.gather [hbm4b:s10+s2], $0x80, v4, vm0, $0xb8;
	[tilespmem:$0x18200] =	vst v63  }
0x70: {  	_ = 	snop  }
0x71: {  	[tilespmem:s22], [sflag:$0x1] =	stream.indirect_vreg.gather [hbm4b:s3+s2], $0x80, v3, vm0, $0xb8;
	[tilespmem:$0x18200] =	vst v63  }
0x72: {  	_ = 	snop  }
0x73: {  	[tilespmem:s23], [sflag:$0x1] =	stream.indirect_vreg.gather [hbm4b:s9+s2], $0x80, v3, vm0, $0xb8;
	[tilespmem:$0x18200] =	vst v63  }
0x74: {  	s26 =	simm.s32 $0x0  }
0x75: {  	[tilespmem:s24], [sflag:$0x1] =	stream.indirect_vreg.gather [hbm4b:s10+s2], $0x80, v3, vm0, $0xb8;
	[tilespmem:$0x18200] =	vst v63  }
0x76: {  	s5 =	smul.u32 $0x1800, s26;
	_ =	swait.ge [sflag:s4], $0xC000  }
0x77: {  	s29 =	sand.u32 $0x380, s2;
	[sflag:s4] =	ssyncset.done $0x0  }
0x78: {  	s26 =	sor.u32 s29, s5;
	[sflag:s4] =	ssyncadd.s32 $0xFFFF4000  }
0x79: {  	v53 =	vld [tilespmem:s26+$0xC200]  }
0x7a: {  	v55 =	vld [tilespmem:s26+$0xC210]  }
0x7b: {  	v57 =	vld [tilespmem:s26+$0xC220]  }
0x7c: {  	v58 =	vld [tilespmem:s26+$0xC230]  }
0x7d: {  	v56 =	vld [tilespmem:s26+$0xC240]  }
0x7e: {  	v54 =	vld [tilespmem:s26+$0xC250]  }
0x7f: {  	v52 =	vld [tilespmem:s26+$0xC260]  }
0x80: {  	v51 =	vld [tilespmem:s26+$0xC270]  }
0x81: {  	v50 =	vld [tilespmem:s26+$0xC600]  }
0x82: {  	v48 =	vld [tilespmem:s26+$0xC610]  }
0x83: {  	v47 =	vld [tilespmem:s26+$0xC620]  }
0x84: {  	v45 =	vld [tilespmem:s26+$0xC630]  }
0x85: {  	v44 =	vld [tilespmem:s26+$0xC640]  }
0x86: {  	v43 =	vld [tilespmem:s26+$0xC650]  }
0x87: {  	v42 =	vld [tilespmem:s26+$0xC660]  }
0x88: {  	v41 =	vld [tilespmem:s26+$0xC670]  }
0x89: {  	v40 =	vld [tilespmem:s26+$0xCA00]  }
0x8a: {  	v39 =	vld [tilespmem:s26+$0xCA10]  }
0x8b: {  	v37 =	vld [tilespmem:s26+$0xCA20]  }
0x8c: {  	v38 =	vld [tilespmem:s26+$0xCA30]  }
0x8d: {  	v34 =	vld [tilespmem:s26+$0xCA40]  }
0x8e: {  	v35 =	vld [tilespmem:s26+$0xCA50]  }
0x8f: {  	v33 =	vld [tilespmem:s26+$0xCA60]  }
0x90: {  	v31 =	vld [tilespmem:s26+$0xCA70]  }
0x91: {  	v30 =	vld [tilespmem:s26+$0xCE00]  }
0x92: {  	v29 =	vld [tilespmem:s26+$0xCE10]  }
0x93: {  	v27 =	vld [tilespmem:s26+$0xCE20]  }
0x94: {  	v28 =	vld [tilespmem:s26+$0xCE30]  }
0x95: {  	v26 =	vld [tilespmem:s26+$0xCE40]  }
0x96: {  	v25 =	vld [tilespmem:s26+$0xCE50]  }
0x97: {  	v23 =	vld [tilespmem:s26+$0xCE60]  }
0x98: {  	v24 =	vld [tilespmem:s26+$0xCE70]  }
0x99: {  	v21 =	vld [tilespmem:s26+$0xD200]  }
0x9a: {  	v20 =	vld [tilespmem:s26+$0xD210]  }
0x9b: {  	v19 =	vld [tilespmem:s26+$0xD220]  }
0x9c: {  	v17 =	vld [tilespmem:s26+$0xD230]  }
0x9d: {  	v15 =	vld [tilespmem:s26+$0xD240]  }
0x9e: {  	v16 =	vld [tilespmem:s26+$0xD250]  }
0x9f: {  	v14 =	vld [tilespmem:s26+$0xD260]  }
0xa0: {  	v13 =	vld [tilespmem:s26+$0xD270]  }
0xa1: {  	v12 =	vld [tilespmem:s26+$0xD600]  }
0xa2: {  	v11 =	vld [tilespmem:s26+$0xD610]  }
0xa3: {  	v9 =	vld [tilespmem:s26+$0xD620]  }
0xa4: {  	v10 =	vld [tilespmem:s26+$0xD630]  }
0xa5: {  	v49 =	vld [tilespmem:s26+$0xD640]  }
0xa6: {  	v59 =	vld [tilespmem:s26+$0xD650]  }
0xa7: {  	v60 =	vld [tilespmem:s26+$0xD660]  }
0xa8: {  	v62 =	vld [tilespmem:s26+$0xD670]  }
0xa9: {  	v63 =	vld [tilespmem:s26+$0x1650]  }
0xaa: {  	v61 =	vld [tilespmem:s26+$0x1630]  }
0xab: {  	v18 =	vld [tilespmem:s26+$0x1270]  }
0xac: {  	v22 =	vld [tilespmem:s26+$0x1250]  }
0xad: {  	v32 =	vld [tilespmem:s26+$0x1210]  }
0xae: {  	v36 =	vld [tilespmem:s26+$0xE70]  }
0xaf: {  	v46 =	vld [tilespmem:s26+$0xE30];
	[tilespmem:$0x1FF90] =	vst v49  }
0xb0: {  	[tilespmem:$0x1FFA0] =	vst v59;
	v49 =	vld [tilespmem:s26+$0xE10]  }
0xb1: {  	[tilespmem:$0x1FFB0] =	vst v60;
	v59 =	vld [tilespmem:s26+$0xA50]  }
0xb2: {  	s28 =	simm.s32 $0x0;
	s5 =	simm.s32 $0x1;
	[tilespmem:$0x1FFC0] =	vst v61;
	v60 =	vmov s2;
	v61 =	vld [tilespmem:s26+$0xA30]  }
.LBB2_2:
0xb3: {  	_ =	sdelay $0x3  }
0xb4: {  	v60 =	vld.idx.msk [tilespmem:v60+s15+$0x0], $0xffff;
	_ =	sdelay $0x1  }
0xb5: {  	v4 =	vld [tilespmem:s26+$0x200]  }
0xb6: {  	v3 =	vld [tilespmem:s26+$0x210]  }
0xb7: {  	v5 =	vld [tilespmem:s26+$0x220]  }
0xb8: {  	v1 =	vld [tilespmem:s26+$0x230];
	v53 =	vmul.f32 v53, v60  }
0xb9: {  	v2 =	vld [tilespmem:s26+$0x270];
	v55 =	vmul.f32 v55, v60  }
0xba: {  	v0 =	vld [tilespmem:s26+$0x610];
	[tilespmem:$0x1FF70] =	vst v63;
	v57 =	vmul.f32 v57, v60;
	v4 =	vadd.f32 v53, v4  }
0xbb: {  	v6 =	vld [tilespmem:s26+$0x240];
	[tilespmem:$0x1FF80] =	vst v62;
	v58 =	vmul.f32 v58, v60;
	v3 =	vadd.f32 v55, v3  }
0xbc: {  	v7 =	vld [tilespmem:s26+$0x250];
	v51 =	vmul.f32 v51, v60;
	v5 =	vadd.f32 v57, v5;
	[tilespmem:s26+$0x200] =	vst v4  }
0xbd: {  	v8 =	vld [tilespmem:s26+$0x260];
	v48 =	vmul.f32 v48, v60;
	v1 =	vadd.f32 v58, v1;
	[tilespmem:s26+$0x210] =	vst v3  }
0xbe: {  	v63 =	vld [tilespmem:s26+$0x650];
	v53 =	vmul.f32 v56, v60;
	v2 =	vadd.f32 v51, v2;
	[tilespmem:s26+$0x220] =	vst v5  }
0xbf: {  	v62 =	vld [tilespmem:s26+$0x670];
	v54 =	vmul.f32 v54, v60;
	v0 =	vadd.f32 v48, v0;
	[tilespmem:s26+$0x230] =	vst v1  }
0xc0: {  	v55 =	vld [tilespmem:s26+$0x600];
	v58 =	vmul.f32 v52, v60;
	v4 =	vadd.f32 v53, v6;
	[tilespmem:s26+$0x270] =	vst v2  }
0xc1: {  	v43 =	vmul.f32 v43, v60;
	v56 =	vld [tilespmem:s26+$0x620];
	v3 =	vadd.f32 v54, v7;
	[tilespmem:s26+$0x610] =	vst v0  }
0xc2: {  	v41 =	vmul.f32 v41, v60;
	v52 =	vld [tilespmem:s26+$0x630];
	v57 =	vadd.f32 v58, v8;
	[tilespmem:s26+$0x240] =	vst v4  }
0xc3: {  	v51 =	vld [tilespmem:s26+$0xA00];
	v54 =	vmul.f32 v50, v60;
	v6 =	vadd.f32 v43, v63;
	[tilespmem:s26+$0x250] =	vst v3  }
0xc4: {  	v13 =	vmul.f32 v13, v60;
	v50 =	vld [tilespmem:s26+$0x640];
	v58 =	vmul.f32 v47, v60;
	v62 =	vadd.f32 v41, v62;
	[tilespmem:s26+$0x260] =	vst v57  }
0xc5: {  	v48 =	vmul.f32 v45, v60;
	v8 =	vld [tilespmem:s26+$0x660];
	[tilespmem:s26+$0x650] =	vst v6;
	v1 =	vadd.f32 v54, v55  }
0xc6: {  	v40 =	vmul.f32 v40, v60;
	v13 =	vadd.f32 v13, v18;
	v18 =	vld [tilespmem:$0x1FF90];
	[tilespmem:s26+$0x670] =	vst v62;
	v4 =	vadd.f32 v58, v56  }
0xc7: {  	v53 =	vmul.f32 v44, v60;
	v63 =	vld [tilespmem:s26+$0xA60];
	v3 =	vadd.f32 v48, v52;
	[tilespmem:s26+$0x600] =	vst v1  }
0xc8: {  	v54 =	vld [tilespmem:s26+$0xA10];
	v55 =	vmul.f32 v42, v60;
	v45 =	vadd.f32 v40, v51;
	[tilespmem:s26+$0x620] =	vst v4  }
0xc9: {  	v38 =	vmul.f32 v38, v60;
	v56 =	vld [tilespmem:s26+$0xA20];
	v57 =	vadd.f32 v53, v50;
	[tilespmem:s26+$0x630] =	vst v3  }
0xca: {  	v33 =	vmul.f32 v33, v60;
	v51 =	vld [tilespmem:s26+$0xE00];
	v2 =	vadd.f32 v55, v8;
	[tilespmem:s26+$0xA00] =	vst v45  }
0xcb: {  	v58 =	vld [tilespmem:s26+$0xA40];
	v8 =	vmul.f32 v39, v60;
	v53 =	vadd.f32 v38, v61;
	[tilespmem:s26+$0x640] =	vst v57  }
0xcc: {  	v37 =	vmul.f32 v37, v60;
	v47 =	vld [tilespmem:s26+$0xA70];
	v57 =	vadd.f32 v33, v63;
	[tilespmem:s26+$0x660] =	vst v2  }
0xcd: {  	v30 =	vmul.f32 v30, v60;
	[tilespmem:s26+$0xA30] =	vst v53;
	v48 =	vadd.f32 v8, v54;
	v54 =	vld [tilespmem:s26+$0xE20]  }
0xce: {  	v31 =	vmul.f32 v31, v60;
	v8 =	vmul.f32 v34, v60;
	v52 =	vadd.f32 v37, v56;
	v56 =	vld [tilespmem:s26+$0xE40];
	[tilespmem:s26+$0xA60] =	vst v57  }
0xcf: {  	v29 =	vmul.f32 v29, v60;
	v50 =	vmul.f32 v35, v60;
	v61 =	vadd.f32 v30, v51;
	v30 =	vld [tilespmem:s26+$0x1200];
	[tilespmem:s26+$0xA10] =	vst v48  }
0xd0: {  	v27 =	vmul.f32 v27, v60;
	v28 =	vmul.f32 v28, v60;
	v55 =	vadd.f32 v8, v58;
	v58 =	vld [tilespmem:s26+$0xE50];
	[tilespmem:s26+$0xA20] =	vst v52  }
0xd1: {  	s6 =	sshrl.u32 s5, $0x3;
	v26 =	vmul.f32 v26, v60;
	v8 =	vadd.f32 v50, v59;
	v59 =	vadd.f32 v31, v47;
	v31 =	vld [tilespmem:s26+$0xE60];
	[tilespmem:s26+$0xE00] =	vst v61  }
0xd2: {  	s28 =	sadd.s32 $0x80, s28;
	s6 =	smul.u32 $0x1800, s6;
	v21 =	vmul.f32 v21, v60;
	[tilespmem:s26+$0xA40] =	vst v55;
	v62 =	vadd.f32 v27, v54;
	v27 =	vadd.f32 v28, v46;
	v28 =	vld [tilespmem:s26+$0x1220]  }
0xd3: {  	s29 =	sand.u32 $0x380, s28;
	v29 =	vadd.f32 v29, v49;
	[tilespmem:s26+$0xA50] =	vst v8;
	v63 =	vadd.f32 v26, v56;
	v26 =	vld [tilespmem:s26+$0x1230]  }
0xd4: {  	s6 =	sor.u32 s29, s6;
	[tilespmem:s26+$0xA70] =	vst v59;
	v21 =	vadd.f32 v21, v30;
	v30 =	vld [tilespmem:s26+$0x1600]  }
0xd5: {  	v25 =	vmul.f32 v25, v60;
	v53 =	vld [tilespmem:s6+$0xC200];
	[tilespmem:s26+$0xE10] =	vst v29  }
0xd6: {  	v23 =	vmul.f32 v23, v60;
	v24 =	vmul.f32 v24, v60;
	v55 =	vld [tilespmem:s6+$0xC210]  }
0xd7: {  	v33 =	vadd.f32 v25, v58;
	v25 =	vld [tilespmem:s26+$0x1240]  }
0xd8: {  	v34 =	vadd.f32 v23, v31;
	v23 =	vadd.f32 v24, v36;
	v24 =	vld [tilespmem:s26+$0x1260];
	[tilespmem:s26+$0xE20] =	vst v62  }
0xd9: {  	v19 =	vmul.f32 v19, v60;
	v57 =	vld [tilespmem:s6+$0xC220];
	[tilespmem:s26+$0xE30] =	vst v27  }
0xda: {  	v17 =	vmul.f32 v17, v60;
	v58 =	vld [tilespmem:s6+$0xC230]  }
0xdb: {  	v12 =	vmul.f32 v12, v60;
	v35 =	vadd.f32 v19, v28;
	v19 =	vld [tilespmem:s26+$0x1610]  }
0xdc: {  	v8 =	vadd.f32 v17, v26;
	v17 =	vld [tilespmem:s26+$0x1620]  }
0xdd: {  	[tilespmem:s26+$0xE40] =	vst v63;
	v38 =	vadd.f32 v12, v30;
	v12 =	vld [tilespmem:s26+$0x1670]  }
0xde: {  	v15 =	vmul.f32 v15, v60;
	v16 =	vmul.f32 v16, v60;
	v56 =	vld [tilespmem:s6+$0xC240];
	[tilespmem:s26+$0xE50] =	vst v33  }
0xdf: {  	v14 =	vmul.f32 v14, v60;
	v54 =	vld [tilespmem:s6+$0xC250]  }
0xe0: {  	v36 =	vadd.f32 v15, v25;
	v15 =	vadd.f32 v16, v22;
	v16 =	vld [tilespmem:s26+$0x1640]  }
0xe1: {  	[tilespmem:s26+$0xE60] =	vst v34;
	v37 =	vadd.f32 v14, v24;
	v14 =	vld [tilespmem:s26+$0x1660]  }
0xe2: {  	v52 =	vld [tilespmem:s6+$0xC260];
	[tilespmem:s26+$0xE70] =	vst v23  }
0xe3: {  	v20 =	vmul.f32 v20, v60;
	v11 =	vmul.f32 v11, v60;
	v51 =	vld [tilespmem:s6+$0xC270];
	[tilespmem:s26+$0x1200] =	vst v21  }
0xe4: {  	v9 =	vmul.f32 v9, v60;
	v50 =	vld [tilespmem:s6+$0xC600]  }
0xe5: {  	v20 =	vadd.f32 v20, v32;
	v11 =	vadd.f32 v11, v19;
	v19 =	vld [tilespmem:$0x1FFA0]  }
0xe6: {  	v61 =	vadd.f32 v9, v17;
	v9 =	vld [tilespmem:$0x1FFC0]  }
0xe7: {  	[tilespmem:s26+$0x1210] =	vst v20;
	v17 =	vld [tilespmem:$0x1FF70]  }
0xe8: {  	v18 =	vmul.f32 v18, v60;
	v48 =	vld [tilespmem:s6+$0xC610];
	[tilespmem:s26+$0x1220] =	vst v35  }
0xe9: {  	v47 =	vld [tilespmem:s6+$0xC620]  }
0xea: {  	[tilespmem:s26+$0x1230] =	vst v8;
	v16 =	vadd.f32 v18, v16;
	v18 =	vld [tilespmem:$0x1FF80]  }
0xeb: {  	v10 =	vmul.f32 v10, v60;
	v45 =	vld [tilespmem:s6+$0xC630];
	[tilespmem:s26+$0x1240] =	vst v36  }
0xec: {  	v44 =	vld [tilespmem:s6+$0xC640]  }
0xed: {  	[tilespmem:s26+$0x1250] =	vst v15;
	v9 =	vadd.f32 v10, v9;
	v10 =	vld [tilespmem:$0x1FFB0]  }
0xee: {  	v43 =	vld [tilespmem:s6+$0xC650];
	[tilespmem:s26+$0x1260] =	vst v37  }
0xef: {  	v42 =	vld [tilespmem:s6+$0xC660];
	[tilespmem:s26+$0x1270] =	vst v13  }
0xf0: {  	v41 =	vld [tilespmem:s6+$0xC670];
	[tilespmem:s26+$0x1600] =	vst v38  }
0xf1: {  	v19 =	vmul.f32 v19, v60;
	v40 =	vld [tilespmem:s6+$0xCA00];
	[tilespmem:s26+$0x1610] =	vst v11  }
0xf2: {  	v39 =	vld [tilespmem:s6+$0xCA10];
	[tilespmem:s26+$0x1620] =	vst v61;
	v10 =	vmul.f32 v10, v60  }
0xf3: {  	v17 =	vadd.f32 v19, v17;
	v18 =	vmul.f32 v18, v60;
	v37 =	vld [tilespmem:s6+$0xCA20];
	[tilespmem:s26+$0x1630] =	vst v9  }
0xf4: {  	v38 =	vld [tilespmem:s6+$0xCA30];
	[tilespmem:s26+$0x1640] =	vst v16;
	v62 =	vadd.f32 v10, v14  }
0xf5: {  	v63 =	vadd.f32 v18, v12;
	v34 =	vld [tilespmem:s6+$0xCA40];
	[tilespmem:s26+$0x1650] =	vst v17  }
0xf6: {  	v35 =	vld [tilespmem:s6+$0xCA50];
	[tilespmem:s26+$0x1660] =	vst v62  }
0xf7: {  	v33 =	vld [tilespmem:s6+$0xCA60];
	[tilespmem:s26+$0x1670] =	vst v63;
	s26 =	smov.u32 s6  }
0xf8: {  	v31 =	vld [tilespmem:s26+$0xCA70]  }
0xf9: {  	v30 =	vld [tilespmem:s26+$0xCE00]  }
0xfa: {  	v29 =	vld [tilespmem:s26+$0xCE10]  }
0xfb: {  	v27 =	vld [tilespmem:s26+$0xCE20]  }
0xfc: {  	v28 =	vld [tilespmem:s26+$0xCE30]  }
0xfd: {  	v26 =	vld [tilespmem:s26+$0xCE40]  }
0xfe: {  	v25 =	vld [tilespmem:s26+$0xCE50]  }
0xff: {  	v23 =	vld [tilespmem:s26+$0xCE60]  }
0x100: {  	v24 =	vld [tilespmem:s26+$0xCE70]  }
0x101: {  	v21 =	vld [tilespmem:s26+$0xD200]  }
0x102: {  	v20 =	vld [tilespmem:s26+$0xD210]  }
0x103: {  	v19 =	vld [tilespmem:s26+$0xD220]  }
0x104: {  	v17 =	vld [tilespmem:s26+$0xD230]  }
0x105: {  	v15 =	vld [tilespmem:s26+$0xD240]  }
0x106: {  	v16 =	vld [tilespmem:s26+$0xD250]  }
0x107: {  	v14 =	vld [tilespmem:s26+$0xD260]  }
0x108: {  	v13 =	vld [tilespmem:s26+$0xD270]  }
0x109: {  	v12 =	vld [tilespmem:s26+$0xD600]  }
0x10a: {  	v11 =	vld [tilespmem:s26+$0xD610]  }
0x10b: {  	v9 =	vld [tilespmem:s26+$0xD620]  }
0x10c: {  	v10 =	vld [tilespmem:s26+$0xD630]  }
0x10d: {  	v0 =	vld [tilespmem:s26+$0xD640]  }
0x10e: {  	v59 =	vld [tilespmem:s26+$0xD650]  }
0x10f: {  	v60 =	vld [tilespmem:s26+$0xD660]  }
0x110: {  	v62 =	vld [tilespmem:s26+$0xD670]  }
0x111: {  	v63 =	vld [tilespmem:s26+$0x1650]  }
0x112: {  	v61 =	vld [tilespmem:s26+$0x1630]  }
0x113: {  	v18 =	vld [tilespmem:s26+$0x1270]  }
0x114: {  	v22 =	vld [tilespmem:s26+$0x1250]  }
0x115: {  	p0 =	sne.s32 s5, $0x3F;
	v32 =	vld [tilespmem:s26+$0x1210]  }
.Ltmp0:
0x116: {  	v36 =	vld [tilespmem:s26+$0xE70];
	(pc) =	sbr.rel @p0 .LBB2_2-.Ltmp0, $4  }
0x117: {  	v46 =	vld [tilespmem:s26+$0xE30];
	[tilespmem:$0x1FF90] =	vst v0  }
0x118: {  	v49 =	vld [tilespmem:s26+$0xE10];
	[tilespmem:$0x1FFA0] =	vst v59  }
0x119: {  	[tilespmem:$0x1FFB0] =	vst v60;
	v59 =	vld [tilespmem:s26+$0xA50]  }
0x11a: {  	[tilespmem:$0x1FFC0] =	vst v61;
	v60 =	vmov s5;
	v61 =	vld [tilespmem:s26+$0xA30];
	s5 =	sadd.s32 $0x1, s5  }
0x11b: {  	_ =	sdelay $0x3  }
0x11c: {  	v60 =	vld.idx.msk [tilespmem:v60+s15+$0x0], $0xffff;
	_ =	sdelay $0x1  }
0x11d: {  	v0 =	vld [tilespmem:s26+$0x200]  }
0x11e: {  	v1 =	vld [tilespmem:s26+$0x210]  }
0x11f: {  	v2 =	vld [tilespmem:s26+$0x220]  }
0x120: {  	v3 =	vld [tilespmem:s26+$0x230];
	v4 =	vmul.f32 v53, v60  }
0x121: {  	v5 =	vld [tilespmem:s26+$0x240];
	v6 =	vmul.f32 v55, v60  }
0x122: {  	v7 =	vmul.f32 v57, v60;
	v57 =	vld [tilespmem:s26+$0x260];
	v0 =	vadd.f32 v4, v0  }
0x123: {  	v8 =	vmul.f32 v58, v60;
	v58 =	vmul.f32 v56, v60;
	v56 =	vld [tilespmem:s26+$0x620];
	v1 =	vadd.f32 v6, v1  }
0x124: {  	v55 =	vmul.f32 v52, v60;
	v52 =	vld [tilespmem:s26+$0x640];
	v2 =	vadd.f32 v7, v2;
	[tilespmem:s26+$0x200] =	vst v0  }
0x125: {  	v4 =	vld [tilespmem:s26+$0x250];
	v3 =	vadd.f32 v8, v3;
	[tilespmem:s26+$0x210] =	vst v1  }
0x126: {  	v53 =	vld [tilespmem:s26+$0x270];
	v47 =	vmul.f32 v47, v60;
	v5 =	vadd.f32 v58, v5;
	[tilespmem:s26+$0x220] =	vst v2  }
0x127: {  	v44 =	vmul.f32 v44, v60;
	v7 =	vld [tilespmem:s26+$0xA20];
	[tilespmem:s26+$0x230] =	vst v3;
	v6 =	vadd.f32 v55, v57  }
0x128: {  	v8 =	vmul.f32 v54, v60;
	v54 =	vld [tilespmem:s26+$0x600];
	[tilespmem:s26+$0x240] =	vst v5;
	v3 =	vadd.f32 v47, v56  }
0x129: {  	v0 =	vld [tilespmem:s26+$0x610];
	v57 =	vmul.f32 v51, v60;
	v44 =	vadd.f32 v44, v52;
	[tilespmem:s26+$0x260] =	vst v6  }
0x12a: {  	v37 =	vmul.f32 v37, v60;
	v5 =	vld [tilespmem:s26+$0xA00];
	v4 =	vadd.f32 v8, v4;
	[tilespmem:s26+$0x620] =	vst v3  }
0x12b: {  	v58 =	vld [tilespmem:s26+$0xA10];
	v8 =	vmul.f32 v50, v60;
	v1 =	vadd.f32 v57, v53;
	[tilespmem:s26+$0x640] =	vst v44  }
0x12c: {  	v48 =	vmul.f32 v48, v60;
	v56 =	vld [tilespmem:s26+$0x660];
	v7 =	vadd.f32 v37, v7;
	[tilespmem:s26+$0x250] =	vst v4  }
0x12d: {  	v40 =	vmul.f32 v40, v60;
	v2 =	vadd.f32 v8, v54;
	[tilespmem:s26+$0x270] =	vst v1  }
0x12e: {  	v39 =	vmul.f32 v39, v60;
	v55 =	vld [tilespmem:s26+$0xE00];
	v0 =	vadd.f32 v48, v0;
	[tilespmem:s26+$0xA20] =	vst v7  }
0x12f: {  	v42 =	vmul.f32 v42, v60;
	v57 =	vld [tilespmem:s26+$0x670];
	v5 =	vadd.f32 v40, v5;
	[tilespmem:s26+$0x600] =	vst v2  }
0x130: {  	v6 =	vld [tilespmem:s26+$0xA40];
	v4 =	vadd.f32 v39, v58;
	v58 =	vmul.f32 v38, v60;
	[tilespmem:s26+$0x610] =	vst v0  }
0x131: {  	v51 =	vmul.f32 v30, v60;
	v53 =	vld [tilespmem:s26+$0xA70];
	v42 =	vadd.f32 v42, v56;
	[tilespmem:s26+$0xA00] =	vst v5  }
0x132: {  	v41 =	vmul.f32 v41, v60;
	v52 =	vld [tilespmem:s26+$0x1620];
	[tilespmem:s26+$0xA10] =	vst v4;
	v5 =	vadd.f32 v58, v61  }
0x133: {  	v34 =	vmul.f32 v34, v60;
	v8 =	vld [tilespmem:s26+$0x630];
	v0 =	vadd.f32 v51, v55;
	[tilespmem:s26+$0x660] =	vst v42  }
0x134: {  	v54 =	vld [tilespmem:s26+$0x650];
	v48 =	vmul.f32 v31, v60;
	v41 =	vadd.f32 v41, v57;
	[tilespmem:s26+$0xA30] =	vst v5  }
0x135: {  	v9 =	vmul.f32 v9, v60;
	v1 =	vld [tilespmem:s26+$0xA60];
	v6 =	vadd.f32 v34, v6;
	[tilespmem:s26+$0xE00] =	vst v0  }
0x136: {  	v45 =	vmul.f32 v45, v60;
	v2 =	vadd.f32 v48, v53;
	[tilespmem:s26+$0x670] =	vst v41  }
0x137: {  	v43 =	vmul.f32 v43, v60;
	v40 =	vld [tilespmem:s26+$0x1220];
	v5 =	vadd.f32 v9, v52;
	[tilespmem:s26+$0xA40] =	vst v6  }
0x138: {  	v33 =	vmul.f32 v33, v60;
	v37 =	vld [tilespmem:$0x1FFA0];
	v8 =	vadd.f32 v45, v8;
	[tilespmem:s26+$0xA70] =	vst v2  }
0x139: {  	v29 =	vmul.f32 v29, v60;
	v50 =	vld [tilespmem:s26+$0x1610];
	v43 =	vadd.f32 v43, v54;
	[tilespmem:s26+$0x1620] =	vst v5  }
0x13a: {  	v19 =	vmul.f32 v19, v60;
	v16 =	vmul.f32 v16, v60;
	v1 =	vadd.f32 v33, v1;
	[tilespmem:s26+$0x630] =	vst v8  }
0x13b: {  	v54 =	vmul.f32 v27, v60;
	v27 =	vmul.f32 v28, v60;
	v28 =	vadd.f32 v29, v49;
	v8 =	vld [tilespmem:s26+$0xE40];
	[tilespmem:s26+$0x650] =	vst v43  }
0x13c: {  	v3 =	vld [tilespmem:s26+$0xE20];
	v34 =	vmul.f32 v11, v60;
	v61 =	vadd.f32 v19, v40;
	[tilespmem:s26+$0xA60] =	vst v1  }
0x13d: {  	v7 =	vmul.f32 v37, v60;
	v33 =	vmul.f32 v13, v60;
	v13 =	vadd.f32 v16, v22;
	v43 =	vld [tilespmem:s26+$0xE60];
	[tilespmem:s26+$0xE10] =	vst v28  }
0x13e: {  	v56 =	vmul.f32 v26, v60;
	v41 =	vmul.f32 v35, v60;
	v6 =	vadd.f32 v34, v50;
	[tilespmem:s26+$0x1220] =	vst v61  }
0x13f: {  	v42 =	vld [tilespmem:s26+$0x1200];
	v39 =	vadd.f32 v7, v63;
	[tilespmem:s26+$0x1250] =	vst v13  }
0x140: {  	v4 =	vadd.f32 v41, v59;
	[tilespmem:s26+$0x1610] =	vst v6;
	v0 =	vadd.f32 v56, v8;
	v8 =	vmul.f32 v23, v60  }
0x141: {  	v38 =	vld [tilespmem:s26+$0x1230];
	v2 =	vadd.f32 v54, v3;
	[tilespmem:s26+$0x1650] =	vst v39  }
0x142: {  	v21 =	vmul.f32 v21, v60;
	v57 =	vld [tilespmem:s26+$0x1670];
	[tilespmem:s26+$0xA50] =	vst v4;
	v8 =	vadd.f32 v8, v43  }
0x143: {  	v58 =	vmul.f32 v24, v60;
	v26 =	vadd.f32 v27, v46;
	[tilespmem:s26+$0xE20] =	vst v2  }
0x144: {  	v47 =	vld [tilespmem:s26+$0x1260];
	v59 =	vmul.f32 v20, v60;
	v20 =	vadd.f32 v21, v42;
	[tilespmem:s26+$0xE60] =	vst v8;
	v8 =	vmul.f32 v17, v60  }
0x145: {  	v31 =	vld [tilespmem:s26+$0x1600];
	v40 =	vmul.f32 v62, v60;
	[tilespmem:s26+$0xE30] =	vst v26;
	v2 =	vadd.f32 v58, v36  }
0x146: {  	v44 =	vld [tilespmem:s26+$0xE50];
	[tilespmem:s26+$0x1200] =	vst v20;
	v8 =	vadd.f32 v8, v38  }
0x147: {  	v45 =	vld [tilespmem:s26+$0x1240];
	v42 =	vadd.f32 v40, v57;
	[tilespmem:s26+$0xE70] =	vst v2  }
0x148: {  	v36 =	vld [tilespmem:$0x1FF90];
	v2 =	vadd.f32 v33, v18;
	[tilespmem:s26+$0x1230] =	vst v8;
	v8 =	vmul.f32 v12, v60  }
0x149: {  	v25 =	vmul.f32 v25, v60;
	[tilespmem:s26+$0x1670] =	vst v42;
	v38 =	vld [tilespmem:$0x1FFB0]  }
0x14a: {  	v53 =	vld [tilespmem:s26+$0x1640];
	[tilespmem:s26+$0x1270] =	vst v2;
	v8 =	vadd.f32 v8, v31  }
0x14b: {  	v15 =	vmul.f32 v15, v60;
	v55 =	vld [tilespmem:s26+$0x1660];
	v23 =	vadd.f32 v25, v44;
	[tilespmem:s26+$0xE40] =	vst v0  }
0x14c: {  	v0 =	vadd.f32 v59, v32;
	v32 =	vmul.f32 v14, v60;
	[tilespmem:s26+$0x1600] =	vst v8;
	v8 =	vld [tilespmem:$0x1FFC0]  }
0x14d: {  	[tilespmem:s26+$0xE50] =	vst v23;
	v14 =	vadd.f32 v15, v45;
	v2 =	vmul.f32 v36, v60  }
0x14e: {  	[tilespmem:s26+$0x1210] =	vst v0;
	v0 =	vadd.f32 v32, v47;
	v6 =	vmul.f32 v38, v60  }
0x14f: {  	v35 =	vmul.f32 v10, v60;
	[tilespmem:s26+$0x1240] =	vst v14;
	v1 =	vadd.f32 v2, v53  }
0x150: {  	[tilespmem:s26+$0x1260] =	vst v0;
	v41 =	vadd.f32 v6, v55  }
0x151: {  	[tilespmem:s26+$0x1640] =	vst v1;
	v0 =	vadd.f32 v35, v8  }
0x152: {  	[tilespmem:s26+$0x1660] =	vst v41  }
0x153: {  	[tilespmem:s26+$0x1630] =	vst v0  }
0x154: {  	v0 =	vld [tilespmem:$0x80];
	_ =	sdelay $0x3  }
0x155: {  	v44 =	vld [tilespmem:$0x1FFD0]  }
0x156: {  	v43 =	vshrl.u32 v0, $0x3  }
0x157: {  	v45 =	vld [tilespmem:$0x1FFE0];
	v1 =	vmul.u32 $0x30, v43  }
0x158: {  	v0 =	vand.u32 $0x7, v0  }
0x159: {  	v0 =	vor.u32 v0, v1  }
0x15a: {  	v1 =	vperm.xlane v0, v44  }
0x15b: {  	v46 =	vld [tilespmem:$0x1FFF0]  }
0x15c: {  	v1 =	vadd.s32 v45, v1;
	_ =	sdelay $0x3  }
0x15d: {  	s5 =	simm.s32 $0x0;
	s6 =	simm.s32 $0xC200;
	v0 =	vperm.xlane v0, v46  }
0x15e: {  	[tilespmem:s6], [sflag:$0x1] =	stream.indirect_vreg.gather [hbm4b:s3+s5], $0x80, v1, vm0, $0xb8;
	[tilespmem:$0x18200] =	vst v63  }
0x15f: {  	s26 =	simm.s32 $0xCA00;
	v0 =	vadd.s32 v45, v0  }
0x160: {  	[tilespmem:s26], [sflag:$0x1] =	stream.indirect_vreg.gather [hbm4b:s9+s5], $0x80, v1, vm0, $0xb8;
	[tilespmem:$0x18200] =	vst v63  }
0x161: {  	s29 =	simm.s32 $0xD200  }
0x162: {  	[tilespmem:s29], [sflag:$0x1] =	stream.indirect_vreg.gather [hbm4b:s10+s5], $0x80, v1, vm0, $0xb8;
	[tilespmem:$0x18200] =	vst v63  }
0x163: {  	s26 =	simm.s32 $0xDA00  }
0x164: {  	[tilespmem:s26], [sflag:$0x1] =	stream.indirect_vreg.gather [hbm4b:s3+s5], $0x80, v0, vm0, $0xb8;
	[tilespmem:$0x18200] =	vst v63  }
0x165: {  	s29 =	simm.s32 $0xE200  }
0x166: {  	[tilespmem:s29], [sflag:$0x1] =	stream.indirect_vreg.gather [hbm4b:s9+s5], $0x80, v0, vm0, $0xb8;
	[tilespmem:$0x18200] =	vst v63  }
0x167: {  	s26 =	simm.s32 $0xEA00  }
0x168: {  	[tilespmem:s26], [sflag:$0x1] =	stream.indirect_vreg.gather [hbm4b:s10+s5], $0x80, v0, vm0, $0xb8;
	[tilespmem:$0x18200] =	vst v63  }
0x169: {  	v0 =	vld [tilespmem:$0x90];
	_ =	sdelay $0x4  }
0x16a: {  	v47 =	vshrl.u32 v0, $0x3  }
0x16b: {  	v1 =	vmul.u32 $0x30, v47  }
0x16c: {  	v0 =	vand.u32 $0x7, v0  }
0x16d: {  	v0 =	vor.u32 v0, v1  }
0x16e: {  	v1 =	vperm.xlane v0, v44;
	_ =	sdelay $0x1  }
0x16f: {  	v1 =	vadd.s32 v45, v1;
	_ =	sdelay $0x3  }
0x170: {  	s29 =	simm.s32 $0xF200;
	v0 =	vperm.xlane v0, v46  }
0x171: {  	[tilespmem:s29], [sflag:$0x1] =	stream.indirect_vreg.gather [hbm4b:s3+s5], $0x80, v1, vm0, $0xb8;
	[tilespmem:$0x18200] =	vst v63  }
0x172: {  	s26 =	simm.s32 $0xFA00;
	v0 =	vadd.s32 v45, v0  }
0x173: {  	[tilespmem:s26], [sflag:$0x1] =	stream.indirect_vreg.gather [hbm4b:s9+s5], $0x80, v1, vm0, $0xb8;
	[tilespmem:$0x18200] =	vst v63  }
0x174: {  	s29 =	simm.s32 $0x10200  }
0x175: {  	[tilespmem:s29], [sflag:$0x1] =	stream.indirect_vreg.gather [hbm4b:s10+s5], $0x80, v1, vm0, $0xb8;
	[tilespmem:$0x18200] =	vst v63  }
0x176: {  	s26 =	simm.s32 $0x10A00  }
0x177: {  	[tilespmem:s26], [sflag:$0x1] =	stream.indirect_vreg.gather [hbm4b:s3+s5], $0x80, v0, vm0, $0xb8;
	[tilespmem:$0x18200] =	vst v63  }
0x178: {  	s29 =	simm.s32 $0x11200  }
0x179: {  	[tilespmem:s29], [sflag:$0x1] =	stream.indirect_vreg.gather [hbm4b:s9+s5], $0x80, v0, vm0, $0xb8;
	[tilespmem:$0x18200] =	vst v63  }
0x17a: {  	_ = 	snop  }
0x17b: {  	[tilespmem:s30], [sflag:$0x1] =	stream.indirect_vreg.gather [hbm4b:s10+s5], $0x80, v0, vm0, $0xb8;
	[tilespmem:$0x18200] =	vst v63  }
0x17c: {  	v0 =	vld [tilespmem:$0xA0];
	_ =	sdelay $0x4  }
0x17d: {  	v48 =	vshrl.u32 v0, $0x3  }
0x17e: {  	v1 =	vmul.u32 $0x30, v48  }
0x17f: {  	v0 =	vand.u32 $0x7, v0  }
0x180: {  	v0 =	vor.u32 v0, v1  }
0x181: {  	v1 =	vperm.xlane v0, v44;
	_ =	sdelay $0x1  }
0x182: {  	v1 =	vadd.s32 v45, v1;
	_ =	sdelay $0x3  }
0x183: {  	v0 =	vperm.xlane v0, v46  }
0x184: {  	[tilespmem:s31], [sflag:$0x1] =	stream.indirect_vreg.gather [hbm4b:s3+s5], $0x80, v1, vm0, $0xb8;
	[tilespmem:$0x18200] =	vst v63  }
0x185: {  	v0 =	vadd.s32 v45, v0  }
0x186: {  	[tilespmem:s1], [sflag:$0x1] =	stream.indirect_vreg.gather [hbm4b:s9+s5], $0x80, v1, vm0, $0xb8;
	[tilespmem:$0x18200] =	vst v63  }
0x187: {  	_ = 	snop  }
0x188: {  	[tilespmem:s0], [sflag:$0x1] =	stream.indirect_vreg.gather [hbm4b:s10+s5], $0x80, v1, vm0, $0xb8;
	[tilespmem:$0x18200] =	vst v63  }
0x189: {  	_ = 	snop  }
0x18a: {  	[tilespmem:s14], [sflag:$0x1] =	stream.indirect_vreg.gather [hbm4b:s3+s5], $0x80, v0, vm0, $0xb8;
	[tilespmem:$0x18200] =	vst v63  }
0x18b: {  	_ = 	snop  }
0x18c: {  	[tilespmem:s17], [sflag:$0x1] =	stream.indirect_vreg.gather [hbm4b:s9+s5], $0x80, v0, vm0, $0xb8;
	[tilespmem:$0x18200] =	vst v63  }
0x18d: {  	_ = 	snop  }
0x18e: {  	[tilespmem:s18], [sflag:$0x1] =	stream.indirect_vreg.gather [hbm4b:s10+s5], $0x80, v0, vm0, $0xb8;
	[tilespmem:$0x18200] =	vst v63  }
0x18f: {  	v0 =	vld [tilespmem:$0xB0];
	_ =	sdelay $0x4  }
0x190: {  	v49 =	vshrl.u32 v0, $0x3  }
0x191: {  	v1 =	vmul.u32 $0x30, v49  }
0x192: {  	v0 =	vand.u32 $0x7, v0  }
0x193: {  	v0 =	vor.u32 v0, v1  }
0x194: {  	v1 =	vperm.xlane v0, v44;
	_ =	sdelay $0x1  }
0x195: {  	v1 =	vadd.s32 v45, v1;
	_ =	sdelay $0x3  }
0x196: {  	v0 =	vperm.xlane v0, v46  }
0x197: {  	[tilespmem:s19], [sflag:$0x1] =	stream.indirect_vreg.gather [hbm4b:s3+s5], $0x80, v1, vm0, $0xb8;
	[tilespmem:$0x18200] =	vst v63  }
0x198: {  	v0 =	vadd.s32 v45, v0  }
0x199: {  	[tilespmem:s20], [sflag:$0x1] =	stream.indirect_vreg.gather [hbm4b:s9+s5], $0x80, v1, vm0, $0xb8;
	[tilespmem:$0x18200] =	vst v63  }
0x19a: {  	_ = 	snop  }
0x19b: {  	[tilespmem:s21], [sflag:$0x1] =	stream.indirect_vreg.gather [hbm4b:s10+s5], $0x80, v1, vm0, $0xb8;
	[tilespmem:$0x18200] =	vst v63  }
0x19c: {  	_ = 	snop  }
0x19d: {  	[tilespmem:s22], [sflag:$0x1] =	stream.indirect_vreg.gather [hbm4b:s3+s5], $0x80, v0, vm0, $0xb8;
	[tilespmem:$0x18200] =	vst v63  }
0x19e: {  	_ = 	snop  }
0x19f: {  	[tilespmem:s23], [sflag:$0x1] =	stream.indirect_vreg.gather [hbm4b:s9+s5], $0x80, v0, vm0, $0xb8;
	[tilespmem:$0x18200] =	vst v63  }
0x1a0: {  	s26 =	simm.s32 $0x0  }
0x1a1: {  	[tilespmem:s24], [sflag:$0x1] =	stream.indirect_vreg.gather [hbm4b:s10+s5], $0x80, v0, vm0, $0xb8;
	[tilespmem:$0x18200] =	vst v63  }
0x1a2: {  	s6 =	smul.u32 $0x1800, s26;
	_ =	swait.ge [sflag:s4], $0xC000  }
0x1a3: {  	s29 =	sand.u32 $0x380, s5;
	[sflag:s4] =	ssyncset.done $0x0  }
0x1a4: {  	s26 =	sor.u32 s29, s6;
	[sflag:s4] =	ssyncadd.s32 $0xFFFF4000  }
0x1a5: {  	v53 =	vld [tilespmem:s26+$0xC200]  }
0x1a6: {  	v55 =	vld [tilespmem:s26+$0xC210]  }
0x1a7: {  	v57 =	vld [tilespmem:s26+$0xC220]  }
0x1a8: {  	v58 =	vld [tilespmem:s26+$0xC230]  }
0x1a9: {  	v56 =	vld [tilespmem:s26+$0xC240]  }
0x1aa: {  	v54 =	vld [tilespmem:s26+$0xC250]  }
0x1ab: {  	v52 =	vld [tilespmem:s26+$0xC260]  }
0x1ac: {  	v51 =	vld [tilespmem:s26+$0xC270]  }
0x1ad: {  	v49 =	vld [tilespmem:s26+$0xC600]  }
0x1ae: {  	v48 =	vld [tilespmem:s26+$0xC610]  }
0x1af: {  	v47 =	vld [tilespmem:s26+$0xC620]  }
0x1b0: {  	v45 =	vld [tilespmem:s26+$0xC630]  }
0x1b1: {  	v44 =	vld [tilespmem:s26+$0xC640]  }
0x1b2: {  	v43 =	vld [tilespmem:s26+$0xC650]  }
0x1b3: {  	v42 =	vld [tilespmem:s26+$0xC660]  }
0x1b4: {  	v41 =	vld [tilespmem:s26+$0xC670]  }
0x1b5: {  	v40 =	vld [tilespmem:s26+$0xCA00]  }
0x1b6: {  	v39 =	vld [tilespmem:s26+$0xCA10]  }
0x1b7: {  	v36 =	vld [tilespmem:s26+$0xCA20]  }
0x1b8: {  	v37 =	vld [tilespmem:s26+$0xCA30]  }
0x1b9: {  	v34 =	vld [tilespmem:s26+$0xCA40]  }
0x1ba: {  	v35 =	vld [tilespmem:s26+$0xCA50]  }
0x1bb: {  	v33 =	vld [tilespmem:s26+$0xCA60]  }
0x1bc: {  	v31 =	vld [tilespmem:s26+$0xCA70]  }
0x1bd: {  	v30 =	vld [tilespmem:s26+$0xCE00]  }
0x1be: {  	v29 =	vld [tilespmem:s26+$0xCE10]  }
0x1bf: {  	v28 =	vld [tilespmem:s26+$0xCE20]  }
0x1c0: {  	v27 =	vld [tilespmem:s26+$0xCE30]  }
0x1c1: {  	v26 =	vld [tilespmem:s26+$0xCE40]  }
0x1c2: {  	v25 =	vld [tilespmem:s26+$0xCE50]  }
0x1c3: {  	v23 =	vld [tilespmem:s26+$0xCE60]  }
0x1c4: {  	v22 =	vld [tilespmem:s26+$0xCE70]  }
0x1c5: {  	v21 =	vld [tilespmem:s26+$0xD200]  }
0x1c6: {  	v20 =	vld [tilespmem:s26+$0xD210]  }
0x1c7: {  	v19 =	vld [tilespmem:s26+$0xD220]  }
0x1c8: {  	v17 =	vld [tilespmem:s26+$0xD230]  }
0x1c9: {  	v16 =	vld [tilespmem:s26+$0xD240]  }
0x1ca: {  	v15 =	vld [tilespmem:s26+$0xD250]  }
0x1cb: {  	v14 =	vld [tilespmem:s26+$0xD260]  }
0x1cc: {  	v13 =	vld [tilespmem:s26+$0xD270]  }
0x1cd: {  	v12 =	vld [tilespmem:s26+$0xD600]  }
0x1ce: {  	v11 =	vld [tilespmem:s26+$0xD610]  }
0x1cf: {  	v9 =	vld [tilespmem:s26+$0xD620]  }
0x1d0: {  	v50 =	vld [tilespmem:s26+$0xD630]  }
0x1d1: {  	v59 =	vld [tilespmem:s26+$0xD640]  }
0x1d2: {  	v60 =	vld [tilespmem:s26+$0xD650]  }
0x1d3: {  	v63 =	vld [tilespmem:s26+$0xD660]  }
0x1d4: {  	v62 =	vld [tilespmem:s26+$0xD670]  }
0x1d5: {  	v61 =	vld [tilespmem:s26+$0x1650]  }
0x1d6: {  	v10 =	vld [tilespmem:s26+$0x1630]  }
0x1d7: {  	v18 =	vld [tilespmem:s26+$0x1270]  }
0x1d8: {  	v24 =	vld [tilespmem:s26+$0x1250]  }
0x1d9: {  	v32 =	vld [tilespmem:s26+$0x1210]  }
0x1da: {  	v38 =	vld [tilespmem:s26+$0xE70]  }
0x1db: {  	v46 =	vld [tilespmem:s26+$0xE30];
	[tilespmem:$0x1FF30] =	vst v50  }
0x1dc: {  	[tilespmem:$0x1FF40] =	vst v59;
	v50 =	vld [tilespmem:s26+$0xE10]  }
0x1dd: {  	[tilespmem:$0x1FF50] =	vst v60;
	v59 =	vld [tilespmem:s26+$0xA50]  }
0x1de: {  	s28 =	simm.s32 $0x1;
	[tilespmem:$0x1FF60] =	vst v61;
	v60 =	vmov s5;
	v61 =	vld [tilespmem:s26+$0xA30]  }
.LBB2_4:
0x1df: {  	_ =	sdelay $0x2  }
0x1e0: {  	v0 =	vld [tilespmem:s26+$0x670]  }
0x1e1: {  	v60 =	vld.idx.msk [tilespmem:v60+s16+$0x0], $0xffff  }
0x1e2: {  	v1 =	vld [tilespmem:s26+$0x650]  }
0x1e3: {  	v4 =	vld [tilespmem:s26+$0x200]  }
0x1e4: {  	v3 =	vld [tilespmem:s26+$0x210]  }
0x1e5: {  	v5 =	vld [tilespmem:s26+$0x220]  }
0x1e6: {  	v2 =	vld [tilespmem:s26+$0x610];
	v53 =	vmul.f32 v53, v60  }
0x1e7: {  	v6 =	vld [tilespmem:s26+$0x240];
	v55 =	vmul.f32 v55, v60  }
0x1e8: {  	v7 =	vld [tilespmem:s26+$0x250];
	[tilespmem:$0x1FF10] =	vst v63;
	v57 =	vmul.f32 v57, v60;
	v4 =	vadd.f32 v53, v4  }
0x1e9: {  	[tilespmem:$0x1FF20] =	vst v62;
	v63 =	vld [tilespmem:s26+$0x230];
	v48 =	vmul.f32 v48, v60;
	v3 =	vadd.f32 v55, v3  }
0x1ea: {  	v8 =	vld [tilespmem:s26+$0x260];
	v43 =	vmul.f32 v43, v60;
	v5 =	vadd.f32 v57, v5;
	[tilespmem:s26+$0x200] =	vst v4  }
0x1eb: {  	v62 =	vld [tilespmem:s26+$0x270];
	v41 =	vmul.f32 v41, v60;
	v2 =	vadd.f32 v48, v2;
	[tilespmem:s26+$0x210] =	vst v3  }
0x1ec: {  	v58 =	vmul.f32 v58, v60;
	v55 =	vld [tilespmem:s26+$0x600];
	v1 =	vadd.f32 v43, v1;
	[tilespmem:s26+$0x220] =	vst v5  }
0x1ed: {  	v13 =	vmul.f32 v13, v60;
	v53 =	vmul.f32 v56, v60;
	v57 =	vld [tilespmem:s26+$0x620];
	v0 =	vadd.f32 v41, v0;
	[tilespmem:s26+$0x610] =	vst v2  }
0x1ee: {  	v54 =	vmul.f32 v54, v60;
	v48 =	vld [tilespmem:s26+$0xA00];
	v56 =	vadd.f32 v58, v63;
	[tilespmem:s26+$0x650] =	vst v1  }
0x1ef: {  	v51 =	vmul.f32 v51, v60;
	v13 =	vadd.f32 v13, v18;
	v18 =	vld [tilespmem:s26+$0x1670];
	v4 =	vadd.f32 v53, v6;
	[tilespmem:s26+$0x670] =	vst v0  }
0x1f0: {  	v63 =	vmul.f32 v52, v60;
	v52 =	vld [tilespmem:s26+$0x630];
	v3 =	vadd.f32 v54, v7;
	[tilespmem:s26+$0x230] =	vst v56  }
0x1f1: {  	v54 =	vmul.f32 v49, v60;
	v49 =	vld [tilespmem:s26+$0x640];
	v62 =	vadd.f32 v51, v62;
	[tilespmem:s26+$0x240] =	vst v4  }
0x1f2: {  	v58 =	vadd.f32 v63, v8;
	v8 =	vmul.f32 v47, v60;
	v63 =	vld [tilespmem:s26+$0x660];
	[tilespmem:s26+$0x250] =	vst v3  }
0x1f3: {  	v45 =	vmul.f32 v45, v60;
	v56 =	vld [tilespmem:s26+$0xA20];
	[tilespmem:s26+$0x270] =	vst v62;
	v7 =	vadd.f32 v54, v55  }
0x1f4: {  	v54 =	vld [tilespmem:s26+$0xA10];
	v53 =	vadd.f32 v8, v57;
	v8 =	vmul.f32 v44, v60;
	[tilespmem:s26+$0x260] =	vst v58  }
0x1f5: {  	v42 =	vmul.f32 v42, v60;
	v47 =	vld [tilespmem:s26+$0xA70];
	v55 =	vadd.f32 v45, v52;
	[tilespmem:s26+$0x600] =	vst v7  }
0x1f6: {  	v58 =	vld [tilespmem:s26+$0xA40];
	v57 =	vadd.f32 v8, v49;
	v8 =	vmul.f32 v40, v60;
	[tilespmem:s26+$0x620] =	vst v53  }
0x1f7: {  	v39 =	vmul.f32 v39, v60;
	v52 =	vld [tilespmem:s26+$0xE20];
	v62 =	vadd.f32 v42, v63;
	[tilespmem:s26+$0x630] =	vst v55  }
0x1f8: {  	v35 =	vmul.f32 v35, v60;
	v49 =	vld [tilespmem:s26+$0xE00];
	v42 =	vadd.f32 v8, v48;
	[tilespmem:s26+$0x640] =	vst v57  }
0x1f9: {  	v34 =	vmul.f32 v34, v60;
	v63 =	vld [tilespmem:s26+$0xA60];
	v48 =	vadd.f32 v39, v54;
	[tilespmem:s26+$0x660] =	vst v62  }
0x1fa: {  	v31 =	vmul.f32 v31, v60;
	v55 =	vld [tilespmem:s26+$0xE40];
	v8 =	vmul.f32 v36, v60;
	v54 =	vadd.f32 v35, v59;
	[tilespmem:s26+$0xA00] =	vst v42  }
0x1fb: {  	v28 =	vmul.f32 v28, v60;
	v43 =	vmul.f32 v37, v60;
	v57 =	vld [tilespmem:s26+$0xE50];
	v53 =	vadd.f32 v34, v58;
	[tilespmem:s26+$0xA10] =	vst v48  }
0x1fc: {  	v30 =	vmul.f32 v30, v60;
	v58 =	vadd.f32 v31, v47;
	v31 =	vld [tilespmem:s26+$0xE60];
	v51 =	vadd.f32 v8, v56;
	[tilespmem:s26+$0xA50] =	vst v54  }
0x1fd: {  	v26 =	vmul.f32 v26, v60;
	v8 =	vadd.f32 v43, v61;
	v61 =	vadd.f32 v28, v52;
	v28 =	vld [tilespmem:s26+$0x1220];
	[tilespmem:s26+$0xA40] =	vst v53  }
0x1fe: {  	v33 =	vmul.f32 v33, v60;
	v25 =	vmul.f32 v25, v60;
	v59 =	vadd.f32 v30, v49;
	v30 =	vld [tilespmem:s26+$0x1200];
	[tilespmem:s26+$0xA70] =	vst v58  }
0x1ff: {  	s6 =	sshrl.u32 s28, $0x3;
	v29 =	vmul.f32 v29, v60;
	v23 =	vmul.f32 v23, v60;
	v62 =	vadd.f32 v26, v55;
	v26 =	vld [tilespmem:s26+$0x1230];
	[tilespmem:s26+$0xA20] =	vst v51  }
0x200: {  	s5 =	sadd.s32 $0x80, s5;
	s6 =	smul.u32 $0x1800, s6;
	v19 =	vmul.f32 v19, v60;
	v56 =	vadd.f32 v33, v63;
	[tilespmem:s26+$0xA30] =	vst v8;
	v63 =	vadd.f32 v25, v57;
	v25 =	vld [tilespmem:s26+$0x1240]  }
0x201: {  	s29 =	sand.u32 $0x380, s5;
	[tilespmem:s26+$0xE00] =	vst v59;
	v33 =	vadd.f32 v23, v31;
	v23 =	vld [tilespmem:s26+$0x1260]  }
0x202: {  	s6 =	sor.u32 s29, s6;
	v21 =	vmul.f32 v21, v60;
	v29 =	vadd.f32 v29, v50;
	[tilespmem:s26+$0xA60] =	vst v56;
	v35 =	vadd.f32 v19, v28;
	v19 =	vld [tilespmem:s26+$0x1610]  }
0x203: {  	v53 =	vld [tilespmem:s6+$0xC200]  }
0x204: {  	v27 =	vmul.f32 v27, v60;
	v17 =	vmul.f32 v17, v60;
	[tilespmem:s26+$0xE10] =	vst v29;
	v8 =	vadd.f32 v21, v30;
	v21 =	vld [tilespmem:s26+$0x1600]  }
0x205: {  	v55 =	vld [tilespmem:s6+$0xC210]  }
0x206: {  	v16 =	vmul.f32 v16, v60;
	v27 =	vadd.f32 v27, v46;
	[tilespmem:s26+$0xE20] =	vst v61;
	v17 =	vadd.f32 v17, v26;
	v26 =	vld [tilespmem:s26+$0x1620]  }
0x207: {  	v57 =	vld [tilespmem:s6+$0xC220]  }
0x208: {  	v14 =	vmul.f32 v14, v60;
	[tilespmem:s26+$0xE30] =	vst v27;
	v36 =	vadd.f32 v16, v25;
	v16 =	vld [tilespmem:s26+$0x1640]  }
0x209: {  	v58 =	vld [tilespmem:s6+$0xC230]  }
0x20a: {  	v11 =	vmul.f32 v11, v60;
	[tilespmem:s26+$0xE40] =	vst v62;
	v37 =	vadd.f32 v14, v23;
	v14 =	vld [tilespmem:s26+$0x1660]  }
0x20b: {  	v56 =	vld [tilespmem:s6+$0xC240]  }
0x20c: {  	v22 =	vmul.f32 v22, v60;
	v12 =	vmul.f32 v12, v60;
	[tilespmem:s26+$0xE50] =	vst v63;
	v11 =	vadd.f32 v11, v19;
	v19 =	vld [tilespmem:$0x1FF40]  }
0x20d: {  	v54 =	vld [tilespmem:s6+$0xC250]  }
0x20e: {  	v20 =	vmul.f32 v20, v60;
	v22 =	vadd.f32 v22, v38;
	v38 =	vadd.f32 v12, v21;
	v12 =	vld [tilespmem:$0x1FF30]  }
0x20f: {  	[tilespmem:s26+$0xE60] =	vst v33;
	v21 =	vld [tilespmem:$0x1FF50]  }
0x210: {  	v20 =	vadd.f32 v20, v32;
	v52 =	vld [tilespmem:s6+$0xC260];
	[tilespmem:s26+$0xE70] =	vst v22  }
0x211: {  	v51 =	vld [tilespmem:s6+$0xC270];
	[tilespmem:s26+$0x1200] =	vst v8  }
0x212: {  	v49 =	vld [tilespmem:s6+$0xC600];
	[tilespmem:s26+$0x1210] =	vst v20  }
0x213: {  	v48 =	vld [tilespmem:s6+$0xC610];
	[tilespmem:s26+$0x1220] =	vst v35  }
0x214: {  	v15 =	vmul.f32 v15, v60;
	v47 =	vld [tilespmem:s6+$0xC620];
	[tilespmem:s26+$0x1230] =	vst v17  }
0x215: {  	v9 =	vmul.f32 v9, v60;
	v12 =	vmul.f32 v12, v60;
	v45 =	vld [tilespmem:s6+$0xC630];
	[tilespmem:s26+$0x1240] =	vst v36  }
0x216: {  	v15 =	vadd.f32 v15, v24;
	v19 =	vmul.f32 v19, v60;
	v44 =	vld [tilespmem:s6+$0xC640]  }
0x217: {  	v61 =	vadd.f32 v9, v26;
	v9 =	vadd.f32 v12, v10;
	v10 =	vld [tilespmem:$0x1FF10]  }
0x218: {  	v12 =	vadd.f32 v19, v16;
	v16 =	vld [tilespmem:$0x1FF60]  }
0x219: {  	[tilespmem:s26+$0x1250] =	vst v15;
	v19 =	vld [tilespmem:$0x1FF20]  }
0x21a: {  	v43 =	vld [tilespmem:s6+$0xC650];
	[tilespmem:s26+$0x1260] =	vst v37  }
0x21b: {  	v42 =	vld [tilespmem:s6+$0xC660];
	[tilespmem:s26+$0x1270] =	vst v13  }
0x21c: {  	v41 =	vld [tilespmem:s6+$0xC670];
	[tilespmem:s26+$0x1600] =	vst v38  }
0x21d: {  	v21 =	vmul.f32 v21, v60;
	v40 =	vld [tilespmem:s6+$0xCA00];
	[tilespmem:s26+$0x1610] =	vst v11  }
0x21e: {  	v39 =	vld [tilespmem:s6+$0xCA10];
	[tilespmem:s26+$0x1620] =	vst v61;
	v10 =	vmul.f32 v10, v60  }
0x21f: {  	v16 =	vadd.f32 v21, v16;
	v19 =	vmul.f32 v19, v60;
	v36 =	vld [tilespmem:s6+$0xCA20];
	[tilespmem:s26+$0x1630] =	vst v9  }
0x220: {  	v37 =	vld [tilespmem:s6+$0xCA30];
	[tilespmem:s26+$0x1640] =	vst v12;
	v62 =	vadd.f32 v10, v14  }
0x221: {  	v63 =	vadd.f32 v19, v18;
	v34 =	vld [tilespmem:s6+$0xCA40];
	[tilespmem:s26+$0x1650] =	vst v16  }
0x222: {  	v35 =	vld [tilespmem:s6+$0xCA50];
	[tilespmem:s26+$0x1660] =	vst v62  }
0x223: {  	v33 =	vld [tilespmem:s6+$0xCA60];
	[tilespmem:s26+$0x1670] =	vst v63;
	s26 =	smov.u32 s6  }
0x224: {  	v31 =	vld [tilespmem:s26+$0xCA70]  }
0x225: {  	v30 =	vld [tilespmem:s26+$0xCE00]  }
0x226: {  	v29 =	vld [tilespmem:s26+$0xCE10]  }
0x227: {  	v28 =	vld [tilespmem:s26+$0xCE20]  }
0x228: {  	v27 =	vld [tilespmem:s26+$0xCE30]  }
0x229: {  	v26 =	vld [tilespmem:s26+$0xCE40]  }
0x22a: {  	v25 =	vld [tilespmem:s26+$0xCE50]  }
0x22b: {  	v23 =	vld [tilespmem:s26+$0xCE60]  }
0x22c: {  	v22 =	vld [tilespmem:s26+$0xCE70]  }
0x22d: {  	v21 =	vld [tilespmem:s26+$0xD200]  }
0x22e: {  	v20 =	vld [tilespmem:s26+$0xD210]  }
0x22f: {  	v19 =	vld [tilespmem:s26+$0xD220]  }
0x230: {  	v17 =	vld [tilespmem:s26+$0xD230]  }
0x231: {  	v16 =	vld [tilespmem:s26+$0xD240]  }
0x232: {  	v15 =	vld [tilespmem:s26+$0xD250]  }
0x233: {  	v14 =	vld [tilespmem:s26+$0xD260]  }
0x234: {  	v13 =	vld [tilespmem:s26+$0xD270]  }
0x235: {  	v12 =	vld [tilespmem:s26+$0xD600]  }
0x236: {  	v11 =	vld [tilespmem:s26+$0xD610]  }
0x237: {  	v9 =	vld [tilespmem:s26+$0xD620]  }
0x238: {  	v0 =	vld [tilespmem:s26+$0xD630]  }
0x239: {  	v59 =	vld [tilespmem:s26+$0xD640]  }
0x23a: {  	v60 =	vld [tilespmem:s26+$0xD650]  }
0x23b: {  	v63 =	vld [tilespmem:s26+$0xD660]  }
0x23c: {  	v62 =	vld [tilespmem:s26+$0xD670]  }
0x23d: {  	v61 =	vld [tilespmem:s26+$0x1650]  }
0x23e: {  	v10 =	vld [tilespmem:s26+$0x1630]  }
0x23f: {  	v18 =	vld [tilespmem:s26+$0x1270]  }
0x240: {  	v24 =	vld [tilespmem:s26+$0x1250]  }
0x241: {  	p0 =	sne.s32 s28, $0x3F;
	v32 =	vld [tilespmem:s26+$0x1210]  }
.Ltmp1:
0x242: {  	v38 =	vld [tilespmem:s26+$0xE70];
	(pc) =	sbr.rel @p0 .LBB2_4-.Ltmp1, $4  }
0x243: {  	v46 =	vld [tilespmem:s26+$0xE30];
	[tilespmem:$0x1FF30] =	vst v0  }
0x244: {  	v50 =	vld [tilespmem:s26+$0xE10];
	[tilespmem:$0x1FF40] =	vst v59  }
0x245: {  	[tilespmem:$0x1FF50] =	vst v60;
	v59 =	vld [tilespmem:s26+$0xA50]  }
0x246: {  	[tilespmem:$0x1FF60] =	vst v61;
	v60 =	vmov s28;
	v61 =	vld [tilespmem:s26+$0xA30];
	s28 =	sadd.s32 $0x1, s28  }
0x247: {  	_ =	sdelay $0x3  }
0x248: {  	v60 =	vld.idx.msk [tilespmem:v60+s16+$0x0], $0xffff;
	_ =	sdelay $0x1  }
0x249: {  	v0 =	vld [tilespmem:s26+$0x200]  }
0x24a: {  	v1 =	vld [tilespmem:s26+$0x210]  }
0x24b: {  	v2 =	vld [tilespmem:s26+$0x220]  }
0x24c: {  	v3 =	vld [tilespmem:s26+$0x230];
	v4 =	vmul.f32 v53, v60  }
0x24d: {  	v5 =	vld [tilespmem:s26+$0x240];
	v6 =	vmul.f32 v55, v60  }
0x24e: {  	v7 =	vmul.f32 v57, v60;
	v0 =	vadd.f32 v4, v0  }
0x24f: {  	v8 =	vmul.f32 v58, v60;
	v1 =	vadd.f32 v6, v1  }
0x250: {  	v58 =	vmul.f32 v56, v60;
	v53 =	vld [tilespmem:s26+$0x270];
	v2 =	vadd.f32 v7, v2;
	[tilespmem:s26+$0x200] =	vst v0  }
0x251: {  	v55 =	vld [tilespmem:s26+$0x600];
	v29 =	vmul.f32 v29, v60;
	v3 =	vadd.f32 v8, v3;
	[tilespmem:s26+$0x210] =	vst v1  }
0x252: {  	v57 =	vld [tilespmem:s26+$0x620];
	v15 =	vmul.f32 v15, v60;
	v5 =	vadd.f32 v58, v5;
	[tilespmem:s26+$0x220] =	vst v2  }
0x253: {  	v56 =	vmul.f32 v52, v60;
	v52 =	vld [tilespmem:s26+$0xA20];
	v58 =	vmul.f32 v51, v60;
	v29 =	vadd.f32 v29, v50;
	[tilespmem:s26+$0x230] =	vst v3  }
0x254: {  	v4 =	vld [tilespmem:s26+$0x250];
	v51 =	vmul.f32 v49, v60;
	v50 =	vadd.f32 v15, v24;
	[tilespmem:s26+$0x240] =	vst v5  }
0x255: {  	v47 =	vmul.f32 v47, v60;
	v6 =	vld [tilespmem:s26+$0x260];
	[tilespmem:s26+$0xE10] =	vst v29;
	v1 =	vadd.f32 v58, v53  }
0x256: {  	v36 =	vmul.f32 v36, v60;
	v0 =	vld [tilespmem:s26+$0x610];
	[tilespmem:s26+$0x1250] =	vst v50;
	v2 =	vadd.f32 v51, v55  }
0x257: {  	v54 =	vmul.f32 v54, v60;
	v5 =	vld [tilespmem:s26+$0xA00];
	v3 =	vadd.f32 v47, v57;
	[tilespmem:s26+$0x270] =	vst v1  }
0x258: {  	v55 =	vld [tilespmem:s26+$0x640];
	v7 =	vadd.f32 v36, v52;
	[tilespmem:s26+$0x600] =	vst v2  }
0x259: {  	v48 =	vmul.f32 v48, v60;
	v57 =	vld [tilespmem:s26+$0x660];
	v4 =	vadd.f32 v54, v4;
	[tilespmem:s26+$0x620] =	vst v3  }
0x25a: {  	v40 =	vmul.f32 v40, v60;
	v58 =	vld [tilespmem:s26+$0x670];
	v6 =	vadd.f32 v56, v6;
	[tilespmem:s26+$0xA20] =	vst v7  }
0x25b: {  	v44 =	vmul.f32 v44, v60;
	[tilespmem:s26+$0x250] =	vst v4;
	v0 =	vadd.f32 v48, v0  }
0x25c: {  	v42 =	vmul.f32 v42, v60;
	v54 =	vld [tilespmem:s26+$0x630];
	[tilespmem:s26+$0x260] =	vst v6;
	v5 =	vadd.f32 v40, v5  }
0x25d: {  	v41 =	vmul.f32 v41, v60;
	v56 =	vld [tilespmem:s26+$0x650];
	v44 =	vadd.f32 v44, v55;
	[tilespmem:s26+$0x610] =	vst v0  }
0x25e: {  	v47 =	vmul.f32 v37, v60;
	v42 =	vadd.f32 v42, v57;
	[tilespmem:s26+$0xA00] =	vst v5  }
0x25f: {  	v45 =	vmul.f32 v45, v60;
	v1 =	vld [tilespmem:s26+$0xA60];
	v41 =	vadd.f32 v41, v58;
	[tilespmem:s26+$0x640] =	vst v44  }
0x260: {  	v43 =	vmul.f32 v43, v60;
	v2 =	vld [tilespmem:s26+$0xA70];
	v5 =	vadd.f32 v47, v61;
	[tilespmem:s26+$0x660] =	vst v42  }
0x261: {  	v49 =	vmul.f32 v35, v60;
	v4 =	vld [tilespmem:s26+$0xA10];
	v8 =	vadd.f32 v45, v54;
	[tilespmem:s26+$0x670] =	vst v41  }
0x262: {  	v52 =	vmul.f32 v33, v60;
	v3 =	vld [tilespmem:s26+$0xE20];
	v43 =	vadd.f32 v43, v56;
	[tilespmem:s26+$0xA30] =	vst v5  }
0x263: {  	v53 =	vld [tilespmem:s26+$0xA40];
	v55 =	vmul.f32 v31, v60;
	v54 =	vadd.f32 v49, v59;
	[tilespmem:s26+$0x630] =	vst v8  }
0x264: {  	v39 =	vmul.f32 v39, v60;
	v0 =	vld [tilespmem:s26+$0xE00];
	v1 =	vadd.f32 v52, v1;
	[tilespmem:s26+$0x650] =	vst v43  }
0x265: {  	v61 =	vmul.f32 v28, v60;
	v44 =	vld [tilespmem:s26+$0xE50];
	v2 =	vadd.f32 v55, v2;
	[tilespmem:s26+$0xA50] =	vst v54  }
0x266: {  	v48 =	vmul.f32 v34, v60;
	v4 =	vadd.f32 v39, v4;
	[tilespmem:s26+$0xA60] =	vst v1  }
0x267: {  	v30 =	vmul.f32 v30, v60;
	[tilespmem:s26+$0xA70] =	vst v2;
	v2 =	vadd.f32 v61, v3  }
0x268: {  	v25 =	vmul.f32 v25, v60;
	v56 =	vld [tilespmem:s26+$0x1600];
	[tilespmem:s26+$0xA10] =	vst v4;
	v4 =	vadd.f32 v48, v53  }
0x269: {  	v33 =	vmul.f32 v27, v60;
	v8 =	vld [tilespmem:s26+$0xE40];
	v0 =	vadd.f32 v30, v0;
	[tilespmem:s26+$0xE20] =	vst v2  }
0x26a: {  	v20 =	vmul.f32 v20, v60;
	v43 =	vld [tilespmem:s26+$0xE60];
	v39 =	vadd.f32 v25, v44;
	[tilespmem:s26+$0xA40] =	vst v4  }
0x26b: {  	v45 =	vld [tilespmem:s26+$0x1200];
	v52 =	vmul.f32 v12, v60;
	[tilespmem:s26+$0xE00] =	vst v0;
	v0 =	vadd.f32 v33, v46  }
0x26c: {  	v26 =	vmul.f32 v26, v60;
	v37 =	vld [tilespmem:s26+$0x1230];
	v46 =	vadd.f32 v20, v32;
	[tilespmem:s26+$0xE50] =	vst v39  }
0x26d: {  	v36 =	vmul.f32 v23, v60;
	v40 =	vld [tilespmem:s26+$0x1220];
	v4 =	vadd.f32 v52, v56;
	[tilespmem:s26+$0xE30] =	vst v0  }
0x26e: {  	v51 =	vld [tilespmem:s26+$0x1240];
	v41 =	vmul.f32 v22, v60;
	v44 =	vmul.f32 v21, v60;
	v8 =	vadd.f32 v26, v8;
	[tilespmem:s26+$0x1210] =	vst v46  }
0x26f: {  	v53 =	vld [tilespmem:s26+$0x1260];
	v2 =	vadd.f32 v36, v43;
	[tilespmem:s26+$0x1600] =	vst v4  }
0x270: {  	v56 =	vld [tilespmem:$0x1FF40];
	v0 =	vadd.f32 v41, v38;
	[tilespmem:s26+$0xE40] =	vst v8;
	v8 =	vadd.f32 v44, v45;
	v45 =	vmul.f32 v19, v60  }
0x271: {  	v57 =	vld [tilespmem:s26+$0x1610];
	v47 =	vmul.f32 v17, v60;
	v48 =	vmul.f32 v16, v60;
	[tilespmem:s26+$0xE60] =	vst v2  }
0x272: {  	v59 =	vld [tilespmem:s26+$0x1640];
	v49 =	vmul.f32 v14, v60;
	[tilespmem:s26+$0xE70] =	vst v0;
	v2 =	vadd.f32 v45, v40  }
0x273: {  	v58 =	vld [tilespmem:s26+$0x1620];
	v0 =	vadd.f32 v47, v37;
	[tilespmem:s26+$0x1200] =	vst v8;
	v8 =	vadd.f32 v48, v51  }
0x274: {  	v55 =	vld [tilespmem:$0x1FF30];
	v51 =	vmul.f32 v13, v60;
	[tilespmem:s26+$0x1220] =	vst v2;
	v2 =	vadd.f32 v49, v53;
	v53 =	vmul.f32 v11, v60  }
0x275: {  	v34 =	vld [tilespmem:s26+$0x1670];
	v4 =	vmul.f32 v56, v60;
	[tilespmem:s26+$0x1230] =	vst v0  }
0x276: {  	[tilespmem:s26+$0x1240] =	vst v8;
	v0 =	vadd.f32 v51, v18;
	v6 =	vadd.f32 v53, v57;
	v57 =	vld [tilespmem:$0x1FF50]  }
0x277: {  	v28 =	vld [tilespmem:s26+$0x1660];
	v54 =	vmul.f32 v9, v60;
	v1 =	vadd.f32 v4, v59;
	[tilespmem:s26+$0x1260] =	vst v2  }
0x278: {  	v61 =	vmul.f32 v62, v60;
	v59 =	vld [tilespmem:$0x1FF60];
	[tilespmem:s26+$0x1270] =	vst v0  }
0x279: {  	v0 =	vmul.f32 v55, v60;
	v2 =	vadd.f32 v54, v58;
	[tilespmem:s26+$0x1640] =	vst v1  }
0x27a: {  	v58 =	vmul.f32 v63, v60;
	v63 =	vadd.f32 v61, v34;
	[tilespmem:s26+$0x1610] =	vst v6  }
0x27b: {  	v0 =	vadd.f32 v0, v10;
	[tilespmem:s26+$0x1620] =	vst v2;
	v5 =	vmul.f32 v57, v60  }
0x27c: {  	v62 =	vadd.f32 v58, v28;
	[tilespmem:s26+$0x1670] =	vst v63  }
0x27d: {  	s25 =	sadd.s32 $0x1, s25;
	[tilespmem:s26+$0x1630] =	vst v0;
	v4 =	vadd.f32 v5, v59  }
0x27e: {  	p0 =	sne.s32 s25, s12;
	[tilespmem:s26+$0x1660] =	vst v62  }
.Ltmp2:
0x27f: {  	[tilespmem:s26+$0x1650] =	vst v4;
	s26 =	simm.s32 $0x200;
	(pc) =	sbr.rel @p0 .LBB2_1-.Ltmp2, $4  }
0x280: {  	[hbm4b:s11+s2] =	stream.linear.scatter [tilespmem:s26], [sflag:$0x2], $0xC000, $0x38;
	[tilespmem:$0x18200] =	vst v63  }
0x281: {  	_ =	swait.ge [sflag:s13], $0xC000  }
0x282: {  	[sflag:s13] =	ssyncset.done $0x0  }
0x283: {  	[sflag:s13] =	ssyncadd.s32 $0xFFFF4000  }
0x284: {  	_ =	sfence.sel $0x180000  }
0x285: {  	[bflag:$0x0] =	sbarrier.arrive $0xFFFF  }
0x286: {  	_ =	strace $0x9000004D  }
0x287: {  	s0 =	stileid.u32;
	[bflag:$0x2] =	sbarrier.arrive $0xFFFF  }
0x288: {  	p0 =	sne.s32 s0, $0x0;
	s0 =	rddreg [dreg:$0x2]  }
0x289: {  	s0 =	sadd.s32 @!p0 $0x100000, s0  }
0x28a: {  	[sflag:s0] =	ssyncadd.tile.s32 @!p0 $0x1;
	_ =	shalt  }
.Lfunc_end2:
_tile_overlayer_lowered:
.L_overlay_start_2:
0x28b: {  	(tag) =	ssettag $0x2  }
0x28c: {  	s0 =	rddreg [dreg:$0x0];
	s2 =	stileid.u32  }
0x28d: {  	s1 =	rddreg [dreg:$0x1];
	p0 =	sne.s32 s2, $0x0  }
0x28e: {  	s3 =	rddreg [dreg:$0x2];
	[bflag:$0x3] =	sbarrier.arrive $0xFFFF;
	s2 =	simm.s32 @!p0 $0x1C02  }
0x28f: {  	[timem:s3], [sflag:s2] =	dma.local @!p0 [hbm:s0], s1  }
0x290: {  	s0 =	simm.s32 @!p0 $0x2  }
0x291: {  	_ =	swait.ge @!p0 [sflag:s0], s1  }
0x292: {  	s1 =	ssub.s32 @!p0 $0x0, s1;
	[sflag:s0] =	ssyncset.done @!p0 $0x0  }
0x293: {  	[sflag:s0] =	ssyncadd.s32 @!p0 s1  }
0x294: {  	[bflag:$0x3] =	sbarrier.arrive $0xFFFF  }
0x295: {  	_ =	shalt  }

// kernel: kernel.8.cloned.1.call-start
scs
__scs_entry_jumppad:
0x0: {  	(pc) =	sbr.rel $0x88, $3  }
0x1: {  	(tag) =	ssettag $0x0;
	lr =	simm.s32 $0x1  }
0x2: {  	[smem:$0x3F96] =	sst lr;
	_ =	strace $0xD0000000  }
0x3: {  	_ = 	snop  }
0x4: {  	_ = 	snop  }
0x5: {  	_ = 	snop  }
0x6: {  	_ = 	snop  }
0x7: {  	_ = 	snop  }
__scs_overlays_trampoline_lowered:
0x8: {  	[smem:$0x3FA5] =	sst s0  }
0x9: {  	[smem:$0x3FA6] =	sst s1  }
0xa: {  	[smem:$0x3FA7] =	sst s2  }
0xb: {  	[smem:$0x3FA8] =	sst s3  }
0xc: {  	[smem:$0x3FA9] =	sst s4  }
0xd: {  	[smem:$0x3FAA] =	sst s5  }
0xe: {  	[smem:$0x3FAB] =	sst s6  }
0xf: {  	[smem:$0x3FAC] =	sst s7  }
0x10: {  	[smem:$0x3FAD] =	sst s8  }
0x11: {  	[smem:$0x3FAE] =	sst s9;
	s0 =	simm.s32 @!p0 $0x0  }
0x12: {  	s1 =	sld [smem:$0x3F94];
	s0 =	simm.s32 @p0 $0x1  }
0x13: {  	[smem:$0x3FAF] =	sst s0;
	s0 =	simm.s32 @!p1 $0x0  }
0x14: {  	s2 =	sld [smem:$0x3F93];
	s0 =	simm.s32 @p1 $0x1  }
0x15: {  	[smem:$0x3FB0] =	sst s0;
	s0 =	simm.s32 @!p2 $0x0  }
0x16: {  	s3 =	sld [smem:$0x3FDB];
	s0 =	simm.s32 @p2 $0x1  }
0x17: {  	s4 =	simm.s32 $0x1BF5;
	[smem:$0x3FB2] =	sst s0  }
0x18: {  	s0 =	sld [smem:$0x3F95];
	_ =	swait.ge [sflag:s4], $0x0  }
0x19: {  	s7 =	sld [smem:$0x3F96]  }
0x1a: {  	s8 =	sadd.s32 $0xFFFFE003, lr  }
0x1b: {  	s9 =	sadd.s32 $0xFFFFFEF7, lr;
	s5 =	simm.s32 $0xFFFFFFFF;
	p2 =	slt.u32 s8, $0xFFFFF086  }
0x1c: {  	p1 =	slt.u32 s9, $0xF7A;
	s5 =	simm.s32 @!p2 $0x0  }
0x1d: {  	s5 =	simm.s32 @p1 $0x1;
	p0 =	seq.s32 s7, s2  }
0x1e: {  	s7 =	smul.u32 @!p0 $0xF7A, s2;
	p2 =	seq.s32 @!p0 s5, $0x0  }
0x1f: {  	s9 =	smul.u32 $0xF7A, s1;
	s8 =	simm.s32 @!p0 $0x1BF5;
	p2 =	por !p2, p0  }
0x20: {  	[sflag:s8] =	ssyncset.s32 @!p0 $0xFFFFF086;
	s6 =	sadd.s32 @!p0 s3, s7;
	s7 =	simm.s32 @!p0 $0x108  }
0x21: {  	s3 =	sadd.s32 s3, s9;
	s6 =	sadd.s32 @!p0 $0x88, s6;
	s7 =	simm.s32 @p2 $0x1082  }
0x22: {  	[simem:s7], [sflag:s8] =	dma.local @!p0 [hbm:s6], $0xF7A  }
0x23: {  	s9 =	sor.u32 $0xD0000000, s2;
	s6 =	simm.s32 $0x108;
	_ =	swait.ge @!p0 [sflag:s8], $0x0  }
0x24: {  	s3 =	sadd.s32 $0x88, s3;
	s6 =	simm.s32 @!p1 $0x1082;
	[sflag:s4] =	ssyncset.s32 $0xFFFFF086  }
0x25: {  	[simem:s6], [sflag:s4] =	dma.local [hbm:s3], $0xF7A  }
0x26: {  	[smem:$0x3F96] =	sst s1;
	(tag) =	ssettag s2;
	_ =	strace s9  }
0x27: {  	s1 =	sld [smem:$0x3FA6]  }
0x28: {  	s2 =	sld [smem:$0x3FA7]  }
0x29: {  	s4 =	sld [smem:$0x3FA9]  }
0x2a: {  	p0 =	seq.s32 s5, $0x0;
	s5 =	sld [smem:$0x3FAA]  }
0x2b: {  	s6 =	sld [smem:$0x3FAB]  }
0x2c: {  	s7 =	sld [smem:$0x3FAC]  }
0x2d: {  	s3 =	simm.s32 $0x108;
	s8 =	sld [smem:$0x3FAD]  }
0x2e: {  	s3 =	simm.s32 @!p0 $0x1082;
	s9 =	sld [smem:$0x3FAE]  }
0x2f: {  	lr =	sadd.s32 s0, s3;
	s0 =	sld [smem:$0x3FA5]  }
0x30: {  	s3 =	sld [smem:$0x3FA8]  }
0x31: {  	[smem:$0x3FB1] =	sst s10  }
0x32: {  	s10 =	sld [smem:$0x3FAF];
	_ =	sdelay $0x3  }
0x33: {  	p0 =	seq.s32 s10, $0x1;
	s10 =	sld [smem:$0x3FB1];
	_ =	sdelay $0x3  }
0x34: {  	[smem:$0x3FB1] =	sst s10  }
0x35: {  	s10 =	sld [smem:$0x3FB0];
	_ =	sdelay $0x3  }
0x36: {  	p1 =	seq.s32 s10, $0x1;
	s10 =	sld [smem:$0x3FB1];
	_ =	sdelay $0x3  }
0x37: {  	[smem:$0x3FB1] =	sst s10  }
0x38: {  	s10 =	sld [smem:$0x3FB2]  }
0x39: {  	_ = 	snop;
	(pc) =	sbr.ind lr, $3  }
0x3a: {  	_ = 	snop  }
0x3b: {  	_ = 	snop  }
0x3c: {  	p2 =	seq.s32 s10, $0x1;
	s10 =	sld [smem:$0x3FB1]  }
0x3d: {  	_ =	shalt  }
0x3e: {  	_ =	shalt  }
0x3f: {  	_ =	shalt  }
0x40: {  	_ =	shalt  }
0x41: {  	_ =	shalt  }
0x42: {  	_ =	shalt  }
0x43: {  	_ =	shalt  }
0x44: {  	_ =	shalt  }
0x45: {  	_ =	shalt  }
0x46: {  	_ =	shalt  }
0x47: {  	_ =	shalt  }
0x48: {  	_ =	shalt  }
0x49: {  	_ =	shalt  }
0x4a: {  	_ =	shalt  }
0x4b: {  	_ =	shalt  }
0x4c: {  	_ =	shalt  }
0x4d: {  	_ =	shalt  }
0x4e: {  	_ =	shalt  }
0x4f: {  	_ =	shalt  }
0x50: {  	_ =	shalt  }
0x51: {  	_ =	shalt  }
0x52: {  	_ =	shalt  }
0x53: {  	_ =	shalt  }
0x54: {  	_ =	shalt  }
0x55: {  	_ =	shalt  }
0x56: {  	_ =	shalt  }
0x57: {  	_ =	shalt  }
0x58: {  	_ =	shalt  }
0x59: {  	_ =	shalt  }
0x5a: {  	_ =	shalt  }
0x5b: {  	_ =	shalt  }
0x5c: {  	_ =	shalt  }
0x5d: {  	_ =	shalt  }
0x5e: {  	_ =	shalt  }
0x5f: {  	_ =	shalt  }
0x60: {  	_ =	shalt  }
0x61: {  	_ =	shalt  }
0x62: {  	_ =	shalt  }
0x63: {  	_ =	shalt  }
0x64: {  	_ =	shalt  }
0x65: {  	_ =	shalt  }
0x66: {  	_ =	shalt  }
0x67: {  	_ =	shalt  }
0x68: {  	_ =	shalt  }
0x69: {  	_ =	shalt  }
0x6a: {  	_ =	shalt  }
0x6b: {  	_ =	shalt  }
0x6c: {  	_ =	shalt  }
0x6d: {  	_ =	shalt  }
0x6e: {  	_ =	shalt  }
0x6f: {  	_ =	shalt  }
0x70: {  	_ =	shalt  }
0x71: {  	_ =	shalt  }
0x72: {  	_ =	shalt  }
0x73: {  	_ =	shalt  }
0x74: {  	_ =	shalt  }
0x75: {  	_ =	shalt  }
0x76: {  	_ =	shalt  }
0x77: {  	_ =	shalt  }
0x78: {  	_ =	shalt  }
0x79: {  	_ =	shalt  }
0x7a: {  	_ =	shalt  }
0x7b: {  	_ =	shalt  }
0x7c: {  	_ =	shalt  }
0x7d: {  	_ =	shalt  }
0x7e: {  	_ =	shalt  }
0x7f: {  	_ =	shalt  }
0x80: {  	_ =	shalt  }
0x81: {  	_ =	shalt  }
0x82: {  	_ =	shalt  }
0x83: {  	_ =	shalt  }
0x84: {  	_ =	shalt  }
0x85: {  	_ =	shalt  }
0x86: {  	_ =	shalt  }
0x87: {  	_ =	shalt  }
.Lfunc_end0:
.L_simem_size_0:
called_computation_lowered:
.L_overlay_start_0:
0x88: {  	s2 =	sld [smem:$0x3FD9]  }
0x89: {  	s3 =	sld [smem:$0x3FFE];
	_ =	sdelay $0x1  }
0x8a: {  	s1 =	srdreg.scid  }
0x8b: {  	s0 =	sand.u32 $0x1, s1  }
0x8c: {  	s17 =	sshll.u32 s0, $0xA;
	s2 =	sadd.s32 s3, s2  }
0x8d: {  	s2 =	sadd.s32 s2, s17  }
0x8e: {  	[smem:$0x3FBD] =	sst s2  }
0x8f: {  	_ = 	snop  }
0x90: {  	s2 =	sld [smem:$0x3FD0];
	(tm) =	ssettm $0x1  }
0x91: {  	s18 =	sld [smem:$0x3FFB];
	_ =	sdelay $0x3  }
0x92: {  	_ =	strace s18  }
0x93: {  	s3 =	sld [smem:$0x3FFC];
	_ =	sdelay $0x3  }
0x94: {  	_ =	strace s3  }
0x95: {  	s3 =	sld [smem:$0x3FFD];
	_ =	sdelay $0x3  }
0x96: {  	_ =	strace s3  }
0x97: {  	_ =	strace $0x8FFFFFFF  }
0x98: {  	s19 =	sld [smem:$0x3FDB];
	_ =	sdelay $0x1  }
0x99: {  	s4 =	simm.s32 $_scs_section_size  }
0x9a: {  	s5 =	simm.s32 $_size__tile_overlayer_lowered;
	s6 =	simm.s32 $_tile_overlayer_lowered  }
0x9b: {  	s22 =	simm.s32 $0x1BFF;
	s21 =	sshll.u32 s6, $0x1;
	s3 =	sadd.s32 s4, s19  }
0x9c: {  	s7 =	simm.s32 $0x0;
	s20 =	sshll.u32 s5, $0x1;
	s5 =	sadd.s32 s21, s3  }
0x9d: {  	[timem:s7], [sflag:s22] =	dma.local [hbm:s5], s20  }
0x9e: {  	_ =	swait.ge [sflag:s22], s20  }
0x9f: {  	s4 =	ssub.s32 $0x0, s20;
	[sflag:s22] =	ssyncset.done $0x0  }
0xa0: {  	[sflag:s22] =	ssyncadd.s32 s4;
	_ =	sdelay $0x1  }
0xa1: {  	s23 =	simm.s32 $0x1B8B  }
0xa2: {  	_ =	swait.ge [sflag:s23], $0x1  }
0xa3: {  	[sflag:s23] =	ssyncset.done $0x0  }
0xa4: {  	s25 =	simm.s32 $0x1B8E;
	s24 =	sld [smem:$0x3FFE];
	[sflag:s23] =	ssyncadd.s32 $0xFFFFFFFF  }
0xa5: {  	s26 =	simm.s32 $execute0_lowered;
	[smem:$0x3FD2] =	sst s25  }
0xa6: {  	s5 =	sshll.u32 s26, $0x1;
	_ =	strace $0x80000046;
	[dreg:$0x1] =	wrdreg $0xFFFFFFFF  }
0xa7: {  	s28 =	simm.s32 $_size_execute0_lowered;
	s3 =	sadd.s32 s3, s5;
	[dreg:$0x0] =	wrdreg $0x0  }
0xa8: {  	s5 =	sshll.u32 s28, $0x1;
	[dreg:$0x2] =	wrdreg s3  }
0xa9: {  	[dreg:$0x3] =	wrdreg s5  }
0xaa: {  	[dreg:$0x4] =	wrdreg $0xC0  }
0xab: {  	_ =	task [dreg:s7], $0x5FFFF  }
0xac: {  	[dreg:$0x1] =	wrdreg $0xFFFFFFFF  }
0xad: {  	[dreg:$0x0] =	wrdreg $0x60  }
0xae: {  	[dreg:$0x2] =	wrdreg s2  }
0xaf: {  	[dreg:$0x3] =	wrdreg s24  }
0xb0: {  	[dreg:$0x4] =	wrdreg $0x9  }
0xb1: {  	_ =	task.clear_ibuf [dreg:s7], $0x5FFFF;
	_ =	strace $0x90000046  }
0xb2: {  	s29 =	simm.s32 $0x9;
	_ =	strace $0x80000048  }
0xb3: {  	_ =	swait.ge [sflag:s29], $0x1  }
0xb4: {  	[sflag:s29] =	ssyncadd.s32 $0xFFFFFFFF  }
0xb5: {  	_ =	strace $0x90000048  }
0xb6: {  	_ =	sfence  }
0xb7: {  	s30 =	sld [smem:$0x0];
	_ =	sdelay $0x2  }
0xb8: {  	s31 =	sshll.u32 s1, $0xD;
	s1 =	sshrl.u32 s1, $0x2  }
0xb9: {  	s3 =	sand.u32 $0x4000, s31;
	s1 =	sadd.s32 s1, s30  }
0xba: {  	s0 =	sor.u32 s3, s0;
	s1 =	sshll.u32 s1, $0x11  }
0xbb: {  	s0 =	sor.u32 s1, s0  }
0xbc: {  	s0 =	sadd.s32 $0x8F2B, s0  }
0xbd: {  	[sflag:s0] =	ssyncadd.remote.s32 $0x1  }
0xbe: {  	_ =	sfence.sel $0xFFFF  }
0xbf: {  	[dreg:$0x0] =	wrdreg $0xFFFFFFFF;
	(pc) =	sbr.abs _section_cstart, $3  }
0xc0: {  	[dreg:$0x1] =	wrdreg $0xFFFFFFFF  }
0xc1: {  	_ =	task.clear_ibuf [dreg:s7], $0x2FFFF;
	_ =	strace $0x9FFFFFFF  }
0xc2: {  	(tm) =	ssettm $0x7FFFFFFF  }
0xc3: {  	_ =	shalt  }
tec
execute0_lowered:
.L_overlay_start_1:
0x0: {  	(tag) =	ssettag $0x1  }
0x1: {  	s2 =	rddreg [dreg:$0x0]  }
0x2: {  	s0 =	rddreg [dreg:$0x1];
	s4 =	srdreg.scid  }
0x3: {  	s1 =	stileid.u32;
	s3 =	simm.s32 $0x0;
	s11 =	simm.s32 $0x1080  }
0x4: {  	s12 =	simm.s32 $0x0;
	s5 =	sand.u32 $0x1, s4;
	s30 =	sshll.u32 s1, $0x1  }
0x5: {  	[smem:$0x7FF] =	sst s3;
	s8 =	sshll.u32 s1, $0x4;
	s10 =	sor.u32 s5, s30  }
0x6: {  	_ =	strace $0x80000047;
	s31 =	ssub.s32 $0x2, s5;
	s9 =	sshll.u32 s5, $0x3  }
.Ltmp0:
0x7: {  	s4 =	sshll.u32 s10, $0x4;
	s7 =	sshrl.u32 s31, $0x1;
	(pc) =	sbr.rel .LBB2_1-.Ltmp0, $4  }
0x8: {  	v0 =	vimm.s32 $0x0;
	vm0 =	vmmov $0x1;
	vm1 =	vcmask $0x704;
	s5 =	sshll.u32 s10, $0x7;
	s8 =	sor.u32 s9, s8;
	s9 =	simm.s32 $0x1  }
0x9: {  	vm2 =	vcmask $0xB08;
	vm3 =	vcmask $0xF0C;
	vm4 =	vcmask $0x1310;
	p0 =	seq.s32 s10, $0x0;
	p1 =	sne.s32 s10, $0x0;
	s10 =	simm.s32 $0x1000  }
0xa: {  	vm5 =	vcmask $0x1714;
	vm6 =	vcmask $0x1B18;
	v1 =	vlaneseq.u32;
	s6 =	sadd.s32 s4, s0;
	s4 =	sadd.s32 $0x2600, s0;
	s0 =	ssub.s32 s31, s7  }
0xb: {  	vm7 =	vcmask $0x1F1C;
	vm13 =	vcmask $0x171C;
	v1 =	vmul.u32 $0x100, v1;
	s8 =	smax.u32 s8, $0x1;
	s6 =	sadd.s32 $0x2800, s6;
	s7 =	smax.u32 s0, $0x1  }
.LBB2_13:
0xc: {  	s12 =	sadd.s32 $0x1, s12  }
0xd: {  	p2 =	sne.s32 s12, s7  }
.Ltmp1:
0xe: {  	_ = 	snop;
	(pc) =	sbr.rel @!p2 .LBB2_14-.Ltmp1, $1  }
0xf: {  	_ =	sdelay $0x3  }
.LBB2_1:
0x10: {  	[tilespmem:s3], [sflag:$0x1] =	stream.linear.gather [hbm4b:s2+s3], $0x1000, $0x38;
	[tilespmem:$0x1100] =	vst v63  }
0x11: {  	_ =	swait.ge [sflag:s9], $0x1000  }
0x12: {  	[sflag:s9] =	ssyncset.done $0x0  }
0x13: {  	s0 =	simm.s32 $0x0;
	[sflag:s9] =	ssyncadd.s32 $0xFFFFF000  }
0x14: {  	v3 =	vld [tilespmem:s0+$0x0];
	_ =	sdelay $0x4  }
0x15: {  	vm8 =	veq.s32 v3, $0x0  }
0x16: {  	vm9 =	veq.s32 v3, $0x1;
	v2 =	vsel vm8, $0x1, v0  }
0x17: {  	s31 =	simm.s32 $0x10;
	vm8 =	veq.s32 v3, $0x2;
	v4 =	vsel vm9, $0x1, v0;
	(xrf0) =	vadd.scan.msk.s32 $0xffff, v2  }
0x18: {  	vm9 =	veq.s32 v3, $0x3;
	v2 =	vld [tilespmem:s31+$0x0];
	v5 =	vsel vm8, $0x1, v0;
	(xrf0) =	vadd.scan.msk.s32 $0xffff, v4  }
0x19: {  	vm8 =	veq.s32 v3, $0x4;
	v4 =	vsel vm9, $0x1, v0;
	(xrf0) =	vadd.scan.msk.s32 $0xffff, v5  }
0x1a: {  	v5 =	vsel vm8, $0x1, v0;
	vm8 =	veq.s32 v3, $0x5;
	(xrf0) =	vadd.scan.msk.s32 $0xffff, v4  }
0x1b: {  	v4 =	vsel vm8, $0x1, v0;
	vm8 =	veq.s32 v3, $0x6;
	(xrf0) =	vadd.scan.msk.s32 $0xffff, v5  }
0x1c: {  	vm9 =	veq.s32 v3, $0x7;
	v3 =	vimm.s32 $0x0;
	v6 =	vsel vm8, $0x1, v0;
	(xrf0) =	vadd.scan.msk.s32 $0xffff, v4  }
0x1d: {  	s0 =	simm.s32 $0x80;
	vm14 =	veq.s32 v2, $0x3;
	vm8 =	veq.s32 v2, $0x4;
	v4 =	vsel vm9, $0x1, v0;
	v5, _, _ =	vpop (xrf0);
	(xrf0) =	vadd.scan.msk.s32 $0xffff, v6  }
.LBB2_2:
0x1e: {  	p2 =	sne.s32 s0, $0x3FC0;
	vm10 =	veq.s32 v2, $0x1;
	vm9 =	veq.s32 v2, $0x2;
	v5 =	vbroadcast v5, $0xF;
	v6, _, _ =	vpop (xrf0);
	(xrf0) =	vadd.scan.msk.s32 $0xffff, v4  }
0x1f: {  	vm11 =	veq.s32 v2, $0x0;
	v4 =	vsel vm10, $0x1, v0;
	v6 =	vbroadcast v6, $0xF;
	v7, _, _ =	vpop (xrf0)  }
0x20: {  	v8 =	vsel vm11, $0x1, v0;
	v5 =	vnsel vm0, $0x0, v5;
	v7 =	vbroadcast v7, $0xF;
	v9, _, _ =	vpop (xrf0)  }
0x21: {  	v3 =	vadd.s32 v3, v5;
	v5 =	vnsel vm1, $0x0, v6;
	v6 =	vbroadcast v9, $0xF;
	v9, _, _ =	vpop (xrf0)  }
0x22: {  	v3 =	vadd.s32 v5, v3;
	v5 =	vnsel vm2, $0x0, v7;
	v7 =	vbroadcast v9, $0xF;
	v9, _, _ =	vpop (xrf0)  }
0x23: {  	v3 =	vadd.s32 v5, v3;
	v5 =	vnsel vm3, $0x0, v6;
	v6 =	vbroadcast v9, $0xF;
	v9, _, _ =	vpop (xrf0)  }
0x24: {  	v3 =	vadd.s32 v5, v3;
	v5 =	vnsel vm4, $0x0, v7;
	v7 =	vbroadcast v9, $0xF;
	v9, _, _ =	vpop (xrf0)  }
0x25: {  	s13 =	sshra.s32 s0, $0x2;
	(xrf0) =	vadd.scan.msk.s32 $0xffff, v8;
	v3 =	vadd.s32 v5, v3;
	v5 =	vnsel vm5, $0x0, v6;
	v6 =	vbroadcast v9, $0xF;
	v8 =	vmovc v2  }
0x26: {  	v9 =	vsel vm9, $0x1, v0;
	v2 =	vld [tilespmem:s13+$0x0];
	(xrf0) =	vadd.scan.msk.s32 $0xffff, v4;
	v3 =	vadd.s32 v5, v3;
	v4 =	vnsel vm6, $0x0, v7  }
.Ltmp2:
0x27: {  	v5 =	vsel vm14, $0x1, v0;
	(xrf0) =	vadd.scan.msk.s32 $0xffff, v9;
	v3 =	vadd.s32 v4, v3;
	v4 =	vnsel vm7, $0x0, v6;
	(pc) =	sbr.rel @p2 .LBB2_2-.Ltmp2, $4  }
0x28: {  	v6 =	vsel vm8, $0x1, v0;
	vm8 =	veq.s32 v8, $0x5;
	(xrf0) =	vadd.scan.msk.s32 $0xffff, v5;
	v3 =	vadd.s32 v4, v3  }
0x29: {  	v4 =	vsel vm8, $0x1, v0;
	vm8 =	veq.s32 v8, $0x6;
	(xrf0) =	vadd.scan.msk.s32 $0xffff, v6  }
0x2a: {  	vm9 =	veq.s32 v8, $0x7;
	v6 =	vsel vm8, $0x1, v0;
	(xrf0) =	vadd.scan.msk.s32 $0xffff, v4  }
0x2b: {  	s0 =	sadd.s32 $0x40, s0;
	v4 =	vsel vm9, $0x1, v0;
	vm14 =	veq.s32 v2, $0x3;
	vm8 =	veq.s32 v2, $0x4;
	v5, _, _ =	vpop (xrf0);
	(xrf0) =	vadd.scan.msk.s32 $0xffff, v6  }
0x2c: {  	vm9 =	veq.s32 v2, $0x1;
	v5 =	vbroadcast v5, $0xF;
	v6, _, _ =	vpop (xrf0)  }
0x2d: {  	vm10 =	veq.s32 v2, $0x2;
	vm11 =	veq.s32 v2, $0x0;
	v6 =	vbroadcast v6, $0xF;
	v8, _, _ =	vpop (xrf0)  }
0x2e: {  	v7 =	vsel vm9, $0x1, v0;
	v5 =	vnsel vm0, $0x0, v5;
	v8 =	vbroadcast v8, $0xF;
	v10, _, _ =	vpop (xrf0)  }
0x2f: {  	(xrf0) =	vadd.scan.msk.s32 $0xffff, v4;
	v3 =	vadd.s32 v3, v5;
	v4 =	vnsel vm1, $0x0, v6;
	v5 =	vbroadcast v10, $0xF  }
0x30: {  	v9 =	vsel vm11, $0x1, v0;
	v3 =	vadd.s32 v4, v3;
	v4 =	vnsel vm2, $0x0, v8  }
0x31: {  	v49, _, _ =	vpop (xrf0);
	(xrf0) =	vadd.scan.msk.s32 $0xffff, v9;
	v3 =	vadd.s32 v4, v3;
	v4 =	vnsel vm3, $0x0, v5;
	v5 =	vsel vm10, $0x1, v0  }
0x32: {  	v6 =	vbroadcast v49, $0xF;
	v50, _, _ =	vpop (xrf0);
	(xrf0) =	vadd.scan.msk.s32 $0xffff, v7  }
0x33: {  	v52 =	vsel vm8, $0x1, v0;
	v3 =	vadd.s32 v4, v3;
	v4 =	vsel vm14, $0x1, v0;
	(xrf0) =	vadd.scan.msk.s32 $0xffff, v5  }
0x34: {  	vm8 =	veq.s32 v2, $0x5;
	v51 =	vbroadcast v50, $0xF;
	v6 =	vnsel vm4, $0x0, v6;
	v5, _, _ =	vpop (xrf0);
	(xrf0) =	vadd.scan.msk.s32 $0xffff, v4  }
0x35: {  	v4 =	vbroadcast v5, $0xF;
	v5 =	vsel vm8, $0x1, v0;
	vm8 =	veq.s32 v2, $0x6;
	(xrf0) =	vadd.scan.msk.s32 $0xffff, v52  }
0x36: {  	v3 =	vadd.s32 v6, v3;
	v53, _, _ =	vpop (xrf0);
	v54 =	vsel vm8, $0x1, v0;
	vm8 =	veq.s32 v2, $0x7;
	(xrf0) =	vadd.scan.msk.s32 $0xffff, v5  }
0x37: {  	v2 =	vnsel vm5, $0x0, v51;
	v5 =	vbroadcast v53, $0xF;
	v56, _, _ =	vpop (xrf0);
	v55 =	vsel vm8, $0x1, v0;
	(xrf0) =	vadd.scan.msk.s32 $0xffff, v54  }
0x38: {  	v2 =	vadd.s32 v2, v3;
	v3 =	vnsel vm6, $0x0, v4;
	v4 =	vbroadcast v56, $0xF;
	v57, _, _ =	vpop (xrf0);
	(xrf0) =	vadd.scan.msk.s32 $0xffff, v55  }
0x39: {  	v2 =	vadd.s32 v3, v2;
	v3 =	vnsel vm7, $0x0, v5;
	v5 =	vbroadcast v57, $0xF;
	v58, _, _ =	vpop (xrf0)  }
0x3a: {  	v2 =	vadd.s32 v3, v2;
	v3 =	vnsel vm0, $0x0, v4;
	v4 =	vbroadcast v58, $0xF;
	v59, _, _ =	vpop (xrf0)  }
0x3b: {  	v2 =	vadd.s32 v2, v3;
	v3 =	vnsel vm1, $0x0, v5;
	v5 =	vbroadcast v59, $0xF;
	v60, _, _ =	vpop (xrf0)  }
0x3c: {  	v2 =	vadd.s32 v3, v2;
	v3 =	vnsel vm2, $0x0, v4;
	v4 =	vbroadcast v60, $0xF;
	v61, _, _ =	vpop (xrf0)  }
0x3d: {  	v2 =	vadd.s32 v3, v2;
	v3 =	vnsel vm3, $0x0, v5;
	v5 =	vbroadcast v61, $0xF;
	v62, _, _ =	vpop (xrf0)  }
.Ltmp3:
0x3e: {  	v2 =	vadd.s32 v3, v2;
	v3 =	vnsel vm4, $0x0, v4;
	v4 =	vbroadcast v62, $0xF;
	v63, _, _ =	vpop (xrf0);
	(pc) =	sbr.rel @p0 .LBB2_11-.Ltmp3, $4  }
0x3f: {  	v2 =	vadd.s32 v3, v2;
	v3 =	vnsel vm5, $0x0, v5;
	v5 =	vbroadcast v63, $0xF  }
0x40: {  	v2 =	vadd.s32 v3, v2;
	v3 =	vnsel vm6, $0x0, v4  }
0x41: {  	v2 =	vadd.s32 v3, v2;
	v3 =	vnsel vm7, $0x0, v5  }
0x42: {  	s0 =	simm.s32 $0x0;
	v2 =	vadd.s32 v3, v2;
	v3 =	vimm.s32 $0x0  }
0x43: {  	v5 =	vld [tilespmem:s0+$0x0]  }
0x44: {  	p3 =	sne.s32 s8, $0x1  }
.Ltmp4:
0x45: {  	_ = 	snop;
	(pc) =	sbr.rel @!p3 .LBB2_5-.Ltmp4, $3  }
0x46: {  	_ =	sdelay $0x1  }
0x47: {  	vm14 =	veq.s32 v5, $0x3  }
0x48: {  	s0 =	sadd.s32 $0xFFFFFFFF, s8;
	p2 =	por $0x0, $0x0;
	vm15 =	veq.s32 v5, $0x4;
	vm9 =	veq.s32 v5, $0x1;
	vm8 =	veq.s32 v5, $0x2  }
0x49: {  	vm10 =	veq.s32 v5, $0x0  }
0x4a: {  	s13 =	simm.s32 $0x10;
	v4 =	vsel vm10, $0x1, v0  }
0x4b: {  	v6 =	vsel vm9, $0x1, v0;
	(xrf0) =	vadd.scan.msk.s32 $0xffff, v4;
	v4 =	vld [tilespmem:s13+$0x0]  }
0x4c: {  	v7 =	vsel vm8, $0x1, v0;
	(xrf0) =	vadd.scan.msk.s32 $0xffff, v6  }
0x4d: {  	vm8 =	veq.s32 v5, $0x5;
	p3 =	sne.s32 s0, $0x1;
	v6 =	vsel vm14, $0x1, v0;
	(xrf0) =	vadd.scan.msk.s32 $0xffff, v7  }
.Ltmp5:
0x4e: {  	v7 =	vsel vm15, $0x1, v0;
	(xrf0) =	vadd.scan.msk.s32 $0xffff, v6;
	v6 =	vsel vm8, $0x1, v0;
	(pc) =	sbr.rel @!p3 .LBB2_7-.Ltmp5, $4  }
0x4f: {  	vm8 =	veq.s32 v5, $0x6;
	(xrf0) =	vadd.scan.msk.s32 $0xffff, v7  }
0x50: {  	v7 =	vsel vm8, $0x1, v0;
	vm8 =	veq.s32 v5, $0x7;
	(xrf0) =	vadd.scan.msk.s32 $0xffff, v6;
	vm14 =	veq.s32 v4, $0x3  }
0x51: {  	vm15 =	veq.s32 v4, $0x4;
	v5 =	vsel vm8, $0x1, v0;
	vm9 =	veq.s32 v4, $0x1;
	v6, _, _ =	vpop (xrf0);
	(xrf0) =	vadd.scan.msk.s32 $0xffff, v7  }
0x52: {  	s0 =	sadd.s32 $0xFFFFFFFF, s0;
	p2 =	por $0x1, $0x1;
	vm8 =	veq.s32 v4, $0x2;
	v7 =	vbroadcast v6, $0xF;
	v8, _, _ =	vpop (xrf0);
	(xrf0) =	vadd.scan.msk.s32 $0xffff, v5;
	v6 =	vimm.s32 $0x0  }
.LBB2_8:
0x53: {  	p3 =	sne.s32 s0, $0x1;
	vm10 =	veq.s32 v4, $0x0;
	v5 =	vsel vm9, $0x1, v0;
	v8 =	vbroadcast v8, $0xF;
	v9, _, _ =	vpop (xrf0)  }
0x54: {  	v10 =	vsel vm10, $0x1, v0;
	v7 =	vnsel vm0, $0x0, v7;
	v9 =	vbroadcast v9, $0xF;
	v11, _, _ =	vpop (xrf0)  }
0x55: {  	v6 =	vadd.s32 v6, v7;
	v7 =	vnsel vm1, $0x0, v8;
	v8 =	vbroadcast v11, $0xF;
	v11, _, _ =	vpop (xrf0)  }
0x56: {  	v6 =	vadd.s32 v7, v6;
	v7 =	vnsel vm2, $0x0, v9;
	v9 =	vbroadcast v11, $0xF;
	v11, _, _ =	vpop (xrf0)  }
0x57: {  	v6 =	vadd.s32 v7, v6;
	v7 =	vnsel vm3, $0x0, v8;
	v8 =	vbroadcast v11, $0xF;
	v11, _, _ =	vpop (xrf0)  }
0x58: {  	v6 =	vadd.s32 v7, v6;
	v7 =	vnsel vm4, $0x0, v9;
	v9 =	vbroadcast v11, $0xF;
	v11, _, _ =	vpop (xrf0)  }
0x59: {  	s13 =	sadd.s32 $0x10, s13;
	(xrf0) =	vadd.scan.msk.s32 $0xffff, v10;
	v6 =	vadd.s32 v7, v6;
	v7 =	vnsel vm5, $0x0, v8;
	v8 =	vbroadcast v11, $0xF;
	v10 =	vmovc v4  }
0x5a: {  	v11 =	vsel vm8, $0x1, v0;
	v4 =	vld [tilespmem:s13+$0x0];
	(xrf0) =	vadd.scan.msk.s32 $0xffff, v5;
	v5 =	vadd.s32 v7, v6;
	v6 =	vnsel vm6, $0x0, v9  }
0x5b: {  	v7 =	vsel vm14, $0x1, v0;
	(xrf0) =	vadd.scan.msk.s32 $0xffff, v11;
	v5 =	vadd.s32 v6, v5;
	v6 =	vnsel vm7, $0x0, v8  }
.Ltmp6:
0x5c: {  	vm8 =	veq.s32 v10, $0x5;
	v8 =	vsel vm15, $0x1, v0;
	(xrf0) =	vadd.scan.msk.s32 $0xffff, v7;
	v6 =	vadd.s32 v6, v5;
	(pc) =	sbr.rel @p3 .LBB2_8-.Ltmp6, $4  }
0x5d: {  	v5 =	vsel vm8, $0x1, v0;
	vm8 =	veq.s32 v10, $0x6;
	(xrf0) =	vadd.scan.msk.s32 $0xffff, v8  }
0x5e: {  	v7 =	vsel vm8, $0x1, v0;
	vm8 =	veq.s32 v10, $0x7;
	(xrf0) =	vadd.scan.msk.s32 $0xffff, v5  }
0x5f: {  	v5 =	vsel vm8, $0x1, v0;
	vm14 =	veq.s32 v4, $0x3;
	vm15 =	veq.s32 v4, $0x4;
	v8, _, _ =	vpop (xrf0);
	(xrf0) =	vadd.scan.msk.s32 $0xffff, v7  }
0x60: {  	s0 =	sadd.s32 $0xFFFFFFFF, s0;
	vm9 =	veq.s32 v4, $0x1;
	vm8 =	veq.s32 v4, $0x2;
	v7 =	vbroadcast v8, $0xF;
	v8, _, _ =	vpop (xrf0);
	(xrf0) =	vadd.scan.msk.s32 $0xffff, v5  }
0x61: {  	v5 =	vmov v4  }
.LBB2_10:
0x62: {  	vm10 =	veq.s32 v5, $0x0;
	v4 =	vbroadcast @p2 v8, $0xF;
	v8, _, _ =	vpop @p2 (xrf0)  }
0x63: {  	v9 =	vsel vm9, $0x1, v0;
	v7 =	vnsel @p2 vm0, $0x0, v7;
	v8 =	vbroadcast @p2 v8, $0xF;
	v10, _, _ =	vpop @p2 (xrf0)  }
0x64: {  	v6 =	vadd.s32 @p2 v6, v7;
	v45 =	vsel vm10, $0x1, v0;
	v4 =	vnsel @p2 vm1, $0x0, v4;
	v11, _, _ =	vpop @p2 (xrf0)  }
0x65: {  	v4 =	vadd.s32 @p2 v4, v6;
	v6 =	vnsel @p2 vm2, $0x0, v8;
	v8 =	vbroadcast @p2 v11, $0xF  }
0x66: {  	v46 =	vsel vm8, $0x1, v0;
	v47 =	vsel vm14, $0x1, v0;
	v7 =	vbroadcast @p2 v10, $0xF;
	(xrf0) =	vadd.scan.msk.s32 $0xffff, v45  }
0x67: {  	v48 =	vsel vm15, $0x1, v0;
	vm8 =	veq.s32 v5, $0x5;
	v11, _, _ =	vpop @p2 (xrf0);
	(xrf0) =	vadd.scan.msk.s32 $0xffff, v9;
	v8 =	vnsel @p2 vm4, $0x0, v8  }
0x68: {  	v49 =	vsel vm8, $0x1, v0;
	v4 =	vadd.s32 @p2 v6, v4;
	v6 =	vnsel @p2 vm3, $0x0, v7;
	(xrf0) =	vadd.scan.msk.s32 $0xffff, v46  }
0x69: {  	vm8 =	veq.s32 v5, $0x6;
	v7 =	vbroadcast @p2 v11, $0xF;
	v10, _, _ =	vpop @p2 (xrf0);
	v4 =	vadd.s32 @p2 v6, v4;
	(xrf0) =	vadd.scan.msk.s32 $0xffff, v47  }
0x6a: {  	v50 =	vsel vm8, $0x1, v0;
	v9 =	vbroadcast @p2 v10, $0xF;
	v4 =	vadd.s32 @p2 v8, v4;
	v8, _, _ =	vpop @p2 (xrf0);
	(xrf0) =	vadd.scan.msk.s32 $0xffff, v48  }
0x6b: {  	vm8 =	veq.s32 v5, $0x7;
	v7 =	vnsel @p2 vm5, $0x0, v7;
	v6 =	vbroadcast @p2 v8, $0xF;
	(xrf0) =	vadd.scan.msk.s32 $0xffff, v49  }
0x6c: {  	v51 =	vsel vm8, $0x1, v0;
	v4 =	vadd.s32 @p2 v7, v4;
	v5 =	vnsel @p2 vm6, $0x0, v9;
	v52, _, _ =	vpop (xrf0);
	(xrf0) =	vadd.scan.msk.s32 $0xffff, v50  }
0x6d: {  	v4 =	vadd.s32 @p2 v5, v4;
	v53 =	vbroadcast v52, $0xF;
	v54, _, _ =	vpop (xrf0);
	v5 =	vnsel @p2 vm7, $0x0, v6;
	(xrf0) =	vadd.scan.msk.s32 $0xffff, v51  }
0x6e: {  	v55, _, _ =	vpop (xrf0);
	v4 =	vadd.s32 @p2 v5, v4;
	v5 =	vbroadcast v54, $0xF  }
0x6f: {  	v56 =	vbroadcast v55, $0xF;
	v57, _, _ =	vpop (xrf0);
	v3 =	vpsel p2, v4, v3;
	v4 =	vnsel vm0, $0x0, v53  }
0x70: {  	v3 =	vadd.s32 v3, v4;
	v4 =	vnsel vm1, $0x0, v5;
	v5 =	vbroadcast v57, $0xF;
	v58, _, _ =	vpop (xrf0)  }
0x71: {  	v3 =	vadd.s32 v4, v3;
	v4 =	vnsel vm2, $0x0, v56;
	v59 =	vbroadcast v58, $0xF;
	v60, _, _ =	vpop (xrf0)  }
0x72: {  	v3 =	vadd.s32 v4, v3;
	v4 =	vnsel vm3, $0x0, v5;
	v5 =	vbroadcast v60, $0xF;
	v61, _, _ =	vpop (xrf0)  }
0x73: {  	v3 =	vadd.s32 v4, v3;
	v4 =	vnsel vm4, $0x0, v59;
	v62 =	vbroadcast v61, $0xF;
	v63, _, _ =	vpop (xrf0)  }
0x74: {  	v3 =	vadd.s32 v4, v3;
	v4 =	vnsel vm5, $0x0, v5;
	v5 =	vbroadcast v63, $0xF  }
0x75: {  	v3 =	vadd.s32 v4, v3;
	v4 =	vnsel vm6, $0x0, v62  }
0x76: {  	v3 =	vadd.s32 v4, v3;
	v4 =	vnsel vm7, $0x0, v5  }
0x77: {  	v3 =	vadd.s32 v4, v3  }
.LBB2_11:
0x78: {  	v4 =	vnsel vm0, $0x0, v2  }
0x79: {  	(xrf0) =	vadd.scan.msk.s32 $0xffff, v4;
	_ =	sdelay $0x2  }
0x7a: {  	v8 =	vnsel vm0, $0x0, v3  }
0x7b: {  	vm8 =	vcmask $0x308;
	(xrf0) =	vadd.scan.msk.s32 $0xffff, v8  }
0x7c: {  	v9 =	vsel vm8, $0x0, v2  }
0x7d: {  	v5, _, _ =	vpop (xrf0);
	(xrf0) =	vadd.scan.msk.s32 $0xffff, v9  }
0x7e: {  	v10 =	vsel vm8, $0x0, v3;
	vm8 =	vcmask $0x70C;
	(v2sf) =	vpush v5, $0xF  }
0x7f: {  	v12 =	vsel vm8, $0x0, v2;
	(xrf0) =	vadd.scan.msk.s32 $0xffff, v10  }
0x80: {  	(xrf0) =	vadd.scan.msk.s32 $0xffff, v12  }
0x81: {  	v11, _, _ =	vpop (xrf0)  }
0x82: {  	(v2sf) =	vpush v11, $0xF  }
0x83: {  	v13, _, _ =	vpop (xrf0)  }
0x84: {  	(v2sf) =	vpush v13, $0xF  }
0x85: {  	v14, _, _ =	vpop (xrf0)  }
0x86: {  	v6 =	vsel vm8, $0x0, v3;
	vm8 =	vcmask $0xB10;
	(v2sf) =	vpush v14, $0xF;
	v15, _, _ =	vpop (xrf0)  }
0x87: {  	v16 =	vsel vm8, $0x0, v2;
	(xrf0) =	vadd.scan.msk.s32 $0xffff, v6;
	(v2sf) =	vpush v15, $0xF  }
0x88: {  	(xrf0) =	vadd.scan.msk.s32 $0xffff, v16;
	_ =	sdelay $0x1  }
0x89: {  	v17 =	vsel vm8, $0x0, v3  }
0x8a: {  	(xrf0) =	vadd.scan.msk.s32 $0xffff, v17;
	_ =	sdelay $0x1  }
0x8b: {  	vm8 =	vcmask $0xF14;
	v19, _, _ =	vpop (xrf0);
	s0 =	spop (v2sf)  }
0x8c: {  	v18 =	vsel vm8, $0x0, v2;
	(v2sf) =	vpush v19, $0xF;
	v20, _, _ =	vpop (xrf0);
	s0 =	sadd.s32 $0xFF, s0  }
0x8d: {  	(xrf0) =	vadd.scan.msk.s32 $0xffff, v18;
	(v2sf) =	vpush v20, $0xF;
	s13 =	sand.u32 $0xFF, s0  }
0x8e: {  	v22 =	vsel vm8, $0x0, v3;
	s14 =	sshra.s32 s0, $0x1F;
	p2 =	slt.s32 s0, $0x1;
	p3 =	sne.s32 s13, $0x0  }
0x8f: {  	(xrf0) =	vadd.scan.msk.s32 $0xffff, v22;
	v21, _, _ =	vpop (xrf0);
	s21 =	spop (v2sf);
	s26 =	sshrl.u32 s14, $0x18;
	p2 =	por !p2, !p3  }
0x90: {  	vm8 =	vcmask $0x1318;
	(v2sf) =	vpush v21, $0xF;
	s13 =	simm.s32 $0x1;
	s0 =	sadd.s32 s26, s0;
	p2 =	por !p2, !p2  }
0x91: {  	v24 =	vsel vm8, $0x0, v2;
	s0 =	sshra.s32 s0, $0x8;
	s13 =	simm.s32 @!p2 $0x0;
	s28 =	spop (v2sf)  }
0x92: {  	(xrf0) =	vadd.scan.msk.s32 $0xffff, v24;
	s0 =	ssub.s32 s0, s13;
	s14 =	sadd.s32 $0xFF, s28  }
0x93: {  	v23, _, _ =	vpop (xrf0);
	s29 =	spop (v2sf);
	s13 =	sshll.u32 s0, $0x8;
	s15 =	sshra.s32 s14, $0x1F  }
0x94: {  	v25 =	vsel vm8, $0x0, v3;
	(v2sf) =	vpush v23, $0xF;
	s16 =	sand.u32 $0xFF, s14;
	p3 =	slt.s32 s14, $0x1;
	s17 =	spop (v2sf)  }
0x95: {  	v26 =	vsel vm13, $0x0, v2;
	(xrf0) =	vadd.scan.msk.s32 $0xffff, v25;
	v27, _, _ =	vpop (xrf0);
	s15 =	sshrl.u32 s15, $0x18;
	p4 =	sne.s32 s16, $0x0;
	s17 =	sadd.s32 $0xFF, s17  }
0x96: {  	(xrf0) =	vadd.scan.msk.s32 $0xffff, v26;
	(v2sf) =	vpush v27, $0xF;
	s22 =	sadd.s32 s13, s29;
	s14 =	sadd.s32 s15, s14;
	p2 =	por !p3, !p4  }
0x97: {  	s15 =	simm.s32 $0x1;
	s30 =	sand.u32 $0xFF, s17;
	s31 =	sshra.s32 s17, $0x1F  }
0x98: {  	v28, _, _ =	vpop (xrf0);
	p5 =	slt.s32 s17, $0x1;
	p2 =	por !p2, !p2;
	p6 =	sne.s32 s30, $0x0  }
0x99: {  	(v2sf) =	vpush v28, $0xF;
	s14 =	sshra.s32 s14, $0x8;
	s15 =	simm.s32 @!p2 $0x0;
	p2 =	por !p5, !p6  }
0x9a: {  	s16 =	sshrl.u32 s31, $0x18;
	s14 =	ssub.s32 s14, s15;
	p2 =	por !p2, !p2  }
0x9b: {  	v29, _, _ =	vpop (xrf0);
	s15 =	simm.s32 $0x1;
	s18 =	spop (v2sf);
	s0 =	sadd.s32 s0, s14  }
0x9c: {  	v30, _, _ =	vpop (xrf0);
	(v2sf) =	vpush v29, $0xF;
	s14 =	sadd.s32 s16, s17;
	s15 =	simm.s32 @!p2 $0x0;
	s19 =	spop (v2sf)  }
0x9d: {  	(v2sf) =	vpush v30, $0xF;
	s17 =	sshra.s32 s14, $0x8;
	s14 =	sshll.u32 s0, $0x8;
	s20 =	sadd.s32 $0xFF, s19  }
0x9e: {  	v31 =	vsel vm13, $0x0, v3;
	vm8 =	vcmask $0x1B20;
	s15 =	ssub.s32 s17, s15;
	s23 =	sadd.s32 s14, s18;
	s17 =	sshra.s32 s20, $0x1F  }
0x9f: {  	v3 =	vsel vm8, $0x0, v3;
	(xrf0) =	vadd.scan.msk.s32 $0xffff, v31;
	s18 =	sand.u32 $0xFF, s20;
	p3 =	slt.s32 s20, $0x1;
	s24 =	spop (v2sf)  }
0xa0: {  	v32 =	vld [tilespmem:s5+$0x0];
	(xrf0) =	vadd.scan.msk.s32 $0xffff, v3;
	s0 =	sadd.s32 s0, s15;
	s17 =	sshrl.u32 s17, $0x18;
	p4 =	sne.s32 s18, $0x0  }
0xa1: {  	s18 =	simm.s32 $0x1;
	s15 =	sshll.u32 s0, $0x8;
	p2 =	por !p3, !p4  }
0xa2: {  	s16 =	sadd.s32 s17, s20;
	s17 =	simm.s32 $0x1;
	p2 =	por !p2, !p2  }
0xa3: {  	s16 =	sshra.s32 s16, $0x8;
	s17 =	simm.s32 @!p2 $0x0;
	s19 =	spop (v2sf)  }
0xa4: {  	s24 =	sadd.s32 s15, s24;
	s16 =	ssub.s32 s16, s17;
	s19 =	sadd.s32 $0xFF, s19  }
0xa5: {  	vm9 =	veq.s32 v32, $0x0;
	v3, _, _ =	vpop (xrf0);
	s0 =	sadd.s32 s0, s16;
	s29 =	spop (v2sf);
	s25 =	sand.u32 $0xFF, s19  }
0xa6: {  	vm15 =	veq.s32 v32, $0x1;
	v33 =	vsel vm9, $0x1, v0;
	(v2sf) =	vpush v3, $0xF;
	v3, _, _ =	vpop (xrf0);
	s26 =	sshra.s32 s19, $0x1F;
	p5 =	slt.s32 s19, $0x1;
	p6 =	sne.s32 s25, $0x0  }
0xa7: {  	(xrf0) =	vadd.scan.msk.s32 $0xffff, v33;
	(v2sf) =	vpush v3, $0xF;
	v3 =	vsel vm15, $0x1, v0;
	s17 =	sshll.u32 s0, $0x8;
	s28 =	sshrl.u32 s26, $0x18;
	p2 =	por !p5, !p6  }
0xa8: {  	(xrf0) =	vadd.scan.msk.s32 $0xffff, v3;
	s30 =	spop (v2sf);
	s16 =	sadd.s32 s28, s19;
	p2 =	por !p2, !p2  }
0xa9: {  	s25 =	sadd.s32 s17, s29;
	s16 =	sshra.s32 s16, $0x8;
	s18 =	simm.s32 @!p2 $0x0  }
0xaa: {  	s28 =	simm.s32 $0x1;
	s16 =	ssub.s32 s16, s18;
	s18 =	sadd.s32 $0xFF, s30  }
0xab: {  	vm8 =	veq.s32 v32, $0x2;
	v34 =	vmov s22;
	v3 =	vadd.s32 $0xFFFFFFFF, v11;
	s19 =	spop (v2sf);
	s0 =	sadd.s32 s0, s16;
	s20 =	sand.u32 $0xFF, s18  }
0xac: {  	v7 =	vsel vm8, $0x1, v0;
	v4 =	vadd.s32 $0xFFFFFFFF, v34;
	v3 =	vbroadcast v3, $0xF;
	s26 =	sshra.s32 s18, $0x1F;
	p3 =	slt.s32 s18, $0x1;
	s29 =	spop (v2sf)  }
0xad: {  	vm14 =	veq.s32 v32, $0x3;
	vm10 =	veq.s32 v32, $0x6;
	v4 =	vbroadcast v4, $0x0;
	v6, _, _ =	vpop (xrf0);
	(xrf0) =	vadd.scan.msk.s32 $0xffff, v7;
	s16 =	sshll.u32 s0, $0x8;
	p4 =	sne.s32 s20, $0x0;
	s31 =	sshrl.u32 s26, $0x18  }
0xae: {  	vm11 =	veq.s32 v32, $0x7;
	v35 =	vsel vm14, $0x1, v0;
	v3 =	vadd.s32 v6, v3;
	v8, _, _ =	vpop (xrf0);
	s26 =	sadd.s32 $0xFF, s29;
	p2 =	por !p3, !p4;
	s18 =	sadd.s32 s31, s18  }
0xaf: {  	v42 =	vsel vm10, $0x1, v0;
	v3 =	vnsel vm9, $0x0, v3;
	(xrf0) =	vadd.scan.msk.s32 $0xffff, v35;
	v4 =	vadd.s32 v8, v4;
	s30 =	sand.u32 $0xFF, s26;
	s29 =	sshra.s32 s26, $0x1F;
	p5 =	slt.s32 s26, $0x1  }
0xb0: {  	v9 =	vmov s23;
	v3 =	vsel vm15, v4, v3;
	vm15 =	veq.s32 v32, $0x4;
	p2 =	por !p2, !p2;
	p6 =	sne.s32 s30, $0x0;
	s18 =	sshra.s32 s18, $0x8  }
0xb1: {  	v36 =	vadd.s32 $0xFFFFFFFF, v9;
	vm9 =	veq.s32 v32, $0x5;
	v39 =	vsel vm15, $0x1, v0;
	s31 =	sshrl.u32 s29, $0x18;
	s28 =	simm.s32 @!p2 $0x0;
	p2 =	por !p5, !p6  }
0xb2: {  	v37 =	vbroadcast v36, $0x0;
	v38 =	vmov s24;
	v40 =	vsel vm9, $0x1, v0;
	(xrf0) =	vadd.scan.msk.s32 $0xffff, v39;
	s29 =	simm.s32 $0x1;
	s20 =	sadd.s32 s31, s26;
	p2 =	por !p2, !p2  }
0xb3: {  	v44 =	vsel vm11, $0x1, v0;
	(v2sf) =	vpush v6, $0xF;
	v6 =	vadd.s32 $0xFFFFFFFF, v38;
	v41, _, _ =	vpop (xrf0);
	(xrf0) =	vadd.scan.msk.s32 $0xffff, v40;
	s18 =	ssub.s32 s18, s28;
	s20 =	sshra.s32 s20, $0x8;
	s29 =	simm.s32 @!p2 $0x0  }
0xb4: {  	v6 =	vbroadcast v6, $0x0;
	v46 =	vmov s25;
	v4 =	vadd.s32 v41, v37;
	(xrf0) =	vadd.scan.msk.s32 $0xffff, v42;
	s26 =	sadd.s32 s16, s19;
	s0 =	sadd.s32 s0, s18;
	s28 =	ssub.s32 s20, s29  }
0xb5: {  	(v2sf) =	vpush v8, $0xF;
	v47 =	vadd.s32 $0xFFFFFFFF, v46;
	v3 =	vsel vm8, v4, v3;
	v43, _, _ =	vpop (xrf0);
	(xrf0) =	vadd.scan.msk.s32 $0xffff, v44;
	s20 =	sshll.u32 s0, $0x8;
	s29 =	spop (v2sf);
	s18 =	sadd.s32 s0, s28  }
0xb6: {  	v4 =	vbroadcast v47, $0x0;
	v45 =	vadd.s32 v43, v6;
	v48 =	vmov s26;
	s28 =	sadd.s32 s20, s29;
	s30 =	spop (v2sf);
	s19 =	sshll.u32 s18, $0x8  }
0xb7: {  	v3 =	vsel vm14, v45, v3;
	v6 =	vadd.s32 $0xFFFFFFFF, v48;
	v49 =	vmov s28;
	s29 =	sadd.s32 s19, s30  }
0xb8: {  	v50, _, _ =	vpop (xrf0);
	v6 =	vbroadcast v6, $0x0;
	v7 =	vadd.s32 $0xFFFFFFFF, v49;
	v10 =	vmov s29  }
0xb9: {  	v4 =	vadd.s32 v50, v4;
	v11, _, _ =	vpop (xrf0);
	v7 =	vbroadcast v7, $0x0;
	v10 =	vadd.s32 $0xFFFFFFFF, v10  }
0xba: {  	v3 =	vsel vm15, v4, v3;
	v52, _, _ =	vpop (xrf0);
	v51 =	vadd.s32 v11, v6;
	v10 =	vbroadcast v10, $0x0  }
0xbb: {  	v54, _, _ =	vpop (xrf0);
	v3 =	vsel vm9, v51, v3;
	v53 =	vadd.s32 v52, v7  }
0xbc: {  	v3 =	vsel vm10, v53, v3;
	v55 =	vadd.s32 v54, v10  }
0xbd: {  	v3 =	vsel vm11, v55, v3  }
0xbe: {  	(v2sf) =	vpush v41, $0xF;
	[tilespmem:$0x1000] =	vst v3  }
0xbf: {  	(v2sf) =	vpush v43, $0xF;
	v3 =	vld [tilespmem:s5+$0x10]  }
0xc0: {  	(v2sf) =	vpush v50, $0xF  }
0xc1: {  	(v2sf) =	vpush v11, $0xF  }
0xc2: {  	(v2sf) =	vpush v52, $0xF;
	_ =	sdelay $0x1  }
0xc3: {  	s31 =	spop (v2sf);
	(v2sf) =	vpush v54, $0xF;
	vm10 =	veq.s32 v3, $0x0  }
0xc4: {  	vm11 =	veq.s32 v3, $0x1;
	v56 =	vsel vm10, $0x1, v0  }
0xc5: {  	v57 =	vsel vm11, $0x1, v0;
	(xrf0) =	vadd.scan.msk.s32 $0xffff, v56  }
0xc6: {  	(xrf0) =	vadd.scan.msk.s32 $0xffff, v57  }
0xc7: {  	s21 =	sadd.s32 s21, s31;
	s30 =	spop (v2sf)  }
0xc8: {  	v58 =	vmov s21;
	s22 =	sadd.s32 s22, s30  }
0xc9: {  	v4 =	vadd.s32 $0xFFFFFFFF, v58;
	v59 =	vmov s22;
	vm9 =	veq.s32 v3, $0x2  }
0xca: {  	v4 =	vbroadcast v4, $0x0;
	v5 =	vadd.s32 $0xFFFFFFFF, v59;
	v61 =	vsel vm9, $0x1, v0  }
0xcb: {  	v5 =	vbroadcast v5, $0x0;
	vm8 =	veq.s32 v3, $0x3;
	vm14 =	veq.s32 v3, $0x6;
	(xrf0) =	vadd.scan.msk.s32 $0xffff, v61;
	v60, _, _ =	vpop (xrf0)  }
0xcc: {  	s31 =	spop (v2sf);
	vm15 =	veq.s32 v3, $0x7;
	v62 =	vsel vm8, $0x1, v0;
	v4 =	vadd.s32 v60, v4;
	v63, _, _ =	vpop (xrf0)  }
0xcd: {  	s30 =	spop (v2sf);
	v19 =	vsel vm14, $0x1, v0;
	(xrf0) =	vadd.scan.msk.s32 $0xffff, v62;
	v4 =	vnsel vm10, $0x0, v4;
	v5 =	vadd.s32 v63, v5  }
0xce: {  	s23 =	sadd.s32 s23, s31;
	v21 =	vsel vm15, $0x1, v0;
	s31 =	spop (v2sf);
	v4 =	vsel vm11, v5, v4;
	vm11 =	veq.s32 v3, $0x4  }
0xcf: {  	v12 =	vmov s23;
	s24 =	sadd.s32 s24, s30;
	s30 =	spop (v2sf);
	vm10 =	veq.s32 v3, $0x5;
	v16 =	vsel vm11, $0x1, v0  }
0xd0: {  	v13 =	vadd.s32 $0xFFFFFFFF, v12;
	v15 =	vmov s24;
	s25 =	sadd.s32 s25, s31;
	s31 =	spop (v2sf);
	v17 =	vsel vm10, $0x1, v0;
	(xrf0) =	vadd.scan.msk.s32 $0xffff, v16  }
0xd1: {  	v14 =	vbroadcast v13, $0x0;
	v6 =	vadd.s32 $0xFFFFFFFF, v15;
	v23 =	vmov s25;
	s28 =	sadd.s32 s28, s31;
	v18, _, _ =	vpop (xrf0);
	(xrf0) =	vadd.scan.msk.s32 $0xffff, v17  }
0xd2: {  	s26 =	sadd.s32 s26, s30;
	v6 =	vbroadcast v6, $0x0;
	s30 =	spop (v2sf);
	v24 =	vadd.s32 $0xFFFFFFFF, v23;
	v26 =	vmov s28;
	(xrf0) =	vadd.scan.msk.s32 $0xffff, v19  }
0xd3: {  	v25 =	vmov s26;
	s29 =	sadd.s32 s29, s30;
	v7 =	vadd.s32 $0xFFFFFFFF, v26;
	v3 =	vadd.s32 v18, v14;
	v20, _, _ =	vpop (xrf0);
	(xrf0) =	vadd.scan.msk.s32 $0xffff, v21  }
0xd4: {  	v28 =	vmov s29;
	(v2sf) =	vpush v60, $0xF;
	v3 =	vsel vm9, v3, v4  }
0xd5: {  	v22 =	vadd.s32 v20, v6;
	v4 =	vbroadcast v24, $0x0;
	v6 =	vadd.s32 $0xFFFFFFFF, v25  }
0xd6: {  	v7 =	vbroadcast v7, $0x0;
	v10 =	vadd.s32 $0xFFFFFFFF, v28;
	v6 =	vbroadcast v6, $0x0;
	v27, _, _ =	vpop (xrf0)  }
0xd7: {  	(v2sf) =	vpush v63, $0xF;
	v3 =	vsel vm8, v22, v3;
	v4 =	vadd.s32 v27, v4;
	v29, _, _ =	vpop (xrf0)  }
0xd8: {  	v10 =	vbroadcast v10, $0x0;
	v3 =	vsel vm11, v4, v3;
	v30 =	vadd.s32 v29, v6;
	v31, _, _ =	vpop (xrf0)  }
0xd9: {  	(v2sf) =	vpush v18, $0xF;
	v3 =	vsel vm10, v30, v3;
	v32 =	vadd.s32 v31, v7;
	v33, _, _ =	vpop (xrf0)  }
0xda: {  	v3 =	vsel vm14, v32, v3;
	v34 =	vadd.s32 v33, v10  }
0xdb: {  	(v2sf) =	vpush v20, $0xF;
	v3 =	vsel vm15, v34, v3  }
0xdc: {  	[tilespmem:$0x1010] =	vst v3  }
0xdd: {  	v3 =	vld [tilespmem:s5+$0x20];
	_ =	sdelay $0x1  }
0xde: {  	(v2sf) =	vpush v27, $0xF  }
0xdf: {  	(v2sf) =	vpush v29, $0xF  }
0xe0: {  	(v2sf) =	vpush v31, $0xF  }
0xe1: {  	vm10 =	veq.s32 v3, $0x0  }
0xe2: {  	vm11 =	veq.s32 v3, $0x1;
	v35 =	vsel vm10, $0x1, v0  }
0xe3: {  	s31 =	spop (v2sf);
	(v2sf) =	vpush v33, $0xF;
	v36 =	vsel vm11, $0x1, v0;
	(xrf0) =	vadd.scan.msk.s32 $0xffff, v35  }
0xe4: {  	(xrf0) =	vadd.scan.msk.s32 $0xffff, v36  }
0xe5: {  	s21 =	sadd.s32 s21, s31;
	s30 =	spop (v2sf)  }
0xe6: {  	v37 =	vmov s21;
	s22 =	sadd.s32 s22, s30  }
0xe7: {  	s31 =	spop (v2sf);
	v4 =	vadd.s32 $0xFFFFFFFF, v37;
	v38 =	vmov s22;
	vm9 =	veq.s32 v3, $0x2  }
0xe8: {  	s23 =	sadd.s32 s23, s31;
	v4 =	vbroadcast v4, $0x0;
	v5 =	vadd.s32 $0xFFFFFFFF, v38;
	v40 =	vsel vm9, $0x1, v0  }
0xe9: {  	s30 =	spop (v2sf);
	v43 =	vmov s23;
	v5 =	vbroadcast v5, $0x0;
	vm8 =	veq.s32 v3, $0x3;
	(xrf0) =	vadd.scan.msk.s32 $0xffff, v40;
	v39, _, _ =	vpop (xrf0)  }
0xea: {  	s24 =	sadd.s32 s24, s30;
	v44 =	vadd.s32 $0xFFFFFFFF, v43;
	v41 =	vsel vm8, $0x1, v0;
	v4 =	vadd.s32 v39, v4;
	v42, _, _ =	vpop (xrf0)  }
0xeb: {  	v46 =	vmov s24;
	(xrf0) =	vadd.scan.msk.s32 $0xffff, v41;
	v4 =	vnsel vm10, $0x0, v4;
	v5 =	vadd.s32 v42, v5  }
0xec: {  	v45 =	vbroadcast v44, $0x0;
	v4 =	vsel vm11, v5, v4;
	vm11 =	veq.s32 v3, $0x4  }
0xed: {  	v6 =	vadd.s32 $0xFFFFFFFF, v46;
	s31 =	spop (v2sf);
	vm10 =	veq.s32 v3, $0x5;
	v47 =	vsel vm11, $0x1, v0  }
0xee: {  	vm14 =	veq.s32 v3, $0x6;
	v6 =	vbroadcast v6, $0x0;
	s25 =	sadd.s32 s25, s31;
	s30 =	spop (v2sf);
	v48 =	vsel vm10, $0x1, v0;
	(xrf0) =	vadd.scan.msk.s32 $0xffff, v47  }
0xef: {  	vm15 =	veq.s32 v3, $0x7;
	v50 =	vsel vm14, $0x1, v0;
	s26 =	sadd.s32 s26, s30;
	s31 =	spop (v2sf);
	v54 =	vmov s25;
	v49, _, _ =	vpop (xrf0);
	(xrf0) =	vadd.scan.msk.s32 $0xffff, v48  }
0xf0: {  	v52 =	vsel vm15, $0x1, v0;
	s28 =	sadd.s32 s28, s31;
	v55 =	vadd.s32 $0xFFFFFFFF, v54;
	v56 =	vmov s26;
	(xrf0) =	vadd.scan.msk.s32 $0xffff, v50  }
0xf1: {  	v57 =	vmov s28;
	(v2sf) =	vpush v39, $0xF;
	v3 =	vadd.s32 v49, v45;
	v51, _, _ =	vpop (xrf0);
	(xrf0) =	vadd.scan.msk.s32 $0xffff, v52  }
0xf2: {  	s30 =	spop (v2sf);
	v7 =	vadd.s32 $0xFFFFFFFF, v57;
	(v2sf) =	vpush v42, $0xF;
	v3 =	vsel vm9, v3, v4  }
0xf3: {  	s29 =	sadd.s32 s29, s30;
	v53 =	vadd.s32 v51, v6;
	v4 =	vbroadcast v55, $0x0;
	v6 =	vadd.s32 $0xFFFFFFFF, v56  }
0xf4: {  	v59 =	vmov s29;
	v7 =	vbroadcast v7, $0x0;
	v6 =	vbroadcast v6, $0x0;
	v58, _, _ =	vpop (xrf0)  }
0xf5: {  	v10 =	vadd.s32 $0xFFFFFFFF, v59;
	v3 =	vsel vm8, v53, v3;
	v4 =	vadd.s32 v58, v4;
	v60, _, _ =	vpop (xrf0)  }
0xf6: {  	v10 =	vbroadcast v10, $0x0;
	v3 =	vsel vm11, v4, v3;
	v61 =	vadd.s32 v60, v6;
	v62, _, _ =	vpop (xrf0)  }
0xf7: {  	(v2sf) =	vpush v49, $0xF;
	v3 =	vsel vm10, v61, v3;
	v63 =	vadd.s32 v62, v7;
	v12, _, _ =	vpop (xrf0)  }
0xf8: {  	v3 =	vsel vm14, v63, v3;
	v13 =	vadd.s32 v12, v10  }
0xf9: {  	(v2sf) =	vpush v51, $0xF;
	v3 =	vsel vm15, v13, v3  }
0xfa: {  	[tilespmem:$0x1020] =	vst v3  }
0xfb: {  	v3 =	vld [tilespmem:s5+$0x30];
	_ =	sdelay $0x1  }
0xfc: {  	(v2sf) =	vpush v58, $0xF  }
0xfd: {  	(v2sf) =	vpush v60, $0xF  }
0xfe: {  	(v2sf) =	vpush v62, $0xF  }
0xff: {  	vm10 =	veq.s32 v3, $0x0  }
0x100: {  	vm11 =	veq.s32 v3, $0x1;
	v14 =	vsel vm10, $0x1, v0  }
0x101: {  	s31 =	spop (v2sf);
	(v2sf) =	vpush v12, $0xF;
	v15 =	vsel vm11, $0x1, v0;
	(xrf0) =	vadd.scan.msk.s32 $0xffff, v14  }
0x102: {  	(xrf0) =	vadd.scan.msk.s32 $0xffff, v15  }
0x103: {  	s21 =	sadd.s32 s21, s31;
	s30 =	spop (v2sf)  }
0x104: {  	v16 =	vmov s21;
	s22 =	sadd.s32 s22, s30  }
0x105: {  	s31 =	spop (v2sf);
	v4 =	vadd.s32 $0xFFFFFFFF, v16;
	v17 =	vmov s22;
	vm9 =	veq.s32 v3, $0x2  }
0x106: {  	s23 =	sadd.s32 s23, s31;
	v4 =	vbroadcast v4, $0x0;
	v5 =	vadd.s32 $0xFFFFFFFF, v17;
	v19 =	vsel vm9, $0x1, v0  }
0x107: {  	s30 =	spop (v2sf);
	v22 =	vmov s23;
	v5 =	vbroadcast v5, $0x0;
	vm8 =	veq.s32 v3, $0x3;
	(xrf0) =	vadd.scan.msk.s32 $0xffff, v19;
	v18, _, _ =	vpop (xrf0)  }
0x108: {  	s24 =	sadd.s32 s24, s30;
	v23 =	vadd.s32 $0xFFFFFFFF, v22;
	v20 =	vsel vm8, $0x1, v0;
	v4 =	vadd.s32 v18, v4;
	v21, _, _ =	vpop (xrf0)  }
0x109: {  	v25 =	vmov s24;
	(xrf0) =	vadd.scan.msk.s32 $0xffff, v20;
	v4 =	vnsel vm10, $0x0, v4;
	v5 =	vadd.s32 v21, v5  }
0x10a: {  	v24 =	vbroadcast v23, $0x0;
	v4 =	vsel vm11, v5, v4;
	vm11 =	veq.s32 v3, $0x4  }
0x10b: {  	v6 =	vadd.s32 $0xFFFFFFFF, v25;
	s31 =	spop (v2sf);
	vm10 =	veq.s32 v3, $0x5;
	v26 =	vsel vm11, $0x1, v0  }
0x10c: {  	vm14 =	veq.s32 v3, $0x6;
	v6 =	vbroadcast v6, $0x0;
	s25 =	sadd.s32 s25, s31;
	s30 =	spop (v2sf);
	v27 =	vsel vm10, $0x1, v0;
	(xrf0) =	vadd.scan.msk.s32 $0xffff, v26  }
0x10d: {  	vm15 =	veq.s32 v3, $0x7;
	v29 =	vsel vm14, $0x1, v0;
	s26 =	sadd.s32 s26, s30;
	s31 =	spop (v2sf);
	v33 =	vmov s25;
	v28, _, _ =	vpop (xrf0);
	(xrf0) =	vadd.scan.msk.s32 $0xffff, v27  }
0x10e: {  	v31 =	vsel vm15, $0x1, v0;
	s28 =	sadd.s32 s28, s31;
	v34 =	vadd.s32 $0xFFFFFFFF, v33;
	v35 =	vmov s26;
	(xrf0) =	vadd.scan.msk.s32 $0xffff, v29  }
0x10f: {  	v36 =	vmov s28;
	(v2sf) =	vpush v18, $0xF;
	v3 =	vadd.s32 v28, v24;
	v30, _, _ =	vpop (xrf0);
	(xrf0) =	vadd.scan.msk.s32 $0xffff, v31  }
0x110: {  	s30 =	spop (v2sf);
	v7 =	vadd.s32 $0xFFFFFFFF, v36;
	(v2sf) =	vpush v21, $0xF;
	v3 =	vsel vm9, v3, v4  }
0x111: {  	s29 =	sadd.s32 s29, s30;
	v32 =	vadd.s32 v30, v6;
	v4 =	vbroadcast v34, $0x0;
	v6 =	vadd.s32 $0xFFFFFFFF, v35  }
0x112: {  	v38 =	vmov s29;
	v7 =	vbroadcast v7, $0x0;
	v6 =	vbroadcast v6, $0x0;
	v37, _, _ =	vpop (xrf0)  }
0x113: {  	v10 =	vadd.s32 $0xFFFFFFFF, v38;
	v3 =	vsel vm8, v32, v3;
	v4 =	vadd.s32 v37, v4;
	v39, _, _ =	vpop (xrf0)  }
0x114: {  	v10 =	vbroadcast v10, $0x0;
	v3 =	vsel vm11, v4, v3;
	v40 =	vadd.s32 v39, v6;
	v41, _, _ =	vpop (xrf0)  }
0x115: {  	(v2sf) =	vpush v28, $0xF;
	v3 =	vsel vm10, v40, v3;
	v42 =	vadd.s32 v41, v7;
	v43, _, _ =	vpop (xrf0)  }
0x116: {  	v3 =	vsel vm14, v42, v3;
	v44 =	vadd.s32 v43, v10  }
0x117: {  	(v2sf) =	vpush v30, $0xF;
	v3 =	vsel vm15, v44, v3  }
0x118: {  	[tilespmem:$0x1030] =	vst v3  }
0x119: {  	v3 =	vld [tilespmem:s5+$0x40];
	_ =	sdelay $0x1  }
0x11a: {  	(v2sf) =	vpush v37, $0xF  }
0x11b: {  	(v2sf) =	vpush v39, $0xF  }
0x11c: {  	(v2sf) =	vpush v41, $0xF  }
0x11d: {  	vm10 =	veq.s32 v3, $0x0  }
0x11e: {  	vm11 =	veq.s32 v3, $0x1;
	v45 =	vsel vm10, $0x1, v0  }
0x11f: {  	s31 =	spop (v2sf);
	(v2sf) =	vpush v43, $0xF;
	v46 =	vsel vm11, $0x1, v0;
	(xrf0) =	vadd.scan.msk.s32 $0xffff, v45  }
0x120: {  	(xrf0) =	vadd.scan.msk.s32 $0xffff, v46  }
0x121: {  	s21 =	sadd.s32 s21, s31;
	s30 =	spop (v2sf)  }
0x122: {  	v47 =	vmov s21;
	s22 =	sadd.s32 s22, s30  }
0x123: {  	s31 =	spop (v2sf);
	v4 =	vadd.s32 $0xFFFFFFFF, v47;
	v48 =	vmov s22;
	vm9 =	veq.s32 v3, $0x2  }
0x124: {  	s23 =	sadd.s32 s23, s31;
	v4 =	vbroadcast v4, $0x0;
	v5 =	vadd.s32 $0xFFFFFFFF, v48;
	v50 =	vsel vm9, $0x1, v0  }
0x125: {  	s30 =	spop (v2sf);
	v53 =	vmov s23;
	v5 =	vbroadcast v5, $0x0;
	vm8 =	veq.s32 v3, $0x3;
	(xrf0) =	vadd.scan.msk.s32 $0xffff, v50;
	v49, _, _ =	vpop (xrf0)  }
0x126: {  	s24 =	sadd.s32 s24, s30;
	v54 =	vadd.s32 $0xFFFFFFFF, v53;
	v51 =	vsel vm8, $0x1, v0;
	v4 =	vadd.s32 v49, v4;
	v52, _, _ =	vpop (xrf0)  }
0x127: {  	v56 =	vmov s24;
	(xrf0) =	vadd.scan.msk.s32 $0xffff, v51;
	v4 =	vnsel vm10, $0x0, v4;
	v5 =	vadd.s32 v52, v5  }
0x128: {  	v55 =	vbroadcast v54, $0x0;
	v4 =	vsel vm11, v5, v4;
	vm11 =	veq.s32 v3, $0x4  }
0x129: {  	v6 =	vadd.s32 $0xFFFFFFFF, v56;
	s31 =	spop (v2sf);
	vm10 =	veq.s32 v3, $0x5;
	v57 =	vsel vm11, $0x1, v0  }
0x12a: {  	vm14 =	veq.s32 v3, $0x6;
	v6 =	vbroadcast v6, $0x0;
	s25 =	sadd.s32 s25, s31;
	s30 =	spop (v2sf);
	v58 =	vsel vm10, $0x1, v0;
	(xrf0) =	vadd.scan.msk.s32 $0xffff, v57  }
0x12b: {  	vm15 =	veq.s32 v3, $0x7;
	v60 =	vsel vm14, $0x1, v0;
	s26 =	sadd.s32 s26, s30;
	s31 =	spop (v2sf);
	v10 =	vmov s25;
	v59, _, _ =	vpop (xrf0);
	(xrf0) =	vadd.scan.msk.s32 $0xffff, v58  }
0x12c: {  	v62 =	vsel vm15, $0x1, v0;
	s28 =	sadd.s32 s28, s31;
	v11 =	vadd.s32 $0xFFFFFFFF, v10;
	v12 =	vmov s26;
	(xrf0) =	vadd.scan.msk.s32 $0xffff, v60  }
0x12d: {  	v13 =	vmov s28;
	(v2sf) =	vpush v49, $0xF;
	v3 =	vadd.s32 v59, v55;
	v61, _, _ =	vpop (xrf0);
	(xrf0) =	vadd.scan.msk.s32 $0xffff, v62  }
0x12e: {  	s30 =	spop (v2sf);
	v7 =	vadd.s32 $0xFFFFFFFF, v13;
	(v2sf) =	vpush v52, $0xF;
	v3 =	vsel vm9, v3, v4  }
0x12f: {  	s29 =	sadd.s32 s29, s30;
	v63 =	vadd.s32 v61, v6;
	v4 =	vbroadcast v11, $0x0;
	v6 =	vadd.s32 $0xFFFFFFFF, v12  }
0x130: {  	v15 =	vmov s29;
	v7 =	vbroadcast v7, $0x0;
	v6 =	vbroadcast v6, $0x0;
	v14, _, _ =	vpop (xrf0)  }
0x131: {  	v10 =	vadd.s32 $0xFFFFFFFF, v15;
	v3 =	vsel vm8, v63, v3;
	v4 =	vadd.s32 v14, v4;
	v16, _, _ =	vpop (xrf0)  }
0x132: {  	v10 =	vbroadcast v10, $0x0;
	v3 =	vsel vm11, v4, v3;
	v17 =	vadd.s32 v16, v6;
	v18, _, _ =	vpop (xrf0)  }
0x133: {  	(v2sf) =	vpush v59, $0xF;
	v3 =	vsel vm10, v17, v3;
	v19 =	vadd.s32 v18, v7;
	v20, _, _ =	vpop (xrf0)  }
0x134: {  	v3 =	vsel vm14, v19, v3;
	v21 =	vadd.s32 v20, v10  }
0x135: {  	(v2sf) =	vpush v61, $0xF;
	v3 =	vsel vm15, v21, v3  }
0x136: {  	[tilespmem:$0x1040] =	vst v3  }
0x137: {  	v3 =	vld [tilespmem:s5+$0x50];
	_ =	sdelay $0x1  }
0x138: {  	(v2sf) =	vpush v14, $0xF  }
0x139: {  	(v2sf) =	vpush v16, $0xF  }
0x13a: {  	(v2sf) =	vpush v18, $0xF  }
0x13b: {  	vm10 =	veq.s32 v3, $0x0  }
0x13c: {  	vm11 =	veq.s32 v3, $0x1;
	v22 =	vsel vm10, $0x1, v0  }
0x13d: {  	s31 =	spop (v2sf);
	(v2sf) =	vpush v20, $0xF;
	v23 =	vsel vm11, $0x1, v0;
	(xrf0) =	vadd.scan.msk.s32 $0xffff, v22  }
0x13e: {  	(xrf0) =	vadd.scan.msk.s32 $0xffff, v23  }
0x13f: {  	s21 =	sadd.s32 s21, s31;
	s30 =	spop (v2sf)  }
0x140: {  	v24 =	vmov s21;
	s22 =	sadd.s32 s22, s30  }
0x141: {  	s31 =	spop (v2sf);
	v4 =	vadd.s32 $0xFFFFFFFF, v24;
	v25 =	vmov s22;
	vm9 =	veq.s32 v3, $0x2  }
0x142: {  	s23 =	sadd.s32 s23, s31;
	v4 =	vbroadcast v4, $0x0;
	v5 =	vadd.s32 $0xFFFFFFFF, v25;
	v27 =	vsel vm9, $0x1, v0  }
0x143: {  	s30 =	spop (v2sf);
	v30 =	vmov s23;
	v5 =	vbroadcast v5, $0x0;
	vm8 =	veq.s32 v3, $0x3;
	(xrf0) =	vadd.scan.msk.s32 $0xffff, v27;
	v26, _, _ =	vpop (xrf0)  }
0x144: {  	s24 =	sadd.s32 s24, s30;
	v31 =	vadd.s32 $0xFFFFFFFF, v30;
	v28 =	vsel vm8, $0x1, v0;
	v4 =	vadd.s32 v26, v4;
	v29, _, _ =	vpop (xrf0)  }
0x145: {  	v33 =	vmov s24;
	(xrf0) =	vadd.scan.msk.s32 $0xffff, v28;
	v4 =	vnsel vm10, $0x0, v4;
	v5 =	vadd.s32 v29, v5  }
0x146: {  	v32 =	vbroadcast v31, $0x0;
	v4 =	vsel vm11, v5, v4;
	vm11 =	veq.s32 v3, $0x4  }
0x147: {  	v6 =	vadd.s32 $0xFFFFFFFF, v33;
	s31 =	spop (v2sf);
	vm10 =	veq.s32 v3, $0x5;
	v34 =	vsel vm11, $0x1, v0  }
0x148: {  	vm14 =	veq.s32 v3, $0x6;
	v6 =	vbroadcast v6, $0x0;
	s25 =	sadd.s32 s25, s31;
	s30 =	spop (v2sf);
	v35 =	vsel vm10, $0x1, v0;
	(xrf0) =	vadd.scan.msk.s32 $0xffff, v34  }
0x149: {  	vm15 =	veq.s32 v3, $0x7;
	v37 =	vsel vm14, $0x1, v0;
	s26 =	sadd.s32 s26, s30;
	s31 =	spop (v2sf);
	v41 =	vmov s25;
	v36, _, _ =	vpop (xrf0);
	(xrf0) =	vadd.scan.msk.s32 $0xffff, v35  }
0x14a: {  	v39 =	vsel vm15, $0x1, v0;
	s28 =	sadd.s32 s28, s31;
	v42 =	vadd.s32 $0xFFFFFFFF, v41;
	v43 =	vmov s26;
	(xrf0) =	vadd.scan.msk.s32 $0xffff, v37  }
0x14b: {  	v44 =	vmov s28;
	(v2sf) =	vpush v26, $0xF;
	v3 =	vadd.s32 v36, v32;
	v38, _, _ =	vpop (xrf0);
	(xrf0) =	vadd.scan.msk.s32 $0xffff, v39  }
0x14c: {  	s30 =	spop (v2sf);
	v7 =	vadd.s32 $0xFFFFFFFF, v44;
	(v2sf) =	vpush v29, $0xF;
	v3 =	vsel vm9, v3, v4  }
0x14d: {  	s29 =	sadd.s32 s29, s30;
	v40 =	vadd.s32 v38, v6;
	v4 =	vbroadcast v42, $0x0;
	v6 =	vadd.s32 $0xFFFFFFFF, v43  }
0x14e: {  	v46 =	vmov s29;
	v7 =	vbroadcast v7, $0x0;
	v6 =	vbroadcast v6, $0x0;
	v45, _, _ =	vpop (xrf0)  }
0x14f: {  	v10 =	vadd.s32 $0xFFFFFFFF, v46;
	v3 =	vsel vm8, v40, v3;
	v4 =	vadd.s32 v45, v4;
	v47, _, _ =	vpop (xrf0)  }
0x150: {  	v10 =	vbroadcast v10, $0x0;
	v3 =	vsel vm11, v4, v3;
	v48 =	vadd.s32 v47, v6;
	v49, _, _ =	vpop (xrf0)  }
0x151: {  	(v2sf) =	vpush v36, $0xF;
	v3 =	vsel vm10, v48, v3;
	v50 =	vadd.s32 v49, v7;
	v51, _, _ =	vpop (xrf0)  }
0x152: {  	v3 =	vsel vm14, v50, v3;
	v52 =	vadd.s32 v51, v10  }
0x153: {  	(v2sf) =	vpush v38, $0xF;
	v3 =	vsel vm15, v52, v3  }
0x154: {  	[tilespmem:$0x1050] =	vst v3  }
0x155: {  	v3 =	vld [tilespmem:s5+$0x60];
	_ =	sdelay $0x1  }
0x156: {  	(v2sf) =	vpush v45, $0xF  }
0x157: {  	(v2sf) =	vpush v47, $0xF  }
0x158: {  	(v2sf) =	vpush v49, $0xF  }
0x159: {  	vm10 =	veq.s32 v3, $0x0  }
0x15a: {  	vm11 =	veq.s32 v3, $0x1;
	v53 =	vsel vm10, $0x1, v0  }
0x15b: {  	s31 =	spop (v2sf);
	(v2sf) =	vpush v51, $0xF;
	v54 =	vsel vm11, $0x1, v0;
	(xrf0) =	vadd.scan.msk.s32 $0xffff, v53  }
0x15c: {  	(xrf0) =	vadd.scan.msk.s32 $0xffff, v54  }
0x15d: {  	s30 =	sadd.s32 s21, s31;
	s21 =	spop (v2sf)  }
0x15e: {  	v55 =	vmov s30;
	s21 =	sadd.s32 s22, s21  }
0x15f: {  	s22 =	spop (v2sf);
	v4 =	vadd.s32 $0xFFFFFFFF, v55;
	v56 =	vmov s21;
	vm9 =	veq.s32 v3, $0x2  }
0x160: {  	s31 =	sadd.s32 s23, s22;
	v4 =	vbroadcast v4, $0x0;
	v5 =	vadd.s32 $0xFFFFFFFF, v56;
	v58 =	vsel vm9, $0x1, v0  }
0x161: {  	s23 =	spop (v2sf);
	v61 =	vmov s31;
	v5 =	vbroadcast v5, $0x0;
	vm8 =	veq.s32 v3, $0x3;
	(xrf0) =	vadd.scan.msk.s32 $0xffff, v58;
	v57, _, _ =	vpop (xrf0)  }
0x162: {  	s0 =	sadd.s32 s24, s23;
	v62 =	vadd.s32 $0xFFFFFFFF, v61;
	v59 =	vsel vm8, $0x1, v0;
	v4 =	vadd.s32 v57, v4;
	v60, _, _ =	vpop (xrf0)  }
0x163: {  	v10 =	vmov s0;
	(xrf0) =	vadd.scan.msk.s32 $0xffff, v59;
	v4 =	vnsel vm10, $0x0, v4;
	v5 =	vadd.s32 v60, v5  }
0x164: {  	v63 =	vbroadcast v62, $0x0;
	v4 =	vsel vm11, v5, v4;
	vm11 =	veq.s32 v3, $0x4  }
0x165: {  	v6 =	vadd.s32 $0xFFFFFFFF, v10;
	s24 =	spop (v2sf);
	vm10 =	veq.s32 v3, $0x5;
	v11 =	vsel vm11, $0x1, v0  }
0x166: {  	vm14 =	veq.s32 v3, $0x6;
	v6 =	vbroadcast v6, $0x0;
	s22 =	sadd.s32 s25, s24;
	s25 =	spop (v2sf);
	v12 =	vsel vm10, $0x1, v0;
	(xrf0) =	vadd.scan.msk.s32 $0xffff, v11  }
0x167: {  	vm15 =	veq.s32 v3, $0x7;
	v14 =	vsel vm14, $0x1, v0;
	s23 =	sadd.s32 s26, s25;
	s26 =	spop (v2sf);
	v18 =	vmov s22;
	v13, _, _ =	vpop (xrf0);
	(xrf0) =	vadd.scan.msk.s32 $0xffff, v12  }
0x168: {  	v16 =	vsel vm15, $0x1, v0;
	s24 =	sadd.s32 s28, s26;
	v19 =	vadd.s32 $0xFFFFFFFF, v18;
	(v2sf) =	vpush v57, $0xF;
	(xrf0) =	vadd.scan.msk.s32 $0xffff, v14  }
0x169: {  	v20 =	vmov s23;
	v21 =	vmov s24;
	v3 =	vadd.s32 v13, v63;
	v15, _, _ =	vpop (xrf0);
	(xrf0) =	vadd.scan.msk.s32 $0xffff, v16  }
0x16a: {  	s28 =	spop (v2sf);
	v7 =	vadd.s32 $0xFFFFFFFF, v21;
	(v2sf) =	vpush v60, $0xF;
	v3 =	vsel vm9, v3, v4  }
0x16b: {  	s25 =	sadd.s32 s29, s28;
	v17 =	vadd.s32 v15, v6;
	v4 =	vbroadcast v19, $0x0;
	v6 =	vadd.s32 $0xFFFFFFFF, v20  }
0x16c: {  	v23 =	vmov s25;
	v7 =	vbroadcast v7, $0x0;
	v6 =	vbroadcast v6, $0x0;
	v22, _, _ =	vpop (xrf0)  }
0x16d: {  	v10 =	vadd.s32 $0xFFFFFFFF, v23;
	v3 =	vsel vm8, v17, v3;
	v4 =	vadd.s32 v22, v4;
	v24, _, _ =	vpop (xrf0)  }
0x16e: {  	v10 =	vbroadcast v10, $0x0;
	v3 =	vsel vm11, v4, v3;
	v25 =	vadd.s32 v24, v6;
	v26, _, _ =	vpop (xrf0)  }
0x16f: {  	(v2sf) =	vpush v13, $0xF;
	v3 =	vsel vm10, v25, v3;
	v27 =	vadd.s32 v26, v7;
	v28, _, _ =	vpop (xrf0)  }
0x170: {  	(v2sf) =	vpush v15, $0xF;
	v3 =	vsel vm14, v27, v3;
	v29 =	vadd.s32 v28, v10  }
0x171: {  	v3 =	vsel vm15, v29, v3  }
0x172: {  	[tilespmem:$0x1060] =	vst v3  }
0x173: {  	(v2sf) =	vpush v22, $0xF;
	v3 =	vld [tilespmem:s5+$0x70]  }
0x174: {  	(v2sf) =	vpush v24, $0xF  }
0x175: {  	(v2sf) =	vpush v26, $0xF;
	_ =	sdelay $0x1  }
0x176: {  	s29 =	spop (v2sf);
	(v2sf) =	vpush v28, $0xF  }
0x177: {  	vm8 =	veq.s32 v3, $0x0  }
0x178: {  	v30 =	vsel vm8, $0x1, v0  }
0x179: {  	(xrf0) =	vadd.scan.msk.s32 $0xffff, v30  }
0x17a: {  	s26 =	sadd.s32 s30, s29  }
0x17b: {  	s28 =	spop (v2sf);
	v32 =	vmov s26;
	vm10 =	veq.s32 v3, $0x1  }
0x17c: {  	s21 =	sadd.s32 s21, s28;
	v33 =	vadd.s32 $0xFFFFFFFF, v32;
	v31 =	vsel vm10, $0x1, v0  }
0x17d: {  	s29 =	spop (v2sf);
	v34 =	vmov s21;
	v4 =	vbroadcast v33, $0x0;
	vm15 =	veq.s32 v3, $0x2;
	(xrf0) =	vadd.scan.msk.s32 $0xffff, v31  }
0x17e: {  	s30 =	sadd.s32 s31, s29;
	s31 =	spop (v2sf);
	v5 =	vadd.s32 $0xFFFFFFFF, v34;
	vm11 =	veq.s32 v3, $0x3;
	v35 =	vsel vm15, $0x1, v0  }
0x17f: {  	v38 =	vmov s30;
	s0 =	sadd.s32 s0, s31;
	v5 =	vbroadcast v5, $0x0;
	v37 =	vsel vm11, $0x1, v0;
	(xrf0) =	vadd.scan.msk.s32 $0xffff, v35;
	v36, _, _ =	vpop (xrf0)  }
0x180: {  	v7 =	vadd.s32 $0xFFFFFFFF, v38;
	v41 =	vmov s0;
	(xrf0) =	vadd.scan.msk.s32 $0xffff, v37;
	v4 =	vadd.s32 v36, v4  }
0x181: {  	v40 =	vbroadcast v7, $0x0;
	s21 =	spop (v2sf);
	v4 =	vnsel vm8, $0x0, v4;
	vm8 =	veq.s32 v3, $0x4  }
0x182: {  	v7 =	vadd.s32 $0xFFFFFFFF, v41;
	vm9 =	veq.s32 v3, $0x5;
	s26 =	spop (v2sf);
	v42 =	vsel vm8, $0x1, v0  }
0x183: {  	vm14 =	veq.s32 v3, $0x6;
	v7 =	vbroadcast v7, $0x0;
	v43 =	vsel vm9, $0x1, v0;
	s0 =	sadd.s32 s22, s21;
	s28 =	spop (v2sf);
	v39, _, _ =	vpop (xrf0);
	(xrf0) =	vadd.scan.msk.s32 $0xffff, v42  }
0x184: {  	vm12 =	veq.s32 v3, $0x7;
	v45 =	vsel vm14, $0x1, v0;
	v50 =	vmov s0;
	s29 =	sadd.s32 s24, s28;
	(xrf0) =	vadd.scan.msk.s32 $0xffff, v43  }
0x185: {  	v48 =	vsel vm12, $0x1, v0;
	s21 =	sadd.s32 s23, s26;
	v51 =	vadd.s32 $0xFFFFFFFF, v50;
	s30 =	spop (v2sf);
	v53 =	vmov s29;
	v44, _, _ =	vpop (xrf0);
	(xrf0) =	vadd.scan.msk.s32 $0xffff, v45  }
0x186: {  	v52 =	vmov s21;
	s31 =	sadd.s32 s25, s30;
	v6 =	vadd.s32 $0xFFFFFFFF, v53;
	v5 =	vadd.s32 v39, v5;
	v47, _, _ =	vpop (xrf0);
	(xrf0) =	vadd.scan.msk.s32 $0xffff, v48  }
0x187: {  	v55 =	vmov s31;
	v6 =	vbroadcast v6, $0x0;
	v3 =	vsel vm10, v5, v4  }
0x188: {  	v46 =	vadd.s32 v44, v40;
	v4 =	vbroadcast v51, $0x0;
	v5 =	vadd.s32 $0xFFFFFFFF, v52  }
0x189: {  	v3 =	vsel vm15, v46, v3;
	v5 =	vbroadcast v5, $0x0;
	v49 =	vadd.s32 v47, v7;
	v54, _, _ =	vpop (xrf0)  }
0x18a: {  	v57 =	vadd.s32 $0xFFFFFFFF, v55;
	v3 =	vsel vm11, v49, v3;
	v56, _, _ =	vpop (xrf0);
	v4 =	vadd.s32 v54, v4  }
0x18b: {  	v60 =	vbroadcast v57, $0x0;
	v58, _, _ =	vpop (xrf0);
	v3 =	vsel vm8, v4, v3;
	v59 =	vadd.s32 v56, v5  }
0x18c: {  	v3 =	vsel vm9, v59, v3;
	v61 =	vadd.s32 v58, v6;
	v62, _, _ =	vpop (xrf0)  }
0x18d: {  	v3 =	vsel vm14, v61, v3;
	v63 =	vadd.s32 v62, v60  }
0x18e: {  	v3 =	vsel vm12, v63, v3  }
.Ltmp7:
0x18f: {  	[tilespmem:$0x1070] =	vst v3;
	(pc) =	sbr.rel @p1 .LBB2_13-.Ltmp7, $4  }
0x190: {  	[hbm4b:s6+s3] =	stream.linear.scatter [tilespmem:s10], [sflag:$0x1], $0x80, $0x38;
	[tilespmem:$0x1100] =	vst v63  }
0x191: {  	_ =	swait.ge [sflag:s9], $0x80  }
0x192: {  	[sflag:s9] =	ssyncset.done $0x0  }
0x193: {  	[sflag:s9] =	ssyncadd.s32 $0xFFFFFF80  }
0x194: {  	vm8 =	vcmask $0x1B20  }
0x195: {  	v2 =	vsel vm8, $0x0, v2  }
0x196: {  	(xrf0) =	vadd.scan.msk.s32 $0xffff, v2;
	_ =	sdelay $0x5  }
0x197: {  	v2, _, _ =	vpop (xrf0)  }
0x198: {  	(v2sf) =	vpush v2, $0xF;
	_ =	sdelay $0x8  }
0x199: {  	v3 =	vor.u32 $0x1, v1  }
0x19a: {  	v4 =	vor.u32 $0x1001, v1;
	v8 =	vmov s15;
	v2 =	vmov s13  }
0x19b: {  	v51 =	vmov s17;
	v54 =	vmov s16;
	vm8 =	vlt.s32 v2, v3  }
0x19c: {  	v5 =	vsel vm8, $0x1, v0;
	vm8 =	vlt.s32 v2, v4;
	v2 =	vmov s14  }
0x19d: {  	v58 =	vmov s20;
	v6 =	vsel vm8, $0x1, v0;
	vm8 =	vlt.s32 v2, v3  }
0x19e: {  	v60 =	vmov s19;
	vm9 =	vlt.s32 v2, v4;
	v2 =	vsel vm8, $0x1, v0  }
0x19f: {  	v7 =	vsel vm9, $0x1, v0;
	vm8 =	vlt.s32 v8, v3;
	v2 =	vadd.s32 v5, v2;
	s0 =	spop (v2sf)  }
0x1a0: {  	v49 =	vadd.s32 v6, v7;
	v50 =	vsel vm8, $0x1, v0;
	vm8 =	vlt.s32 v8, v4;
	s0 =	sadd.s32 $0xFF, s0  }
0x1a1: {  	v2 =	vadd.s32 v50, v2;
	v52 =	vsel vm8, $0x1, v0;
	vm8 =	vlt.s32 v51, v3;
	s29 =	sand.u32 $0xFF, s0  }
0x1a2: {  	v53 =	vsel vm8, $0x1, v0;
	vm8 =	vlt.s32 v51, v4;
	v5 =	vadd.s32 v52, v49;
	s30 =	sshra.s32 s0, $0x1F;
	p2 =	slt.s32 s0, $0x1;
	p3 =	sne.s32 s29, $0x0  }
0x1a3: {  	v55 =	vsel vm8, $0x1, v0;
	vm8 =	vlt.s32 v54, v3;
	v2 =	vadd.s32 v53, v2;
	s31 =	sshrl.u32 s30, $0x18;
	p2 =	por !p2, !p3  }
0x1a4: {  	s13 =	simm.s32 $0x1;
	v56 =	vsel vm8, $0x1, v0;
	vm8 =	vlt.s32 v54, v4;
	v5 =	vadd.s32 v55, v5;
	s0 =	sadd.s32 s31, s0;
	p2 =	por !p2, !p2  }
0x1a5: {  	v57 =	vsel vm8, $0x1, v0;
	v2 =	vadd.s32 v56, v2;
	vm8 =	vlt.s32 v58, v3;
	s0 =	sshrl.u32 s0, $0x8;
	s13 =	simm.s32 @!p2 $0x0  }
0x1a6: {  	v5 =	vadd.s32 v57, v5;
	v59 =	vsel vm8, $0x1, v0;
	vm8 =	vlt.s32 v58, v4;
	s0 =	ssub.s32 s0, s13  }
0x1a7: {  	v2 =	vadd.s32 v59, v2;
	v61 =	vsel vm8, $0x1, v0;
	vm8 =	vlt.s32 v60, v3;
	s0 =	sadd.s32 s18, s0  }
0x1a8: {  	v3 =	vadd.s32 v61, v5;
	v62 =	vsel vm8, $0x1, v0;
	vm8 =	vlt.s32 v60, v4;
	s0 =	sshll.u32 s0, $0x8  }
0x1a9: {  	v2 =	vadd.s32 v62, v2;
	v4 =	vsel vm8, $0x1, v0;
	v63 =	vmov s0  }
0x1aa: {  	v3 =	vadd.s32 v4, v3;
	[tilespmem:$0x1080] =	vst v2;
	v2 =	vor.u32 $0x1000, v1;
	vm8 =	vgt.s32 v63, v1  }
0x1ab: {  	[tilespmem:$0x1090] =	vst v3;
	v3 =	vsel vm8, $0x1, v0;
	vm8 =	vgt.s32 v63, v2  }
0x1ac: {  	[tilespmem:$0x10A0] =	vst v3;
	v2 =	vsel vm8, $0x1, v0  }
.Ltmp8:
0x1ad: {  	[tilespmem:$0x10B0] =	vst v2;
	(pc) =	sbr.rel .LBB2_13-.Ltmp8, $4  }
0x1ae: {  	[hbm4b:s4+s3] =	stream.linear.scatter [tilespmem:s11], [sflag:$0x1], $0x80, $0x38;
	[tilespmem:$0x1100] =	vst v63  }
0x1af: {  	_ =	swait.ge [sflag:s9], $0x80  }
0x1b0: {  	[sflag:s9] =	ssyncset.done $0x0  }
0x1b1: {  	[sflag:s9] =	ssyncadd.s32 $0xFFFFFF80  }
.LBB2_5:
.Ltmp9:
0x1b2: {  	(pc) =	sbr.rel .LBB2_10-.Ltmp9, $2  }
0x1b3: {  	_ =	sdelay $0x2  }
0x1b4: {  	v6 =	vimm.s32 $0x0  }
.LBB2_7:
.Ltmp10:
0x1b5: {  	(pc) =	sbr.rel .LBB2_10-.Ltmp10, $2  }
0x1b6: {  	_ =	sdelay $0x2  }
0x1b7: {  	v5 =	vmov v4;
	v6 =	vimm.s32 $0x0  }
.LBB2_14:
0x1b8: {  	_ =	sfence.sel $0x180000  }
0x1b9: {  	[bflag:$0x0] =	sbarrier.arrive $0xFFFF  }
0x1ba: {  	_ =	strace $0x90000047  }
0x1bb: {  	[bflag:$0x2] =	sbarrier.arrive $0xFFFF  }
0x1bc: {  	p0 =	sne.s32 s1, $0x0;
	s0 =	rddreg [dreg:$0x2]  }
0x1bd: {  	s0 =	sadd.s32 @!p0 $0x100000, s0  }
0x1be: {  	[sflag:s0] =	ssyncadd.tile.s32 @!p0 $0x1;
	_ =	shalt  }
.Lfunc_end2:
_tile_overlayer_lowered:
.L_overlay_start_2:
0x1bf: {  	(tag) =	ssettag $0x2  }
0x1c0: {  	s0 =	rddreg [dreg:$0x0];
	s2 =	stileid.u32  }
0x1c1: {  	s1 =	rddreg [dreg:$0x1];
	p0 =	sne.s32 s2, $0x0  }
0x1c2: {  	s3 =	rddreg [dreg:$0x2];
	[bflag:$0x3] =	sbarrier.arrive $0xFFFF;
	s2 =	simm.s32 @!p0 $0x1C01  }
0x1c3: {  	[timem:s3], [sflag:s2] =	dma.local @!p0 [hbm:s0], s1  }
0x1c4: {  	s0 =	simm.s32 @!p0 $0x1  }
0x1c5: {  	_ =	swait.ge @!p0 [sflag:s0], s1  }
0x1c6: {  	s1 =	ssub.s32 @!p0 $0x0, s1;
	[sflag:s0] =	ssyncset.done @!p0 $0x0  }
0x1c7: {  	[sflag:s0] =	ssyncadd.s32 @!p0 s1  }
0x1c8: {  	[bflag:$0x3] =	sbarrier.arrive $0xFFFF  }
0x1c9: {  	_ =	shalt  }

</sc_bundles>
